<compile_context>
chip_gen: v7x
topology: tpu7x:2x2x1
jax: 0.10.2.dev20260603
libtpu: 0.0.44.dev20260713+nightly
codegen_flags: <defaults>
</compile_context>

<pallas_src>
import functools

import jax
import jax.numpy as jnp
from jax import lax
from jax.experimental import pallas as pl
from jax.experimental.pallas import tpu as pltpu
from jax.experimental.pallas import tpu_sc as plsc

_N = 10000
_E = 320000
_D = 128
_L = 3
_AF = 9
_BF = 3
_AV = 100
_BV = 8

_C = 128
_NCHUNKS = _E // _C
_NW = 32
_CPW = 80
_NCH_P = _NW * _CPW
_EP = _NCH_P * _C
_NBUF = 4
_NP = 10240
_RPT = _NP // 16


_NB = 1000


def _encode_body(x_ref, ea_ref, aemb_ref, bemb_ref, h_ref, combo_ref, ctab_ref):
    h = jnp.zeros((_NB, _D), jnp.float32)
    for i in range(_AF):
        xi = x_ref[:, i:i + 1]
        oh = (xi == lax.broadcasted_iota(jnp.int32, (1, _AV), 1)).astype(jnp.float32)
        h = h + jnp.dot(oh, aemb_ref[i], preferred_element_type=jnp.float32,
                        precision=lax.Precision.HIGHEST)
    h_ref[...] = h

    @pl.when(pl.program_id(0) == 0)
    def _tables():
        combo_ref[...] = ea_ref[0] * 64 + ea_ref[1] * 8 + ea_ref[2]
        cidx = lax.broadcasted_iota(jnp.int32, (512, 1), 0)
        for l in range(_L):
            acc = jnp.zeros((512, _D), jnp.float32)
            for j in range(_BF):
                shift = 3 * (_BF - 1 - j)
                digit = (cidx >> shift) & 7
                term = jnp.zeros((512, _D), jnp.float32)
                for v in range(_BV):
                    term = jnp.where(digit == v, bemb_ref[l, j, v][None, :], term)
                acc = acc + term
            ctab_ref[l] = acc


_encode_call = pl.pallas_call(
    _encode_body,
    grid=(_N // _NB,),
    in_specs=[
        pl.BlockSpec((_NB, _AF), lambda i: (i, 0)),
        pl.BlockSpec((_BF, _NCHUNKS, _C), lambda i: (0, 0, 0)),
        pl.BlockSpec((_AF, _AV, _D), lambda i: (0, 0, 0)),
        pl.BlockSpec((_L, _BF, _BV, _D), lambda i: (0, 0, 0, 0)),
    ],
    out_specs=(
        pl.BlockSpec((_NB, _D), lambda i: (i, 0)),
        pl.BlockSpec((_NCHUNKS, _C), lambda i: (0, 0)),
        pl.BlockSpec((_L, 512, _D), lambda i: (0, 0, 0)),
    ),
    out_shape=(
        jax.ShapeDtypeStruct((_N, _D), jnp.float32),
        jax.ShapeDtypeStruct((_NCHUNKS, _C), jnp.int32),
        jax.ShapeDtypeStruct((_L, 512, _D), jnp.float32),
    ),
)


def _relu_rows(rows):
    def row_body(i, carry):
        for g in range(8):
            sl = pl.ds(g * 16, 16)
            rows[i, sl] = jnp.maximum(rows[i, sl], 0.0)
        return carry
    lax.fori_loop(0, _C, row_body, 0)


def _edge_body(h_hbm, src_hbm, dst_hbm, combo_hbm, ctab_hbm, zeros_hbm, out_hbm,
               sA, sB, dA, dB, cA, cB, rowsA, rowsB,
               agg_sh, gsemA, gsemB, csem, isemA, isemB):
    c = lax.axis_index("c")
    s = lax.axis_index("s")
    wid = s * 2 + c
    tid = s
    base = wid * _CPW

    sx = (sA, sB)
    dx = (dA, dB)
    cx = (cA, cB)
    rows = (rowsA, rowsB)
    gsems = (gsemA, gsemB)
    isems = (isemA, isemB)

    def idx_off(k):
        return (base + k) * _C

    pltpu.sync_copy(src_hbm.at[pl.ds(idx_off(0), _C)], sA)
    pltpu.sync_copy(dst_hbm.at[pl.ds(idx_off(0), _C)], dA)
    pltpu.sync_copy(combo_hbm.at[pl.ds(idx_off(0), _C)], cA)
    pltpu.sync_copy(zeros_hbm.at[pl.ds(tid * _RPT, _RPT)],
                    agg_sh.at[pl.ds(tid * _RPT, _RPT)])
    plsc.subcore_barrier()

    pltpu.async_copy(h_hbm.at[sA], rowsA, gsemA)
    pltpu.async_copy(src_hbm.at[pl.ds(idx_off(1), _C)], sB, isemB)
    pltpu.async_copy(dst_hbm.at[pl.ds(idx_off(1), _C)], dB, isemB)
    pltpu.async_copy(combo_hbm.at[pl.ds(idx_off(1), _C)], cB, isemB)

    def pair_body(it, carry):
        for b in range(2):
            k = it * 2 + b
            cur = b
            nxt = 1 - b
            pltpu.make_async_copy(h_hbm.at[sx[cur]], rows[cur],
                                  gsems[cur]).wait()
            gadd = pltpu.async_copy(ctab_hbm.at[cx[cur]], rows[cur], csem,
                                    add=True)

            @pl.when(k + 1 < _CPW)
            def _():
                pltpu.make_async_copy(src_hbm.at[pl.ds(0, _C)], sx[nxt],
                                      isems[nxt]).wait()
                pltpu.make_async_copy(dst_hbm.at[pl.ds(0, _C)], dx[nxt],
                                      isems[nxt]).wait()
                pltpu.make_async_copy(combo_hbm.at[pl.ds(0, _C)], cx[nxt],
                                      isems[nxt]).wait()
                pltpu.async_copy(h_hbm.at[sx[nxt]], rows[nxt], gsems[nxt])

            gadd.wait()
            _relu_rows(rows[cur])
            pltpu.sync_copy(rows[cur], agg_sh.at[dx[cur]], add=True)

            @pl.when(k + 2 < _CPW)
            def _():
                pltpu.async_copy(src_hbm.at[pl.ds(idx_off(k + 2), _C)],
                                 sx[cur], isems[cur])
                pltpu.async_copy(dst_hbm.at[pl.ds(idx_off(k + 2), _C)],
                                 dx[cur], isems[cur])
                pltpu.async_copy(combo_hbm.at[pl.ds(idx_off(k + 2), _C)],
                                 cx[cur], isems[cur])
        return carry

    lax.fori_loop(0, _CPW // 2, pair_body, 0)
    plsc.subcore_barrier()

    pltpu.sync_copy(agg_sh.at[pl.ds(tid * _RPT, _RPT)],
                    out_hbm.at[c, pl.ds(tid * _RPT, _RPT)])


@functools.cache
def _edge_call():
    return pl.kernel(
        _edge_body,
        out_type=jax.ShapeDtypeStruct((2, _NP, _D), jnp.float32),
        mesh=plsc.VectorSubcoreMesh(core_axis_name="c", subcore_axis_name="s"),
        scratch_types=[
            pltpu.VMEM((_C,), jnp.int32),
            pltpu.VMEM((_C,), jnp.int32),
            pltpu.VMEM((_C,), jnp.int32),
            pltpu.VMEM((_C,), jnp.int32),
            pltpu.VMEM((_C,), jnp.int32),
            pltpu.VMEM((_C,), jnp.int32),
            pltpu.VMEM((_C, _D), jnp.float32),
            pltpu.VMEM((_C, _D), jnp.float32),
            pltpu.VMEM_SHARED((_NP, _D), jnp.float32),
            pltpu.SemaphoreType.DMA,
            pltpu.SemaphoreType.DMA,
            pltpu.SemaphoreType.DMA,
            pltpu.SemaphoreType.DMA,
            pltpu.SemaphoreType.DMA,
        ],   )


def _mlp_body(relu_out, scale_ref, h_ref, a0_ref, a1_ref, w1_ref, b1_ref,
              g1_ref, be1_ref, w2_ref, b2_ref, bng_ref, bnbe_ref, out_ref):
    z = scale_ref[...] * h_ref[...] + a0_ref[...] + a1_ref[...]
    z = jnp.dot(z, w1_ref[...], preferred_element_type=jnp.float32) + b1_ref[...]
    mu = jnp.mean(z, axis=0, keepdims=True)
    zc = z - mu
    var = jnp.mean(zc * zc, axis=0, keepdims=True)
    z = g1_ref[...] * zc * lax.rsqrt(var + 1e-5) + be1_ref[...]
    z = jnp.maximum(z, 0.0)
    z = jnp.dot(z, w2_ref[...], preferred_element_type=jnp.float32) + b2_ref[...]
    mu2 = jnp.mean(z, axis=0, keepdims=True)
    zc2 = z - mu2
    var2 = jnp.mean(zc2 * zc2, axis=0, keepdims=True)
    z = bng_ref[...] * zc2 * lax.rsqrt(var2 + 1e-5) + bnbe_ref[...]
    if relu_out:
        z = jnp.maximum(z, 0.0)
    out_ref[...] = z


def _mlp_call(relu_out):
    return pl.pallas_call(
        functools.partial(_mlp_body, relu_out),
        out_shape=jax.ShapeDtypeStruct((_N, _D), jnp.float32),
    )


def kernel(x, edge_index, edge_attr, batch, atom_emb, bond_emb, W1, b1, g1,
           be1, W2, b2, eps_p, bn_g, bn_be):
    del batch
    ea3 = edge_attr.T.reshape(_BF, _NCHUNKS, _C)
    h, combo2d, ctab = _encode_call(x, ea3, atom_emb, bond_emb)
    pad = _EP - _E
    pidx = jnp.arange(pad, dtype=jnp.int32)
    combo = jnp.concatenate([combo2d.reshape(_E), pidx % 512])
    src = jnp.concatenate([edge_index[0], pidx % _N])
    dst = jnp.concatenate([edge_index[1], _N + pidx % (_NP - _N)])
    zeros = jnp.zeros((_NP, _D), jnp.float32)
    for l in range(_L):
        agg2 = _edge_call()(h, src, dst, combo, ctab[l], zeros)
        scale = (1.0 + eps_p[l]).reshape(1, 1)
        h = _mlp_call(l < _L - 1)(
            scale, h, agg2[0, :_N], agg2[1, :_N], W1[l], b1[l].reshape(1, _D),
            g1[l].reshape(1, _D), be1[l].reshape(1, _D), W2[l],
            b2[l].reshape(1, _D), bn_g[l].reshape(1, _D), bn_be[l].reshape(1, _D))
    return h

# --- scband reference (transcript-rebuilt; emitter-appended) ---
"""Pipeline reference for scband-gnn-node-11149735100527 (READ-ONLY COPY).

The authoritative reference and input builder live on the scoring server;
editing this copy changes nothing except your own understanding.
"""

import jax, jax.numpy as jnp
import numpy as np

N = 10000
E = 320000
D = 128
L = 3
AF = 9   # atom feature columns (OGB-style AtomEncoder)
BF = 3   # bond feature columns (OGB-style BondEncoder)
AV = 100 # atom vocab per column
BV = 8   # bond vocab per column


def setup_inputs(seed: int = 0) -> dict:
    key = jax.random.key(seed)
    ks = jax.random.split(key, 16)
    x = jax.random.randint(ks[0], (N, AF), 0, AV, dtype=jnp.int32)
    edge_index = jax.random.randint(ks[1], (2, E), 0, N, dtype=jnp.int32)
    edge_attr = jax.random.randint(ks[2], (E, BF), 0, BV, dtype=jnp.int32)
    batch = jnp.sort(jax.random.randint(ks[3], (N,), 0, 128, dtype=jnp.int32))
    atom_emb = jax.random.normal(ks[4], (AF, AV, D), dtype=jnp.float32) * 0.02
    bond_emb = jax.random.normal(ks[5], (L, BF, BV, D), dtype=jnp.float32) * 0.02
    W1 = jax.random.normal(ks[6], (L, D, D), dtype=jnp.float32) / np.sqrt(D)
    b1 = jnp.zeros((L, D), dtype=jnp.float32)
    g1 = jnp.ones((L, D), dtype=jnp.float32)
    be1 = jnp.zeros((L, D), dtype=jnp.float32)
    W2 = jax.random.normal(ks[7], (L, D, D), dtype=jnp.float32) / np.sqrt(D)
    b2 = jnp.zeros((L, D), dtype=jnp.float32)
    eps_p = jnp.zeros((L,), dtype=jnp.float32)
    bn_g = jnp.ones((L, D), dtype=jnp.float32)
    bn_be = jnp.zeros((L, D), dtype=jnp.float32)
    return {"x": x, "edge_index": edge_index, "edge_attr": edge_attr, "batch": batch,
            "atom_emb": atom_emb, "bond_emb": bond_emb, "W1": W1, "b1": b1,
            "g1": g1, "be1": be1, "W2": W2, "b2": b2, "eps_p": eps_p,
            "bn_g": bn_g, "bn_be": bn_be}


def _batchnorm(h, g, b):
    mu = jnp.mean(h, axis=0)
    var = jnp.var(h, axis=0)
    return g * (h - mu) / jnp.sqrt(var + 1e-5) + b


def reference(x, edge_index, edge_attr, batch, atom_emb, bond_emb, W1, b1, g1, be1, W2, b2, eps_p, bn_g, bn_be):
    # AtomEncoder: sum of per-column categorical embeddings
    h = jnp.zeros((N, D), dtype=jnp.float32)
    for i in range(AF):
        h = h + atom_emb[i][x[:, i]]

    src = edge_index[0]
    dst = edge_index[1]

    for l in range(L):
        # BondEncoder for this layer
        eemb = jnp.zeros((E, D), dtype=jnp.float32)
        for j in range(BF):
            eemb = eemb + bond_emb[l, j][edge_attr[:, j]]
        # GINConv message: relu(x_j + edge_attr), aggr='add' at dst
        msg = jax.nn.relu(h[src] + eemb)
        agg = jnp.zeros((N, D), dtype=jnp.float32).at[dst].add(msg)
        z = (1.0 + eps_p[l]) * h + agg
        # MLP: Linear -> BatchNorm1d (training stats) -> ReLU -> Linear
        z = z @ W1[l] + b1[l]
        z = _batchnorm(z, g1[l], be1[l])
        z = jax.nn.relu(z)
        z = z @ W2[l] + b2[l]
        # outer BatchNorm1d
        hh = _batchnorm(z, bn_g[l], bn_be[l])
        # dropout with drop_ratio=0.0 is identity; relu on all but last layer
        if l < L - 1:
            hh = jax.nn.relu(hh)
        h = hh
    # JK == 'last'
    return h

if __name__ == "__main__":
    import jax
    _d = setup_inputs()
    print(jax.jit(kernel)(*tuple(_d.values())))

</pallas_src>

<mosaic_0001>
#map = affine_map<(d0, d1) -> (0, 0)>
#map1 = affine_map<(d0, d1) -> (0)>
#map2 = affine_map<(d0, d1) -> (0, 0, 0)>
module attributes {stable_mosaic.version = 14 : i64} {
  func.func @_edge_body(%arg0: i32, %arg1: i32, %arg2: memref<10000x128xf32, #tpu.memory_space<hbm>>, %arg3: memref<327680xi32, #tpu.memory_space<hbm>>, %arg4: memref<327680xi32, #tpu.memory_space<hbm>>, %arg5: memref<327680xi32, #tpu.memory_space<hbm>>, %arg6: memref<512x128xf32, #tpu.memory_space<hbm>>, %arg7: memref<10240x128xf32, #tpu.memory_space<hbm>>, %arg8: memref<2x10240x128xf32, #tpu.memory_space<hbm>>, %arg9: memref<128xi32, #tpu.memory_space<vmem>>, %arg10: memref<128xi32, #tpu.memory_space<vmem>>, %arg11: memref<128xi32, #tpu.memory_space<vmem>>, %arg12: memref<128xi32, #tpu.memory_space<vmem>>, %arg13: memref<128xi32, #tpu.memory_space<vmem>>, %arg14: memref<128xi32, #tpu.memory_space<vmem>>, %arg15: memref<128x128xf32, #tpu.memory_space<vmem>>, %arg16: memref<128x128xf32, #tpu.memory_space<vmem>>, %arg17: memref<10240x128xf32, #tpu.memory_space<vmem_shared>>, %arg18: memref<!tpu.dma_semaphore, #tpu.memory_space<semaphore_mem>>, %arg19: memref<!tpu.dma_semaphore, #tpu.memory_space<semaphore_mem>>, %arg20: memref<!tpu.dma_semaphore, #tpu.memory_space<semaphore_mem>>, %arg21: memref<!tpu.dma_semaphore, #tpu.memory_space<semaphore_mem>>, %arg22: memref<!tpu.dma_semaphore, #tpu.memory_space<semaphore_mem>>) attributes {dimension_semantics = [#tpu.dimension_semantics<core_parallel>, #tpu.dimension_semantics<subcore_parallel>], iteration_bounds = array<i64: 2, 16>, scalar_prefetch = 0 : i64, scratch_operands = 14 : i64, tpu.core_type = #tpu.core_type<sc_vector_subcore>, window_params = [{transform_indices = #map}, {transform_indices = #map1}, {transform_indices = #map1}, {transform_indices = #map1}, {transform_indices = #map}, {transform_indices = #map}, {transform_indices = #map2}]} {
    %mul3A = arith.constant 2 : i32
    %mul3A_0 = arith.muli %arg1, %mul3A : i32
    %add3A = arith.addi %mul3A_0, %arg0 : i32
    %mul3A_1 = arith.constant 80 : i32
    %mul3A_2 = arith.muli %add3A, %mul3A_1 : i32
    %add3A_3 = arith.constant 0 : i32
    %add3A_4 = arith.addi %mul3A_2, %add3A_3 : i32
    %mul3A_5 = arith.constant 128 : i32
    %mul3A_6 = arith.muli %add3A_4, %mul3A_5 : i32
    "tpu.region"() ({
      %run_scoped3A = tpu.sem_alloc : memref<!tpu.dma_semaphore, #tpu.memory_space<semaphore_mem>>
      %dma_start3A_49 = tpu.memref_slice %arg3[%mul3A_6] : memref<327680xi32, #tpu.memory_space<hbm>> -> memref<128xi32, #tpu.memory_space<hbm>>
      %dma_start3A_50 = tpu.memref_slice %arg3[%mul3A_6] : memref<327680xi32, #tpu.memory_space<hbm>> -> memref<128xi32, #tpu.memory_space<hbm>>
      tpu.enqueue_dma source(%dma_start3A_50 : memref<128xi32, #tpu.memory_space<hbm>>) target(%arg9 : memref<128xi32, #tpu.memory_space<vmem>>) target_semaphore(%run_scoped3A : memref<!tpu.dma_semaphore, #tpu.memory_space<semaphore_mem>>)
      %dma_wait3A = tpu.memref_slice %arg3[%mul3A_6] : memref<327680xi32, #tpu.memory_space<hbm>> -> memref<128xi32, #tpu.memory_space<hbm>>
      %dma_wait3A_51 = tpu.memref_slice %arg3[%mul3A_6] : memref<327680xi32, #tpu.memory_space<hbm>> -> memref<128xi32, #tpu.memory_space<hbm>>
      tpu.wait_dma2 semaphore(%run_scoped3A : memref<!tpu.dma_semaphore, #tpu.memory_space<semaphore_mem>>) src(%dma_wait3A_51 : memref<128xi32, #tpu.memory_space<hbm>>) dst(%arg9 : memref<128xi32, #tpu.memory_space<vmem>>)
      tpu.yield
    }) : () -> ()
    %add3A_7 = arith.constant 0 : i32
    %add3A_8 = arith.addi %mul3A_2, %add3A_7 : i32
    %mul3A_9 = arith.constant 128 : i32
    %mul3A_10 = arith.muli %add3A_8, %mul3A_9 : i32
    "tpu.region"() ({
      %run_scoped3A = tpu.sem_alloc : memref<!tpu.dma_semaphore, #tpu.memory_space<semaphore_mem>>
      %dma_start3A_49 = tpu.memref_slice %arg4[%mul3A_10] : memref<327680xi32, #tpu.memory_space<hbm>> -> memref<128xi32, #tpu.memory_space<hbm>>
      %dma_start3A_50 = tpu.memref_slice %arg4[%mul3A_10] : memref<327680xi32, #tpu.memory_space<hbm>> -> memref<128xi32, #tpu.memory_space<hbm>>
      tpu.enqueue_dma source(%dma_start3A_50 : memref<128xi32, #tpu.memory_space<hbm>>) target(%arg11 : memref<128xi32, #tpu.memory_space<vmem>>) target_semaphore(%run_scoped3A : memref<!tpu.dma_semaphore, #tpu.memory_space<semaphore_mem>>)
      %dma_wait3A = tpu.memref_slice %arg4[%mul3A_10] : memref<327680xi32, #tpu.memory_space<hbm>> -> memref<128xi32, #tpu.memory_space<hbm>>
      %dma_wait3A_51 = tpu.memref_slice %arg4[%mul3A_10] : memref<327680xi32, #tpu.memory_space<hbm>> -> memref<128xi32, #tpu.memory_space<hbm>>
      tpu.wait_dma2 semaphore(%run_scoped3A : memref<!tpu.dma_semaphore, #tpu.memory_space<semaphore_mem>>) src(%dma_wait3A_51 : memref<128xi32, #tpu.memory_space<hbm>>) dst(%arg11 : memref<128xi32, #tpu.memory_space<vmem>>)
      tpu.yield
    }) : () -> ()
    %add3A_11 = arith.constant 0 : i32
    %add3A_12 = arith.addi %mul3A_2, %add3A_11 : i32
    %mul3A_13 = arith.constant 128 : i32
    %mul3A_14 = arith.muli %add3A_12, %mul3A_13 : i32
    "tpu.region"() ({
      %run_scoped3A = tpu.sem_alloc : memref<!tpu.dma_semaphore, #tpu.memory_space<semaphore_mem>>
      %dma_start3A_49 = tpu.memref_slice %arg5[%mul3A_14] : memref<327680xi32, #tpu.memory_space<hbm>> -> memref<128xi32, #tpu.memory_space<hbm>>
      %dma_start3A_50 = tpu.memref_slice %arg5[%mul3A_14] : memref<327680xi32, #tpu.memory_space<hbm>> -> memref<128xi32, #tpu.memory_space<hbm>>
      tpu.enqueue_dma source(%dma_start3A_50 : memref<128xi32, #tpu.memory_space<hbm>>) target(%arg13 : memref<128xi32, #tpu.memory_space<vmem>>) target_semaphore(%run_scoped3A : memref<!tpu.dma_semaphore, #tpu.memory_space<semaphore_mem>>)
      %dma_wait3A = tpu.memref_slice %arg5[%mul3A_14] : memref<327680xi32, #tpu.memory_space<hbm>> -> memref<128xi32, #tpu.memory_space<hbm>>
      %dma_wait3A_51 = tpu.memref_slice %arg5[%mul3A_14] : memref<327680xi32, #tpu.memory_space<hbm>> -> memref<128xi32, #tpu.memory_space<hbm>>
      tpu.wait_dma2 semaphore(%run_scoped3A : memref<!tpu.dma_semaphore, #tpu.memory_space<semaphore_mem>>) src(%dma_wait3A_51 : memref<128xi32, #tpu.memory_space<hbm>>) dst(%arg13 : memref<128xi32, #tpu.memory_space<vmem>>)
      tpu.yield
    }) : () -> ()
    %mul3A_15 = arith.constant 640 : i32
    %mul3A_16 = arith.muli %arg1, %mul3A_15 : i32
    %mul3A_17 = arith.constant 640 : i32
    %mul3A_18 = arith.muli %arg1, %mul3A_17 : i32
    "tpu.region"() ({
      %run_scoped3A = tpu.sem_alloc : memref<!tpu.dma_semaphore, #tpu.memory_space<semaphore_mem>>
      %dma_start3A_49 = arith.constant 0 : i32
      %dma_start3A_50 = tpu.memref_slice %arg17[%mul3A_18, %dma_start3A_49] : memref<10240x128xf32, #tpu.memory_space<vmem_shared>> -> memref<640x128xf32, #tpu.memory_space<vmem_shared>>
      %dma_start3A_51 = arith.constant 0 : i32
      %dma_start3A_52 = tpu.memref_slice %arg7[%mul3A_16, %dma_start3A_51] : memref<10240x128xf32, #tpu.memory_space<hbm>> -> memref<640x128xf32, #tpu.memory_space<hbm>>
      tpu.enqueue_dma source(%dma_start3A_52 : memref<640x128xf32, #tpu.memory_space<hbm>>) target(%dma_start3A_50 : memref<640x128xf32, #tpu.memory_space<vmem_shared>>) target_semaphore(%run_scoped3A : memref<!tpu.dma_semaphore, #tpu.memory_space<semaphore_mem>>)
      %dma_wait3A = arith.constant 0 : i32
      %dma_wait3A_53 = tpu.memref_slice %arg17[%mul3A_18, %dma_wait3A] : memref<10240x128xf32, #tpu.memory_space<vmem_shared>> -> memref<640x128xf32, #tpu.memory_space<vmem_shared>>
      %dma_wait3A_54 = arith.constant 0 : i32
      %dma_wait3A_55 = tpu.memref_slice %arg7[%mul3A_16, %dma_wait3A_54] : memref<10240x128xf32, #tpu.memory_space<hbm>> -> memref<640x128xf32, #tpu.memory_space<hbm>>
      tpu.wait_dma2 semaphore(%run_scoped3A : memref<!tpu.dma_semaphore, #tpu.memory_space<semaphore_mem>>) src(%dma_wait3A_55 : memref<640x128xf32, #tpu.memory_space<hbm>>) dst(%dma_wait3A_53 : memref<640x128xf32, #tpu.memory_space<vmem_shared>>)
      tpu.yield
    }) : () -> ()
    %barrier3A = arith.constant 0 : index
    tpu.barrier barrier_id(%barrier3A)
    %dma_start3A = arith.constant 0 : i32
    %dma_start3A_19 = arith.constant 0 : i32
    %dma_start3A_20 = tpu.memref_slice %arg2[%dma_start3A, %dma_start3A_19] : memref<10000x128xf32, #tpu.memory_space<hbm>> -> memref<10000x128xf32, #tpu.memory_space<hbm>>
    tpu.enqueue_indirect_dma source(%dma_start3A_20 : memref<10000x128xf32, #tpu.memory_space<hbm>>) target(%arg15 : memref<128x128xf32, #tpu.memory_space<vmem>>) offsets(%arg9 : memref<128xi32, #tpu.memory_space<vmem>>) semaphore(%arg18 : memref<!tpu.dma_semaphore, #tpu.memory_space<semaphore_mem>>)
    %add3A_21 = arith.constant 1 : i32
    %add3A_22 = arith.addi %mul3A_2, %add3A_21 : i32
    %mul3A_23 = arith.constant 128 : i32
    %mul3A_24 = arith.muli %add3A_22, %mul3A_23 : i32
    %dma_start3A_25 = tpu.memref_slice %arg3[%mul3A_24] : memref<327680xi32, #tpu.memory_space<hbm>> -> memref<128xi32, #tpu.memory_space<hbm>>
    %dma_start3A_26 = tpu.memref_slice %arg3[%mul3A_24] : memref<327680xi32, #tpu.memory_space<hbm>> -> memref<128xi32, #tpu.memory_space<hbm>>
    tpu.enqueue_dma source(%dma_start3A_26 : memref<128xi32, #tpu.memory_space<hbm>>) target(%arg10 : memref<128xi32, #tpu.memory_space<vmem>>) target_semaphore(%arg22 : memref<!tpu.dma_semaphore, #tpu.memory_space<semaphore_mem>>)
    %add3A_27 = arith.constant 1 : i32
    %add3A_28 = arith.addi %mul3A_2, %add3A_27 : i32
    %mul3A_29 = arith.constant 128 : i32
    %mul3A_30 = arith.muli %add3A_28, %mul3A_29 : i32
    %dma_start3A_31 = tpu.memref_slice %arg4[%mul3A_30] : memref<327680xi32, #tpu.memory_space<hbm>> -> memref<128xi32, #tpu.memory_space<hbm>>
    %dma_start3A_32 = tpu.memref_slice %arg4[%mul3A_30] : memref<327680xi32, #tpu.memory_space<hbm>> -> memref<128xi32, #tpu.memory_space<hbm>>
    tpu.enqueue_dma source(%dma_start3A_32 : memref<128xi32, #tpu.memory_space<hbm>>) target(%arg12 : memref<128xi32, #tpu.memory_space<vmem>>) target_semaphore(%arg22 : memref<!tpu.dma_semaphore, #tpu.memory_space<semaphore_mem>>)
    %add3A_33 = arith.constant 1 : i32
    %add3A_34 = arith.addi %mul3A_2, %add3A_33 : i32
    %mul3A_35 = arith.constant 128 : i32
    %mul3A_36 = arith.muli %add3A_34, %mul3A_35 : i32
    %dma_start3A_37 = tpu.memref_slice %arg5[%mul3A_36] : memref<327680xi32, #tpu.memory_space<hbm>> -> memref<128xi32, #tpu.memory_space<hbm>>
    %dma_start3A_38 = tpu.memref_slice %arg5[%mul3A_36] : memref<327680xi32, #tpu.memory_space<hbm>> -> memref<128xi32, #tpu.memory_space<hbm>>
    tpu.enqueue_dma source(%dma_start3A_38 : memref<128xi32, #tpu.memory_space<hbm>>) target(%arg14 : memref<128xi32, #tpu.memory_space<vmem>>) target_semaphore(%arg22 : memref<!tpu.dma_semaphore, #tpu.memory_space<semaphore_mem>>)
    %scan3A = arith.constant 0 : i32
    %scan3A_39 = arith.constant 0 : i32
    %scan3A_40 = arith.constant 40 : i32
    %scan3A_41 = arith.addi %scan3A_39, %scan3A_40 : i32
    %scan3A_42 = arith.constant 1 : i32
    scf.for %scan3A_49 = %scan3A_39 to %scan3A_41 step %scan3A_42  : i32 {
      %mul3A_50 = arith.constant 2 : i32
      %mul3A_51 = arith.muli %scan3A_49, %mul3A_50 : i32
      %add3A_52 = arith.constant 0 : i32
      %add3A_53 = arith.addi %mul3A_51, %add3A_52 : i32
      %dma_wait3A = arith.constant 0 : i32
      %dma_wait3A_54 = arith.constant 0 : i32
      %dma_wait3A_55 = tpu.memref_slice %arg2[%dma_wait3A, %dma_wait3A_54] : memref<10000x128xf32, #tpu.memory_space<hbm>> -> memref<10000x128xf32, #tpu.memory_space<hbm>>
      tpu.wait_indirect_dma semaphore(%arg18 : memref<!tpu.dma_semaphore, #tpu.memory_space<semaphore_mem>>) src(%dma_wait3A_55 : memref<10000x128xf32, #tpu.memory_space<hbm>>) dst(%arg15 : memref<128x128xf32, #tpu.memory_space<vmem>>)
      %dma_start3A_56 = arith.constant 0 : i32
      %dma_start3A_57 = arith.constant 0 : i32
      %dma_start3A_58 = tpu.memref_slice %arg6[%dma_start3A_56, %dma_start3A_57] : memref<512x128xf32, #tpu.memory_space<hbm>> -> memref<512x128xf32, #tpu.memory_space<hbm>>
      tpu.enqueue_indirect_dma source(%dma_start3A_58 : memref<512x128xf32, #tpu.memory_space<hbm>>) target(%arg15 : memref<128x128xf32, #tpu.memory_space<vmem>>) offsets(%arg13 : memref<128xi32, #tpu.memory_space<vmem>>) semaphore(%arg20 : memref<!tpu.dma_semaphore, #tpu.memory_space<semaphore_mem>>) {add = true}
      %add3A_59 = arith.constant 1 : i32
      %add3A_60 = arith.addi %add3A_53, %add3A_59 : i32
      %lt3A = arith.constant 80 : i32
      %lt3A_61 = arith.cmpi slt, %add3A_60, %lt3A : i32
      %convert_element_type3A = arith.extui %lt3A_61 : i1 to i32
      %cond3A = arith.constant 0 : i32
      %cond3A_62 = arith.cmpi ne, %convert_element_type3A, %cond3A : i32
      scf.if %cond3A_62 {
        %dma_wait3A_112 = arith.constant 0 : i32
        %dma_wait3A_113 = tpu.memref_slice %arg3[%dma_wait3A_112] : memref<327680xi32, #tpu.memory_space<hbm>> -> memref<128xi32, #tpu.memory_space<hbm>>
        %dma_wait3A_114 = arith.constant 0 : i32
        %dma_wait3A_115 = tpu.memref_slice %arg3[%dma_wait3A_114] : memref<327680xi32, #tpu.memory_space<hbm>> -> memref<128xi32, #tpu.memory_space<hbm>>
        tpu.wait_dma2 semaphore(%arg22 : memref<!tpu.dma_semaphore, #tpu.memory_space<semaphore_mem>>) src(%dma_wait3A_115 : memref<128xi32, #tpu.memory_space<hbm>>) dst(%arg10 : memref<128xi32, #tpu.memory_space<vmem>>)
        %dma_wait3A_116 = arith.constant 0 : i32
        %dma_wait3A_117 = tpu.memref_slice %arg4[%dma_wait3A_116] : memref<327680xi32, #tpu.memory_space<hbm>> -> memref<128xi32, #tpu.memory_space<hbm>>
        %dma_wait3A_118 = arith.constant 0 : i32
        %dma_wait3A_119 = tpu.memref_slice %arg4[%dma_wait3A_118] : memref<327680xi32, #tpu.memory_space<hbm>> -> memref<128xi32, #tpu.memory_space<hbm>>
        tpu.wait_dma2 semaphore(%arg22 : memref<!tpu.dma_semaphore, #tpu.memory_space<semaphore_mem>>) src(%dma_wait3A_119 : memref<128xi32, #tpu.memory_space<hbm>>) dst(%arg12 : memref<128xi32, #tpu.memory_space<vmem>>)
        %dma_wait3A_120 = arith.constant 0 : i32
        %dma_wait3A_121 = tpu.memref_slice %arg5[%dma_wait3A_120] : memref<327680xi32, #tpu.memory_space<hbm>> -> memref<128xi32, #tpu.memory_space<hbm>>
        %dma_wait3A_122 = arith.constant 0 : i32
        %dma_wait3A_123 = tpu.memref_slice %arg5[%dma_wait3A_122] : memref<327680xi32, #tpu.memory_space<hbm>> -> memref<128xi32, #tpu.memory_space<hbm>>
        tpu.wait_dma2 semaphore(%arg22 : memref<!tpu.dma_semaphore, #tpu.memory_space<semaphore_mem>>) src(%dma_wait3A_123 : memref<128xi32, #tpu.memory_space<hbm>>) dst(%arg14 : memref<128xi32, #tpu.memory_space<vmem>>)
        %dma_start3A_124 = arith.constant 0 : i32
        %dma_start3A_125 = arith.constant 0 : i32
        %dma_start3A_126 = tpu.memref_slice %arg2[%dma_start3A_124, %dma_start3A_125] : memref<10000x128xf32, #tpu.memory_space<hbm>> -> memref<10000x128xf32, #tpu.memory_space<hbm>>
        tpu.enqueue_indirect_dma source(%dma_start3A_126 : memref<10000x128xf32, #tpu.memory_space<hbm>>) target(%arg16 : memref<128x128xf32, #tpu.memory_space<vmem>>) offsets(%arg10 : memref<128xi32, #tpu.memory_space<vmem>>) semaphore(%arg19 : memref<!tpu.dma_semaphore, #tpu.memory_space<semaphore_mem>>)
      } else {
      }
      %dma_wait3A_63 = arith.constant 0 : i32
      %dma_wait3A_64 = arith.constant 0 : i32
      %dma_wait3A_65 = tpu.memref_slice %arg6[%dma_wait3A_63, %dma_wait3A_64] : memref<512x128xf32, #tpu.memory_space<hbm>> -> memref<512x128xf32, #tpu.memory_space<hbm>>
      tpu.wait_indirect_dma semaphore(%arg20 : memref<!tpu.dma_semaphore, #tpu.memory_space<semaphore_mem>>) src(%dma_wait3A_65 : memref<512x128xf32, #tpu.memory_space<hbm>>) dst(%arg15 : memref<128x128xf32, #tpu.memory_space<vmem>>)
      %scan3A_66 = arith.constant 0 : i32
      %scan3A_67 = arith.constant 0 : i32
      %scan3A_68 = arith.constant 128 : i32
      %scan3A_69 = arith.addi %scan3A_67, %scan3A_68 : i32
      %scan3A_70 = arith.constant 1 : i32
      scf.for %scan3A_112 = %scan3A_67 to %scan3A_69 step %scan3A_70  : i32 {
        %get3A = arith.index_cast %scan3A_112 : i32 to index
        %get3A_113 = arith.constant 0 : index
        %get3A_114 = tpu.vector_load %arg15[%get3A, %get3A_113] {strides = array<i32>} : memref<128x128xf32, #tpu.memory_space<vmem>>, vector<1x16xf32>,
        %get3A_115 = vector.shape_cast %get3A_114 : vector<1x16xf32> to vector<16xf32>
        %max3A = arith.constant 0.000000e+00 : f32
        %max3A_116 = vector.broadcast %max3A : f32 to vector<16xf32>
        %max3A_117 = arith.maximumf %get3A_115, %max3A_116 : vector<16xf32>
        %swap3A = arith.index_cast %scan3A_112 : i32 to index
        %swap3A_118 = arith.constant 0 : index
        %swap3A_119 = tpu.vector_load %arg15[%swap3A, %swap3A_118] {strides = array<i32>} : memref<128x128xf32, #tpu.memory_space<vmem>>, vector<1x16xf32>,
        %swap3A_120 = vector.shape_cast %swap3A_119 : vector<1x16xf32> to vector<16xf32>
        %swap3A_121 = vector.shape_cast %max3A_117 : vector<16xf32> to vector<1x16xf32>
        tpu.vector_store %arg15[%swap3A, %swap3A_118], %swap3A_121 {strides = array<i32>} : memref<128x128xf32, #tpu.memory_space<vmem>>, vector<1x16xf32>,
        %get3A_122 = arith.index_cast %scan3A_112 : i32 to index
        %get3A_123 = arith.constant 16 : index
        %get3A_124 = tpu.vector_load %arg15[%get3A_122, %get3A_123] {strides = array<i32>} : memref<128x128xf32, #tpu.memory_space<vmem>>, vector<1x16xf32>,
        %get3A_125 = vector.shape_cast %get3A_124 : vector<1x16xf32> to vector<16xf32>
        %max3A_126 = arith.constant 0.000000e+00 : f32
        %max3A_127 = vector.broadcast %max3A_126 : f32 to vector<16xf32>
        %max3A_128 = arith.maximumf %get3A_125, %max3A_127 : vector<16xf32>
        %swap3A_129 = arith.index_cast %scan3A_112 : i32 to index
        %swap3A_130 = arith.constant 16 : index
        %swap3A_131 = tpu.vector_load %arg15[%swap3A_129, %swap3A_130] {strides = array<i32>} : memref<128x128xf32, #tpu.memory_space<vmem>>, vector<1x16xf32>,
        %swap3A_132 = vector.shape_cast %swap3A_131 : vector<1x16xf32> to vector<16xf32>
        %swap3A_133 = vector.shape_cast %max3A_128 : vector<16xf32> to vector<1x16xf32>
        tpu.vector_store %arg15[%swap3A_129, %swap3A_130], %swap3A_133 {strides = array<i32>} : memref<128x128xf32, #tpu.memory_space<vmem>>, vector<1x16xf32>,
        %get3A_134 = arith.index_cast %scan3A_112 : i32 to index
        %get3A_135 = arith.constant 32 : index
        %get3A_136 = tpu.vector_load %arg15[%get3A_134, %get3A_135] {strides = array<i32>} : memref<128x128xf32, #tpu.memory_space<vmem>>, vector<1x16xf32>,
        %get3A_137 = vector.shape_cast %get3A_136 : vector<1x16xf32> to vector<16xf32>
        %max3A_138 = arith.constant 0.000000e+00 : f32
        %max3A_139 = vector.broadcast %max3A_138 : f32 to vector<16xf32>
        %max3A_140 = arith.maximumf %get3A_137, %max3A_139 : vector<16xf32>
        %swap3A_141 = arith.index_cast %scan3A_112 : i32 to index
        %swap3A_142 = arith.constant 32 : index
        %swap3A_143 = tpu.vector_load %arg15[%swap3A_141, %swap3A_142] {strides = array<i32>} : memref<128x128xf32, #tpu.memory_space<vmem>>, vector<1x16xf32>,
        %swap3A_144 = vector.shape_cast %swap3A_143 : vector<1x16xf32> to vector<16xf32>
        %swap3A_145 = vector.shape_cast %max3A_140 : vector<16xf32> to vector<1x16xf32>
        tpu.vector_store %arg15[%swap3A_141, %swap3A_142], %swap3A_145 {strides = array<i32>} : memref<128x128xf32, #tpu.memory_space<vmem>>, vector<1x16xf32>,
        %get3A_146 = arith.index_cast %scan3A_112 : i32 to index
        %get3A_147 = arith.constant 48 : index
        %get3A_148 = tpu.vector_load %arg15[%get3A_146, %get3A_147] {strides = array<i32>} : memref<128x128xf32, #tpu.memory_space<vmem>>, vector<1x16xf32>,
        %get3A_149 = vector.shape_cast %get3A_148 : vector<1x16xf32> to vector<16xf32>
        %max3A_150 = arith.constant 0.000000e+00 : f32
        %max3A_151 = vector.broadcast %max3A_150 : f32 to vector<16xf32>
        %max3A_152 = arith.maximumf %get3A_149, %max3A_151 : vector<16xf32>
        %swap3A_153 = arith.index_cast %scan3A_112 : i32 to index
        %swap3A_154 = arith.constant 48 : index
        %swap3A_155 = tpu.vector_load %arg15[%swap3A_153, %swap3A_154] {strides = array<i32>} : memref<128x128xf32, #tpu.memory_space<vmem>>, vector<1x16xf32>,
        %swap3A_156 = vector.shape_cast %swap3A_155 : vector<1x16xf32> to vector<16xf32>
        %swap3A_157 = vector.shape_cast %max3A_152 : vector<16xf32> to vector<1x16xf32>
        tpu.vector_store %arg15[%swap3A_153, %swap3A_154], %swap3A_157 {strides = array<i32>} : memref<128x128xf32, #tpu.memory_space<vmem>>, vector<1x16xf32>,
        %get3A_158 = arith.index_cast %scan3A_112 : i32 to index
        %get3A_159 = arith.constant 64 : index
        %get3A_160 = tpu.vector_load %arg15[%get3A_158, %get3A_159] {strides = array<i32>} : memref<128x128xf32, #tpu.memory_space<vmem>>, vector<1x16xf32>,
        %get3A_161 = vector.shape_cast %get3A_160 : vector<1x16xf32> to vector<16xf32>
        %max3A_162 = arith.constant 0.000000e+00 : f32
        %max3A_163 = vector.broadcast %max3A_162 : f32 to vector<16xf32>
        %max3A_164 = arith.maximumf %get3A_161, %max3A_163 : vector<16xf32>
        %swap3A_165 = arith.index_cast %scan3A_112 : i32 to index
        %swap3A_166 = arith.constant 64 : index
        %swap3A_167 = tpu.vector_load %arg15[%swap3A_165, %swap3A_166] {strides = array<i32>} : memref<128x128xf32, #tpu.memory_space<vmem>>, vector<1x16xf32>,
        %swap3A_168 = vector.shape_cast %swap3A_167 : vector<1x16xf32> to vector<16xf32>
        %swap3A_169 = vector.shape_cast %max3A_164 : vector<16xf32> to vector<1x16xf32>
        tpu.vector_store %arg15[%swap3A_165, %swap3A_166], %swap3A_169 {strides = array<i32>} : memref<128x128xf32, #tpu.memory_space<vmem>>, vector<1x16xf32>,
        %get3A_170 = arith.index_cast %scan3A_112 : i32 to index
        %get3A_171 = arith.constant 80 : index
        %get3A_172 = tpu.vector_load %arg15[%get3A_170, %get3A_171] {strides = array<i32>} : memref<128x128xf32, #tpu.memory_space<vmem>>, vector<1x16xf32>,
        %get3A_173 = vector.shape_cast %get3A_172 : vector<1x16xf32> to vector<16xf32>
        %max3A_174 = arith.constant 0.000000e+00 : f32
        %max3A_175 = vector.broadcast %max3A_174 : f32 to vector<16xf32>
        %max3A_176 = arith.maximumf %get3A_173, %max3A_175 : vector<16xf32>
        %swap3A_177 = arith.index_cast %scan3A_112 : i32 to index
        %swap3A_178 = arith.constant 80 : index
        %swap3A_179 = tpu.vector_load %arg15[%swap3A_177, %swap3A_178] {strides = array<i32>} : memref<128x128xf32, #tpu.memory_space<vmem>>, vector<1x16xf32>,
        %swap3A_180 = vector.shape_cast %swap3A_179 : vector<1x16xf32> to vector<16xf32>
        %swap3A_181 = vector.shape_cast %max3A_176 : vector<16xf32> to vector<1x16xf32>
        tpu.vector_store %arg15[%swap3A_177, %swap3A_178], %swap3A_181 {strides = array<i32>} : memref<128x128xf32, #tpu.memory_space<vmem>>, vector<1x16xf32>,
        %get3A_182 = arith.index_cast %scan3A_112 : i32 to index
        %get3A_183 = arith.constant 96 : index
        %get3A_184 = tpu.vector_load %arg15[%get3A_182, %get3A_183] {strides = array<i32>} : memref<128x128xf32, #tpu.memory_space<vmem>>, vector<1x16xf32>,
        %get3A_185 = vector.shape_cast %get3A_184 : vector<1x16xf32> to vector<16xf32>
        %max3A_186 = arith.constant 0.000000e+00 : f32
        %max3A_187 = vector.broadcast %max3A_186 : f32 to vector<16xf32>
        %max3A_188 = arith.maximumf %get3A_185, %max3A_187 : vector<16xf32>
        %swap3A_189 = arith.index_cast %scan3A_112 : i32 to index
        %swap3A_190 = arith.constant 96 : index
        %swap3A_191 = tpu.vector_load %arg15[%swap3A_189, %swap3A_190] {strides = array<i32>} : memref<128x128xf32, #tpu.memory_space<vmem>>, vector<1x16xf32>,
        %swap3A_192 = vector.shape_cast %swap3A_191 : vector<1x16xf32> to vector<16xf32>
        %swap3A_193 = vector.shape_cast %max3A_188 : vector<16xf32> to vector<1x16xf32>
        tpu.vector_store %arg15[%swap3A_189, %swap3A_190], %swap3A_193 {strides = array<i32>} : memref<128x128xf32, #tpu.memory_space<vmem>>, vector<1x16xf32>,
        %get3A_194 = arith.index_cast %scan3A_112 : i32 to index
        %get3A_195 = arith.constant 112 : index
        %get3A_196 = tpu.vector_load %arg15[%get3A_194, %get3A_195] {strides = array<i32>} : memref<128x128xf32, #tpu.memory_space<vmem>>, vector<1x16xf32>,
        %get3A_197 = vector.shape_cast %get3A_196 : vector<1x16xf32> to vector<16xf32>
        %max3A_198 = arith.constant 0.000000e+00 : f32
        %max3A_199 = vector.broadcast %max3A_198 : f32 to vector<16xf32>
        %max3A_200 = arith.maximumf %get3A_197, %max3A_199 : vector<16xf32>
        %swap3A_201 = arith.index_cast %scan3A_112 : i32 to index
        %swap3A_202 = arith.constant 112 : index
        %swap3A_203 = tpu.vector_load %arg15[%swap3A_201, %swap3A_202] {strides = array<i32>} : memref<128x128xf32, #tpu.memory_space<vmem>>, vector<1x16xf32>,
        %swap3A_204 = vector.shape_cast %swap3A_203 : vector<1x16xf32> to vector<16xf32>
        %swap3A_205 = vector.shape_cast %max3A_200 : vector<16xf32> to vector<1x16xf32>
        tpu.vector_store %arg15[%swap3A_201, %swap3A_202], %swap3A_205 {strides = array<i32>} : memref<128x128xf32, #tpu.memory_space<vmem>>, vector<1x16xf32>,
      }
      %scan3A_71 = arith.constant 128 : i32
      "tpu.region"() ({
        %run_scoped3A = tpu.sem_alloc : memref<!tpu.dma_semaphore, #tpu.memory_space<semaphore_mem>>
        %dma_start3A_112 = arith.constant 0 : i32
        %dma_start3A_113 = arith.constant 0 : i32
        %dma_start3A_114 = tpu.memref_slice %arg17[%dma_start3A_112, %dma_start3A_113] : memref<10240x128xf32, #tpu.memory_space<vmem_shared>> -> memref<10240x128xf32, #tpu.memory_space<vmem_shared>>
        tpu.enqueue_indirect_dma source(%arg15 : memref<128x128xf32, #tpu.memory_space<vmem>>) target(%dma_start3A_114 : memref<10240x128xf32, #tpu.memory_space<vmem_shared>>) offsets(%arg11 : memref<128xi32, #tpu.memory_space<vmem>>) semaphore(%run_scoped3A : memref<!tpu.dma_semaphore, #tpu.memory_space<semaphore_mem>>) {add = true}
        %dma_wait3A_115 = arith.constant 0 : i32
        %dma_wait3A_116 = arith.constant 0 : i32
        %dma_wait3A_117 = tpu.memref_slice %arg17[%dma_wait3A_115, %dma_wait3A_116] : memref<10240x128xf32, #tpu.memory_space<vmem_shared>> -> memref<10240x128xf32, #tpu.memory_space<vmem_shared>>
        tpu.wait_indirect_dma semaphore(%run_scoped3A : memref<!tpu.dma_semaphore, #tpu.memory_space<semaphore_mem>>) src(%arg15 : memref<128x128xf32, #tpu.memory_space<vmem>>) dst(%dma_wait3A_117 : memref<10240x128xf32, #tpu.memory_space<vmem_shared>>)
        tpu.yield
      }) : () -> ()
      %add3A_72 = arith.constant 2 : i32
      %add3A_73 = arith.addi %add3A_53, %add3A_72 : i32
      %lt3A_74 = arith.constant 80 : i32
      %lt3A_75 = arith.cmpi slt, %add3A_73, %lt3A_74 : i32
      %convert_element_type3A_76 = arith.extui %lt3A_75 : i1 to i32
      %cond3A_77 = arith.constant 0 : i32
      %cond3A_78 = arith.cmpi ne, %convert_element_type3A_76, %cond3A_77 : i32
      scf.if %cond3A_78 {
        %add3A_112 = arith.constant 2 : i32
        %add3A_113 = arith.addi %add3A_53, %add3A_112 : i32
        %add3A_114 = arith.addi %mul3A_2, %add3A_113 : i32
        %mul3A_115 = arith.constant 128 : i32
        %mul3A_116 = arith.muli %add3A_114, %mul3A_115 : i32
        %dma_start3A_117 = tpu.memref_slice %arg3[%mul3A_116] : memref<327680xi32, #tpu.memory_space<hbm>> -> memref<128xi32, #tpu.memory_space<hbm>>
        %dma_start3A_118 = tpu.memref_slice %arg3[%mul3A_116] : memref<327680xi32, #tpu.memory_space<hbm>> -> memref<128xi32, #tpu.memory_space<hbm>>
        tpu.enqueue_dma source(%dma_start3A_118 : memref<128xi32, #tpu.memory_space<hbm>>) target(%arg9 : memref<128xi32, #tpu.memory_space<vmem>>) target_semaphore(%arg21 : memref<!tpu.dma_semaphore, #tpu.memory_space<semaphore_mem>>)
        %add3A_119 = arith.constant 2 : i32
        %add3A_120 = arith.addi %add3A_53, %add3A_119 : i32
        %add3A_121 = arith.addi %mul3A_2, %add3A_120 : i32
        %mul3A_122 = arith.constant 128 : i32
        %mul3A_123 = arith.muli %add3A_121, %mul3A_122 : i32
        %dma_start3A_124 = tpu.memref_slice %arg4[%mul3A_123] : memref<327680xi32, #tpu.memory_space<hbm>> -> memref<128xi32, #tpu.memory_space<hbm>>
        %dma_start3A_125 = tpu.memref_slice %arg4[%mul3A_123] : memref<327680xi32, #tpu.memory_space<hbm>> -> memref<128xi32, #tpu.memory_space<hbm>>
        tpu.enqueue_dma source(%dma_start3A_125 : memref<128xi32, #tpu.memory_space<hbm>>) target(%arg11 : memref<128xi32, #tpu.memory_space<vmem>>) target_semaphore(%arg21 : memref<!tpu.dma_semaphore, #tpu.memory_space<semaphore_mem>>)
        %add3A_126 = arith.constant 2 : i32
        %add3A_127 = arith.addi %add3A_53, %add3A_126 : i32
        %add3A_128 = arith.addi %mul3A_2, %add3A_127 : i32
        %mul3A_129 = arith.constant 128 : i32
        %mul3A_130 = arith.muli %add3A_128, %mul3A_129 : i32
        %dma_start3A_131 = tpu.memref_slice %arg5[%mul3A_130] : memref<327680xi32, #tpu.memory_space<hbm>> -> memref<128xi32, #tpu.memory_space<hbm>>
        %dma_start3A_132 = tpu.memref_slice %arg5[%mul3A_130] : memref<327680xi32, #tpu.memory_space<hbm>> -> memref<128xi32, #tpu.memory_space<hbm>>
        tpu.enqueue_dma source(%dma_start3A_132 : memref<128xi32, #tpu.memory_space<hbm>>) target(%arg13 : memref<128xi32, #tpu.memory_space<vmem>>) target_semaphore(%arg21 : memref<!tpu.dma_semaphore, #tpu.memory_space<semaphore_mem>>)
      } else {
      }
      %mul3A_79 = arith.constant 2 : i32
      %mul3A_80 = arith.muli %scan3A_49, %mul3A_79 : i32
      %add3A_81 = arith.constant 1 : i32
      %add3A_82 = arith.addi %mul3A_80, %add3A_81 : i32
      %dma_wait3A_83 = arith.constant 0 : i32
      %dma_wait3A_84 = arith.constant 0 : i32
      %dma_wait3A_85 = tpu.memref_slice %arg2[%dma_wait3A_83, %dma_wait3A_84] : memref<10000x128xf32, #tpu.memory_space<hbm>> -> memref<10000x128xf32, #tpu.memory_space<hbm>>
      tpu.wait_indirect_dma semaphore(%arg19 : memref<!tpu.dma_semaphore, #tpu.memory_space<semaphore_mem>>) src(%dma_wait3A_85 : memref<10000x128xf32, #tpu.memory_space<hbm>>) dst(%arg16 : memref<128x128xf32, #tpu.memory_space<vmem>>)
      %dma_start3A_86 = arith.constant 0 : i32
      %dma_start3A_87 = arith.constant 0 : i32
      %dma_start3A_88 = tpu.memref_slice %arg6[%dma_start3A_86, %dma_start3A_87] : memref<512x128xf32, #tpu.memory_space<hbm>> -> memref<512x128xf32, #tpu.memory_space<hbm>>
      tpu.enqueue_indirect_dma source(%dma_start3A_88 : memref<512x128xf32, #tpu.memory_space<hbm>>) target(%arg16 : memref<128x128xf32, #tpu.memory_space<vmem>>) offsets(%arg14 : memref<128xi32, #tpu.memory_space<vmem>>) semaphore(%arg20 : memref<!tpu.dma_semaphore, #tpu.memory_space<semaphore_mem>>) {add = true}
      %add3A_89 = arith.constant 1 : i32
      %add3A_90 = arith.addi %add3A_82, %add3A_89 : i32
      %lt3A_91 = arith.constant 80 : i32
      %lt3A_92 = arith.cmpi slt, %add3A_90, %lt3A_91 : i32
      %convert_element_type3A_93 = arith.extui %lt3A_92 : i1 to i32
      %cond3A_94 = arith.constant 0 : i32
      %cond3A_95 = arith.cmpi ne, %convert_element_type3A_93, %cond3A_94 : i32
      scf.if %cond3A_95 {
        %dma_wait3A_112 = arith.constant 0 : i32
        %dma_wait3A_113 = tpu.memref_slice %arg3[%dma_wait3A_112] : memref<327680xi32, #tpu.memory_space<hbm>> -> memref<128xi32, #tpu.memory_space<hbm>>
        %dma_wait3A_114 = arith.constant 0 : i32
        %dma_wait3A_115 = tpu.memref_slice %arg3[%dma_wait3A_114] : memref<327680xi32, #tpu.memory_space<hbm>> -> memref<128xi32, #tpu.memory_space<hbm>>
        tpu.wait_dma2 semaphore(%arg21 : memref<!tpu.dma_semaphore, #tpu.memory_space<semaphore_mem>>) src(%dma_wait3A_115 : memref<128xi32, #tpu.memory_space<hbm>>) dst(%arg9 : memref<128xi32, #tpu.memory_space<vmem>>)
        %dma_wait3A_116 = arith.constant 0 : i32
        %dma_wait3A_117 = tpu.memref_slice %arg4[%dma_wait3A_116] : memref<327680xi32, #tpu.memory_space<hbm>> -> memref<128xi32, #tpu.memory_space<hbm>>
        %dma_wait3A_118 = arith.constant 0 : i32
        %dma_wait3A_119 = tpu.memref_slice %arg4[%dma_wait3A_118] : memref<327680xi32, #tpu.memory_space<hbm>> -> memref<128xi32, #tpu.memory_space<hbm>>
        tpu.wait_dma2 semaphore(%arg21 : memref<!tpu.dma_semaphore, #tpu.memory_space<semaphore_mem>>) src(%dma_wait3A_119 : memref<128xi32, #tpu.memory_space<hbm>>) dst(%arg11 : memref<128xi32, #tpu.memory_space<vmem>>)
        %dma_wait3A_120 = arith.constant 0 : i32
        %dma_wait3A_121 = tpu.memref_slice %arg5[%dma_wait3A_120] : memref<327680xi32, #tpu.memory_space<hbm>> -> memref<128xi32, #tpu.memory_space<hbm>>
        %dma_wait3A_122 = arith.constant 0 : i32
        %dma_wait3A_123 = tpu.memref_slice %arg5[%dma_wait3A_122] : memref<327680xi32, #tpu.memory_space<hbm>> -> memref<128xi32, #tpu.memory_space<hbm>>
        tpu.wait_dma2 semaphore(%arg21 : memref<!tpu.dma_semaphore, #tpu.memory_space<semaphore_mem>>) src(%dma_wait3A_123 : memref<128xi32, #tpu.memory_space<hbm>>) dst(%arg13 : memref<128xi32, #tpu.memory_space<vmem>>)
        %dma_start3A_124 = arith.constant 0 : i32
        %dma_start3A_125 = arith.constant 0 : i32
        %dma_start3A_126 = tpu.memref_slice %arg2[%dma_start3A_124, %dma_start3A_125] : memref<10000x128xf32, #tpu.memory_space<hbm>> -> memref<10000x128xf32, #tpu.memory_space<hbm>>
        tpu.enqueue_indirect_dma source(%dma_start3A_126 : memref<10000x128xf32, #tpu.memory_space<hbm>>) target(%arg15 : memref<128x128xf32, #tpu.memory_space<vmem>>) offsets(%arg9 : memref<128xi32, #tpu.memory_space<vmem>>) semaphore(%arg18 : memref<!tpu.dma_semaphore, #tpu.memory_space<semaphore_mem>>)
      } else {
      }
      %dma_wait3A_96 = arith.constant 0 : i32
      %dma_wait3A_97 = arith.constant 0 : i32
      %dma_wait3A_98 = tpu.memref_slice %arg6[%dma_wait3A_96, %dma_wait3A_97] : memref<512x128xf32, #tpu.memory_space<hbm>> -> memref<512x128xf32, #tpu.memory_space<hbm>>
      tpu.wait_indirect_dma semaphore(%arg20 : memref<!tpu.dma_semaphore, #tpu.memory_space<semaphore_mem>>) src(%dma_wait3A_98 : memref<512x128xf32, #tpu.memory_space<hbm>>) dst(%arg16 : memref<128x128xf32, #tpu.memory_space<vmem>>)
      %scan3A_99 = arith.constant 0 : i32
      %scan3A_100 = arith.constant 0 : i32
      %scan3A_101 = arith.constant 128 : i32
      %scan3A_102 = arith.addi %scan3A_100, %scan3A_101 : i32
      %scan3A_103 = arith.constant 1 : i32
      scf.for %scan3A_112 = %scan3A_100 to %scan3A_102 step %scan3A_103  : i32 {
        %get3A = arith.index_cast %scan3A_112 : i32 to index
        %get3A_113 = arith.constant 0 : index
        %get3A_114 = tpu.vector_load %arg16[%get3A, %get3A_113] {strides = array<i32>} : memref<128x128xf32, #tpu.memory_space<vmem>>, vector<1x16xf32>,
        %get3A_115 = vector.shape_cast %get3A_114 : vector<1x16xf32> to vector<16xf32>
        %max3A = arith.constant 0.000000e+00 : f32
        %max3A_116 = vector.broadcast %max3A : f32 to vector<16xf32>
        %max3A_117 = arith.maximumf %get3A_115, %max3A_116 : vector<16xf32>
        %swap3A = arith.index_cast %scan3A_112 : i32 to index
        %swap3A_118 = arith.constant 0 : index
        %swap3A_119 = tpu.vector_load %arg16[%swap3A, %swap3A_118] {strides = array<i32>} : memref<128x128xf32, #tpu.memory_space<vmem>>, vector<1x16xf32>,
        %swap3A_120 = vector.shape_cast %swap3A_119 : vector<1x16xf32> to vector<16xf32>
        %swap3A_121 = vector.shape_cast %max3A_117 : vector<16xf32> to vector<1x16xf32>
        tpu.vector_store %arg16[%swap3A, %swap3A_118], %swap3A_121 {strides = array<i32>} : memref<128x128xf32, #tpu.memory_space<vmem>>, vector<1x16xf32>,
        %get3A_122 = arith.index_cast %scan3A_112 : i32 to index
        %get3A_123 = arith.constant 16 : index
        %get3A_124 = tpu.vector_load %arg16[%get3A_122, %get3A_123] {strides = array<i32>} : memref<128x128xf32, #tpu.memory_space<vmem>>, vector<1x16xf32>,
        %get3A_125 = vector.shape_cast %get3A_124 : vector<1x16xf32> to vector<16xf32>
        %max3A_126 = arith.constant 0.000000e+00 : f32
        %max3A_127 = vector.broadcast %max3A_126 : f32 to vector<16xf32>
        %max3A_128 = arith.maximumf %get3A_125, %max3A_127 : vector<16xf32>
        %swap3A_129 = arith.index_cast %scan3A_112 : i32 to index
        %swap3A_130 = arith.constant 16 : index
        %swap3A_131 = tpu.vector_load %arg16[%swap3A_129, %swap3A_130] {strides = array<i32>} : memref<128x128xf32, #tpu.memory_space<vmem>>, vector<1x16xf32>,
        %swap3A_132 = vector.shape_cast %swap3A_131 : vector<1x16xf32> to vector<16xf32>
        %swap3A_133 = vector.shape_cast %max3A_128 : vector<16xf32> to vector<1x16xf32>
        tpu.vector_store %arg16[%swap3A_129, %swap3A_130], %swap3A_133 {strides = array<i32>} : memref<128x128xf32, #tpu.memory_space<vmem>>, vector<1x16xf32>,
        %get3A_134 = arith.index_cast %scan3A_112 : i32 to index
        %get3A_135 = arith.constant 32 : index
        %get3A_136 = tpu.vector_load %arg16[%get3A_134, %get3A_135] {strides = array<i32>} : memref<128x128xf32, #tpu.memory_space<vmem>>, vector<1x16xf32>,
        %get3A_137 = vector.shape_cast %get3A_136 : vector<1x16xf32> to vector<16xf32>
        %max3A_138 = arith.constant 0.000000e+00 : f32
        %max3A_139 = vector.broadcast %max3A_138 : f32 to vector<16xf32>
        %max3A_140 = arith.maximumf %get3A_137, %max3A_139 : vector<16xf32>
        %swap3A_141 = arith.index_cast %scan3A_112 : i32 to index
        %swap3A_142 = arith.constant 32 : index
        %swap3A_143 = tpu.vector_load %arg16[%swap3A_141, %swap3A_142] {strides = array<i32>} : memref<128x128xf32, #tpu.memory_space<vmem>>, vector<1x16xf32>,
        %swap3A_144 = vector.shape_cast %swap3A_143 : vector<1x16xf32> to vector<16xf32>
        %swap3A_145 = vector.shape_cast %max3A_140 : vector<16xf32> to vector<1x16xf32>
        tpu.vector_store %arg16[%swap3A_141, %swap3A_142], %swap3A_145 {strides = array<i32>} : memref<128x128xf32, #tpu.memory_space<vmem>>, vector<1x16xf32>,
        %get3A_146 = arith.index_cast %scan3A_112 : i32 to index
        %get3A_147 = arith.constant 48 : index
        %get3A_148 = tpu.vector_load %arg16[%get3A_146, %get3A_147] {strides = array<i32>} : memref<128x128xf32, #tpu.memory_space<vmem>>, vector<1x16xf32>,
        %get3A_149 = vector.shape_cast %get3A_148 : vector<1x16xf32> to vector<16xf32>
        %max3A_150 = arith.constant 0.000000e+00 : f32
        %max3A_151 = vector.broadcast %max3A_150 : f32 to vector<16xf32>
        %max3A_152 = arith.maximumf %get3A_149, %max3A_151 : vector<16xf32>
        %swap3A_153 = arith.index_cast %scan3A_112 : i32 to index
        %swap3A_154 = arith.constant 48 : index
        %swap3A_155 = tpu.vector_load %arg16[%swap3A_153, %swap3A_154] {strides = array<i32>} : memref<128x128xf32, #tpu.memory_space<vmem>>, vector<1x16xf32>,
        %swap3A_156 = vector.shape_cast %swap3A_155 : vector<1x16xf32> to vector<16xf32>
        %swap3A_157 = vector.shape_cast %max3A_152 : vector<16xf32> to vector<1x16xf32>
        tpu.vector_store %arg16[%swap3A_153, %swap3A_154], %swap3A_157 {strides = array<i32>} : memref<128x128xf32, #tpu.memory_space<vmem>>, vector<1x16xf32>,
        %get3A_158 = arith.index_cast %scan3A_112 : i32 to index
        %get3A_159 = arith.constant 64 : index
        %get3A_160 = tpu.vector_load %arg16[%get3A_158, %get3A_159] {strides = array<i32>} : memref<128x128xf32, #tpu.memory_space<vmem>>, vector<1x16xf32>,
        %get3A_161 = vector.shape_cast %get3A_160 : vector<1x16xf32> to vector<16xf32>
        %max3A_162 = arith.constant 0.000000e+00 : f32
        %max3A_163 = vector.broadcast %max3A_162 : f32 to vector<16xf32>
        %max3A_164 = arith.maximumf %get3A_161, %max3A_163 : vector<16xf32>
        %swap3A_165 = arith.index_cast %scan3A_112 : i32 to index
        %swap3A_166 = arith.constant 64 : index
        %swap3A_167 = tpu.vector_load %arg16[%swap3A_165, %swap3A_166] {strides = array<i32>} : memref<128x128xf32, #tpu.memory_space<vmem>>, vector<1x16xf32>,
        %swap3A_168 = vector.shape_cast %swap3A_167 : vector<1x16xf32> to vector<16xf32>
        %swap3A_169 = vector.shape_cast %max3A_164 : vector<16xf32> to vector<1x16xf32>
        tpu.vector_store %arg16[%swap3A_165, %swap3A_166], %swap3A_169 {strides = array<i32>} : memref<128x128xf32, #tpu.memory_space<vmem>>, vector<1x16xf32>,
        %get3A_170 = arith.index_cast %scan3A_112 : i32 to index
        %get3A_171 = arith.constant 80 : index
        %get3A_172 = tpu.vector_load %arg16[%get3A_170, %get3A_171] {strides = array<i32>} : memref<128x128xf32, #tpu.memory_space<vmem>>, vector<1x16xf32>,
        %get3A_173 = vector.shape_cast %get3A_172 : vector<1x16xf32> to vector<16xf32>
        %max3A_174 = arith.constant 0.000000e+00 : f32
        %max3A_175 = vector.broadcast %max3A_174 : f32 to vector<16xf32>
        %max3A_176 = arith.maximumf %get3A_173, %max3A_175 : vector<16xf32>
        %swap3A_177 = arith.index_cast %scan3A_112 : i32 to index
        %swap3A_178 = arith.constant 80 : index
        %swap3A_179 = tpu.vector_load %arg16[%swap3A_177, %swap3A_178] {strides = array<i32>} : memref<128x128xf32, #tpu.memory_space<vmem>>, vector<1x16xf32>,
        %swap3A_180 = vector.shape_cast %swap3A_179 : vector<1x16xf32> to vector<16xf32>
        %swap3A_181 = vector.shape_cast %max3A_176 : vector<16xf32> to vector<1x16xf32>
        tpu.vector_store %arg16[%swap3A_177, %swap3A_178], %swap3A_181 {strides = array<i32>} : memref<128x128xf32, #tpu.memory_space<vmem>>, vector<1x16xf32>,
        %get3A_182 = arith.index_cast %scan3A_112 : i32 to index
        %get3A_183 = arith.constant 96 : index
        %get3A_184 = tpu.vector_load %arg16[%get3A_182, %get3A_183] {strides = array<i32>} : memref<128x128xf32, #tpu.memory_space<vmem>>, vector<1x16xf32>,
        %get3A_185 = vector.shape_cast %get3A_184 : vector<1x16xf32> to vector<16xf32>
        %max3A_186 = arith.constant 0.000000e+00 : f32
        %max3A_187 = vector.broadcast %max3A_186 : f32 to vector<16xf32>
        %max3A_188 = arith.maximumf %get3A_185, %max3A_187 : vector<16xf32>
        %swap3A_189 = arith.index_cast %scan3A_112 : i32 to index
        %swap3A_190 = arith.constant 96 : index
        %swap3A_191 = tpu.vector_load %arg16[%swap3A_189, %swap3A_190] {strides = array<i32>} : memref<128x128xf32, #tpu.memory_space<vmem>>, vector<1x16xf32>,
        %swap3A_192 = vector.shape_cast %swap3A_191 : vector<1x16xf32> to vector<16xf32>
        %swap3A_193 = vector.shape_cast %max3A_188 : vector<16xf32> to vector<1x16xf32>
        tpu.vector_store %arg16[%swap3A_189, %swap3A_190], %swap3A_193 {strides = array<i32>} : memref<128x128xf32, #tpu.memory_space<vmem>>, vector<1x16xf32>,
        %get3A_194 = arith.index_cast %scan3A_112 : i32 to index
        %get3A_195 = arith.constant 112 : index
        %get3A_196 = tpu.vector_load %arg16[%get3A_194, %get3A_195] {strides = array<i32>} : memref<128x128xf32, #tpu.memory_space<vmem>>, vector<1x16xf32>,
        %get3A_197 = vector.shape_cast %get3A_196 : vector<1x16xf32> to vector<16xf32>
        %max3A_198 = arith.constant 0.000000e+00 : f32
        %max3A_199 = vector.broadcast %max3A_198 : f32 to vector<16xf32>
        %max3A_200 = arith.maximumf %get3A_197, %max3A_199 : vector<16xf32>
        %swap3A_201 = arith.index_cast %scan3A_112 : i32 to index
        %swap3A_202 = arith.constant 112 : index
        %swap3A_203 = tpu.vector_load %arg16[%swap3A_201, %swap3A_202] {strides = array<i32>} : memref<128x128xf32, #tpu.memory_space<vmem>>, vector<1x16xf32>,
        %swap3A_204 = vector.shape_cast %swap3A_203 : vector<1x16xf32> to vector<16xf32>
        %swap3A_205 = vector.shape_cast %max3A_200 : vector<16xf32> to vector<1x16xf32>
        tpu.vector_store %arg16[%swap3A_201, %swap3A_202], %swap3A_205 {strides = array<i32>} : memref<128x128xf32, #tpu.memory_space<vmem>>, vector<1x16xf32>,
      }
      %scan3A_104 = arith.constant 128 : i32
      "tpu.region"() ({
        %run_scoped3A = tpu.sem_alloc : memref<!tpu.dma_semaphore, #tpu.memory_space<semaphore_mem>>
        %dma_start3A_112 = arith.constant 0 : i32
        %dma_start3A_113 = arith.constant 0 : i32
        %dma_start3A_114 = tpu.memref_slice %arg17[%dma_start3A_112, %dma_start3A_113] : memref<10240x128xf32, #tpu.memory_space<vmem_shared>> -> memref<10240x128xf32, #tpu.memory_space<vmem_shared>>
        tpu.enqueue_indirect_dma source(%arg16 : memref<128x128xf32, #tpu.memory_space<vmem>>) target(%dma_start3A_114 : memref<10240x128xf32, #tpu.memory_space<vmem_shared>>) offsets(%arg12 : memref<128xi32, #tpu.memory_space<vmem>>) semaphore(%run_scoped3A : memref<!tpu.dma_semaphore, #tpu.memory_space<semaphore_mem>>) {add = true}
        %dma_wait3A_115 = arith.constant 0 : i32
        %dma_wait3A_116 = arith.constant 0 : i32
        %dma_wait3A_117 = tpu.memref_slice %arg17[%dma_wait3A_115, %dma_wait3A_116] : memref<10240x128xf32, #tpu.memory_space<vmem_shared>> -> memref<10240x128xf32, #tpu.memory_space<vmem_shared>>
        tpu.wait_indirect_dma semaphore(%run_scoped3A : memref<!tpu.dma_semaphore, #tpu.memory_space<semaphore_mem>>) src(%arg16 : memref<128x128xf32, #tpu.memory_space<vmem>>) dst(%dma_wait3A_117 : memref<10240x128xf32, #tpu.memory_space<vmem_shared>>)
        tpu.yield
      }) : () -> ()
      %add3A_105 = arith.constant 2 : i32
      %add3A_106 = arith.addi %add3A_82, %add3A_105 : i32
      %lt3A_107 = arith.constant 80 : i32
      %lt3A_108 = arith.cmpi slt, %add3A_106, %lt3A_107 : i32
      %convert_element_type3A_109 = arith.extui %lt3A_108 : i1 to i32
      %cond3A_110 = arith.constant 0 : i32
      %cond3A_111 = arith.cmpi ne, %convert_element_type3A_109, %cond3A_110 : i32
      scf.if %cond3A_111 {
        %add3A_112 = arith.constant 2 : i32
        %add3A_113 = arith.addi %add3A_82, %add3A_112 : i32
        %add3A_114 = arith.addi %mul3A_2, %add3A_113 : i32
        %mul3A_115 = arith.constant 128 : i32
        %mul3A_116 = arith.muli %add3A_114, %mul3A_115 : i32
        %dma_start3A_117 = tpu.memref_slice %arg3[%mul3A_116] : memref<327680xi32, #tpu.memory_space<hbm>> -> memref<128xi32, #tpu.memory_space<hbm>>
        %dma_start3A_118 = tpu.memref_slice %arg3[%mul3A_116] : memref<327680xi32, #tpu.memory_space<hbm>> -> memref<128xi32, #tpu.memory_space<hbm>>
        tpu.enqueue_dma source(%dma_start3A_118 : memref<128xi32, #tpu.memory_space<hbm>>) target(%arg10 : memref<128xi32, #tpu.memory_space<vmem>>) target_semaphore(%arg22 : memref<!tpu.dma_semaphore, #tpu.memory_space<semaphore_mem>>)
        %add3A_119 = arith.constant 2 : i32
        %add3A_120 = arith.addi %add3A_82, %add3A_119 : i32
        %add3A_121 = arith.addi %mul3A_2, %add3A_120 : i32
        %mul3A_122 = arith.constant 128 : i32
        %mul3A_123 = arith.muli %add3A_121, %mul3A_122 : i32
        %dma_start3A_124 = tpu.memref_slice %arg4[%mul3A_123] : memref<327680xi32, #tpu.memory_space<hbm>> -> memref<128xi32, #tpu.memory_space<hbm>>
        %dma_start3A_125 = tpu.memref_slice %arg4[%mul3A_123] : memref<327680xi32, #tpu.memory_space<hbm>> -> memref<128xi32, #tpu.memory_space<hbm>>
        tpu.enqueue_dma source(%dma_start3A_125 : memref<128xi32, #tpu.memory_space<hbm>>) target(%arg12 : memref<128xi32, #tpu.memory_space<vmem>>) target_semaphore(%arg22 : memref<!tpu.dma_semaphore, #tpu.memory_space<semaphore_mem>>)
        %add3A_126 = arith.constant 2 : i32
        %add3A_127 = arith.addi %add3A_82, %add3A_126 : i32
        %add3A_128 = arith.addi %mul3A_2, %add3A_127 : i32
        %mul3A_129 = arith.constant 128 : i32
        %mul3A_130 = arith.muli %add3A_128, %mul3A_129 : i32
        %dma_start3A_131 = tpu.memref_slice %arg5[%mul3A_130] : memref<327680xi32, #tpu.memory_space<hbm>> -> memref<128xi32, #tpu.memory_space<hbm>>
        %dma_start3A_132 = tpu.memref_slice %arg5[%mul3A_130] : memref<327680xi32, #tpu.memory_space<hbm>> -> memref<128xi32, #tpu.memory_space<hbm>>
        tpu.enqueue_dma source(%dma_start3A_132 : memref<128xi32, #tpu.memory_space<hbm>>) target(%arg14 : memref<128xi32, #tpu.memory_space<vmem>>) target_semaphore(%arg22 : memref<!tpu.dma_semaphore, #tpu.memory_space<semaphore_mem>>)
      } else {
      }
    }
    %scan3A_43 = arith.constant 40 : i32
    %barrier3A_44 = arith.constant 0 : index
    tpu.barrier barrier_id(%barrier3A_44)
    %mul3A_45 = arith.constant 640 : i32
    %mul3A_46 = arith.muli %arg1, %mul3A_45 : i32
    %mul3A_47 = arith.constant 640 : i32
    %mul3A_48 = arith.muli %arg1, %mul3A_47 : i32
    "tpu.region"() ({
      %run_scoped3A = tpu.sem_alloc : memref<!tpu.dma_semaphore, #tpu.memory_space<semaphore_mem>>
      %dma_start3A_49 = arith.constant 0 : i32
      %dma_start3A_50 = tpu.memref_slice %arg8[%arg0, %mul3A_48, %dma_start3A_49] : memref<2x10240x128xf32, #tpu.memory_space<hbm>> -> memref<1x640x128xf32, #tpu.memory_space<hbm>>
      %dma_start3A_51 = tpu.memref_squeeze %dma_start3A_50 : memref<1x640x128xf32, #tpu.memory_space<hbm>> -> memref<640x128xf32, #tpu.memory_space<hbm>>
      %dma_start3A_52 = arith.constant 0 : i32
      %dma_start3A_53 = tpu.memref_slice %arg17[%mul3A_46, %dma_start3A_52] : memref<10240x128xf32, #tpu.memory_space<vmem_shared>> -> memref<640x128xf32, #tpu.memory_space<vmem_shared>>
      tpu.enqueue_dma source(%dma_start3A_53 : memref<640x128xf32, #tpu.memory_space<vmem_shared>>) target(%dma_start3A_51 : memref<640x128xf32, #tpu.memory_space<hbm>>) target_semaphore(%run_scoped3A : memref<!tpu.dma_semaphore, #tpu.memory_space<semaphore_mem>>)
      %dma_wait3A = arith.constant 0 : i32
      %dma_wait3A_54 = tpu.memref_slice %arg8[%arg0, %mul3A_48, %dma_wait3A] : memref<2x10240x128xf32, #tpu.memory_space<hbm>> -> memref<1x640x128xf32, #tpu.memory_space<hbm>>
      %dma_wait3A_55 = tpu.memref_squeeze %dma_wait3A_54 : memref<1x640x128xf32, #tpu.memory_space<hbm>> -> memref<640x128xf32, #tpu.memory_space<hbm>>
      %dma_wait3A_56 = arith.constant 0 : i32
      %dma_wait3A_57 = tpu.memref_slice %arg17[%mul3A_46, %dma_wait3A_56] : memref<10240x128xf32, #tpu.memory_space<vmem_shared>> -> memref<640x128xf32, #tpu.memory_space<vmem_shared>>
      tpu.wait_dma2 semaphore(%run_scoped3A : memref<!tpu.dma_semaphore, #tpu.memory_space<semaphore_mem>>) src(%dma_wait3A_57 : memref<640x128xf32, #tpu.memory_space<vmem_shared>>) dst(%dma_wait3A_55 : memref<640x128xf32, #tpu.memory_space<hbm>>)
      tpu.yield
    }) : () -> ()
    return
  }
}

#map = affine_map<(d0, d1) -> (0, 0)>
#map1 = affine_map<(d0, d1) -> (0)>
#map2 = affine_map<(d0, d1) -> (0, 0, 0)>
module attributes {stable_mosaic.version = 14 : i64} {
  func.func @_edge_body(%arg0: i32, %arg1: i32, %arg2: memref<10000x128xf32, #tpu.memory_space<hbm>>, %arg3: memref<327680xi32, #tpu.memory_space<hbm>>, %arg4: memref<327680xi32, #tpu.memory_space<hbm>>, %arg5: memref<327680xi32, #tpu.memory_space<hbm>>, %arg6: memref<512x128xf32, #tpu.memory_space<hbm>>, %arg7: memref<10240x128xf32, #tpu.memory_space<hbm>>, %arg8: memref<2x10240x128xf32, #tpu.memory_space<hbm>>, %arg9: memref<128xi32, #tpu.memory_space<vmem>>, %arg10: memref<128xi32, #tpu.memory_space<vmem>>, %arg11: memref<128xi32, #tpu.memory_space<vmem>>, %arg12: memref<128xi32, #tpu.memory_space<vmem>>, %arg13: memref<128xi32, #tpu.memory_space<vmem>>, %arg14: memref<128xi32, #tpu.memory_space<vmem>>, %arg15: memref<128x128xf32, #tpu.memory_space<vmem>>, %arg16: memref<128x128xf32, #tpu.memory_space<vmem>>, %arg17: memref<10240x128xf32, #tpu.memory_space<vmem_shared>>, %arg18: memref<!tpu.dma_semaphore, #tpu.memory_space<semaphore_mem>>, %arg19: memref<!tpu.dma_semaphore, #tpu.memory_space<semaphore_mem>>, %arg20: memref<!tpu.dma_semaphore, #tpu.memory_space<semaphore_mem>>, %arg21: memref<!tpu.dma_semaphore, #tpu.memory_space<semaphore_mem>>, %arg22: memref<!tpu.dma_semaphore, #tpu.memory_space<semaphore_mem>>) attributes {dimension_semantics = [#tpu.dimension_semantics<core_parallel>, #tpu.dimension_semantics<subcore_parallel>], iteration_bounds = array<i64: 2, 16>, scalar_prefetch = 0 : i64, scratch_operands = 14 : i64, tpu.core_type = #tpu.core_type<sc_vector_subcore>, window_params = [{transform_indices = #map}, {transform_indices = #map1}, {transform_indices = #map1}, {transform_indices = #map1}, {transform_indices = #map}, {transform_indices = #map}, {transform_indices = #map2}]} {
    %mul3A = arith.constant 2 : i32
    %mul3A_0 = arith.muli %arg1, %mul3A : i32
    %add3A = arith.addi %mul3A_0, %arg0 : i32
    %mul3A_1 = arith.constant 80 : i32
    %mul3A_2 = arith.muli %add3A, %mul3A_1 : i32
    %add3A_3 = arith.constant 0 : i32
    %add3A_4 = arith.addi %mul3A_2, %add3A_3 : i32
    %mul3A_5 = arith.constant 128 : i32
    %mul3A_6 = arith.muli %add3A_4, %mul3A_5 : i32
    "tpu.region"() ({
      %run_scoped3A = tpu.sem_alloc : memref<!tpu.dma_semaphore, #tpu.memory_space<semaphore_mem>>
      %dma_start3A_49 = tpu.memref_slice %arg3[%mul3A_6] : memref<327680xi32, #tpu.memory_space<hbm>> -> memref<128xi32, #tpu.memory_space<hbm>>
      %dma_start3A_50 = tpu.memref_slice %arg3[%mul3A_6] : memref<327680xi32, #tpu.memory_space<hbm>> -> memref<128xi32, #tpu.memory_space<hbm>>
      tpu.enqueue_dma source(%dma_start3A_50 : memref<128xi32, #tpu.memory_space<hbm>>) target(%arg9 : memref<128xi32, #tpu.memory_space<vmem>>) target_semaphore(%run_scoped3A : memref<!tpu.dma_semaphore, #tpu.memory_space<semaphore_mem>>)
      %dma_wait3A = tpu.memref_slice %arg3[%mul3A_6] : memref<327680xi32, #tpu.memory_space<hbm>> -> memref<128xi32, #tpu.memory_space<hbm>>
      %dma_wait3A_51 = tpu.memref_slice %arg3[%mul3A_6] : memref<327680xi32, #tpu.memory_space<hbm>> -> memref<128xi32, #tpu.memory_space<hbm>>
      tpu.wait_dma2 semaphore(%run_scoped3A : memref<!tpu.dma_semaphore, #tpu.memory_space<semaphore_mem>>) src(%dma_wait3A_51 : memref<128xi32, #tpu.memory_space<hbm>>) dst(%arg9 : memref<128xi32, #tpu.memory_space<vmem>>)
      tpu.yield
    }) : () -> ()
    %add3A_7 = arith.constant 0 : i32
    %add3A_8 = arith.addi %mul3A_2, %add3A_7 : i32
    %mul3A_9 = arith.constant 128 : i32
    %mul3A_10 = arith.muli %add3A_8, %mul3A_9 : i32
    "tpu.region"() ({
      %run_scoped3A = tpu.sem_alloc : memref<!tpu.dma_semaphore, #tpu.memory_space<semaphore_mem>>
      %dma_start3A_49 = tpu.memref_slice %arg4[%mul3A_10] : memref<327680xi32, #tpu.memory_space<hbm>> -> memref<128xi32, #tpu.memory_space<hbm>>
      %dma_start3A_50 = tpu.memref_slice %arg4[%mul3A_10] : memref<327680xi32, #tpu.memory_space<hbm>> -> memref<128xi32, #tpu.memory_space<hbm>>
      tpu.enqueue_dma source(%dma_start3A_50 : memref<128xi32, #tpu.memory_space<hbm>>) target(%arg11 : memref<128xi32, #tpu.memory_space<vmem>>) target_semaphore(%run_scoped3A : memref<!tpu.dma_semaphore, #tpu.memory_space<semaphore_mem>>)
      %dma_wait3A = tpu.memref_slice %arg4[%mul3A_10] : memref<327680xi32, #tpu.memory_space<hbm>> -> memref<128xi32, #tpu.memory_space<hbm>>
      %dma_wait3A_51 = tpu.memref_slice %arg4[%mul3A_10] : memref<327680xi32, #tpu.memory_space<hbm>> -> memref<128xi32, #tpu.memory_space<hbm>>
      tpu.wait_dma2 semaphore(%run_scoped3A : memref<!tpu.dma_semaphore, #tpu.memory_space<semaphore_mem>>) src(%dma_wait3A_51 : memref<128xi32, #tpu.memory_space<hbm>>) dst(%arg11 : memref<128xi32, #tpu.memory_space<vmem>>)
      tpu.yield
    }) : () -> ()
    %add3A_11 = arith.constant 0 : i32
    %add3A_12 = arith.addi %mul3A_2, %add3A_11 : i32
    %mul3A_13 = arith.constant 128 : i32
    %mul3A_14 = arith.muli %add3A_12, %mul3A_13 : i32
    "tpu.region"() ({
      %run_scoped3A = tpu.sem_alloc : memref<!tpu.dma_semaphore, #tpu.memory_space<semaphore_mem>>
      %dma_start3A_49 = tpu.memref_slice %arg5[%mul3A_14] : memref<327680xi32, #tpu.memory_space<hbm>> -> memref<128xi32, #tpu.memory_space<hbm>>
      %dma_start3A_50 = tpu.memref_slice %arg5[%mul3A_14] : memref<327680xi32, #tpu.memory_space<hbm>> -> memref<128xi32, #tpu.memory_space<hbm>>
      tpu.enqueue_dma source(%dma_start3A_50 : memref<128xi32, #tpu.memory_space<hbm>>) target(%arg13 : memref<128xi32, #tpu.memory_space<vmem>>) target_semaphore(%run_scoped3A : memref<!tpu.dma_semaphore, #tpu.memory_space<semaphore_mem>>)
      %dma_wait3A = tpu.memref_slice %arg5[%mul3A_14] : memref<327680xi32, #tpu.memory_space<hbm>> -> memref<128xi32, #tpu.memory_space<hbm>>
      %dma_wait3A_51 = tpu.memref_slice %arg5[%mul3A_14] : memref<327680xi32, #tpu.memory_space<hbm>> -> memref<128xi32, #tpu.memory_space<hbm>>
      tpu.wait_dma2 semaphore(%run_scoped3A : memref<!tpu.dma_semaphore, #tpu.memory_space<semaphore_mem>>) src(%dma_wait3A_51 : memref<128xi32, #tpu.memory_space<hbm>>) dst(%arg13 : memref<128xi32, #tpu.memory_space<vmem>>)
      tpu.yield
    }) : () -> ()
    %mul3A_15 = arith.constant 640 : i32
    %mul3A_16 = arith.muli %arg1, %mul3A_15 : i32
    %mul3A_17 = arith.constant 640 : i32
    %mul3A_18 = arith.muli %arg1, %mul3A_17 : i32
    "tpu.region"() ({
      %run_scoped3A = tpu.sem_alloc : memref<!tpu.dma_semaphore, #tpu.memory_space<semaphore_mem>>
      %dma_start3A_49 = arith.constant 0 : i32
      %dma_start3A_50 = tpu.memref_slice %arg17[%mul3A_18, %dma_start3A_49] : memref<10240x128xf32, #tpu.memory_space<vmem_shared>> -> memref<640x128xf32, #tpu.memory_space<vmem_shared>>
      %dma_start3A_51 = arith.constant 0 : i32
      %dma_start3A_52 = tpu.memref_slice %arg7[%mul3A_16, %dma_start3A_51] : memref<10240x128xf32, #tpu.memory_space<hbm>> -> memref<640x128xf32, #tpu.memory_space<hbm>>
      tpu.enqueue_dma source(%dma_start3A_52 : memref<640x128xf32, #tpu.memory_space<hbm>>) target(%dma_start3A_50 : memref<640x128xf32, #tpu.memory_space<vmem_shared>>) target_semaphore(%run_scoped3A : memref<!tpu.dma_semaphore, #tpu.memory_space<semaphore_mem>>)
      %dma_wait3A = arith.constant 0 : i32
      %dma_wait3A_53 = tpu.memref_slice %arg17[%mul3A_18, %dma_wait3A] : memref<10240x128xf32, #tpu.memory_space<vmem_shared>> -> memref<640x128xf32, #tpu.memory_space<vmem_shared>>
      %dma_wait3A_54 = arith.constant 0 : i32
      %dma_wait3A_55 = tpu.memref_slice %arg7[%mul3A_16, %dma_wait3A_54] : memref<10240x128xf32, #tpu.memory_space<hbm>> -> memref<640x128xf32, #tpu.memory_space<hbm>>
      tpu.wait_dma2 semaphore(%run_scoped3A : memref<!tpu.dma_semaphore, #tpu.memory_space<semaphore_mem>>) src(%dma_wait3A_55 : memref<640x128xf32, #tpu.memory_space<hbm>>) dst(%dma_wait3A_53 : memref<640x128xf32, #tpu.memory_space<vmem_shared>>)
      tpu.yield
    }) : () -> ()
    %barrier3A = arith.constant 0 : index
    tpu.barrier barrier_id(%barrier3A)
    %dma_start3A = arith.constant 0 : i32
    %dma_start3A_19 = arith.constant 0 : i32
    %dma_start3A_20 = tpu.memref_slice %arg2[%dma_start3A, %dma_start3A_19] : memref<10000x128xf32, #tpu.memory_space<hbm>> -> memref<10000x128xf32, #tpu.memory_space<hbm>>
    tpu.enqueue_indirect_dma source(%dma_start3A_20 : memref<10000x128xf32, #tpu.memory_space<hbm>>) target(%arg15 : memref<128x128xf32, #tpu.memory_space<vmem>>) offsets(%arg9 : memref<128xi32, #tpu.memory_space<vmem>>) semaphore(%arg18 : memref<!tpu.dma_semaphore, #tpu.memory_space<semaphore_mem>>)
    %add3A_21 = arith.constant 1 : i32
    %add3A_22 = arith.addi %mul3A_2, %add3A_21 : i32
    %mul3A_23 = arith.constant 128 : i32
    %mul3A_24 = arith.muli %add3A_22, %mul3A_23 : i32
    %dma_start3A_25 = tpu.memref_slice %arg3[%mul3A_24] : memref<327680xi32, #tpu.memory_space<hbm>> -> memref<128xi32, #tpu.memory_space<hbm>>
    %dma_start3A_26 = tpu.memref_slice %arg3[%mul3A_24] : memref<327680xi32, #tpu.memory_space<hbm>> -> memref<128xi32, #tpu.memory_space<hbm>>
    tpu.enqueue_dma source(%dma_start3A_26 : memref<128xi32, #tpu.memory_space<hbm>>) target(%arg10 : memref<128xi32, #tpu.memory_space<vmem>>) target_semaphore(%arg22 : memref<!tpu.dma_semaphore, #tpu.memory_space<semaphore_mem>>)
    %add3A_27 = arith.constant 1 : i32
    %add3A_28 = arith.addi %mul3A_2, %add3A_27 : i32
    %mul3A_29 = arith.constant 128 : i32
    %mul3A_30 = arith.muli %add3A_28, %mul3A_29 : i32
    %dma_start3A_31 = tpu.memref_slice %arg4[%mul3A_30] : memref<327680xi32, #tpu.memory_space<hbm>> -> memref<128xi32, #tpu.memory_space<hbm>>
    %dma_start3A_32 = tpu.memref_slice %arg4[%mul3A_30] : memref<327680xi32, #tpu.memory_space<hbm>> -> memref<128xi32, #tpu.memory_space<hbm>>
    tpu.enqueue_dma source(%dma_start3A_32 : memref<128xi32, #tpu.memory_space<hbm>>) target(%arg12 : memref<128xi32, #tpu.memory_space<vmem>>) target_semaphore(%arg22 : memref<!tpu.dma_semaphore, #tpu.memory_space<semaphore_mem>>)
    %add3A_33 = arith.constant 1 : i32
    %add3A_34 = arith.addi %mul3A_2, %add3A_33 : i32
    %mul3A_35 = arith.constant 128 : i32
    %mul3A_36 = arith.muli %add3A_34, %mul3A_35 : i32
    %dma_start3A_37 = tpu.memref_slice %arg5[%mul3A_36] : memref<327680xi32, #tpu.memory_space<hbm>> -> memref<128xi32, #tpu.memory_space<hbm>>
    %dma_start3A_38 = tpu.memref_slice %arg5[%mul3A_36] : memref<327680xi32, #tpu.memory_space<hbm>> -> memref<128xi32, #tpu.memory_space<hbm>>
    tpu.enqueue_dma source(%dma_start3A_38 : memref<128xi32, #tpu.memory_space<hbm>>) target(%arg14 : memref<128xi32, #tpu.memory_space<vmem>>) target_semaphore(%arg22 : memref<!tpu.dma_semaphore, #tpu.memory_space<semaphore_mem>>)
    %scan3A = arith.constant 0 : i32
    %scan3A_39 = arith.constant 0 : i32
    %scan3A_40 = arith.constant 40 : i32
    %scan3A_41 = arith.addi %scan3A_39, %scan3A_40 : i32
    %scan3A_42 = arith.constant 1 : i32
    scf.for %scan3A_49 = %scan3A_39 to %scan3A_41 step %scan3A_42  : i32 {
      %mul3A_50 = arith.constant 2 : i32
      %mul3A_51 = arith.muli %scan3A_49, %mul3A_50 : i32
      %add3A_52 = arith.constant 0 : i32
      %add3A_53 = arith.addi %mul3A_51, %add3A_52 : i32
      %dma_wait3A = arith.constant 0 : i32
      %dma_wait3A_54 = arith.constant 0 : i32
      %dma_wait3A_55 = tpu.memref_slice %arg2[%dma_wait3A, %dma_wait3A_54] : memref<10000x128xf32, #tpu.memory_space<hbm>> -> memref<10000x128xf32, #tpu.memory_space<hbm>>
      tpu.wait_indirect_dma semaphore(%arg18 : memref<!tpu.dma_semaphore, #tpu.memory_space<semaphore_mem>>) src(%dma_wait3A_55 : memref<10000x128xf32, #tpu.memory_space<hbm>>) dst(%arg15 : memref<128x128xf32, #tpu.memory_space<vmem>>)
      %dma_start3A_56 = arith.constant 0 : i32
      %dma_start3A_57 = arith.constant 0 : i32
      %dma_start3A_58 = tpu.memref_slice %arg6[%dma_start3A_56, %dma_start3A_57] : memref<512x128xf32, #tpu.memory_space<hbm>> -> memref<512x128xf32, #tpu.memory_space<hbm>>
      tpu.enqueue_indirect_dma source(%dma_start3A_58 : memref<512x128xf32, #tpu.memory_space<hbm>>) target(%arg15 : memref<128x128xf32, #tpu.memory_space<vmem>>) offsets(%arg13 : memref<128xi32, #tpu.memory_space<vmem>>) semaphore(%arg20 : memref<!tpu.dma_semaphore, #tpu.memory_space<semaphore_mem>>) {add = true}
      %add3A_59 = arith.constant 1 : i32
      %add3A_60 = arith.addi %add3A_53, %add3A_59 : i32
      %lt3A = arith.constant 80 : i32
      %lt3A_61 = arith.cmpi slt, %add3A_60, %lt3A : i32
      %convert_element_type3A = arith.extui %lt3A_61 : i1 to i32
      %cond3A = arith.constant 0 : i32
      %cond3A_62 = arith.cmpi ne, %convert_element_type3A, %cond3A : i32
      scf.if %cond3A_62 {
        %dma_wait3A_112 = arith.constant 0 : i32
        %dma_wait3A_113 = tpu.memref_slice %arg3[%dma_wait3A_112] : memref<327680xi32, #tpu.memory_space<hbm>> -> memref<128xi32, #tpu.memory_space<hbm>>
        %dma_wait3A_114 = arith.constant 0 : i32
        %dma_wait3A_115 = tpu.memref_slice %arg3[%dma_wait3A_114] : memref<327680xi32, #tpu.memory_space<hbm>> -> memref<128xi32, #tpu.memory_space<hbm>>
        tpu.wait_dma2 semaphore(%arg22 : memref<!tpu.dma_semaphore, #tpu.memory_space<semaphore_mem>>) src(%dma_wait3A_115 : memref<128xi32, #tpu.memory_space<hbm>>) dst(%arg10 : memref<128xi32, #tpu.memory_space<vmem>>)
        %dma_wait3A_116 = arith.constant 0 : i32
        %dma_wait3A_117 = tpu.memref_slice %arg4[%dma_wait3A_116] : memref<327680xi32, #tpu.memory_space<hbm>> -> memref<128xi32, #tpu.memory_space<hbm>>
        %dma_wait3A_118 = arith.constant 0 : i32
        %dma_wait3A_119 = tpu.memref_slice %arg4[%dma_wait3A_118] : memref<327680xi32, #tpu.memory_space<hbm>> -> memref<128xi32, #tpu.memory_space<hbm>>
        tpu.wait_dma2 semaphore(%arg22 : memref<!tpu.dma_semaphore, #tpu.memory_space<semaphore_mem>>) src(%dma_wait3A_119 : memref<128xi32, #tpu.memory_space<hbm>>) dst(%arg12 : memref<128xi32, #tpu.memory_space<vmem>>)
        %dma_wait3A_120 = arith.constant 0 : i32
        %dma_wait3A_121 = tpu.memref_slice %arg5[%dma_wait3A_120] : memref<327680xi32, #tpu.memory_space<hbm>> -> memref<128xi32, #tpu.memory_space<hbm>>
        %dma_wait3A_122 = arith.constant 0 : i32
        %dma_wait3A_123 = tpu.memref_slice %arg5[%dma_wait3A_122] : memref<327680xi32, #tpu.memory_space<hbm>> -> memref<128xi32, #tpu.memory_space<hbm>>
        tpu.wait_dma2 semaphore(%arg22 : memref<!tpu.dma_semaphore, #tpu.memory_space<semaphore_mem>>) src(%dma_wait3A_123 : memref<128xi32, #tpu.memory_space<hbm>>) dst(%arg14 : memref<128xi32, #tpu.memory_space<vmem>>)
        %dma_start3A_124 = arith.constant 0 : i32
        %dma_start3A_125 = arith.constant 0 : i32
        %dma_start3A_126 = tpu.memref_slice %arg2[%dma_start3A_124, %dma_start3A_125] : memref<10000x128xf32, #tpu.memory_space<hbm>> -> memref<10000x128xf32, #tpu.memory_space<hbm>>
        tpu.enqueue_indirect_dma source(%dma_start3A_126 : memref<10000x128xf32, #tpu.memory_space<hbm>>) target(%arg16 : memref<128x128xf32, #tpu.memory_space<vmem>>) offsets(%arg10 : memref<128xi32, #tpu.memory_space<vmem>>) semaphore(%arg19 : memref<!tpu.dma_semaphore, #tpu.memory_space<semaphore_mem>>)
      } else {
      }
      %dma_wait3A_63 = arith.constant 0 : i32
      %dma_wait3A_64 = arith.constant 0 : i32
      %dma_wait3A_65 = tpu.memref_slice %arg6[%dma_wait3A_63, %dma_wait3A_64] : memref<512x128xf32, #tpu.memory_space<hbm>> -> memref<512x128xf32, #tpu.memory_space<hbm>>
      tpu.wait_indirect_dma semaphore(%arg20 : memref<!tpu.dma_semaphore, #tpu.memory_space<semaphore_mem>>) src(%dma_wait3A_65 : memref<512x128xf32, #tpu.memory_space<hbm>>) dst(%arg15 : memref<128x128xf32, #tpu.memory_space<vmem>>)
      %scan3A_66 = arith.constant 0 : i32
      %scan3A_67 = arith.constant 0 : i32
      %scan3A_68 = arith.constant 128 : i32
      %scan3A_69 = arith.addi %scan3A_67, %scan3A_68 : i32
      %scan3A_70 = arith.constant 1 : i32
      scf.for %scan3A_112 = %scan3A_67 to %scan3A_69 step %scan3A_70  : i32 {
        %get3A = arith.index_cast %scan3A_112 : i32 to index
        %get3A_113 = arith.constant 0 : index
        %get3A_114 = tpu.vector_load %arg15[%get3A, %get3A_113] {strides = array<i32>} : memref<128x128xf32, #tpu.memory_space<vmem>>, vector<1x16xf32>,
        %get3A_115 = vector.shape_cast %get3A_114 : vector<1x16xf32> to vector<16xf32>
        %max3A = arith.constant 0.000000e+00 : f32
        %max3A_116 = vector.broadcast %max3A : f32 to vector<16xf32>
        %max3A_117 = arith.maximumf %get3A_115, %max3A_116 : vector<16xf32>
        %swap3A = arith.index_cast %scan3A_112 : i32 to index
        %swap3A_118 = arith.constant 0 : index
        %swap3A_119 = tpu.vector_load %arg15[%swap3A, %swap3A_118] {strides = array<i32>} : memref<128x128xf32, #tpu.memory_space<vmem>>, vector<1x16xf32>,
        %swap3A_120 = vector.shape_cast %swap3A_119 : vector<1x16xf32> to vector<16xf32>
        %swap3A_121 = vector.shape_cast %max3A_117 : vector<16xf32> to vector<1x16xf32>
        tpu.vector_store %arg15[%swap3A, %swap3A_118], %swap3A_121 {strides = array<i32>} : memref<128x128xf32, #tpu.memory_space<vmem>>, vector<1x16xf32>,
        %get3A_122 = arith.index_cast %scan3A_112 : i32 to index
        %get3A_123 = arith.constant 16 : index
        %get3A_124 = tpu.vector_load %arg15[%get3A_122, %get3A_123] {strides = array<i32>} : memref<128x128xf32, #tpu.memory_space<vmem>>, vector<1x16xf32>,
        %get3A_125 = vector.shape_cast %get3A_124 : vector<1x16xf32> to vector<16xf32>
        %max3A_126 = arith.constant 0.000000e+00 : f32
        %max3A_127 = vector.broadcast %max3A_126 : f32 to vector<16xf32>
        %max3A_128 = arith.maximumf %get3A_125, %max3A_127 : vector<16xf32>
        %swap3A_129 = arith.index_cast %scan3A_112 : i32 to index
        %swap3A_130 = arith.constant 16 : index
        %swap3A_131 = tpu.vector_load %arg15[%swap3A_129, %swap3A_130] {strides = array<i32>} : memref<128x128xf32, #tpu.memory_space<vmem>>, vector<1x16xf32>,
        %swap3A_132 = vector.shape_cast %swap3A_131 : vector<1x16xf32> to vector<16xf32>
        %swap3A_133 = vector.shape_cast %max3A_128 : vector<16xf32> to vector<1x16xf32>
        tpu.vector_store %arg15[%swap3A_129, %swap3A_130], %swap3A_133 {strides = array<i32>} : memref<128x128xf32, #tpu.memory_space<vmem>>, vector<1x16xf32>,
        %get3A_134 = arith.index_cast %scan3A_112 : i32 to index
        %get3A_135 = arith.constant 32 : index
        %get3A_136 = tpu.vector_load %arg15[%get3A_134, %get3A_135] {strides = array<i32>} : memref<128x128xf32, #tpu.memory_space<vmem>>, vector<1x16xf32>,
        %get3A_137 = vector.shape_cast %get3A_136 : vector<1x16xf32> to vector<16xf32>
        %max3A_138 = arith.constant 0.000000e+00 : f32
        %max3A_139 = vector.broadcast %max3A_138 : f32 to vector<16xf32>
        %max3A_140 = arith.maximumf %get3A_137, %max3A_139 : vector<16xf32>
        %swap3A_141 = arith.index_cast %scan3A_112 : i32 to index
        %swap3A_142 = arith.constant 32 : index
        %swap3A_143 = tpu.vector_load %arg15[%swap3A_141, %swap3A_142] {strides = array<i32>} : memref<128x128xf32, #tpu.memory_space<vmem>>, vector<1x16xf32>,
        %swap3A_144 = vector.shape_cast %swap3A_143 : vector<1x16xf32> to vector<16xf32>
        %swap3A_145 = vector.shape_cast %max3A_140 : vector<16xf32> to vector<1x16xf32>
        tpu.vector_store %arg15[%swap3A_141, %swap3A_142], %swap3A_145 {strides = array<i32>} : memref<128x128xf32, #tpu.memory_space<vmem>>, vector<1x16xf32>,
        %get3A_146 = arith.index_cast %scan3A_112 : i32 to index
        %get3A_147 = arith.constant 48 : index
        %get3A_148 = tpu.vector_load %arg15[%get3A_146, %get3A_147] {strides = array<i32>} : memref<128x128xf32, #tpu.memory_space<vmem>>, vector<1x16xf32>,
        %get3A_149 = vector.shape_cast %get3A_148 : vector<1x16xf32> to vector<16xf32>
        %max3A_150 = arith.constant 0.000000e+00 : f32
        %max3A_151 = vector.broadcast %max3A_150 : f32 to vector<16xf32>
        %max3A_152 = arith.maximumf %get3A_149, %max3A_151 : vector<16xf32>
        %swap3A_153 = arith.index_cast %scan3A_112 : i32 to index
        %swap3A_154 = arith.constant 48 : index
        %swap3A_155 = tpu.vector_load %arg15[%swap3A_153, %swap3A_154] {strides = array<i32>} : memref<128x128xf32, #tpu.memory_space<vmem>>, vector<1x16xf32>,
        %swap3A_156 = vector.shape_cast %swap3A_155 : vector<1x16xf32> to vector<16xf32>
        %swap3A_157 = vector.shape_cast %max3A_152 : vector<16xf32> to vector<1x16xf32>
        tpu.vector_store %arg15[%swap3A_153, %swap3A_154], %swap3A_157 {strides = array<i32>} : memref<128x128xf32, #tpu.memory_space<vmem>>, vector<1x16xf32>,
        %get3A_158 = arith.index_cast %scan3A_112 : i32 to index
        %get3A_159 = arith.constant 64 : index
        %get3A_160 = tpu.vector_load %arg15[%get3A_158, %get3A_159] {strides = array<i32>} : memref<128x128xf32, #tpu.memory_space<vmem>>, vector<1x16xf32>,
        %get3A_161 = vector.shape_cast %get3A_160 : vector<1x16xf32> to vector<16xf32>
        %max3A_162 = arith.constant 0.000000e+00 : f32
        %max3A_163 = vector.broadcast %max3A_162 : f32 to vector<16xf32>
        %max3A_164 = arith.maximumf %get3A_161, %max3A_163 : vector<16xf32>
        %swap3A_165 = arith.index_cast %scan3A_112 : i32 to index
        %swap3A_166 = arith.constant 64 : index
        %swap3A_167 = tpu.vector_load %arg15[%swap3A_165, %swap3A_166] {strides = array<i32>} : memref<128x128xf32, #tpu.memory_space<vmem>>, vector<1x16xf32>,
        %swap3A_168 = vector.shape_cast %swap3A_167 : vector<1x16xf32> to vector<16xf32>
        %swap3A_169 = vector.shape_cast %max3A_164 : vector<16xf32> to vector<1x16xf32>
        tpu.vector_store %arg15[%swap3A_165, %swap3A_166], %swap3A_169 {strides = array<i32>} : memref<128x128xf32, #tpu.memory_space<vmem>>, vector<1x16xf32>,
        %get3A_170 = arith.index_cast %scan3A_112 : i32 to index
        %get3A_171 = arith.constant 80 : index
        %get3A_172 = tpu.vector_load %arg15[%get3A_170, %get3A_171] {strides = array<i32>} : memref<128x128xf32, #tpu.memory_space<vmem>>, vector<1x16xf32>,
        %get3A_173 = vector.shape_cast %get3A_172 : vector<1x16xf32> to vector<16xf32>
        %max3A_174 = arith.constant 0.000000e+00 : f32
        %max3A_175 = vector.broadcast %max3A_174 : f32 to vector<16xf32>
        %max3A_176 = arith.maximumf %get3A_173, %max3A_175 : vector<16xf32>
        %swap3A_177 = arith.index_cast %scan3A_112 : i32 to index
        %swap3A_178 = arith.constant 80 : index
        %swap3A_179 = tpu.vector_load %arg15[%swap3A_177, %swap3A_178] {strides = array<i32>} : memref<128x128xf32, #tpu.memory_space<vmem>>, vector<1x16xf32>,
        %swap3A_180 = vector.shape_cast %swap3A_179 : vector<1x16xf32> to vector<16xf32>
        %swap3A_181 = vector.shape_cast %max3A_176 : vector<16xf32> to vector<1x16xf32>
        tpu.vector_store %arg15[%swap3A_177, %swap3A_178], %swap3A_181 {strides = array<i32>} : memref<128x128xf32, #tpu.memory_space<vmem>>, vector<1x16xf32>,
        %get3A_182 = arith.index_cast %scan3A_112 : i32 to index
        %get3A_183 = arith.constant 96 : index
        %get3A_184 = tpu.vector_load %arg15[%get3A_182, %get3A_183] {strides = array<i32>} : memref<128x128xf32, #tpu.memory_space<vmem>>, vector<1x16xf32>,
        %get3A_185 = vector.shape_cast %get3A_184 : vector<1x16xf32> to vector<16xf32>
        %max3A_186 = arith.constant 0.000000e+00 : f32
        %max3A_187 = vector.broadcast %max3A_186 : f32 to vector<16xf32>
        %max3A_188 = arith.maximumf %get3A_185, %max3A_187 : vector<16xf32>
        %swap3A_189 = arith.index_cast %scan3A_112 : i32 to index
        %swap3A_190 = arith.constant 96 : index
        %swap3A_191 = tpu.vector_load %arg15[%swap3A_189, %swap3A_190] {strides = array<i32>} : memref<128x128xf32, #tpu.memory_space<vmem>>, vector<1x16xf32>,
        %swap3A_192 = vector.shape_cast %swap3A_191 : vector<1x16xf32> to vector<16xf32>
        %swap3A_193 = vector.shape_cast %max3A_188 : vector<16xf32> to vector<1x16xf32>
        tpu.vector_store %arg15[%swap3A_189, %swap3A_190], %swap3A_193 {strides = array<i32>} : memref<128x128xf32, #tpu.memory_space<vmem>>, vector<1x16xf32>,
        %get3A_194 = arith.index_cast %scan3A_112 : i32 to index
        %get3A_195 = arith.constant 112 : index
        %get3A_196 = tpu.vector_load %arg15[%get3A_194, %get3A_195] {strides = array<i32>} : memref<128x128xf32, #tpu.memory_space<vmem>>, vector<1x16xf32>,
        %get3A_197 = vector.shape_cast %get3A_196 : vector<1x16xf32> to vector<16xf32>
        %max3A_198 = arith.constant 0.000000e+00 : f32
        %max3A_199 = vector.broadcast %max3A_198 : f32 to vector<16xf32>
        %max3A_200 = arith.maximumf %get3A_197, %max3A_199 : vector<16xf32>
        %swap3A_201 = arith.index_cast %scan3A_112 : i32 to index
        %swap3A_202 = arith.constant 112 : index
        %swap3A_203 = tpu.vector_load %arg15[%swap3A_201, %swap3A_202] {strides = array<i32>} : memref<128x128xf32, #tpu.memory_space<vmem>>, vector<1x16xf32>,
        %swap3A_204 = vector.shape_cast %swap3A_203 : vector<1x16xf32> to vector<16xf32>
        %swap3A_205 = vector.shape_cast %max3A_200 : vector<16xf32> to vector<1x16xf32>
        tpu.vector_store %arg15[%swap3A_201, %swap3A_202], %swap3A_205 {strides = array<i32>} : memref<128x128xf32, #tpu.memory_space<vmem>>, vector<1x16xf32>,
      }
      %scan3A_71 = arith.constant 128 : i32
      "tpu.region"() ({
        %run_scoped3A = tpu.sem_alloc : memref<!tpu.dma_semaphore, #tpu.memory_space<semaphore_mem>>
        %dma_start3A_112 = arith.constant 0 : i32
        %dma_start3A_113 = arith.constant 0 : i32
        %dma_start3A_114 = tpu.memref_slice %arg17[%dma_start3A_112, %dma_start3A_113] : memref<10240x128xf32, #tpu.memory_space<vmem_shared>> -> memref<10240x128xf32, #tpu.memory_space<vmem_shared>>
        tpu.enqueue_indirect_dma source(%arg15 : memref<128x128xf32, #tpu.memory_space<vmem>>) target(%dma_start3A_114 : memref<10240x128xf32, #tpu.memory_space<vmem_shared>>) offsets(%arg11 : memref<128xi32, #tpu.memory_space<vmem>>) semaphore(%run_scoped3A : memref<!tpu.dma_semaphore, #tpu.memory_space<semaphore_mem>>) {add = true}
        %dma_wait3A_115 = arith.constant 0 : i32
        %dma_wait3A_116 = arith.constant 0 : i32
        %dma_wait3A_117 = tpu.memref_slice %arg17[%dma_wait3A_115, %dma_wait3A_116] : memref<10240x128xf32, #tpu.memory_space<vmem_shared>> -> memref<10240x128xf32, #tpu.memory_space<vmem_shared>>
        tpu.wait_indirect_dma semaphore(%run_scoped3A : memref<!tpu.dma_semaphore, #tpu.memory_space<semaphore_mem>>) src(%arg15 : memref<128x128xf32, #tpu.memory_space<vmem>>) dst(%dma_wait3A_117 : memref<10240x128xf32, #tpu.memory_space<vmem_shared>>)
        tpu.yield
      }) : () -> ()
      %add3A_72 = arith.constant 2 : i32
      %add3A_73 = arith.addi %add3A_53, %add3A_72 : i32
      %lt3A_74 = arith.constant 80 : i32
      %lt3A_75 = arith.cmpi slt, %add3A_73, %lt3A_74 : i32
      %convert_element_type3A_76 = arith.extui %lt3A_75 : i1 to i32
      %cond3A_77 = arith.constant 0 : i32
      %cond3A_78 = arith.cmpi ne, %convert_element_type3A_76, %cond3A_77 : i32
      scf.if %cond3A_78 {
        %add3A_112 = arith.constant 2 : i32
        %add3A_113 = arith.addi %add3A_53, %add3A_112 : i32
        %add3A_114 = arith.addi %mul3A_2, %add3A_113 : i32
        %mul3A_115 = arith.constant 128 : i32
        %mul3A_116 = arith.muli %add3A_114, %mul3A_115 : i32
        %dma_start3A_117 = tpu.memref_slice %arg3[%mul3A_116] : memref<327680xi32, #tpu.memory_space<hbm>> -> memref<128xi32, #tpu.memory_space<hbm>>
        %dma_start3A_118 = tpu.memref_slice %arg3[%mul3A_116] : memref<327680xi32, #tpu.memory_space<hbm>> -> memref<128xi32, #tpu.memory_space<hbm>>
        tpu.enqueue_dma source(%dma_start3A_118 : memref<128xi32, #tpu.memory_space<hbm>>) target(%arg9 : memref<128xi32, #tpu.memory_space<vmem>>) target_semaphore(%arg21 : memref<!tpu.dma_semaphore, #tpu.memory_space<semaphore_mem>>)
        %add3A_119 = arith.constant 2 : i32
        %add3A_120 = arith.addi %add3A_53, %add3A_119 : i32
        %add3A_121 = arith.addi %mul3A_2, %add3A_120 : i32
        %mul3A_122 = arith.constant 128 : i32
        %mul3A_123 = arith.muli %add3A_121, %mul3A_122 : i32
        %dma_start3A_124 = tpu.memref_slice %arg4[%mul3A_123] : memref<327680xi32, #tpu.memory_space<hbm>> -> memref<128xi32, #tpu.memory_space<hbm>>
        %dma_start3A_125 = tpu.memref_slice %arg4[%mul3A_123] : memref<327680xi32, #tpu.memory_space<hbm>> -> memref<128xi32, #tpu.memory_space<hbm>>
        tpu.enqueue_dma source(%dma_start3A_125 : memref<128xi32, #tpu.memory_space<hbm>>) target(%arg11 : memref<128xi32, #tpu.memory_space<vmem>>) target_semaphore(%arg21 : memref<!tpu.dma_semaphore, #tpu.memory_space<semaphore_mem>>)
        %add3A_126 = arith.constant 2 : i32
        %add3A_127 = arith.addi %add3A_53, %add3A_126 : i32
        %add3A_128 = arith.addi %mul3A_2, %add3A_127 : i32
        %mul3A_129 = arith.constant 128 : i32
        %mul3A_130 = arith.muli %add3A_128, %mul3A_129 : i32
        %dma_start3A_131 = tpu.memref_slice %arg5[%mul3A_130] : memref<327680xi32, #tpu.memory_space<hbm>> -> memref<128xi32, #tpu.memory_space<hbm>>
        %dma_start3A_132 = tpu.memref_slice %arg5[%mul3A_130] : memref<327680xi32, #tpu.memory_space<hbm>> -> memref<128xi32, #tpu.memory_space<hbm>>
        tpu.enqueue_dma source(%dma_start3A_132 : memref<128xi32, #tpu.memory_space<hbm>>) target(%arg13 : memref<128xi32, #tpu.memory_space<vmem>>) target_semaphore(%arg21 : memref<!tpu.dma_semaphore, #tpu.memory_space<semaphore_mem>>)
      } else {
      }
      %mul3A_79 = arith.constant 2 : i32
      %mul3A_80 = arith.muli %scan3A_49, %mul3A_79 : i32
      %add3A_81 = arith.constant 1 : i32
      %add3A_82 = arith.addi %mul3A_80, %add3A_81 : i32
      %dma_wait3A_83 = arith.constant 0 : i32
      %dma_wait3A_84 = arith.constant 0 : i32
      %dma_wait3A_85 = tpu.memref_slice %arg2[%dma_wait3A_83, %dma_wait3A_84] : memref<10000x128xf32, #tpu.memory_space<hbm>> -> memref<10000x128xf32, #tpu.memory_space<hbm>>
      tpu.wait_indirect_dma semaphore(%arg19 : memref<!tpu.dma_semaphore, #tpu.memory_space<semaphore_mem>>) src(%dma_wait3A_85 : memref<10000x128xf32, #tpu.memory_space<hbm>>) dst(%arg16 : memref<128x128xf32, #tpu.memory_space<vmem>>)
      %dma_start3A_86 = arith.constant 0 : i32
      %dma_start3A_87 = arith.constant 0 : i32
      %dma_start3A_88 = tpu.memref_slice %arg6[%dma_start3A_86, %dma_start3A_87] : memref<512x128xf32, #tpu.memory_space<hbm>> -> memref<512x128xf32, #tpu.memory_space<hbm>>
      tpu.enqueue_indirect_dma source(%dma_start3A_88 : memref<512x128xf32, #tpu.memory_space<hbm>>) target(%arg16 : memref<128x128xf32, #tpu.memory_space<vmem>>) offsets(%arg14 : memref<128xi32, #tpu.memory_space<vmem>>) semaphore(%arg20 : memref<!tpu.dma_semaphore, #tpu.memory_space<semaphore_mem>>) {add = true}
      %add3A_89 = arith.constant 1 : i32
      %add3A_90 = arith.addi %add3A_82, %add3A_89 : i32
      %lt3A_91 = arith.constant 80 : i32
      %lt3A_92 = arith.cmpi slt, %add3A_90, %lt3A_91 : i32
      %convert_element_type3A_93 = arith.extui %lt3A_92 : i1 to i32
      %cond3A_94 = arith.constant 0 : i32
      %cond3A_95 = arith.cmpi ne, %convert_element_type3A_93, %cond3A_94 : i32
      scf.if %cond3A_95 {
        %dma_wait3A_112 = arith.constant 0 : i32
        %dma_wait3A_113 = tpu.memref_slice %arg3[%dma_wait3A_112] : memref<327680xi32, #tpu.memory_space<hbm>> -> memref<128xi32, #tpu.memory_space<hbm>>
        %dma_wait3A_114 = arith.constant 0 : i32
        %dma_wait3A_115 = tpu.memref_slice %arg3[%dma_wait3A_114] : memref<327680xi32, #tpu.memory_space<hbm>> -> memref<128xi32, #tpu.memory_space<hbm>>
        tpu.wait_dma2 semaphore(%arg21 : memref<!tpu.dma_semaphore, #tpu.memory_space<semaphore_mem>>) src(%dma_wait3A_115 : memref<128xi32, #tpu.memory_space<hbm>>) dst(%arg9 : memref<128xi32, #tpu.memory_space<vmem>>)
        %dma_wait3A_116 = arith.constant 0 : i32
        %dma_wait3A_117 = tpu.memref_slice %arg4[%dma_wait3A_116] : memref<327680xi32, #tpu.memory_space<hbm>> -> memref<128xi32, #tpu.memory_space<hbm>>
        %dma_wait3A_118 = arith.constant 0 : i32
        %dma_wait3A_119 = tpu.memref_slice %arg4[%dma_wait3A_118] : memref<327680xi32, #tpu.memory_space<hbm>> -> memref<128xi32, #tpu.memory_space<hbm>>
        tpu.wait_dma2 semaphore(%arg21 : memref<!tpu.dma_semaphore, #tpu.memory_space<semaphore_mem>>) src(%dma_wait3A_119 : memref<128xi32, #tpu.memory_space<hbm>>) dst(%arg11 : memref<128xi32, #tpu.memory_space<vmem>>)
        %dma_wait3A_120 = arith.constant 0 : i32
        %dma_wait3A_121 = tpu.memref_slice %arg5[%dma_wait3A_120] : memref<327680xi32, #tpu.memory_space<hbm>> -> memref<128xi32, #tpu.memory_space<hbm>>
        %dma_wait3A_122 = arith.constant 0 : i32
        %dma_wait3A_123 = tpu.memref_slice %arg5[%dma_wait3A_122] : memref<327680xi32, #tpu.memory_space<hbm>> -> memref<128xi32, #tpu.memory_space<hbm>>
        tpu.wait_dma2 semaphore(%arg21 : memref<!tpu.dma_semaphore, #tpu.memory_space<semaphore_mem>>) src(%dma_wait3A_123 : memref<128xi32, #tpu.memory_space<hbm>>) dst(%arg13 : memref<128xi32, #tpu.memory_space<vmem>>)
        %dma_start3A_124 = arith.constant 0 : i32
        %dma_start3A_125 = arith.constant 0 : i32
        %dma_start3A_126 = tpu.memref_slice %arg2[%dma_start3A_124, %dma_start3A_125] : memref<10000x128xf32, #tpu.memory_space<hbm>> -> memref<10000x128xf32, #tpu.memory_space<hbm>>
        tpu.enqueue_indirect_dma source(%dma_start3A_126 : memref<10000x128xf32, #tpu.memory_space<hbm>>) target(%arg15 : memref<128x128xf32, #tpu.memory_space<vmem>>) offsets(%arg9 : memref<128xi32, #tpu.memory_space<vmem>>) semaphore(%arg18 : memref<!tpu.dma_semaphore, #tpu.memory_space<semaphore_mem>>)
      } else {
      }
      %dma_wait3A_96 = arith.constant 0 : i32
      %dma_wait3A_97 = arith.constant 0 : i32
      %dma_wait3A_98 = tpu.memref_slice %arg6[%dma_wait3A_96, %dma_wait3A_97] : memref<512x128xf32, #tpu.memory_space<hbm>> -> memref<512x128xf32, #tpu.memory_space<hbm>>
      tpu.wait_indirect_dma semaphore(%arg20 : memref<!tpu.dma_semaphore, #tpu.memory_space<semaphore_mem>>) src(%dma_wait3A_98 : memref<512x128xf32, #tpu.memory_space<hbm>>) dst(%arg16 : memref<128x128xf32, #tpu.memory_space<vmem>>)
      %scan3A_99 = arith.constant 0 : i32
      %scan3A_100 = arith.constant 0 : i32
      %scan3A_101 = arith.constant 128 : i32
      %scan3A_102 = arith.addi %scan3A_100, %scan3A_101 : i32
      %scan3A_103 = arith.constant 1 : i32
      scf.for %scan3A_112 = %scan3A_100 to %scan3A_102 step %scan3A_103  : i32 {
        %get3A = arith.index_cast %scan3A_112 : i32 to index
        %get3A_113 = arith.constant 0 : index
        %get3A_114 = tpu.vector_load %arg16[%get3A, %get3A_113] {strides = array<i32>} : memref<128x128xf32, #tpu.memory_space<vmem>>, vector<1x16xf32>,
        %get3A_115 = vector.shape_cast %get3A_114 : vector<1x16xf32> to vector<16xf32>
        %max3A = arith.constant 0.000000e+00 : f32
        %max3A_116 = vector.broadcast %max3A : f32 to vector<16xf32>
        %max3A_117 = arith.maximumf %get3A_115, %max3A_116 : vector<16xf32>
        %swap3A = arith.index_cast %scan3A_112 : i32 to index
        %swap3A_118 = arith.constant 0 : index
        %swap3A_119 = tpu.vector_load %arg16[%swap3A, %swap3A_118] {strides = array<i32>} : memref<128x128xf32, #tpu.memory_space<vmem>>, vector<1x16xf32>,
        %swap3A_120 = vector.shape_cast %swap3A_119 : vector<1x16xf32> to vector<16xf32>
        %swap3A_121 = vector.shape_cast %max3A_117 : vector<16xf32> to vector<1x16xf32>
        tpu.vector_store %arg16[%swap3A, %swap3A_118], %swap3A_121 {strides = array<i32>} : memref<128x128xf32, #tpu.memory_space<vmem>>, vector<1x16xf32>,
        %get3A_122 = arith.index_cast %scan3A_112 : i32 to index
        %get3A_123 = arith.constant 16 : index
        %get3A_124 = tpu.vector_load %arg16[%get3A_122, %get3A_123] {strides = array<i32>} : memref<128x128xf32, #tpu.memory_space<vmem>>, vector<1x16xf32>,
        %get3A_125 = vector.shape_cast %get3A_124 : vector<1x16xf32> to vector<16xf32>
        %max3A_126 = arith.constant 0.000000e+00 : f32
        %max3A_127 = vector.broadcast %max3A_126 : f32 to vector<16xf32>
        %max3A_128 = arith.maximumf %get3A_125, %max3A_127 : vector<16xf32>
        %swap3A_129 = arith.index_cast %scan3A_112 : i32 to index
        %swap3A_130 = arith.constant 16 : index
        %swap3A_131 = tpu.vector_load %arg16[%swap3A_129, %swap3A_130] {strides = array<i32>} : memref<128x128xf32, #tpu.memory_space<vmem>>, vector<1x16xf32>,
        %swap3A_132 = vector.shape_cast %swap3A_131 : vector<1x16xf32> to vector<16xf32>
        %swap3A_133 = vector.shape_cast %max3A_128 : vector<16xf32> to vector<1x16xf32>
        tpu.vector_store %arg16[%swap3A_129, %swap3A_130], %swap3A_133 {strides = array<i32>} : memref<128x128xf32, #tpu.memory_space<vmem>>, vector<1x16xf32>,
        %get3A_134 = arith.index_cast %scan3A_112 : i32 to index
        %get3A_135 = arith.constant 32 : index
        %get3A_136 = tpu.vector_load %arg16[%get3A_134, %get3A_135] {strides = array<i32>} : memref<128x128xf32, #tpu.memory_space<vmem>>, vector<1x16xf32>,
        %get3A_137 = vector.shape_cast %get3A_136 : vector<1x16xf32> to vector<16xf32>
        %max3A_138 = arith.constant 0.000000e+00 : f32
        %max3A_139 = vector.broadcast %max3A_138 : f32 to vector<16xf32>
        %max3A_140 = arith.maximumf %get3A_137, %max3A_139 : vector<16xf32>
        %swap3A_141 = arith.index_cast %scan3A_112 : i32 to index
        %swap3A_142 = arith.constant 32 : index
        %swap3A_143 = tpu.vector_load %arg16[%swap3A_141, %swap3A_142] {strides = array<i32>} : memref<128x128xf32, #tpu.memory_space<vmem>>, vector<1x16xf32>,
        %swap3A_144 = vector.shape_cast %swap3A_143 : vector<1x16xf32> to vector<16xf32>
        %swap3A_145 = vector.shape_cast %max3A_140 : vector<16xf32> to vector<1x16xf32>
        tpu.vector_store %arg16[%swap3A_141, %swap3A_142], %swap3A_145 {strides = array<i32>} : memref<128x128xf32, #tpu.memory_space<vmem>>, vector<1x16xf32>,
        %get3A_146 = arith.index_cast %scan3A_112 : i32 to index
        %get3A_147 = arith.constant 48 : index
        %get3A_148 = tpu.vector_load %arg16[%get3A_146, %get3A_147] {strides = array<i32>} : memref<128x128xf32, #tpu.memory_space<vmem>>, vector<1x16xf32>,
        %get3A_149 = vector.shape_cast %get3A_148 : vector<1x16xf32> to vector<16xf32>
        %max3A_150 = arith.constant 0.000000e+00 : f32
        %max3A_151 = vector.broadcast %max3A_150 : f32 to vector<16xf32>
        %max3A_152 = arith.maximumf %get3A_149, %max3A_151 : vector<16xf32>
        %swap3A_153 = arith.index_cast %scan3A_112 : i32 to index
        %swap3A_154 = arith.constant 48 : index
        %swap3A_155 = tpu.vector_load %arg16[%swap3A_153, %swap3A_154] {strides = array<i32>} : memref<128x128xf32, #tpu.memory_space<vmem>>, vector<1x16xf32>,
        %swap3A_156 = vector.shape_cast %swap3A_155 : vector<1x16xf32> to vector<16xf32>
        %swap3A_157 = vector.shape_cast %max3A_152 : vector<16xf32> to vector<1x16xf32>
        tpu.vector_store %arg16[%swap3A_153, %swap3A_154], %swap3A_157 {strides = array<i32>} : memref<128x128xf32, #tpu.memory_space<vmem>>, vector<1x16xf32>,
        %get3A_158 = arith.index_cast %scan3A_112 : i32 to index
        %get3A_159 = arith.constant 64 : index
        %get3A_160 = tpu.vector_load %arg16[%get3A_158, %get3A_159] {strides = array<i32>} : memref<128x128xf32, #tpu.memory_space<vmem>>, vector<1x16xf32>,
        %get3A_161 = vector.shape_cast %get3A_160 : vector<1x16xf32> to vector<16xf32>
        %max3A_162 = arith.constant 0.000000e+00 : f32
        %max3A_163 = vector.broadcast %max3A_162 : f32 to vector<16xf32>
        %max3A_164 = arith.maximumf %get3A_161, %max3A_163 : vector<16xf32>
        %swap3A_165 = arith.index_cast %scan3A_112 : i32 to index
        %swap3A_166 = arith.constant 64 : index
        %swap3A_167 = tpu.vector_load %arg16[%swap3A_165, %swap3A_166] {strides = array<i32>} : memref<128x128xf32, #tpu.memory_space<vmem>>, vector<1x16xf32>,
        %swap3A_168 = vector.shape_cast %swap3A_167 : vector<1x16xf32> to vector<16xf32>
        %swap3A_169 = vector.shape_cast %max3A_164 : vector<16xf32> to vector<1x16xf32>
        tpu.vector_store %arg16[%swap3A_165, %swap3A_166], %swap3A_169 {strides = array<i32>} : memref<128x128xf32, #tpu.memory_space<vmem>>, vector<1x16xf32>,
        %get3A_170 = arith.index_cast %scan3A_112 : i32 to index
        %get3A_171 = arith.constant 80 : index
        %get3A_172 = tpu.vector_load %arg16[%get3A_170, %get3A_171] {strides = array<i32>} : memref<128x128xf32, #tpu.memory_space<vmem>>, vector<1x16xf32>,
        %get3A_173 = vector.shape_cast %get3A_172 : vector<1x16xf32> to vector<16xf32>
        %max3A_174 = arith.constant 0.000000e+00 : f32
        %max3A_175 = vector.broadcast %max3A_174 : f32 to vector<16xf32>
        %max3A_176 = arith.maximumf %get3A_173, %max3A_175 : vector<16xf32>
        %swap3A_177 = arith.index_cast %scan3A_112 : i32 to index
        %swap3A_178 = arith.constant 80 : index
        %swap3A_179 = tpu.vector_load %arg16[%swap3A_177, %swap3A_178] {strides = array<i32>} : memref<128x128xf32, #tpu.memory_space<vmem>>, vector<1x16xf32>,
        %swap3A_180 = vector.shape_cast %swap3A_179 : vector<1x16xf32> to vector<16xf32>
        %swap3A_181 = vector.shape_cast %max3A_176 : vector<16xf32> to vector<1x16xf32>
        tpu.vector_store %arg16[%swap3A_177, %swap3A_178], %swap3A_181 {strides = array<i32>} : memref<128x128xf32, #tpu.memory_space<vmem>>, vector<1x16xf32>,
        %get3A_182 = arith.index_cast %scan3A_112 : i32 to index
        %get3A_183 = arith.constant 96 : index
        %get3A_184 = tpu.vector_load %arg16[%get3A_182, %get3A_183] {strides = array<i32>} : memref<128x128xf32, #tpu.memory_space<vmem>>, vector<1x16xf32>,
        %get3A_185 = vector.shape_cast %get3A_184 : vector<1x16xf32> to vector<16xf32>
        %max3A_186 = arith.constant 0.000000e+00 : f32
        %max3A_187 = vector.broadcast %max3A_186 : f32 to vector<16xf32>
        %max3A_188 = arith.maximumf %get3A_185, %max3A_187 : vector<16xf32>
        %swap3A_189 = arith.index_cast %scan3A_112 : i32 to index
        %swap3A_190 = arith.constant 96 : index
        %swap3A_191 = tpu.vector_load %arg16[%swap3A_189, %swap3A_190] {strides = array<i32>} : memref<128x128xf32, #tpu.memory_space<vmem>>, vector<1x16xf32>,
        %swap3A_192 = vector.shape_cast %swap3A_191 : vector<1x16xf32> to vector<16xf32>
        %swap3A_193 = vector.shape_cast %max3A_188 : vector<16xf32> to vector<1x16xf32>
        tpu.vector_store %arg16[%swap3A_189, %swap3A_190], %swap3A_193 {strides = array<i32>} : memref<128x128xf32, #tpu.memory_space<vmem>>, vector<1x16xf32>,
        %get3A_194 = arith.index_cast %scan3A_112 : i32 to index
        %get3A_195 = arith.constant 112 : index
        %get3A_196 = tpu.vector_load %arg16[%get3A_194, %get3A_195] {strides = array<i32>} : memref<128x128xf32, #tpu.memory_space<vmem>>, vector<1x16xf32>,
        %get3A_197 = vector.shape_cast %get3A_196 : vector<1x16xf32> to vector<16xf32>
        %max3A_198 = arith.constant 0.000000e+00 : f32
        %max3A_199 = vector.broadcast %max3A_198 : f32 to vector<16xf32>
        %max3A_200 = arith.maximumf %get3A_197, %max3A_199 : vector<16xf32>
        %swap3A_201 = arith.index_cast %scan3A_112 : i32 to index
        %swap3A_202 = arith.constant 112 : index
        %swap3A_203 = tpu.vector_load %arg16[%swap3A_201, %swap3A_202] {strides = array<i32>} : memref<128x128xf32, #tpu.memory_space<vmem>>, vector<1x16xf32>,
        %swap3A_204 = vector.shape_cast %swap3A_203 : vector<1x16xf32> to vector<16xf32>
        %swap3A_205 = vector.shape_cast %max3A_200 : vector<16xf32> to vector<1x16xf32>
        tpu.vector_store %arg16[%swap3A_201, %swap3A_202], %swap3A_205 {strides = array<i32>} : memref<128x128xf32, #tpu.memory_space<vmem>>, vector<1x16xf32>,
      }
      %scan3A_104 = arith.constant 128 : i32
      "tpu.region"() ({
        %run_scoped3A = tpu.sem_alloc : memref<!tpu.dma_semaphore, #tpu.memory_space<semaphore_mem>>
        %dma_start3A_112 = arith.constant 0 : i32
        %dma_start3A_113 = arith.constant 0 : i32
        %dma_start3A_114 = tpu.memref_slice %arg17[%dma_start3A_112, %dma_start3A_113] : memref<10240x128xf32, #tpu.memory_space<vmem_shared>> -> memref<10240x128xf32, #tpu.memory_space<vmem_shared>>
        tpu.enqueue_indirect_dma source(%arg16 : memref<128x128xf32, #tpu.memory_space<vmem>>) target(%dma_start3A_114 : memref<10240x128xf32, #tpu.memory_space<vmem_shared>>) offsets(%arg12 : memref<128xi32, #tpu.memory_space<vmem>>) semaphore(%run_scoped3A : memref<!tpu.dma_semaphore, #tpu.memory_space<semaphore_mem>>) {add = true}
        %dma_wait3A_115 = arith.constant 0 : i32
        %dma_wait3A_116 = arith.constant 0 : i32
        %dma_wait3A_117 = tpu.memref_slice %arg17[%dma_wait3A_115, %dma_wait3A_116] : memref<10240x128xf32, #tpu.memory_space<vmem_shared>> -> memref<10240x128xf32, #tpu.memory_space<vmem_shared>>
        tpu.wait_indirect_dma semaphore(%run_scoped3A : memref<!tpu.dma_semaphore, #tpu.memory_space<semaphore_mem>>) src(%arg16 : memref<128x128xf32, #tpu.memory_space<vmem>>) dst(%dma_wait3A_117 : memref<10240x128xf32, #tpu.memory_space<vmem_shared>>)
        tpu.yield
      }) : () -> ()
      %add3A_105 = arith.constant 2 : i32
      %add3A_106 = arith.addi %add3A_82, %add3A_105 : i32
      %lt3A_107 = arith.constant 80 : i32
      %lt3A_108 = arith.cmpi slt, %add3A_106, %lt3A_107 : i32
      %convert_element_type3A_109 = arith.extui %lt3A_108 : i1 to i32
      %cond3A_110 = arith.constant 0 : i32
      %cond3A_111 = arith.cmpi ne, %convert_element_type3A_109, %cond3A_110 : i32
      scf.if %cond3A_111 {
        %add3A_112 = arith.constant 2 : i32
        %add3A_113 = arith.addi %add3A_82, %add3A_112 : i32
        %add3A_114 = arith.addi %mul3A_2, %add3A_113 : i32
        %mul3A_115 = arith.constant 128 : i32
        %mul3A_116 = arith.muli %add3A_114, %mul3A_115 : i32
        %dma_start3A_117 = tpu.memref_slice %arg3[%mul3A_116] : memref<327680xi32, #tpu.memory_space<hbm>> -> memref<128xi32, #tpu.memory_space<hbm>>
        %dma_start3A_118 = tpu.memref_slice %arg3[%mul3A_116] : memref<327680xi32, #tpu.memory_space<hbm>> -> memref<128xi32, #tpu.memory_space<hbm>>
        tpu.enqueue_dma source(%dma_start3A_118 : memref<128xi32, #tpu.memory_space<hbm>>) target(%arg10 : memref<128xi32, #tpu.memory_space<vmem>>) target_semaphore(%arg22 : memref<!tpu.dma_semaphore, #tpu.memory_space<semaphore_mem>>)
        %add3A_119 = arith.constant 2 : i32
        %add3A_120 = arith.addi %add3A_82, %add3A_119 : i32
        %add3A_121 = arith.addi %mul3A_2, %add3A_120 : i32
        %mul3A_122 = arith.constant 128 : i32
        %mul3A_123 = arith.muli %add3A_121, %mul3A_122 : i32
        %dma_start3A_124 = tpu.memref_slice %arg4[%mul3A_123] : memref<327680xi32, #tpu.memory_space<hbm>> -> memref<128xi32, #tpu.memory_space<hbm>>
        %dma_start3A_125 = tpu.memref_slice %arg4[%mul3A_123] : memref<327680xi32, #tpu.memory_space<hbm>> -> memref<128xi32, #tpu.memory_space<hbm>>
        tpu.enqueue_dma source(%dma_start3A_125 : memref<128xi32, #tpu.memory_space<hbm>>) target(%arg12 : memref<128xi32, #tpu.memory_space<vmem>>) target_semaphore(%arg22 : memref<!tpu.dma_semaphore, #tpu.memory_space<semaphore_mem>>)
        %add3A_126 = arith.constant 2 : i32
        %add3A_127 = arith.addi %add3A_82, %add3A_126 : i32
        %add3A_128 = arith.addi %mul3A_2, %add3A_127 : i32
        %mul3A_129 = arith.constant 128 : i32
        %mul3A_130 = arith.muli %add3A_128, %mul3A_129 : i32
        %dma_start3A_131 = tpu.memref_slice %arg5[%mul3A_130] : memref<327680xi32, #tpu.memory_space<hbm>> -> memref<128xi32, #tpu.memory_space<hbm>>
        %dma_start3A_132 = tpu.memref_slice %arg5[%mul3A_130] : memref<327680xi32, #tpu.memory_space<hbm>> -> memref<128xi32, #tpu.memory_space<hbm>>
        tpu.enqueue_dma source(%dma_start3A_132 : memref<128xi32, #tpu.memory_space<hbm>>) target(%arg14 : memref<128xi32, #tpu.memory_space<vmem>>) target_semaphore(%arg22 : memref<!tpu.dma_semaphore, #tpu.memory_space<semaphore_mem>>)
      } else {
      }
    }
    %scan3A_43 = arith.constant 40 : i32
    %barrier3A_44 = arith.constant 0 : index
    tpu.barrier barrier_id(%barrier3A_44)
    %mul3A_45 = arith.constant 640 : i32
    %mul3A_46 = arith.muli %arg1, %mul3A_45 : i32
    %mul3A_47 = arith.constant 640 : i32
    %mul3A_48 = arith.muli %arg1, %mul3A_47 : i32
    "tpu.region"() ({
      %run_scoped3A = tpu.sem_alloc : memref<!tpu.dma_semaphore, #tpu.memory_space<semaphore_mem>>
      %dma_start3A_49 = arith.constant 0 : i32
      %dma_start3A_50 = tpu.memref_slice %arg8[%arg0, %mul3A_48, %dma_start3A_49] : memref<2x10240x128xf32, #tpu.memory_space<hbm>> -> memref<1x640x128xf32, #tpu.memory_space<hbm>>
      %dma_start3A_51 = tpu.memref_squeeze %dma_start3A_50 : memref<1x640x128xf32, #tpu.memory_space<hbm>> -> memref<640x128xf32, #tpu.memory_space<hbm>>
      %dma_start3A_52 = arith.constant 0 : i32
      %dma_start3A_53 = tpu.memref_slice %arg17[%mul3A_46, %dma_start3A_52] : memref<10240x128xf32, #tpu.memory_space<vmem_shared>> -> memref<640x128xf32, #tpu.memory_space<vmem_shared>>
      tpu.enqueue_dma source(%dma_start3A_53 : memref<640x128xf32, #tpu.memory_space<vmem_shared>>) target(%dma_start3A_51 : memref<640x128xf32, #tpu.memory_space<hbm>>) target_semaphore(%run_scoped3A : memref<!tpu.dma_semaphore, #tpu.memory_space<semaphore_mem>>)
      %dma_wait3A = arith.constant 0 : i32
      %dma_wait3A_54 = tpu.memref_slice %arg8[%arg0, %mul3A_48, %dma_wait3A] : memref<2x10240x128xf32, #tpu.memory_space<hbm>> -> memref<1x640x128xf32, #tpu.memory_space<hbm>>
      %dma_wait3A_55 = tpu.memref_squeeze %dma_wait3A_54 : memref<1x640x128xf32, #tpu.memory_space<hbm>> -> memref<640x128xf32, #tpu.memory_space<hbm>>
      %dma_wait3A_56 = arith.constant 0 : i32
      %dma_wait3A_57 = tpu.memref_slice %arg17[%mul3A_46, %dma_wait3A_56] : memref<10240x128xf32, #tpu.memory_space<vmem_shared>> -> memref<640x128xf32, #tpu.memory_space<vmem_shared>>
      tpu.wait_dma2 semaphore(%run_scoped3A : memref<!tpu.dma_semaphore, #tpu.memory_space<semaphore_mem>>) src(%dma_wait3A_57 : memref<640x128xf32, #tpu.memory_space<vmem_shared>>) dst(%dma_wait3A_55 : memref<640x128xf32, #tpu.memory_space<hbm>>)
      tpu.yield
    }) : () -> ()
    return
  }
}

#map = affine_map<(d0, d1) -> (0, 0)>
#map1 = affine_map<(d0, d1) -> (0)>
#map2 = affine_map<(d0, d1) -> (0, 0, 0)>
module attributes {stable_mosaic.version = 14 : i64} {
  func.func @_edge_body(%arg0: i32, %arg1: i32, %arg2: memref<10000x128xf32, #tpu.memory_space<hbm>>, %arg3: memref<327680xi32, #tpu.memory_space<hbm>>, %arg4: memref<327680xi32, #tpu.memory_space<hbm>>, %arg5: memref<327680xi32, #tpu.memory_space<hbm>>, %arg6: memref<512x128xf32, #tpu.memory_space<hbm>>, %arg7: memref<10240x128xf32, #tpu.memory_space<hbm>>, %arg8: memref<2x10240x128xf32, #tpu.memory_space<hbm>>, %arg9: memref<128xi32, #tpu.memory_space<vmem>>, %arg10: memref<128xi32, #tpu.memory_space<vmem>>, %arg11: memref<128xi32, #tpu.memory_space<vmem>>, %arg12: memref<128xi32, #tpu.memory_space<vmem>>, %arg13: memref<128xi32, #tpu.memory_space<vmem>>, %arg14: memref<128xi32, #tpu.memory_space<vmem>>, %arg15: memref<128x128xf32, #tpu.memory_space<vmem>>, %arg16: memref<128x128xf32, #tpu.memory_space<vmem>>, %arg17: memref<10240x128xf32, #tpu.memory_space<vmem_shared>>, %arg18: memref<!tpu.dma_semaphore, #tpu.memory_space<semaphore_mem>>, %arg19: memref<!tpu.dma_semaphore, #tpu.memory_space<semaphore_mem>>, %arg20: memref<!tpu.dma_semaphore, #tpu.memory_space<semaphore_mem>>, %arg21: memref<!tpu.dma_semaphore, #tpu.memory_space<semaphore_mem>>, %arg22: memref<!tpu.dma_semaphore, #tpu.memory_space<semaphore_mem>>) attributes {dimension_semantics = [#tpu.dimension_semantics<core_parallel>, #tpu.dimension_semantics<subcore_parallel>], iteration_bounds = array<i64: 2, 16>, scalar_prefetch = 0 : i64, scratch_operands = 14 : i64, tpu.core_type = #tpu.core_type<sc_vector_subcore>, window_params = [{transform_indices = #map}, {transform_indices = #map1}, {transform_indices = #map1}, {transform_indices = #map1}, {transform_indices = #map}, {transform_indices = #map}, {transform_indices = #map2}]} {
    %mul3A = arith.constant 2 : i32
    %mul3A_0 = arith.muli %arg1, %mul3A : i32
    %add3A = arith.addi %mul3A_0, %arg0 : i32
    %mul3A_1 = arith.constant 80 : i32
    %mul3A_2 = arith.muli %add3A, %mul3A_1 : i32
    %add3A_3 = arith.constant 0 : i32
    %add3A_4 = arith.addi %mul3A_2, %add3A_3 : i32
    %mul3A_5 = arith.constant 128 : i32
    %mul3A_6 = arith.muli %add3A_4, %mul3A_5 : i32
    "tpu.region"() ({
      %run_scoped3A = tpu.sem_alloc : memref<!tpu.dma_semaphore, #tpu.memory_space<semaphore_mem>>
      %dma_start3A_49 = tpu.memref_slice %arg3[%mul3A_6] : memref<327680xi32, #tpu.memory_space<hbm>> -> memref<128xi32, #tpu.memory_space<hbm>>
      %dma_start3A_50 = tpu.memref_slice %arg3[%mul3A_6] : memref<327680xi32, #tpu.memory_space<hbm>> -> memref<128xi32, #tpu.memory_space<hbm>>
      tpu.enqueue_dma source(%dma_start3A_50 : memref<128xi32, #tpu.memory_space<hbm>>) target(%arg9 : memref<128xi32, #tpu.memory_space<vmem>>) target_semaphore(%run_scoped3A : memref<!tpu.dma_semaphore, #tpu.memory_space<semaphore_mem>>)
      %dma_wait3A = tpu.memref_slice %arg3[%mul3A_6] : memref<327680xi32, #tpu.memory_space<hbm>> -> memref<128xi32, #tpu.memory_space<hbm>>
      %dma_wait3A_51 = tpu.memref_slice %arg3[%mul3A_6] : memref<327680xi32, #tpu.memory_space<hbm>> -> memref<128xi32, #tpu.memory_space<hbm>>
      tpu.wait_dma2 semaphore(%run_scoped3A : memref<!tpu.dma_semaphore, #tpu.memory_space<semaphore_mem>>) src(%dma_wait3A_51 : memref<128xi32, #tpu.memory_space<hbm>>) dst(%arg9 : memref<128xi32, #tpu.memory_space<vmem>>)
      tpu.yield
    }) : () -> ()
    %add3A_7 = arith.constant 0 : i32
    %add3A_8 = arith.addi %mul3A_2, %add3A_7 : i32
    %mul3A_9 = arith.constant 128 : i32
    %mul3A_10 = arith.muli %add3A_8, %mul3A_9 : i32
    "tpu.region"() ({
      %run_scoped3A = tpu.sem_alloc : memref<!tpu.dma_semaphore, #tpu.memory_space<semaphore_mem>>
      %dma_start3A_49 = tpu.memref_slice %arg4[%mul3A_10] : memref<327680xi32, #tpu.memory_space<hbm>> -> memref<128xi32, #tpu.memory_space<hbm>>
      %dma_start3A_50 = tpu.memref_slice %arg4[%mul3A_10] : memref<327680xi32, #tpu.memory_space<hbm>> -> memref<128xi32, #tpu.memory_space<hbm>>
      tpu.enqueue_dma source(%dma_start3A_50 : memref<128xi32, #tpu.memory_space<hbm>>) target(%arg11 : memref<128xi32, #tpu.memory_space<vmem>>) target_semaphore(%run_scoped3A : memref<!tpu.dma_semaphore, #tpu.memory_space<semaphore_mem>>)
      %dma_wait3A = tpu.memref_slice %arg4[%mul3A_10] : memref<327680xi32, #tpu.memory_space<hbm>> -> memref<128xi32, #tpu.memory_space<hbm>>
      %dma_wait3A_51 = tpu.memref_slice %arg4[%mul3A_10] : memref<327680xi32, #tpu.memory_space<hbm>> -> memref<128xi32, #tpu.memory_space<hbm>>
      tpu.wait_dma2 semaphore(%run_scoped3A : memref<!tpu.dma_semaphore, #tpu.memory_space<semaphore_mem>>) src(%dma_wait3A_51 : memref<128xi32, #tpu.memory_space<hbm>>) dst(%arg11 : memref<128xi32, #tpu.memory_space<vmem>>)
      tpu.yield
    }) : () -> ()
    %add3A_11 = arith.constant 0 : i32
    %add3A_12 = arith.addi %mul3A_2, %add3A_11 : i32
    %mul3A_13 = arith.constant 128 : i32
    %mul3A_14 = arith.muli %add3A_12, %mul3A_13 : i32
    "tpu.region"() ({
      %run_scoped3A = tpu.sem_alloc : memref<!tpu.dma_semaphore, #tpu.memory_space<semaphore_mem>>
      %dma_start3A_49 = tpu.memref_slice %arg5[%mul3A_14] : memref<327680xi32, #tpu.memory_space<hbm>> -> memref<128xi32, #tpu.memory_space<hbm>>
      %dma_start3A_50 = tpu.memref_slice %arg5[%mul3A_14] : memref<327680xi32, #tpu.memory_space<hbm>> -> memref<128xi32, #tpu.memory_space<hbm>>
      tpu.enqueue_dma source(%dma_start3A_50 : memref<128xi32, #tpu.memory_space<hbm>>) target(%arg13 : memref<128xi32, #tpu.memory_space<vmem>>) target_semaphore(%run_scoped3A : memref<!tpu.dma_semaphore, #tpu.memory_space<semaphore_mem>>)
      %dma_wait3A = tpu.memref_slice %arg5[%mul3A_14] : memref<327680xi32, #tpu.memory_space<hbm>> -> memref<128xi32, #tpu.memory_space<hbm>>
      %dma_wait3A_51 = tpu.memref_slice %arg5[%mul3A_14] : memref<327680xi32, #tpu.memory_space<hbm>> -> memref<128xi32, #tpu.memory_space<hbm>>
      tpu.wait_dma2 semaphore(%run_scoped3A : memref<!tpu.dma_semaphore, #tpu.memory_space<semaphore_mem>>) src(%dma_wait3A_51 : memref<128xi32, #tpu.memory_space<hbm>>) dst(%arg13 : memref<128xi32, #tpu.memory_space<vmem>>)
      tpu.yield
    }) : () -> ()
    %mul3A_15 = arith.constant 640 : i32
    %mul3A_16 = arith.muli %arg1, %mul3A_15 : i32
    %mul3A_17 = arith.constant 640 : i32
    %mul3A_18 = arith.muli %arg1, %mul3A_17 : i32
    "tpu.region"() ({
      %run_scoped3A = tpu.sem_alloc : memref<!tpu.dma_semaphore, #tpu.memory_space<semaphore_mem>>
      %dma_start3A_49 = arith.constant 0 : i32
      %dma_start3A_50 = tpu.memref_slice %arg17[%mul3A_18, %dma_start3A_49] : memref<10240x128xf32, #tpu.memory_space<vmem_shared>> -> memref<640x128xf32, #tpu.memory_space<vmem_shared>>
      %dma_start3A_51 = arith.constant 0 : i32
      %dma_start3A_52 = tpu.memref_slice %arg7[%mul3A_16, %dma_start3A_51] : memref<10240x128xf32, #tpu.memory_space<hbm>> -> memref<640x128xf32, #tpu.memory_space<hbm>>
      tpu.enqueue_dma source(%dma_start3A_52 : memref<640x128xf32, #tpu.memory_space<hbm>>) target(%dma_start3A_50 : memref<640x128xf32, #tpu.memory_space<vmem_shared>>) target_semaphore(%run_scoped3A : memref<!tpu.dma_semaphore, #tpu.memory_space<semaphore_mem>>)
      %dma_wait3A = arith.constant 0 : i32
      %dma_wait3A_53 = tpu.memref_slice %arg17[%mul3A_18, %dma_wait3A] : memref<10240x128xf32, #tpu.memory_space<vmem_shared>> -> memref<640x128xf32, #tpu.memory_space<vmem_shared>>
      %dma_wait3A_54 = arith.constant 0 : i32
      %dma_wait3A_55 = tpu.memref_slice %arg7[%mul3A_16, %dma_wait3A_54] : memref<10240x128xf32, #tpu.memory_space<hbm>> -> memref<640x128xf32, #tpu.memory_space<hbm>>
      tpu.wait_dma2 semaphore(%run_scoped3A : memref<!tpu.dma_semaphore, #tpu.memory_space<semaphore_mem>>) src(%dma_wait3A_55 : memref<640x128xf32, #tpu.memory_space<hbm>>) dst(%dma_wait3A_53 : memref<640x128xf32, #tpu.memory_space<vmem_shared>>)
      tpu.yield
    }) : () -> ()
    %barrier3A = arith.constant 0 : index
    tpu.barrier barrier_id(%barrier3A)
    %dma_start3A = arith.constant 0 : i32
    %dma_start3A_19 = arith.constant 0 : i32
    %dma_start3A_20 = tpu.memref_slice %arg2[%dma_start3A, %dma_start3A_19] : memref<10000x128xf32, #tpu.memory_space<hbm>> -> memref<10000x128xf32, #tpu.memory_space<hbm>>
    tpu.enqueue_indirect_dma source(%dma_start3A_20 : memref<10000x128xf32, #tpu.memory_space<hbm>>) target(%arg15 : memref<128x128xf32, #tpu.memory_space<vmem>>) offsets(%arg9 : memref<128xi32, #tpu.memory_space<vmem>>) semaphore(%arg18 : memref<!tpu.dma_semaphore, #tpu.memory_space<semaphore_mem>>)
    %add3A_21 = arith.constant 1 : i32
    %add3A_22 = arith.addi %mul3A_2, %add3A_21 : i32
    %mul3A_23 = arith.constant 128 : i32
    %mul3A_24 = arith.muli %add3A_22, %mul3A_23 : i32
    %dma_start3A_25 = tpu.memref_slice %arg3[%mul3A_24] : memref<327680xi32, #tpu.memory_space<hbm>> -> memref<128xi32, #tpu.memory_space<hbm>>
    %dma_start3A_26 = tpu.memref_slice %arg3[%mul3A_24] : memref<327680xi32, #tpu.memory_space<hbm>> -> memref<128xi32, #tpu.memory_space<hbm>>
    tpu.enqueue_dma source(%dma_start3A_26 : memref<128xi32, #tpu.memory_space<hbm>>) target(%arg10 : memref<128xi32, #tpu.memory_space<vmem>>) target_semaphore(%arg22 : memref<!tpu.dma_semaphore, #tpu.memory_space<semaphore_mem>>)
    %add3A_27 = arith.constant 1 : i32
    %add3A_28 = arith.addi %mul3A_2, %add3A_27 : i32
    %mul3A_29 = arith.constant 128 : i32
    %mul3A_30 = arith.muli %add3A_28, %mul3A_29 : i32
    %dma_start3A_31 = tpu.memref_slice %arg4[%mul3A_30] : memref<327680xi32, #tpu.memory_space<hbm>> -> memref<128xi32, #tpu.memory_space<hbm>>
    %dma_start3A_32 = tpu.memref_slice %arg4[%mul3A_30] : memref<327680xi32, #tpu.memory_space<hbm>> -> memref<128xi32, #tpu.memory_space<hbm>>
    tpu.enqueue_dma source(%dma_start3A_32 : memref<128xi32, #tpu.memory_space<hbm>>) target(%arg12 : memref<128xi32, #tpu.memory_space<vmem>>) target_semaphore(%arg22 : memref<!tpu.dma_semaphore, #tpu.memory_space<semaphore_mem>>)
    %add3A_33 = arith.constant 1 : i32
    %add3A_34 = arith.addi %mul3A_2, %add3A_33 : i32
    %mul3A_35 = arith.constant 128 : i32
    %mul3A_36 = arith.muli %add3A_34, %mul3A_35 : i32
    %dma_start3A_37 = tpu.memref_slice %arg5[%mul3A_36] : memref<327680xi32, #tpu.memory_space<hbm>> -> memref<128xi32, #tpu.memory_space<hbm>>
    %dma_start3A_38 = tpu.memref_slice %arg5[%mul3A_36] : memref<327680xi32, #tpu.memory_space<hbm>> -> memref<128xi32, #tpu.memory_space<hbm>>
    tpu.enqueue_dma source(%dma_start3A_38 : memref<128xi32, #tpu.memory_space<hbm>>) target(%arg14 : memref<128xi32, #tpu.memory_space<vmem>>) target_semaphore(%arg22 : memref<!tpu.dma_semaphore, #tpu.memory_space<semaphore_mem>>)
    %scan3A = arith.constant 0 : i32
    %scan3A_39 = arith.constant 0 : i32
    %scan3A_40 = arith.constant 40 : i32
    %scan3A_41 = arith.addi %scan3A_39, %scan3A_40 : i32
    %scan3A_42 = arith.constant 1 : i32
    scf.for %scan3A_49 = %scan3A_39 to %scan3A_41 step %scan3A_42  : i32 {
      %mul3A_50 = arith.constant 2 : i32
      %mul3A_51 = arith.muli %scan3A_49, %mul3A_50 : i32
      %add3A_52 = arith.constant 0 : i32
      %add3A_53 = arith.addi %mul3A_51, %add3A_52 : i32
      %dma_wait3A = arith.constant 0 : i32
      %dma_wait3A_54 = arith.constant 0 : i32
      %dma_wait3A_55 = tpu.memref_slice %arg2[%dma_wait3A, %dma_wait3A_54] : memref<10000x128xf32, #tpu.memory_space<hbm>> -> memref<10000x128xf32, #tpu.memory_space<hbm>>
      tpu.wait_indirect_dma semaphore(%arg18 : memref<!tpu.dma_semaphore, #tpu.memory_space<semaphore_mem>>) src(%dma_wait3A_55 : memref<10000x128xf32, #tpu.memory_space<hbm>>) dst(%arg15 : memref<128x128xf32, #tpu.memory_space<vmem>>)
      %dma_start3A_56 = arith.constant 0 : i32
      %dma_start3A_57 = arith.constant 0 : i32
      %dma_start3A_58 = tpu.memref_slice %arg6[%dma_start3A_56, %dma_start3A_57] : memref<512x128xf32, #tpu.memory_space<hbm>> -> memref<512x128xf32, #tpu.memory_space<hbm>>
      tpu.enqueue_indirect_dma source(%dma_start3A_58 : memref<512x128xf32, #tpu.memory_space<hbm>>) target(%arg15 : memref<128x128xf32, #tpu.memory_space<vmem>>) offsets(%arg13 : memref<128xi32, #tpu.memory_space<vmem>>) semaphore(%arg20 : memref<!tpu.dma_semaphore, #tpu.memory_space<semaphore_mem>>) {add = true}
      %add3A_59 = arith.constant 1 : i32
      %add3A_60 = arith.addi %add3A_53, %add3A_59 : i32
      %lt3A = arith.constant 80 : i32
      %lt3A_61 = arith.cmpi slt, %add3A_60, %lt3A : i32
      %convert_element_type3A = arith.extui %lt3A_61 : i1 to i32
      %cond3A = arith.constant 0 : i32
      %cond3A_62 = arith.cmpi ne, %convert_element_type3A, %cond3A : i32
      scf.if %cond3A_62 {
        %dma_wait3A_112 = arith.constant 0 : i32
        %dma_wait3A_113 = tpu.memref_slice %arg3[%dma_wait3A_112] : memref<327680xi32, #tpu.memory_space<hbm>> -> memref<128xi32, #tpu.memory_space<hbm>>
        %dma_wait3A_114 = arith.constant 0 : i32
        %dma_wait3A_115 = tpu.memref_slice %arg3[%dma_wait3A_114] : memref<327680xi32, #tpu.memory_space<hbm>> -> memref<128xi32, #tpu.memory_space<hbm>>
        tpu.wait_dma2 semaphore(%arg22 : memref<!tpu.dma_semaphore, #tpu.memory_space<semaphore_mem>>) src(%dma_wait3A_115 : memref<128xi32, #tpu.memory_space<hbm>>) dst(%arg10 : memref<128xi32, #tpu.memory_space<vmem>>)
        %dma_wait3A_116 = arith.constant 0 : i32
        %dma_wait3A_117 = tpu.memref_slice %arg4[%dma_wait3A_116] : memref<327680xi32, #tpu.memory_space<hbm>> -> memref<128xi32, #tpu.memory_space<hbm>>
        %dma_wait3A_118 = arith.constant 0 : i32
        %dma_wait3A_119 = tpu.memref_slice %arg4[%dma_wait3A_118] : memref<327680xi32, #tpu.memory_space<hbm>> -> memref<128xi32, #tpu.memory_space<hbm>>
        tpu.wait_dma2 semaphore(%arg22 : memref<!tpu.dma_semaphore, #tpu.memory_space<semaphore_mem>>) src(%dma_wait3A_119 : memref<128xi32, #tpu.memory_space<hbm>>) dst(%arg12 : memref<128xi32, #tpu.memory_space<vmem>>)
        %dma_wait3A_120 = arith.constant 0 : i32
        %dma_wait3A_121 = tpu.memref_slice %arg5[%dma_wait3A_120] : memref<327680xi32, #tpu.memory_space<hbm>> -> memref<128xi32, #tpu.memory_space<hbm>>
        %dma_wait3A_122 = arith.constant 0 : i32
        %dma_wait3A_123 = tpu.memref_slice %arg5[%dma_wait3A_122] : memref<327680xi32, #tpu.memory_space<hbm>> -> memref<128xi32, #tpu.memory_space<hbm>>
        tpu.wait_dma2 semaphore(%arg22 : memref<!tpu.dma_semaphore, #tpu.memory_space<semaphore_mem>>) src(%dma_wait3A_123 : memref<128xi32, #tpu.memory_space<hbm>>) dst(%arg14 : memref<128xi32, #tpu.memory_space<vmem>>)
        %dma_start3A_124 = arith.constant 0 : i32
        %dma_start3A_125 = arith.constant 0 : i32
        %dma_start3A_126 = tpu.memref_slice %arg2[%dma_start3A_124, %dma_start3A_125] : memref<10000x128xf32, #tpu.memory_space<hbm>> -> memref<10000x128xf32, #tpu.memory_space<hbm>>
        tpu.enqueue_indirect_dma source(%dma_start3A_126 : memref<10000x128xf32, #tpu.memory_space<hbm>>) target(%arg16 : memref<128x128xf32, #tpu.memory_space<vmem>>) offsets(%arg10 : memref<128xi32, #tpu.memory_space<vmem>>) semaphore(%arg19 : memref<!tpu.dma_semaphore, #tpu.memory_space<semaphore_mem>>)
      } else {
      }
      %dma_wait3A_63 = arith.constant 0 : i32
      %dma_wait3A_64 = arith.constant 0 : i32
      %dma_wait3A_65 = tpu.memref_slice %arg6[%dma_wait3A_63, %dma_wait3A_64] : memref<512x128xf32, #tpu.memory_space<hbm>> -> memref<512x128xf32, #tpu.memory_space<hbm>>
      tpu.wait_indirect_dma semaphore(%arg20 : memref<!tpu.dma_semaphore, #tpu.memory_space<semaphore_mem>>) src(%dma_wait3A_65 : memref<512x128xf32, #tpu.memory_space<hbm>>) dst(%arg15 : memref<128x128xf32, #tpu.memory_space<vmem>>)
      %scan3A_66 = arith.constant 0 : i32
      %scan3A_67 = arith.constant 0 : i32
      %scan3A_68 = arith.constant 128 : i32
      %scan3A_69 = arith.addi %scan3A_67, %scan3A_68 : i32
      %scan3A_70 = arith.constant 1 : i32
      scf.for %scan3A_112 = %scan3A_67 to %scan3A_69 step %scan3A_70  : i32 {
        %get3A = arith.index_cast %scan3A_112 : i32 to index
        %get3A_113 = arith.constant 0 : index
        %get3A_114 = tpu.vector_load %arg15[%get3A, %get3A_113] {strides = array<i32>} : memref<128x128xf32, #tpu.memory_space<vmem>>, vector<1x16xf32>,
        %get3A_115 = vector.shape_cast %get3A_114 : vector<1x16xf32> to vector<16xf32>
        %max3A = arith.constant 0.000000e+00 : f32
        %max3A_116 = vector.broadcast %max3A : f32 to vector<16xf32>
        %max3A_117 = arith.maximumf %get3A_115, %max3A_116 : vector<16xf32>
        %swap3A = arith.index_cast %scan3A_112 : i32 to index
        %swap3A_118 = arith.constant 0 : index
        %swap3A_119 = tpu.vector_load %arg15[%swap3A, %swap3A_118] {strides = array<i32>} : memref<128x128xf32, #tpu.memory_space<vmem>>, vector<1x16xf32>,
        %swap3A_120 = vector.shape_cast %swap3A_119 : vector<1x16xf32> to vector<16xf32>
        %swap3A_121 = vector.shape_cast %max3A_117 : vector<16xf32> to vector<1x16xf32>
        tpu.vector_store %arg15[%swap3A, %swap3A_118], %swap3A_121 {strides = array<i32>} : memref<128x128xf32, #tpu.memory_space<vmem>>, vector<1x16xf32>,
        %get3A_122 = arith.index_cast %scan3A_112 : i32 to index
        %get3A_123 = arith.constant 16 : index
        %get3A_124 = tpu.vector_load %arg15[%get3A_122, %get3A_123] {strides = array<i32>} : memref<128x128xf32, #tpu.memory_space<vmem>>, vector<1x16xf32>,
        %get3A_125 = vector.shape_cast %get3A_124 : vector<1x16xf32> to vector<16xf32>
        %max3A_126 = arith.constant 0.000000e+00 : f32
        %max3A_127 = vector.broadcast %max3A_126 : f32 to vector<16xf32>
        %max3A_128 = arith.maximumf %get3A_125, %max3A_127 : vector<16xf32>
        %swap3A_129 = arith.index_cast %scan3A_112 : i32 to index
        %swap3A_130 = arith.constant 16 : index
        %swap3A_131 = tpu.vector_load %arg15[%swap3A_129, %swap3A_130] {strides = array<i32>} : memref<128x128xf32, #tpu.memory_space<vmem>>, vector<1x16xf32>,
        %swap3A_132 = vector.shape_cast %swap3A_131 : vector<1x16xf32> to vector<16xf32>
        %swap3A_133 = vector.shape_cast %max3A_128 : vector<16xf32> to vector<1x16xf32>
        tpu.vector_store %arg15[%swap3A_129, %swap3A_130], %swap3A_133 {strides = array<i32>} : memref<128x128xf32, #tpu.memory_space<vmem>>, vector<1x16xf32>,
        %get3A_134 = arith.index_cast %scan3A_112 : i32 to index
        %get3A_135 = arith.constant 32 : index
        %get3A_136 = tpu.vector_load %arg15[%get3A_134, %get3A_135] {strides = array<i32>} : memref<128x128xf32, #tpu.memory_space<vmem>>, vector<1x16xf32>,
        %get3A_137 = vector.shape_cast %get3A_136 : vector<1x16xf32> to vector<16xf32>
        %max3A_138 = arith.constant 0.000000e+00 : f32
        %max3A_139 = vector.broadcast %max3A_138 : f32 to vector<16xf32>
        %max3A_140 = arith.maximumf %get3A_137, %max3A_139 : vector<16xf32>
        %swap3A_141 = arith.index_cast %scan3A_112 : i32 to index
        %swap3A_142 = arith.constant 32 : index
        %swap3A_143 = tpu.vector_load %arg15[%swap3A_141, %swap3A_142] {strides = array<i32>} : memref<128x128xf32, #tpu.memory_space<vmem>>, vector<1x16xf32>,
        %swap3A_144 = vector.shape_cast %swap3A_143 : vector<1x16xf32> to vector<16xf32>
        %swap3A_145 = vector.shape_cast %max3A_140 : vector<16xf32> to vector<1x16xf32>
        tpu.vector_store %arg15[%swap3A_141, %swap3A_142], %swap3A_145 {strides = array<i32>} : memref<128x128xf32, #tpu.memory_space<vmem>>, vector<1x16xf32>,
        %get3A_146 = arith.index_cast %scan3A_112 : i32 to index
        %get3A_147 = arith.constant 48 : index
        %get3A_148 = tpu.vector_load %arg15[%get3A_146, %get3A_147] {strides = array<i32>} : memref<128x128xf32, #tpu.memory_space<vmem>>, vector<1x16xf32>,
        %get3A_149 = vector.shape_cast %get3A_148 : vector<1x16xf32> to vector<16xf32>
        %max3A_150 = arith.constant 0.000000e+00 : f32
        %max3A_151 = vector.broadcast %max3A_150 : f32 to vector<16xf32>
        %max3A_152 = arith.maximumf %get3A_149, %max3A_151 : vector<16xf32>
        %swap3A_153 = arith.index_cast %scan3A_112 : i32 to index
        %swap3A_154 = arith.constant 48 : index
        %swap3A_155 = tpu.vector_load %arg15[%swap3A_153, %swap3A_154] {strides = array<i32>} : memref<128x128xf32, #tpu.memory_space<vmem>>, vector<1x16xf32>,
        %swap3A_156 = vector.shape_cast %swap3A_155 : vector<1x16xf32> to vector<16xf32>
        %swap3A_157 = vector.shape_cast %max3A_152 : vector<16xf32> to vector<1x16xf32>
        tpu.vector_store %arg15[%swap3A_153, %swap3A_154], %swap3A_157 {strides = array<i32>} : memref<128x128xf32, #tpu.memory_space<vmem>>, vector<1x16xf32>,
        %get3A_158 = arith.index_cast %scan3A_112 : i32 to index
        %get3A_159 = arith.constant 64 : index
        %get3A_160 = tpu.vector_load %arg15[%get3A_158, %get3A_159] {strides = array<i32>} : memref<128x128xf32, #tpu.memory_space<vmem>>, vector<1x16xf32>,
        %get3A_161 = vector.shape_cast %get3A_160 : vector<1x16xf32> to vector<16xf32>
        %max3A_162 = arith.constant 0.000000e+00 : f32
        %max3A_163 = vector.broadcast %max3A_162 : f32 to vector<16xf32>
        %max3A_164 = arith.maximumf %get3A_161, %max3A_163 : vector<16xf32>
        %swap3A_165 = arith.index_cast %scan3A_112 : i32 to index
        %swap3A_166 = arith.constant 64 : index
        %swap3A_167 = tpu.vector_load %arg15[%swap3A_165, %swap3A_166] {strides = array<i32>} : memref<128x128xf32, #tpu.memory_space<vmem>>, vector<1x16xf32>,
        %swap3A_168 = vector.shape_cast %swap3A_167 : vector<1x16xf32> to vector<16xf32>
        %swap3A_169 = vector.shape_cast %max3A_164 : vector<16xf32> to vector<1x16xf32>
        tpu.vector_store %arg15[%swap3A_165, %swap3A_166], %swap3A_169 {strides = array<i32>} : memref<128x128xf32, #tpu.memory_space<vmem>>, vector<1x16xf32>,
        %get3A_170 = arith.index_cast %scan3A_112 : i32 to index
        %get3A_171 = arith.constant 80 : index
        %get3A_172 = tpu.vector_load %arg15[%get3A_170, %get3A_171] {strides = array<i32>} : memref<128x128xf32, #tpu.memory_space<vmem>>, vector<1x16xf32>,
        %get3A_173 = vector.shape_cast %get3A_172 : vector<1x16xf32> to vector<16xf32>
        %max3A_174 = arith.constant 0.000000e+00 : f32
        %max3A_175 = vector.broadcast %max3A_174 : f32 to vector<16xf32>
        %max3A_176 = arith.maximumf %get3A_173, %max3A_175 : vector<16xf32>
        %swap3A_177 = arith.index_cast %scan3A_112 : i32 to index
        %swap3A_178 = arith.constant 80 : index
        %swap3A_179 = tpu.vector_load %arg15[%swap3A_177, %swap3A_178] {strides = array<i32>} : memref<128x128xf32, #tpu.memory_space<vmem>>, vector<1x16xf32>,
        %swap3A_180 = vector.shape_cast %swap3A_179 : vector<1x16xf32> to vector<16xf32>
        %swap3A_181 = vector.shape_cast %max3A_176 : vector<16xf32> to vector<1x16xf32>
        tpu.vector_store %arg15[%swap3A_177, %swap3A_178], %swap3A_181 {strides = array<i32>} : memref<128x128xf32, #tpu.memory_space<vmem>>, vector<1x16xf32>,
        %get3A_182 = arith.index_cast %scan3A_112 : i32 to index
        %get3A_183 = arith.constant 96 : index
        %get3A_184 = tpu.vector_load %arg15[%get3A_182, %get3A_183] {strides = array<i32>} : memref<128x128xf32, #tpu.memory_space<vmem>>, vector<1x16xf32>,
        %get3A_185 = vector.shape_cast %get3A_184 : vector<1x16xf32> to vector<16xf32>
        %max3A_186 = arith.constant 0.000000e+00 : f32
        %max3A_187 = vector.broadcast %max3A_186 : f32 to vector<16xf32>
        %max3A_188 = arith.maximumf %get3A_185, %max3A_187 : vector<16xf32>
        %swap3A_189 = arith.index_cast %scan3A_112 : i32 to index
        %swap3A_190 = arith.constant 96 : index
        %swap3A_191 = tpu.vector_load %arg15[%swap3A_189, %swap3A_190] {strides = array<i32>} : memref<128x128xf32, #tpu.memory_space<vmem>>, vector<1x16xf32>,
        %swap3A_192 = vector.shape_cast %swap3A_191 : vector<1x16xf32> to vector<16xf32>
        %swap3A_193 = vector.shape_cast %max3A_188 : vector<16xf32> to vector<1x16xf32>
        tpu.vector_store %arg15[%swap3A_189, %swap3A_190], %swap3A_193 {strides = array<i32>} : memref<128x128xf32, #tpu.memory_space<vmem>>, vector<1x16xf32>,
        %get3A_194 = arith.index_cast %scan3A_112 : i32 to index
        %get3A_195 = arith.constant 112 : index
        %get3A_196 = tpu.vector_load %arg15[%get3A_194, %get3A_195] {strides = array<i32>} : memref<128x128xf32, #tpu.memory_space<vmem>>, vector<1x16xf32>,
        %get3A_197 = vector.shape_cast %get3A_196 : vector<1x16xf32> to vector<16xf32>
        %max3A_198 = arith.constant 0.000000e+00 : f32
        %max3A_199 = vector.broadcast %max3A_198 : f32 to vector<16xf32>
        %max3A_200 = arith.maximumf %get3A_197, %max3A_199 : vector<16xf32>
        %swap3A_201 = arith.index_cast %scan3A_112 : i32 to index
        %swap3A_202 = arith.constant 112 : index
        %swap3A_203 = tpu.vector_load %arg15[%swap3A_201, %swap3A_202] {strides = array<i32>} : memref<128x128xf32, #tpu.memory_space<vmem>>, vector<1x16xf32>,
        %swap3A_204 = vector.shape_cast %swap3A_203 : vector<1x16xf32> to vector<16xf32>
        %swap3A_205 = vector.shape_cast %max3A_200 : vector<16xf32> to vector<1x16xf32>
        tpu.vector_store %arg15[%swap3A_201, %swap3A_202], %swap3A_205 {strides = array<i32>} : memref<128x128xf32, #tpu.memory_space<vmem>>, vector<1x16xf32>,
      }
      %scan3A_71 = arith.constant 128 : i32
      "tpu.region"() ({
        %run_scoped3A = tpu.sem_alloc : memref<!tpu.dma_semaphore, #tpu.memory_space<semaphore_mem>>
        %dma_start3A_112 = arith.constant 0 : i32
        %dma_start3A_113 = arith.constant 0 : i32
        %dma_start3A_114 = tpu.memref_slice %arg17[%dma_start3A_112, %dma_start3A_113] : memref<10240x128xf32, #tpu.memory_space<vmem_shared>> -> memref<10240x128xf32, #tpu.memory_space<vmem_shared>>
        tpu.enqueue_indirect_dma source(%arg15 : memref<128x128xf32, #tpu.memory_space<vmem>>) target(%dma_start3A_114 : memref<10240x128xf32, #tpu.memory_space<vmem_shared>>) offsets(%arg11 : memref<128xi32, #tpu.memory_space<vmem>>) semaphore(%run_scoped3A : memref<!tpu.dma_semaphore, #tpu.memory_space<semaphore_mem>>) {add = true}
        %dma_wait3A_115 = arith.constant 0 : i32
        %dma_wait3A_116 = arith.constant 0 : i32
        %dma_wait3A_117 = tpu.memref_slice %arg17[%dma_wait3A_115, %dma_wait3A_116] : memref<10240x128xf32, #tpu.memory_space<vmem_shared>> -> memref<10240x128xf32, #tpu.memory_space<vmem_shared>>
        tpu.wait_indirect_dma semaphore(%run_scoped3A : memref<!tpu.dma_semaphore, #tpu.memory_space<semaphore_mem>>) src(%arg15 : memref<128x128xf32, #tpu.memory_space<vmem>>) dst(%dma_wait3A_117 : memref<10240x128xf32, #tpu.memory_space<vmem_shared>>)
        tpu.yield
      }) : () -> ()
      %add3A_72 = arith.constant 2 : i32
      %add3A_73 = arith.addi %add3A_53, %add3A_72 : i32
      %lt3A_74 = arith.constant 80 : i32
      %lt3A_75 = arith.cmpi slt, %add3A_73, %lt3A_74 : i32
      %convert_element_type3A_76 = arith.extui %lt3A_75 : i1 to i32
      %cond3A_77 = arith.constant 0 : i32
      %cond3A_78 = arith.cmpi ne, %convert_element_type3A_76, %cond3A_77 : i32
      scf.if %cond3A_78 {
        %add3A_112 = arith.constant 2 : i32
        %add3A_113 = arith.addi %add3A_53, %add3A_112 : i32
        %add3A_114 = arith.addi %mul3A_2, %add3A_113 : i32
        %mul3A_115 = arith.constant 128 : i32
        %mul3A_116 = arith.muli %add3A_114, %mul3A_115 : i32
        %dma_start3A_117 = tpu.memref_slice %arg3[%mul3A_116] : memref<327680xi32, #tpu.memory_space<hbm>> -> memref<128xi32, #tpu.memory_space<hbm>>
        %dma_start3A_118 = tpu.memref_slice %arg3[%mul3A_116] : memref<327680xi32, #tpu.memory_space<hbm>> -> memref<128xi32, #tpu.memory_space<hbm>>
        tpu.enqueue_dma source(%dma_start3A_118 : memref<128xi32, #tpu.memory_space<hbm>>) target(%arg9 : memref<128xi32, #tpu.memory_space<vmem>>) target_semaphore(%arg21 : memref<!tpu.dma_semaphore, #tpu.memory_space<semaphore_mem>>)
        %add3A_119 = arith.constant 2 : i32
        %add3A_120 = arith.addi %add3A_53, %add3A_119 : i32
        %add3A_121 = arith.addi %mul3A_2, %add3A_120 : i32
        %mul3A_122 = arith.constant 128 : i32
        %mul3A_123 = arith.muli %add3A_121, %mul3A_122 : i32
        %dma_start3A_124 = tpu.memref_slice %arg4[%mul3A_123] : memref<327680xi32, #tpu.memory_space<hbm>> -> memref<128xi32, #tpu.memory_space<hbm>>
        %dma_start3A_125 = tpu.memref_slice %arg4[%mul3A_123] : memref<327680xi32, #tpu.memory_space<hbm>> -> memref<128xi32, #tpu.memory_space<hbm>>
        tpu.enqueue_dma source(%dma_start3A_125 : memref<128xi32, #tpu.memory_space<hbm>>) target(%arg11 : memref<128xi32, #tpu.memory_space<vmem>>) target_semaphore(%arg21 : memref<!tpu.dma_semaphore, #tpu.memory_space<semaphore_mem>>)
        %add3A_126 = arith.constant 2 : i32
        %add3A_127 = arith.addi %add3A_53, %add3A_126 : i32
        %add3A_128 = arith.addi %mul3A_2, %add3A_127 : i32
        %mul3A_129 = arith.constant 128 : i32
        %mul3A_130 = arith.muli %add3A_128, %mul3A_129 : i32
        %dma_start3A_131 = tpu.memref_slice %arg5[%mul3A_130] : memref<327680xi32, #tpu.memory_space<hbm>> -> memref<128xi32, #tpu.memory_space<hbm>>
        %dma_start3A_132 = tpu.memref_slice %arg5[%mul3A_130] : memref<327680xi32, #tpu.memory_space<hbm>> -> memref<128xi32, #tpu.memory_space<hbm>>
        tpu.enqueue_dma source(%dma_start3A_132 : memref<128xi32, #tpu.memory_space<hbm>>) target(%arg13 : memref<128xi32, #tpu.memory_space<vmem>>) target_semaphore(%arg21 : memref<!tpu.dma_semaphore, #tpu.memory_space<semaphore_mem>>)
      } else {
      }
      %mul3A_79 = arith.constant 2 : i32
      %mul3A_80 = arith.muli %scan3A_49, %mul3A_79 : i32
      %add3A_81 = arith.constant 1 : i32
      %add3A_82 = arith.addi %mul3A_80, %add3A_81 : i32
      %dma_wait3A_83 = arith.constant 0 : i32
      %dma_wait3A_84 = arith.constant 0 : i32
      %dma_wait3A_85 = tpu.memref_slice %arg2[%dma_wait3A_83, %dma_wait3A_84] : memref<10000x128xf32, #tpu.memory_space<hbm>> -> memref<10000x128xf32, #tpu.memory_space<hbm>>
      tpu.wait_indirect_dma semaphore(%arg19 : memref<!tpu.dma_semaphore, #tpu.memory_space<semaphore_mem>>) src(%dma_wait3A_85 : memref<10000x128xf32, #tpu.memory_space<hbm>>) dst(%arg16 : memref<128x128xf32, #tpu.memory_space<vmem>>)
      %dma_start3A_86 = arith.constant 0 : i32
      %dma_start3A_87 = arith.constant 0 : i32
      %dma_start3A_88 = tpu.memref_slice %arg6[%dma_start3A_86, %dma_start3A_87] : memref<512x128xf32, #tpu.memory_space<hbm>> -> memref<512x128xf32, #tpu.memory_space<hbm>>
      tpu.enqueue_indirect_dma source(%dma_start3A_88 : memref<512x128xf32, #tpu.memory_space<hbm>>) target(%arg16 : memref<128x128xf32, #tpu.memory_space<vmem>>) offsets(%arg14 : memref<128xi32, #tpu.memory_space<vmem>>) semaphore(%arg20 : memref<!tpu.dma_semaphore, #tpu.memory_space<semaphore_mem>>) {add = true}
      %add3A_89 = arith.constant 1 : i32
      %add3A_90 = arith.addi %add3A_82, %add3A_89 : i32
      %lt3A_91 = arith.constant 80 : i32
      %lt3A_92 = arith.cmpi slt, %add3A_90, %lt3A_91 : i32
      %convert_element_type3A_93 = arith.extui %lt3A_92 : i1 to i32
      %cond3A_94 = arith.constant 0 : i32
      %cond3A_95 = arith.cmpi ne, %convert_element_type3A_93, %cond3A_94 : i32
      scf.if %cond3A_95 {
        %dma_wait3A_112 = arith.constant 0 : i32
        %dma_wait3A_113 = tpu.memref_slice %arg3[%dma_wait3A_112] : memref<327680xi32, #tpu.memory_space<hbm>> -> memref<128xi32, #tpu.memory_space<hbm>>
        %dma_wait3A_114 = arith.constant 0 : i32
        %dma_wait3A_115 = tpu.memref_slice %arg3[%dma_wait3A_114] : memref<327680xi32, #tpu.memory_space<hbm>> -> memref<128xi32, #tpu.memory_space<hbm>>
        tpu.wait_dma2 semaphore(%arg21 : memref<!tpu.dma_semaphore, #tpu.memory_space<semaphore_mem>>) src(%dma_wait3A_115 : memref<128xi32, #tpu.memory_space<hbm>>) dst(%arg9 : memref<128xi32, #tpu.memory_space<vmem>>)
        %dma_wait3A_116 = arith.constant 0 : i32
        %dma_wait3A_117 = tpu.memref_slice %arg4[%dma_wait3A_116] : memref<327680xi32, #tpu.memory_space<hbm>> -> memref<128xi32, #tpu.memory_space<hbm>>
        %dma_wait3A_118 = arith.constant 0 : i32
        %dma_wait3A_119 = tpu.memref_slice %arg4[%dma_wait3A_118] : memref<327680xi32, #tpu.memory_space<hbm>> -> memref<128xi32, #tpu.memory_space<hbm>>
        tpu.wait_dma2 semaphore(%arg21 : memref<!tpu.dma_semaphore, #tpu.memory_space<semaphore_mem>>) src(%dma_wait3A_119 : memref<128xi32, #tpu.memory_space<hbm>>) dst(%arg11 : memref<128xi32, #tpu.memory_space<vmem>>)
        %dma_wait3A_120 = arith.constant 0 : i32
        %dma_wait3A_121 = tpu.memref_slice %arg5[%dma_wait3A_120] : memref<327680xi32, #tpu.memory_space<hbm>> -> memref<128xi32, #tpu.memory_space<hbm>>
        %dma_wait3A_122 = arith.constant 0 : i32
        %dma_wait3A_123 = tpu.memref_slice %arg5[%dma_wait3A_122] : memref<327680xi32, #tpu.memory_space<hbm>> -> memref<128xi32, #tpu.memory_space<hbm>>
        tpu.wait_dma2 semaphore(%arg21 : memref<!tpu.dma_semaphore, #tpu.memory_space<semaphore_mem>>) src(%dma_wait3A_123 : memref<128xi32, #tpu.memory_space<hbm>>) dst(%arg13 : memref<128xi32, #tpu.memory_space<vmem>>)
        %dma_start3A_124 = arith.constant 0 : i32
        %dma_start3A_125 = arith.constant 0 : i32
        %dma_start3A_126 = tpu.memref_slice %arg2[%dma_start3A_124, %dma_start3A_125] : memref<10000x128xf32, #tpu.memory_space<hbm>> -> memref<10000x128xf32, #tpu.memory_space<hbm>>
        tpu.enqueue_indirect_dma source(%dma_start3A_126 : memref<10000x128xf32, #tpu.memory_space<hbm>>) target(%arg15 : memref<128x128xf32, #tpu.memory_space<vmem>>) offsets(%arg9 : memref<128xi32, #tpu.memory_space<vmem>>) semaphore(%arg18 : memref<!tpu.dma_semaphore, #tpu.memory_space<semaphore_mem>>)
      } else {
      }
      %dma_wait3A_96 = arith.constant 0 : i32
      %dma_wait3A_97 = arith.constant 0 : i32
      %dma_wait3A_98 = tpu.memref_slice %arg6[%dma_wait3A_96, %dma_wait3A_97] : memref<512x128xf32, #tpu.memory_space<hbm>> -> memref<512x128xf32, #tpu.memory_space<hbm>>
      tpu.wait_indirect_dma semaphore(%arg20 : memref<!tpu.dma_semaphore, #tpu.memory_space<semaphore_mem>>) src(%dma_wait3A_98 : memref<512x128xf32, #tpu.memory_space<hbm>>) dst(%arg16 : memref<128x128xf32, #tpu.memory_space<vmem>>)
      %scan3A_99 = arith.constant 0 : i32
      %scan3A_100 = arith.constant 0 : i32
      %scan3A_101 = arith.constant 128 : i32
      %scan3A_102 = arith.addi %scan3A_100, %scan3A_101 : i32
      %scan3A_103 = arith.constant 1 : i32
      scf.for %scan3A_112 = %scan3A_100 to %scan3A_102 step %scan3A_103  : i32 {
        %get3A = arith.index_cast %scan3A_112 : i32 to index
        %get3A_113 = arith.constant 0 : index
        %get3A_114 = tpu.vector_load %arg16[%get3A, %get3A_113] {strides = array<i32>} : memref<128x128xf32, #tpu.memory_space<vmem>>, vector<1x16xf32>,
        %get3A_115 = vector.shape_cast %get3A_114 : vector<1x16xf32> to vector<16xf32>
        %max3A = arith.constant 0.000000e+00 : f32
        %max3A_116 = vector.broadcast %max3A : f32 to vector<16xf32>
        %max3A_117 = arith.maximumf %get3A_115, %max3A_116 : vector<16xf32>
        %swap3A = arith.index_cast %scan3A_112 : i32 to index
        %swap3A_118 = arith.constant 0 : index
        %swap3A_119 = tpu.vector_load %arg16[%swap3A, %swap3A_118] {strides = array<i32>} : memref<128x128xf32, #tpu.memory_space<vmem>>, vector<1x16xf32>,
        %swap3A_120 = vector.shape_cast %swap3A_119 : vector<1x16xf32> to vector<16xf32>
        %swap3A_121 = vector.shape_cast %max3A_117 : vector<16xf32> to vector<1x16xf32>
        tpu.vector_store %arg16[%swap3A, %swap3A_118], %swap3A_121 {strides = array<i32>} : memref<128x128xf32, #tpu.memory_space<vmem>>, vector<1x16xf32>,
        %get3A_122 = arith.index_cast %scan3A_112 : i32 to index
        %get3A_123 = arith.constant 16 : index
        %get3A_124 = tpu.vector_load %arg16[%get3A_122, %get3A_123] {strides = array<i32>} : memref<128x128xf32, #tpu.memory_space<vmem>>, vector<1x16xf32>,
        %get3A_125 = vector.shape_cast %get3A_124 : vector<1x16xf32> to vector<16xf32>
        %max3A_126 = arith.constant 0.000000e+00 : f32
        %max3A_127 = vector.broadcast %max3A_126 : f32 to vector<16xf32>
        %max3A_128 = arith.maximumf %get3A_125, %max3A_127 : vector<16xf32>
        %swap3A_129 = arith.index_cast %scan3A_112 : i32 to index
        %swap3A_130 = arith.constant 16 : index
        %swap3A_131 = tpu.vector_load %arg16[%swap3A_129, %swap3A_130] {strides = array<i32>} : memref<128x128xf32, #tpu.memory_space<vmem>>, vector<1x16xf32>,
        %swap3A_132 = vector.shape_cast %swap3A_131 : vector<1x16xf32> to vector<16xf32>
        %swap3A_133 = vector.shape_cast %max3A_128 : vector<16xf32> to vector<1x16xf32>
        tpu.vector_store %arg16[%swap3A_129, %swap3A_130], %swap3A_133 {strides = array<i32>} : memref<128x128xf32, #tpu.memory_space<vmem>>, vector<1x16xf32>,
        %get3A_134 = arith.index_cast %scan3A_112 : i32 to index
        %get3A_135 = arith.constant 32 : index
        %get3A_136 = tpu.vector_load %arg16[%get3A_134, %get3A_135] {strides = array<i32>} : memref<128x128xf32, #tpu.memory_space<vmem>>, vector<1x16xf32>,
        %get3A_137 = vector.shape_cast %get3A_136 : vector<1x16xf32> to vector<16xf32>
        %max3A_138 = arith.constant 0.000000e+00 : f32
        %max3A_139 = vector.broadcast %max3A_138 : f32 to vector<16xf32>
        %max3A_140 = arith.maximumf %get3A_137, %max3A_139 : vector<16xf32>
        %swap3A_141 = arith.index_cast %scan3A_112 : i32 to index
        %swap3A_142 = arith.constant 32 : index
        %swap3A_143 = tpu.vector_load %arg16[%swap3A_141, %swap3A_142] {strides = array<i32>} : memref<128x128xf32, #tpu.memory_space<vmem>>, vector<1x16xf32>,
        %swap3A_144 = vector.shape_cast %swap3A_143 : vector<1x16xf32> to vector<16xf32>
        %swap3A_145 = vector.shape_cast %max3A_140 : vector<16xf32> to vector<1x16xf32>
        tpu.vector_store %arg16[%swap3A_141, %swap3A_142], %swap3A_145 {strides = array<i32>} : memref<128x128xf32, #tpu.memory_space<vmem>>, vector<1x16xf32>,
        %get3A_146 = arith.index_cast %scan3A_112 : i32 to index
        %get3A_147 = arith.constant 48 : index
        %get3A_148 = tpu.vector_load %arg16[%get3A_146, %get3A_147] {strides = array<i32>} : memref<128x128xf32, #tpu.memory_space<vmem>>, vector<1x16xf32>,
        %get3A_149 = vector.shape_cast %get3A_148 : vector<1x16xf32> to vector<16xf32>
        %max3A_150 = arith.constant 0.000000e+00 : f32
        %max3A_151 = vector.broadcast %max3A_150 : f32 to vector<16xf32>
        %max3A_152 = arith.maximumf %get3A_149, %max3A_151 : vector<16xf32>
        %swap3A_153 = arith.index_cast %scan3A_112 : i32 to index
        %swap3A_154 = arith.constant 48 : index
        %swap3A_155 = tpu.vector_load %arg16[%swap3A_153, %swap3A_154] {strides = array<i32>} : memref<128x128xf32, #tpu.memory_space<vmem>>, vector<1x16xf32>,
        %swap3A_156 = vector.shape_cast %swap3A_155 : vector<1x16xf32> to vector<16xf32>
        %swap3A_157 = vector.shape_cast %max3A_152 : vector<16xf32> to vector<1x16xf32>
        tpu.vector_store %arg16[%swap3A_153, %swap3A_154], %swap3A_157 {strides = array<i32>} : memref<128x128xf32, #tpu.memory_space<vmem>>, vector<1x16xf32>,
        %get3A_158 = arith.index_cast %scan3A_112 : i32 to index
        %get3A_159 = arith.constant 64 : index
        %get3A_160 = tpu.vector_load %arg16[%get3A_158, %get3A_159] {strides = array<i32>} : memref<128x128xf32, #tpu.memory_space<vmem>>, vector<1x16xf32>,
        %get3A_161 = vector.shape_cast %get3A_160 : vector<1x16xf32> to vector<16xf32>
        %max3A_162 = arith.constant 0.000000e+00 : f32
        %max3A_163 = vector.broadcast %max3A_162 : f32 to vector<16xf32>
        %max3A_164 = arith.maximumf %get3A_161, %max3A_163 : vector<16xf32>
        %swap3A_165 = arith.index_cast %scan3A_112 : i32 to index
        %swap3A_166 = arith.constant 64 : index
        %swap3A_167 = tpu.vector_load %arg16[%swap3A_165, %swap3A_166] {strides = array<i32>} : memref<128x128xf32, #tpu.memory_space<vmem>>, vector<1x16xf32>,
        %swap3A_168 = vector.shape_cast %swap3A_167 : vector<1x16xf32> to vector<16xf32>
        %swap3A_169 = vector.shape_cast %max3A_164 : vector<16xf32> to vector<1x16xf32>
        tpu.vector_store %arg16[%swap3A_165, %swap3A_166], %swap3A_169 {strides = array<i32>} : memref<128x128xf32, #tpu.memory_space<vmem>>, vector<1x16xf32>,
        %get3A_170 = arith.index_cast %scan3A_112 : i32 to index
        %get3A_171 = arith.constant 80 : index
        %get3A_172 = tpu.vector_load %arg16[%get3A_170, %get3A_171] {strides = array<i32>} : memref<128x128xf32, #tpu.memory_space<vmem>>, vector<1x16xf32>,
        %get3A_173 = vector.shape_cast %get3A_172 : vector<1x16xf32> to vector<16xf32>
        %max3A_174 = arith.constant 0.000000e+00 : f32
        %max3A_175 = vector.broadcast %max3A_174 : f32 to vector<16xf32>
        %max3A_176 = arith.maximumf %get3A_173, %max3A_175 : vector<16xf32>
        %swap3A_177 = arith.index_cast %scan3A_112 : i32 to index
        %swap3A_178 = arith.constant 80 : index
        %swap3A_179 = tpu.vector_load %arg16[%swap3A_177, %swap3A_178] {strides = array<i32>} : memref<128x128xf32, #tpu.memory_space<vmem>>, vector<1x16xf32>,
        %swap3A_180 = vector.shape_cast %swap3A_179 : vector<1x16xf32> to vector<16xf32>
        %swap3A_181 = vector.shape_cast %max3A_176 : vector<16xf32> to vector<1x16xf32>
        tpu.vector_store %arg16[%swap3A_177, %swap3A_178], %swap3A_181 {strides = array<i32>} : memref<128x128xf32, #tpu.memory_space<vmem>>, vector<1x16xf32>,
        %get3A_182 = arith.index_cast %scan3A_112 : i32 to index
        %get3A_183 = arith.constant 96 : index
        %get3A_184 = tpu.vector_load %arg16[%get3A_182, %get3A_183] {strides = array<i32>} : memref<128x128xf32, #tpu.memory_space<vmem>>, vector<1x16xf32>,
        %get3A_185 = vector.shape_cast %get3A_184 : vector<1x16xf32> to vector<16xf32>
        %max3A_186 = arith.constant 0.000000e+00 : f32
        %max3A_187 = vector.broadcast %max3A_186 : f32 to vector<16xf32>
        %max3A_188 = arith.maximumf %get3A_185, %max3A_187 : vector<16xf32>
        %swap3A_189 = arith.index_cast %scan3A_112 : i32 to index
        %swap3A_190 = arith.constant 96 : index
        %swap3A_191 = tpu.vector_load %arg16[%swap3A_189, %swap3A_190] {strides = array<i32>} : memref<128x128xf32, #tpu.memory_space<vmem>>, vector<1x16xf32>,
        %swap3A_192 = vector.shape_cast %swap3A_191 : vector<1x16xf32> to vector<16xf32>
        %swap3A_193 = vector.shape_cast %max3A_188 : vector<16xf32> to vector<1x16xf32>
        tpu.vector_store %arg16[%swap3A_189, %swap3A_190], %swap3A_193 {strides = array<i32>} : memref<128x128xf32, #tpu.memory_space<vmem>>, vector<1x16xf32>,
        %get3A_194 = arith.index_cast %scan3A_112 : i32 to index
        %get3A_195 = arith.constant 112 : index
        %get3A_196 = tpu.vector_load %arg16[%get3A_194, %get3A_195] {strides = array<i32>} : memref<128x128xf32, #tpu.memory_space<vmem>>, vector<1x16xf32>,
        %get3A_197 = vector.shape_cast %get3A_196 : vector<1x16xf32> to vector<16xf32>
        %max3A_198 = arith.constant 0.000000e+00 : f32
        %max3A_199 = vector.broadcast %max3A_198 : f32 to vector<16xf32>
        %max3A_200 = arith.maximumf %get3A_197, %max3A_199 : vector<16xf32>
        %swap3A_201 = arith.index_cast %scan3A_112 : i32 to index
        %swap3A_202 = arith.constant 112 : index
        %swap3A_203 = tpu.vector_load %arg16[%swap3A_201, %swap3A_202] {strides = array<i32>} : memref<128x128xf32, #tpu.memory_space<vmem>>, vector<1x16xf32>,
        %swap3A_204 = vector.shape_cast %swap3A_203 : vector<1x16xf32> to vector<16xf32>
        %swap3A_205 = vector.shape_cast %max3A_200 : vector<16xf32> to vector<1x16xf32>
        tpu.vector_store %arg16[%swap3A_201, %swap3A_202], %swap3A_205 {strides = array<i32>} : memref<128x128xf32, #tpu.memory_space<vmem>>, vector<1x16xf32>,
      }
      %scan3A_104 = arith.constant 128 : i32
      "tpu.region"() ({
        %run_scoped3A = tpu.sem_alloc : memref<!tpu.dma_semaphore, #tpu.memory_space<semaphore_mem>>
        %dma_start3A_112 = arith.constant 0 : i32
        %dma_start3A_113 = arith.constant 0 : i32
        %dma_start3A_114 = tpu.memref_slice %arg17[%dma_start3A_112, %dma_start3A_113] : memref<10240x128xf32, #tpu.memory_space<vmem_shared>> -> memref<10240x128xf32, #tpu.memory_space<vmem_shared>>
        tpu.enqueue_indirect_dma source(%arg16 : memref<128x128xf32, #tpu.memory_space<vmem>>) target(%dma_start3A_114 : memref<10240x128xf32, #tpu.memory_space<vmem_shared>>) offsets(%arg12 : memref<128xi32, #tpu.memory_space<vmem>>) semaphore(%run_scoped3A : memref<!tpu.dma_semaphore, #tpu.memory_space<semaphore_mem>>) {add = true}
        %dma_wait3A_115 = arith.constant 0 : i32
        %dma_wait3A_116 = arith.constant 0 : i32
        %dma_wait3A_117 = tpu.memref_slice %arg17[%dma_wait3A_115, %dma_wait3A_116] : memref<10240x128xf32, #tpu.memory_space<vmem_shared>> -> memref<10240x128xf32, #tpu.memory_space<vmem_shared>>
        tpu.wait_indirect_dma semaphore(%run_scoped3A : memref<!tpu.dma_semaphore, #tpu.memory_space<semaphore_mem>>) src(%arg16 : memref<128x128xf32, #tpu.memory_space<vmem>>) dst(%dma_wait3A_117 : memref<10240x128xf32, #tpu.memory_space<vmem_shared>>)
        tpu.yield
      }) : () -> ()
      %add3A_105 = arith.constant 2 : i32
      %add3A_106 = arith.addi %add3A_82, %add3A_105 : i32
      %lt3A_107 = arith.constant 80 : i32
      %lt3A_108 = arith.cmpi slt, %add3A_106, %lt3A_107 : i32
      %convert_element_type3A_109 = arith.extui %lt3A_108 : i1 to i32
      %cond3A_110 = arith.constant 0 : i32
      %cond3A_111 = arith.cmpi ne, %convert_element_type3A_109, %cond3A_110 : i32
      scf.if %cond3A_111 {
        %add3A_112 = arith.constant 2 : i32
        %add3A_113 = arith.addi %add3A_82, %add3A_112 : i32
        %add3A_114 = arith.addi %mul3A_2, %add3A_113 : i32
        %mul3A_115 = arith.constant 128 : i32
        %mul3A_116 = arith.muli %add3A_114, %mul3A_115 : i32
        %dma_start3A_117 = tpu.memref_slice %arg3[%mul3A_116] : memref<327680xi32, #tpu.memory_space<hbm>> -> memref<128xi32, #tpu.memory_space<hbm>>
        %dma_start3A_118 = tpu.memref_slice %arg3[%mul3A_116] : memref<327680xi32, #tpu.memory_space<hbm>> -> memref<128xi32, #tpu.memory_space<hbm>>
        tpu.enqueue_dma source(%dma_start3A_118 : memref<128xi32, #tpu.memory_space<hbm>>) target(%arg10 : memref<128xi32, #tpu.memory_space<vmem>>) target_semaphore(%arg22 : memref<!tpu.dma_semaphore, #tpu.memory_space<semaphore_mem>>)
        %add3A_119 = arith.constant 2 : i32
        %add3A_120 = arith.addi %add3A_82, %add3A_119 : i32
        %add3A_121 = arith.addi %mul3A_2, %add3A_120 : i32
        %mul3A_122 = arith.constant 128 : i32
        %mul3A_123 = arith.muli %add3A_121, %mul3A_122 : i32
        %dma_start3A_124 = tpu.memref_slice %arg4[%mul3A_123] : memref<327680xi32, #tpu.memory_space<hbm>> -> memref<128xi32, #tpu.memory_space<hbm>>
        %dma_start3A_125 = tpu.memref_slice %arg4[%mul3A_123] : memref<327680xi32, #tpu.memory_space<hbm>> -> memref<128xi32, #tpu.memory_space<hbm>>
        tpu.enqueue_dma source(%dma_start3A_125 : memref<128xi32, #tpu.memory_space<hbm>>) target(%arg12 : memref<128xi32, #tpu.memory_space<vmem>>) target_semaphore(%arg22 : memref<!tpu.dma_semaphore, #tpu.memory_space<semaphore_mem>>)
        %add3A_126 = arith.constant 2 : i32
        %add3A_127 = arith.addi %add3A_82, %add3A_126 : i32
        %add3A_128 = arith.addi %mul3A_2, %add3A_127 : i32
        %mul3A_129 = arith.constant 128 : i32
        %mul3A_130 = arith.muli %add3A_128, %mul3A_129 : i32
        %dma_start3A_131 = tpu.memref_slice %arg5[%mul3A_130] : memref<327680xi32, #tpu.memory_space<hbm>> -> memref<128xi32, #tpu.memory_space<hbm>>
        %dma_start3A_132 = tpu.memref_slice %arg5[%mul3A_130] : memref<327680xi32, #tpu.memory_space<hbm>> -> memref<128xi32, #tpu.memory_space<hbm>>
        tpu.enqueue_dma source(%dma_start3A_132 : memref<128xi32, #tpu.memory_space<hbm>>) target(%arg14 : memref<128xi32, #tpu.memory_space<vmem>>) target_semaphore(%arg22 : memref<!tpu.dma_semaphore, #tpu.memory_space<semaphore_mem>>)
      } else {
      }
    }
    %scan3A_43 = arith.constant 40 : i32
    %barrier3A_44 = arith.constant 0 : index
    tpu.barrier barrier_id(%barrier3A_44)
    %mul3A_45 = arith.constant 640 : i32
    %mul3A_46 = arith.muli %arg1, %mul3A_45 : i32
    %mul3A_47 = arith.constant 640 : i32
    %mul3A_48 = arith.muli %arg1, %mul3A_47 : i32
    "tpu.region"() ({
      %run_scoped3A = tpu.sem_alloc : memref<!tpu.dma_semaphore, #tpu.memory_space<semaphore_mem>>
      %dma_start3A_49 = arith.constant 0 : i32
      %dma_start3A_50 = tpu.memref_slice %arg8[%arg0, %mul3A_48, %dma_start3A_49] : memref<2x10240x128xf32, #tpu.memory_space<hbm>> -> memref<1x640x128xf32, #tpu.memory_space<hbm>>
      %dma_start3A_51 = tpu.memref_squeeze %dma_start3A_50 : memref<1x640x128xf32, #tpu.memory_space<hbm>> -> memref<640x128xf32, #tpu.memory_space<hbm>>
      %dma_start3A_52 = arith.constant 0 : i32
      %dma_start3A_53 = tpu.memref_slice %arg17[%mul3A_46, %dma_start3A_52] : memref<10240x128xf32, #tpu.memory_space<vmem_shared>> -> memref<640x128xf32, #tpu.memory_space<vmem_shared>>
      tpu.enqueue_dma source(%dma_start3A_53 : memref<640x128xf32, #tpu.memory_space<vmem_shared>>) target(%dma_start3A_51 : memref<640x128xf32, #tpu.memory_space<hbm>>) target_semaphore(%run_scoped3A : memref<!tpu.dma_semaphore, #tpu.memory_space<semaphore_mem>>)
      %dma_wait3A = arith.constant 0 : i32
      %dma_wait3A_54 = tpu.memref_slice %arg8[%arg0, %mul3A_48, %dma_wait3A] : memref<2x10240x128xf32, #tpu.memory_space<hbm>> -> memref<1x640x128xf32, #tpu.memory_space<hbm>>
      %dma_wait3A_55 = tpu.memref_squeeze %dma_wait3A_54 : memref<1x640x128xf32, #tpu.memory_space<hbm>> -> memref<640x128xf32, #tpu.memory_space<hbm>>
      %dma_wait3A_56 = arith.constant 0 : i32
      %dma_wait3A_57 = tpu.memref_slice %arg17[%mul3A_46, %dma_wait3A_56] : memref<10240x128xf32, #tpu.memory_space<vmem_shared>> -> memref<640x128xf32, #tpu.memory_space<vmem_shared>>
      tpu.wait_dma2 semaphore(%run_scoped3A : memref<!tpu.dma_semaphore, #tpu.memory_space<semaphore_mem>>) src(%dma_wait3A_57 : memref<640x128xf32, #tpu.memory_space<vmem_shared>>) dst(%dma_wait3A_55 : memref<640x128xf32, #tpu.memory_space<hbm>>)
      tpu.yield
    }) : () -> ()
    return
  }
}

module attributes {stable_mosaic.version = 14 : i64} {
  func.func @_encode_body(%arg0: i32, %arg1: memref<1000x9xi32, #tpu.memory_space<vmem>>, %arg2: memref<3x2500x128xi32, #tpu.memory_space<vmem>>, %arg3: memref<9x100x128xf32, #tpu.memory_space<vmem>>, %arg4: memref<3x3x8x128xf32, #tpu.memory_space<vmem>>, %arg5: memref<1000x128xf32, #tpu.memory_space<vmem>>, %arg6: memref<2500x128xi32, #tpu.memory_space<vmem>>, %arg7: memref<3x512x128xf32, #tpu.memory_space<vmem>>) attributes {dimension_semantics = [#tpu.dimension_semantics<arbitrary>], iteration_bounds = array<i64: 10>, scalar_prefetch = 0 : i64, scratch_operands = 0 : i64, tpu.core_type = #tpu.core_type<tc>, window_params = [{transform_indices = @transform_0, window_bounds = array<i64: 1000, 9>}, {pipeline_mode = #tpu.pipeline_mode<synchronous>, transform_indices = @transform_1, window_bounds = array<i64: 3, 2500, 128>}, {pipeline_mode = #tpu.pipeline_mode<synchronous>, transform_indices = @transform_2, window_bounds = array<i64: 9, 100, 128>}, {pipeline_mode = #tpu.pipeline_mode<synchronous>, transform_indices = @transform_3, window_bounds = array<i64: 3, 3, 8, 128>}, {transform_indices = @transform_4, window_bounds = array<i64: 1000, 128>}, {pipeline_mode = #tpu.pipeline_mode<synchronous>, transform_indices = @transform_5, window_bounds = array<i64: 2500, 128>}, {pipeline_mode = #tpu.pipeline_mode<synchronous>, transform_indices = @transform_6, window_bounds = array<i64: 3, 512, 128>}]} {
    %broadcast_in_dim3A = arith.constant 0.000000e+00 : f32
    %broadcast_in_dim3A_0 = vector.broadcast %broadcast_in_dim3A : f32 to vector<1000x128xf32>
    %get3A = arith.constant 0 : index
    %get3A_1 = arith.constant 0 : index
    %get3A_2 = vector.load %arg1[%get3A, %get3A_1] : memref<1000x9xi32, #tpu.memory_space<vmem>>, vector<1000x1xi32>
    %iota3A = tpu.iota {dimensions = array<i32: 1>} : vector<1x100xi32>
    %eq3A = vector.broadcast %get3A_2 : vector<1000x1xi32> to vector<1000x100xi32>
    %eq3A_3 = vector.broadcast %iota3A : vector<1x100xi32> to vector<1000x100xi32>
    %eq3A_4 = arith.cmpi eq, %eq3A, %eq3A_3 : vector<1000x100xi32>
    %convert_element_type3A = arith.extui %eq3A_4 : vector<1000x100xi1> to vector<1000x100xi32>
    %convert_element_type3A_5 = arith.sitofp %convert_element_type3A : vector<1000x100xi32> to vector<1000x100xf32>
    %get3A_6 = arith.constant 0 : index
    %get3A_7 = arith.constant 0 : index
    %get3A_8 = arith.constant 0 : index
    %get3A_9 = vector.load %arg3[%get3A_6, %get3A_7, %get3A_8] : memref<9x100x128xf32, #tpu.memory_space<vmem>>, vector<1x100x128xf32>
    %get3A_10 = vector.shape_cast %get3A_9 : vector<1x100x128xf32> to vector<100x128xf32>
    %dot_general3A = arith.constant dense<0.000000e+00> : vector<1000x128xf32>
    %dot_general3A_11 = tpu.matmul %convert_element_type3A_5, %get3A_10, %dot_general3A {dimension_numbers = #tpu.dot_dimension_numbers<[1], [0], [0], [1], [0, 0, 1, 1], [], []>, precision = #tpu.contract_precision<fp32>, transpose_lhs_hint = false} : vector<1000x100xf32>, vector<100x128xf32>, vector<1000x128xf32> -> vector<1000x128xf32>
    %add3A = arith.addf %broadcast_in_dim3A_0, %dot_general3A_11 : vector<1000x128xf32>
    %get3A_12 = arith.constant 0 : index
    %get3A_13 = arith.constant 1 : index
    %get3A_14 = vector.load %arg1[%get3A_12, %get3A_13] : memref<1000x9xi32, #tpu.memory_space<vmem>>, vector<1000x1xi32>
    %iota3A_15 = tpu.iota {dimensions = array<i32: 1>} : vector<1x100xi32>
    %eq3A_16 = vector.broadcast %get3A_14 : vector<1000x1xi32> to vector<1000x100xi32>
    %eq3A_17 = vector.broadcast %iota3A_15 : vector<1x100xi32> to vector<1000x100xi32>
    %eq3A_18 = arith.cmpi eq, %eq3A_16, %eq3A_17 : vector<1000x100xi32>
    %convert_element_type3A_19 = arith.extui %eq3A_18 : vector<1000x100xi1> to vector<1000x100xi32>
    %convert_element_type3A_20 = arith.sitofp %convert_element_type3A_19 : vector<1000x100xi32> to vector<1000x100xf32>
    %get3A_21 = arith.constant 1 : index
    %get3A_22 = arith.constant 0 : index
    %get3A_23 = arith.constant 0 : index
    %get3A_24 = vector.load %arg3[%get3A_21, %get3A_22, %get3A_23] : memref<9x100x128xf32, #tpu.memory_space<vmem>>, vector<1x100x128xf32>
    %get3A_25 = vector.shape_cast %get3A_24 : vector<1x100x128xf32> to vector<100x128xf32>
    %dot_general3A_26 = arith.constant dense<0.000000e+00> : vector<1000x128xf32>
    %dot_general3A_27 = tpu.matmul %convert_element_type3A_20, %get3A_25, %dot_general3A_26 {dimension_numbers = #tpu.dot_dimension_numbers<[1], [0], [0], [1], [0, 0, 1, 1], [], []>, precision = #tpu.contract_precision<fp32>, transpose_lhs_hint = false} : vector<1000x100xf32>, vector<100x128xf32>, vector<1000x128xf32> -> vector<1000x128xf32>
    %add3A_28 = arith.addf %add3A, %dot_general3A_27 : vector<1000x128xf32>
    %get3A_29 = arith.constant 0 : index
    %get3A_30 = arith.constant 2 : index
    %get3A_31 = vector.load %arg1[%get3A_29, %get3A_30] : memref<1000x9xi32, #tpu.memory_space<vmem>>, vector<1000x1xi32>
    %iota3A_32 = tpu.iota {dimensions = array<i32: 1>} : vector<1x100xi32>
    %eq3A_33 = vector.broadcast %get3A_31 : vector<1000x1xi32> to vector<1000x100xi32>
    %eq3A_34 = vector.broadcast %iota3A_32 : vector<1x100xi32> to vector<1000x100xi32>
    %eq3A_35 = arith.cmpi eq, %eq3A_33, %eq3A_34 : vector<1000x100xi32>
    %convert_element_type3A_36 = arith.extui %eq3A_35 : vector<1000x100xi1> to vector<1000x100xi32>
    %convert_element_type3A_37 = arith.sitofp %convert_element_type3A_36 : vector<1000x100xi32> to vector<1000x100xf32>
    %get3A_38 = arith.constant 2 : index
    %get3A_39 = arith.constant 0 : index
    %get3A_40 = arith.constant 0 : index
    %get3A_41 = vector.load %arg3[%get3A_38, %get3A_39, %get3A_40] : memref<9x100x128xf32, #tpu.memory_space<vmem>>, vector<1x100x128xf32>
    %get3A_42 = vector.shape_cast %get3A_41 : vector<1x100x128xf32> to vector<100x128xf32>
    %dot_general3A_43 = arith.constant dense<0.000000e+00> : vector<1000x128xf32>
    %dot_general3A_44 = tpu.matmul %convert_element_type3A_37, %get3A_42, %dot_general3A_43 {dimension_numbers = #tpu.dot_dimension_numbers<[1], [0], [0], [1], [0, 0, 1, 1], [], []>, precision = #tpu.contract_precision<fp32>, transpose_lhs_hint = false} : vector<1000x100xf32>, vector<100x128xf32>, vector<1000x128xf32> -> vector<1000x128xf32>
    %add3A_45 = arith.addf %add3A_28, %dot_general3A_44 : vector<1000x128xf32>
    %get3A_46 = arith.constant 0 : index
    %get3A_47 = arith.constant 3 : index
    %get3A_48 = vector.load %arg1[%get3A_46, %get3A_47] : memref<1000x9xi32, #tpu.memory_space<vmem>>, vector<1000x1xi32>
    %iota3A_49 = tpu.iota {dimensions = array<i32: 1>} : vector<1x100xi32>
    %eq3A_50 = vector.broadcast %get3A_48 : vector<1000x1xi32> to vector<1000x100xi32>
    %eq3A_51 = vector.broadcast %iota3A_49 : vector<1x100xi32> to vector<1000x100xi32>
    %eq3A_52 = arith.cmpi eq, %eq3A_50, %eq3A_51 : vector<1000x100xi32>
    %convert_element_type3A_53 = arith.extui %eq3A_52 : vector<1000x100xi1> to vector<1000x100xi32>
    %convert_element_type3A_54 = arith.sitofp %convert_element_type3A_53 : vector<1000x100xi32> to vector<1000x100xf32>
    %get3A_55 = arith.constant 3 : index
    %get3A_56 = arith.constant 0 : index
    %get3A_57 = arith.constant 0 : index
    %get3A_58 = vector.load %arg3[%get3A_55, %get3A_56, %get3A_57] : memref<9x100x128xf32, #tpu.memory_space<vmem>>, vector<1x100x128xf32>
    %get3A_59 = vector.shape_cast %get3A_58 : vector<1x100x128xf32> to vector<100x128xf32>
    %dot_general3A_60 = arith.constant dense<0.000000e+00> : vector<1000x128xf32>
    %dot_general3A_61 = tpu.matmul %convert_element_type3A_54, %get3A_59, %dot_general3A_60 {dimension_numbers = #tpu.dot_dimension_numbers<[1], [0], [0], [1], [0, 0, 1, 1], [], []>, precision = #tpu.contract_precision<fp32>, transpose_lhs_hint = false} : vector<1000x100xf32>, vector<100x128xf32>, vector<1000x128xf32> -> vector<1000x128xf32>
    %add3A_62 = arith.addf %add3A_45, %dot_general3A_61 : vector<1000x128xf32>
    %get3A_63 = arith.constant 0 : index
    %get3A_64 = arith.constant 4 : index
    %get3A_65 = vector.load %arg1[%get3A_63, %get3A_64] : memref<1000x9xi32, #tpu.memory_space<vmem>>, vector<1000x1xi32>
    %iota3A_66 = tpu.iota {dimensions = array<i32: 1>} : vector<1x100xi32>
    %eq3A_67 = vector.broadcast %get3A_65 : vector<1000x1xi32> to vector<1000x100xi32>
    %eq3A_68 = vector.broadcast %iota3A_66 : vector<1x100xi32> to vector<1000x100xi32>
    %eq3A_69 = arith.cmpi eq, %eq3A_67, %eq3A_68 : vector<1000x100xi32>
    %convert_element_type3A_70 = arith.extui %eq3A_69 : vector<1000x100xi1> to vector<1000x100xi32>
    %convert_element_type3A_71 = arith.sitofp %convert_element_type3A_70 : vector<1000x100xi32> to vector<1000x100xf32>
    %get3A_72 = arith.constant 4 : index
    %get3A_73 = arith.constant 0 : index
    %get3A_74 = arith.constant 0 : index
    %get3A_75 = vector.load %arg3[%get3A_72, %get3A_73, %get3A_74] : memref<9x100x128xf32, #tpu.memory_space<vmem>>, vector<1x100x128xf32>
    %get3A_76 = vector.shape_cast %get3A_75 : vector<1x100x128xf32> to vector<100x128xf32>
    %dot_general3A_77 = arith.constant dense<0.000000e+00> : vector<1000x128xf32>
    %dot_general3A_78 = tpu.matmul %convert_element_type3A_71, %get3A_76, %dot_general3A_77 {dimension_numbers = #tpu.dot_dimension_numbers<[1], [0], [0], [1], [0, 0, 1, 1], [], []>, precision = #tpu.contract_precision<fp32>, transpose_lhs_hint = false} : vector<1000x100xf32>, vector<100x128xf32>, vector<1000x128xf32> -> vector<1000x128xf32>
    %add3A_79 = arith.addf %add3A_62, %dot_general3A_78 : vector<1000x128xf32>
    %get3A_80 = arith.constant 0 : index
    %get3A_81 = arith.constant 5 : index
    %get3A_82 = vector.load %arg1[%get3A_80, %get3A_81] : memref<1000x9xi32, #tpu.memory_space<vmem>>, vector<1000x1xi32>
    %iota3A_83 = tpu.iota {dimensions = array<i32: 1>} : vector<1x100xi32>
    %eq3A_84 = vector.broadcast %get3A_82 : vector<1000x1xi32> to vector<1000x100xi32>
    %eq3A_85 = vector.broadcast %iota3A_83 : vector<1x100xi32> to vector<1000x100xi32>
    %eq3A_86 = arith.cmpi eq, %eq3A_84, %eq3A_85 : vector<1000x100xi32>
    %convert_element_type3A_87 = arith.extui %eq3A_86 : vector<1000x100xi1> to vector<1000x100xi32>
    %convert_element_type3A_88 = arith.sitofp %convert_element_type3A_87 : vector<1000x100xi32> to vector<1000x100xf32>
    %get3A_89 = arith.constant 5 : index
    %get3A_90 = arith.constant 0 : index
    %get3A_91 = arith.constant 0 : index
    %get3A_92 = vector.load %arg3[%get3A_89, %get3A_90, %get3A_91] : memref<9x100x128xf32, #tpu.memory_space<vmem>>, vector<1x100x128xf32>
    %get3A_93 = vector.shape_cast %get3A_92 : vector<1x100x128xf32> to vector<100x128xf32>
    %dot_general3A_94 = arith.constant dense<0.000000e+00> : vector<1000x128xf32>
    %dot_general3A_95 = tpu.matmul %convert_element_type3A_88, %get3A_93, %dot_general3A_94 {dimension_numbers = #tpu.dot_dimension_numbers<[1], [0], [0], [1], [0, 0, 1, 1], [], []>, precision = #tpu.contract_precision<fp32>, transpose_lhs_hint = false} : vector<1000x100xf32>, vector<100x128xf32>, vector<1000x128xf32> -> vector<1000x128xf32>
    %add3A_96 = arith.addf %add3A_79, %dot_general3A_95 : vector<1000x128xf32>
    %get3A_97 = arith.constant 0 : index
    %get3A_98 = arith.constant 6 : index
    %get3A_99 = vector.load %arg1[%get3A_97, %get3A_98] : memref<1000x9xi32, #tpu.memory_space<vmem>>, vector<1000x1xi32>
    %iota3A_100 = tpu.iota {dimensions = array<i32: 1>} : vector<1x100xi32>
    %eq3A_101 = vector.broadcast %get3A_99 : vector<1000x1xi32> to vector<1000x100xi32>
    %eq3A_102 = vector.broadcast %iota3A_100 : vector<1x100xi32> to vector<1000x100xi32>
    %eq3A_103 = arith.cmpi eq, %eq3A_101, %eq3A_102 : vector<1000x100xi32>
    %convert_element_type3A_104 = arith.extui %eq3A_103 : vector<1000x100xi1> to vector<1000x100xi32>
    %convert_element_type3A_105 = arith.sitofp %convert_element_type3A_104 : vector<1000x100xi32> to vector<1000x100xf32>
    %get3A_106 = arith.constant 6 : index
    %get3A_107 = arith.constant 0 : index
    %get3A_108 = arith.constant 0 : index
    %get3A_109 = vector.load %arg3[%get3A_106, %get3A_107, %get3A_108] : memref<9x100x128xf32, #tpu.memory_space<vmem>>, vector<1x100x128xf32>
    %get3A_110 = vector.shape_cast %get3A_109 : vector<1x100x128xf32> to vector<100x128xf32>
    %dot_general3A_111 = arith.constant dense<0.000000e+00> : vector<1000x128xf32>
    %dot_general3A_112 = tpu.matmul %convert_element_type3A_105, %get3A_110, %dot_general3A_111 {dimension_numbers = #tpu.dot_dimension_numbers<[1], [0], [0], [1], [0, 0, 1, 1], [], []>, precision = #tpu.contract_precision<fp32>, transpose_lhs_hint = false} : vector<1000x100xf32>, vector<100x128xf32>, vector<1000x128xf32> -> vector<1000x128xf32>
    %add3A_113 = arith.addf %add3A_96, %dot_general3A_112 : vector<1000x128xf32>
    %get3A_114 = arith.constant 0 : index
    %get3A_115 = arith.constant 7 : index
    %get3A_116 = vector.load %arg1[%get3A_114, %get3A_115] : memref<1000x9xi32, #tpu.memory_space<vmem>>, vector<1000x1xi32>
    %iota3A_117 = tpu.iota {dimensions = array<i32: 1>} : vector<1x100xi32>
    %eq3A_118 = vector.broadcast %get3A_116 : vector<1000x1xi32> to vector<1000x100xi32>
    %eq3A_119 = vector.broadcast %iota3A_117 : vector<1x100xi32> to vector<1000x100xi32>
    %eq3A_120 = arith.cmpi eq, %eq3A_118, %eq3A_119 : vector<1000x100xi32>
    %convert_element_type3A_121 = arith.extui %eq3A_120 : vector<1000x100xi1> to vector<1000x100xi32>
    %convert_element_type3A_122 = arith.sitofp %convert_element_type3A_121 : vector<1000x100xi32> to vector<1000x100xf32>
    %get3A_123 = arith.constant 7 : index
    %get3A_124 = arith.constant 0 : index
    %get3A_125 = arith.constant 0 : index
    %get3A_126 = vector.load %arg3[%get3A_123, %get3A_124, %get3A_125] : memref<9x100x128xf32, #tpu.memory_space<vmem>>, vector<1x100x128xf32>
    %get3A_127 = vector.shape_cast %get3A_126 : vector<1x100x128xf32> to vector<100x128xf32>
    %dot_general3A_128 = arith.constant dense<0.000000e+00> : vector<1000x128xf32>
    %dot_general3A_129 = tpu.matmul %convert_element_type3A_122, %get3A_127, %dot_general3A_128 {dimension_numbers = #tpu.dot_dimension_numbers<[1], [0], [0], [1], [0, 0, 1, 1], [], []>, precision = #tpu.contract_precision<fp32>, transpose_lhs_hint = false} : vector<1000x100xf32>, vector<100x128xf32>, vector<1000x128xf32> -> vector<1000x128xf32>
    %add3A_130 = arith.addf %add3A_113, %dot_general3A_129 : vector<1000x128xf32>
    %get3A_131 = arith.constant 0 : index
    %get3A_132 = arith.constant 8 : index
    %get3A_133 = vector.load %arg1[%get3A_131, %get3A_132] : memref<1000x9xi32, #tpu.memory_space<vmem>>, vector<1000x1xi32>
    %iota3A_134 = tpu.iota {dimensions = array<i32: 1>} : vector<1x100xi32>
    %eq3A_135 = vector.broadcast %get3A_133 : vector<1000x1xi32> to vector<1000x100xi32>
    %eq3A_136 = vector.broadcast %iota3A_134 : vector<1x100xi32> to vector<1000x100xi32>
    %eq3A_137 = arith.cmpi eq, %eq3A_135, %eq3A_136 : vector<1000x100xi32>
    %convert_element_type3A_138 = arith.extui %eq3A_137 : vector<1000x100xi1> to vector<1000x100xi32>
    %convert_element_type3A_139 = arith.sitofp %convert_element_type3A_138 : vector<1000x100xi32> to vector<1000x100xf32>
    %get3A_140 = arith.constant 8 : index
    %get3A_141 = arith.constant 0 : index
    %get3A_142 = arith.constant 0 : index
    %get3A_143 = vector.load %arg3[%get3A_140, %get3A_141, %get3A_142] : memref<9x100x128xf32, #tpu.memory_space<vmem>>, vector<1x100x128xf32>
    %get3A_144 = vector.shape_cast %get3A_143 : vector<1x100x128xf32> to vector<100x128xf32>
    %dot_general3A_145 = arith.constant dense<0.000000e+00> : vector<1000x128xf32>
    %dot_general3A_146 = tpu.matmul %convert_element_type3A_139, %get3A_144, %dot_general3A_145 {dimension_numbers = #tpu.dot_dimension_numbers<[1], [0], [0], [1], [0, 0, 1, 1], [], []>, precision = #tpu.contract_precision<fp32>, transpose_lhs_hint = false} : vector<1000x100xf32>, vector<100x128xf32>, vector<1000x128xf32> -> vector<1000x128xf32>
    %add3A_147 = arith.addf %add3A_130, %dot_general3A_146 : vector<1000x128xf32>
    %swap3A = arith.constant 0 : index
    %swap3A_148 = arith.constant 0 : index
    %swap3A_149 = vector.load %arg5[%swap3A, %swap3A_148] : memref<1000x128xf32, #tpu.memory_space<vmem>>, vector<1000x128xf32>
    tpu.vector_store %arg5[%swap3A, %swap3A_148], %add3A_147 {strides = array<i32>} : memref<1000x128xf32, #tpu.memory_space<vmem>>, vector<1000x128xf32>,
    %eq3A_150 = arith.constant 0 : i32
    %eq3A_151 = arith.cmpi eq, %arg0, %eq3A_150 : i32
    %convert_element_type3A_152 = arith.extui %eq3A_151 : i1 to i32
    %cond3A = arith.constant 0 : i32
    %cond3A_153 = arith.cmpi ne, %convert_element_type3A_152, %cond3A : i32
    scf.if %cond3A_153 {
      %get3A_154 = arith.constant 0 : index
      %get3A_155 = arith.constant 0 : index
      %get3A_156 = arith.constant 0 : index
      %get3A_157 = vector.load %arg2[%get3A_154, %get3A_155, %get3A_156] : memref<3x2500x128xi32, #tpu.memory_space<vmem>>, vector<1x2500x128xi32>
      %get3A_158 = vector.shape_cast %get3A_157 : vector<1x2500x128xi32> to vector<2500x128xi32>
      %mul3A = arith.constant 64 : i32
      %mul3A_159 = vector.broadcast %mul3A : i32 to vector<2500x128xi32>
      %mul3A_160 = arith.muli %get3A_158, %mul3A_159 : vector<2500x128xi32>
      %get3A_161 = arith.constant 1 : index
      %get3A_162 = arith.constant 0 : index
      %get3A_163 = arith.constant 0 : index
      %get3A_164 = vector.load %arg2[%get3A_161, %get3A_162, %get3A_163] : memref<3x2500x128xi32, #tpu.memory_space<vmem>>, vector<1x2500x128xi32>
      %get3A_165 = vector.shape_cast %get3A_164 : vector<1x2500x128xi32> to vector<2500x128xi32>
      %mul3A_166 = arith.constant 8 : i32
      %mul3A_167 = vector.broadcast %mul3A_166 : i32 to vector<2500x128xi32>
      %mul3A_168 = arith.muli %get3A_165, %mul3A_167 : vector<2500x128xi32>
      %add3A_169 = arith.addi %mul3A_160, %mul3A_168 : vector<2500x128xi32>
      %get3A_170 = arith.constant 2 : index
      %get3A_171 = arith.constant 0 : index
      %get3A_172 = arith.constant 0 : index
      %get3A_173 = vector.load %arg2[%get3A_170, %get3A_171, %get3A_172] : memref<3x2500x128xi32, #tpu.memory_space<vmem>>, vector<1x2500x128xi32>
      %get3A_174 = vector.shape_cast %get3A_173 : vector<1x2500x128xi32> to vector<2500x128xi32>
      %add3A_175 = arith.addi %add3A_169, %get3A_174 : vector<2500x128xi32>
      %swap3A_176 = arith.constant 0 : index
      %swap3A_177 = arith.constant 0 : index
      %swap3A_178 = vector.load %arg6[%swap3A_176, %swap3A_177] : memref<2500x128xi32, #tpu.memory_space<vmem>>, vector<2500x128xi32>
      tpu.vector_store %arg6[%swap3A_176, %swap3A_177], %add3A_175 {strides = array<i32>} : memref<2500x128xi32, #tpu.memory_space<vmem>>, vector<2500x128xi32>,
      %iota3A_179 = tpu.iota {dimensions = array<i32: 0>} : vector<512x1xi32>
      %broadcast_in_dim3A_180 = arith.constant 0.000000e+00 : f32
      %broadcast_in_dim3A_181 = vector.broadcast %broadcast_in_dim3A_180 : f32 to vector<512x128xf32>
      %shift_right_arithmetic3A = arith.constant 6 : i32
      %shift_right_arithmetic3A_182 = vector.broadcast %shift_right_arithmetic3A : i32 to vector<512x1xi32>
      %shift_right_arithmetic3A_183 = arith.shrsi %iota3A_179, %shift_right_arithmetic3A_182 : vector<512x1xi32>
      %and3A = arith.constant 7 : i32
      %and3A_184 = vector.broadcast %and3A : i32 to vector<512x1xi32>
      %and3A_185 = arith.andi %shift_right_arithmetic3A_183, %and3A_184 : vector<512x1xi32>
      %broadcast_in_dim3A_186 = arith.constant 0.000000e+00 : f32
      %broadcast_in_dim3A_187 = vector.broadcast %broadcast_in_dim3A_186 : f32 to vector<512x128xf32>
      %eq3A_188 = arith.constant 0 : i32
      %eq3A_189 = vector.broadcast %eq3A_188 : i32 to vector<512x1xi32>
      %eq3A_190 = arith.cmpi eq, %and3A_185, %eq3A_189 : vector<512x1xi32>
      %get3A_191 = arith.constant 0 : index
      %get3A_192 = arith.constant 0 : index
      %get3A_193 = arith.constant 0 : index
      %get3A_194 = arith.constant 0 : index
      %get3A_195 = vector.load %arg4[%get3A_191, %get3A_192, %get3A_193, %get3A_194] : memref<3x3x8x128xf32, #tpu.memory_space<vmem>>, vector<1x1x1x128xf32>
      %get3A_196 = vector.shape_cast %get3A_195 : vector<1x1x1x128xf32> to vector<128xf32>
      %broadcast_in_dim3A_197 = vector.shape_cast %get3A_196 : vector<128xf32> to vector<1x128xf32>
      %broadcast_in_dim3A_198 = vector.shape_cast %eq3A_190 : vector<512x1xi1> to vector<512x1xi1>
      %broadcast_in_dim3A_199 = vector.broadcast %broadcast_in_dim3A_198 : vector<512x1xi1> to vector<512x128xi1>
      %broadcast_in_dim3A_200 = vector.shape_cast %broadcast_in_dim3A_197 : vector<1x128xf32> to vector<1x128xf32>
      %broadcast_in_dim3A_201 = vector.broadcast %broadcast_in_dim3A_200 : vector<1x128xf32> to vector<512x128xf32>
      %select_n3A = arith.select %broadcast_in_dim3A_199, %broadcast_in_dim3A_201, %broadcast_in_dim3A_187 : vector<512x128xi1>, vector<512x128xf32>
      %eq3A_202 = arith.constant 1 : i32
      %eq3A_203 = vector.broadcast %eq3A_202 : i32 to vector<512x1xi32>
      %eq3A_204 = arith.cmpi eq, %and3A_185, %eq3A_203 : vector<512x1xi32>
      %get3A_205 = arith.constant 0 : index
      %get3A_206 = arith.constant 0 : index
      %get3A_207 = arith.constant 1 : index
      %get3A_208 = arith.constant 0 : index
      %get3A_209 = vector.load %arg4[%get3A_205, %get3A_206, %get3A_207, %get3A_208] : memref<3x3x8x128xf32, #tpu.memory_space<vmem>>, vector<1x1x1x128xf32>
      %get3A_210 = vector.shape_cast %get3A_209 : vector<1x1x1x128xf32> to vector<128xf32>
      %broadcast_in_dim3A_211 = vector.shape_cast %get3A_210 : vector<128xf32> to vector<1x128xf32>
      %broadcast_in_dim3A_212 = vector.shape_cast %eq3A_204 : vector<512x1xi1> to vector<512x1xi1>
      %broadcast_in_dim3A_213 = vector.broadcast %broadcast_in_dim3A_212 : vector<512x1xi1> to vector<512x128xi1>
      %broadcast_in_dim3A_214 = vector.shape_cast %broadcast_in_dim3A_211 : vector<1x128xf32> to vector<1x128xf32>
      %broadcast_in_dim3A_215 = vector.broadcast %broadcast_in_dim3A_214 : vector<1x128xf32> to vector<512x128xf32>
      %select_n3A_216 = arith.select %broadcast_in_dim3A_213, %broadcast_in_dim3A_215, %select_n3A : vector<512x128xi1>, vector<512x128xf32>
      %eq3A_217 = arith.constant 2 : i32
      %eq3A_218 = vector.broadcast %eq3A_217 : i32 to vector<512x1xi32>
      %eq3A_219 = arith.cmpi eq, %and3A_185, %eq3A_218 : vector<512x1xi32>
      %get3A_220 = arith.constant 0 : index
      %get3A_221 = arith.constant 0 : index
      %get3A_222 = arith.constant 2 : index
      %get3A_223 = arith.constant 0 : index
      %get3A_224 = vector.load %arg4[%get3A_220, %get3A_221, %get3A_222, %get3A_223] : memref<3x3x8x128xf32, #tpu.memory_space<vmem>>, vector<1x1x1x128xf32>
      %get3A_225 = vector.shape_cast %get3A_224 : vector<1x1x1x128xf32> to vector<128xf32>
      %broadcast_in_dim3A_226 = vector.shape_cast %get3A_225 : vector<128xf32> to vector<1x128xf32>
      %broadcast_in_dim3A_227 = vector.shape_cast %eq3A_219 : vector<512x1xi1> to vector<512x1xi1>
      %broadcast_in_dim3A_228 = vector.broadcast %broadcast_in_dim3A_227 : vector<512x1xi1> to vector<512x128xi1>
      %broadcast_in_dim3A_229 = vector.shape_cast %broadcast_in_dim3A_226 : vector<1x128xf32> to vector<1x128xf32>
      %broadcast_in_dim3A_230 = vector.broadcast %broadcast_in_dim3A_229 : vector<1x128xf32> to vector<512x128xf32>
      %select_n3A_231 = arith.select %broadcast_in_dim3A_228, %broadcast_in_dim3A_230, %select_n3A_216 : vector<512x128xi1>, vector<512x128xf32>
      %eq3A_232 = arith.constant 3 : i32
      %eq3A_233 = vector.broadcast %eq3A_232 : i32 to vector<512x1xi32>
      %eq3A_234 = arith.cmpi eq, %and3A_185, %eq3A_233 : vector<512x1xi32>
      %get3A_235 = arith.constant 0 : index
      %get3A_236 = arith.constant 0 : index
      %get3A_237 = arith.constant 3 : index
      %get3A_238 = arith.constant 0 : index
      %get3A_239 = vector.load %arg4[%get3A_235, %get3A_236, %get3A_237, %get3A_238] : memref<3x3x8x128xf32, #tpu.memory_space<vmem>>, vector<1x1x1x128xf32>
      %get3A_240 = vector.shape_cast %get3A_239 : vector<1x1x1x128xf32> to vector<128xf32>
      %broadcast_in_dim3A_241 = vector.shape_cast %get3A_240 : vector<128xf32> to vector<1x128xf32>
      %broadcast_in_dim3A_242 = vector.shape_cast %eq3A_234 : vector<512x1xi1> to vector<512x1xi1>
      %broadcast_in_dim3A_243 = vector.broadcast %broadcast_in_dim3A_242 : vector<512x1xi1> to vector<512x128xi1>
      %broadcast_in_dim3A_244 = vector.shape_cast %broadcast_in_dim3A_241 : vector<1x128xf32> to vector<1x128xf32>
      %broadcast_in_dim3A_245 = vector.broadcast %broadcast_in_dim3A_244 : vector<1x128xf32> to vector<512x128xf32>
      %select_n3A_246 = arith.select %broadcast_in_dim3A_243, %broadcast_in_dim3A_245, %select_n3A_231 : vector<512x128xi1>, vector<512x128xf32>
      %eq3A_247 = arith.constant 4 : i32
      %eq3A_248 = vector.broadcast %eq3A_247 : i32 to vector<512x1xi32>
      %eq3A_249 = arith.cmpi eq, %and3A_185, %eq3A_248 : vector<512x1xi32>
      %get3A_250 = arith.constant 0 : index
      %get3A_251 = arith.constant 0 : index
      %get3A_252 = arith.constant 4 : index
      %get3A_253 = arith.constant 0 : index
      %get3A_254 = vector.load %arg4[%get3A_250, %get3A_251, %get3A_252, %get3A_253] : memref<3x3x8x128xf32, #tpu.memory_space<vmem>>, vector<1x1x1x128xf32>
      %get3A_255 = vector.shape_cast %get3A_254 : vector<1x1x1x128xf32> to vector<128xf32>
      %broadcast_in_dim3A_256 = vector.shape_cast %get3A_255 : vector<128xf32> to vector<1x128xf32>
      %broadcast_in_dim3A_257 = vector.shape_cast %eq3A_249 : vector<512x1xi1> to vector<512x1xi1>
      %broadcast_in_dim3A_258 = vector.broadcast %broadcast_in_dim3A_257 : vector<512x1xi1> to vector<512x128xi1>
      %broadcast_in_dim3A_259 = vector.shape_cast %broadcast_in_dim3A_256 : vector<1x128xf32> to vector<1x128xf32>
      %broadcast_in_dim3A_260 = vector.broadcast %broadcast_in_dim3A_259 : vector<1x128xf32> to vector<512x128xf32>
      %select_n3A_261 = arith.select %broadcast_in_dim3A_258, %broadcast_in_dim3A_260, %select_n3A_246 : vector<512x128xi1>, vector<512x128xf32>
      %eq3A_262 = arith.constant 5 : i32
      %eq3A_263 = vector.broadcast %eq3A_262 : i32 to vector<512x1xi32>
      %eq3A_264 = arith.cmpi eq, %and3A_185, %eq3A_263 : vector<512x1xi32>
      %get3A_265 = arith.constant 0 : index
      %get3A_266 = arith.constant 0 : index
      %get3A_267 = arith.constant 5 : index
      %get3A_268 = arith.constant 0 : index
      %get3A_269 = vector.load %arg4[%get3A_265, %get3A_266, %get3A_267, %get3A_268] : memref<3x3x8x128xf32, #tpu.memory_space<vmem>>, vector<1x1x1x128xf32>
      %get3A_270 = vector.shape_cast %get3A_269 : vector<1x1x1x128xf32> to vector<128xf32>
      %broadcast_in_dim3A_271 = vector.shape_cast %get3A_270 : vector<128xf32> to vector<1x128xf32>
      %broadcast_in_dim3A_272 = vector.shape_cast %eq3A_264 : vector<512x1xi1> to vector<512x1xi1>
      %broadcast_in_dim3A_273 = vector.broadcast %broadcast_in_dim3A_272 : vector<512x1xi1> to vector<512x128xi1>
      %broadcast_in_dim3A_274 = vector.shape_cast %broadcast_in_dim3A_271 : vector<1x128xf32> to vector<1x128xf32>
      %broadcast_in_dim3A_275 = vector.broadcast %broadcast_in_dim3A_274 : vector<1x128xf32> to vector<512x128xf32>
      %select_n3A_276 = arith.select %broadcast_in_dim3A_273, %broadcast_in_dim3A_275, %select_n3A_261 : vector<512x128xi1>, vector<512x128xf32>
      %eq3A_277 = arith.constant 6 : i32
      %eq3A_278 = vector.broadcast %eq3A_277 : i32 to vector<512x1xi32>
      %eq3A_279 = arith.cmpi eq, %and3A_185, %eq3A_278 : vector<512x1xi32>
      %get3A_280 = arith.constant 0 : index
      %get3A_281 = arith.constant 0 : index
      %get3A_282 = arith.constant 6 : index
      %get3A_283 = arith.constant 0 : index
      %get3A_284 = vector.load %arg4[%get3A_280, %get3A_281, %get3A_282, %get3A_283] : memref<3x3x8x128xf32, #tpu.memory_space<vmem>>, vector<1x1x1x128xf32>
      %get3A_285 = vector.shape_cast %get3A_284 : vector<1x1x1x128xf32> to vector<128xf32>
      %broadcast_in_dim3A_286 = vector.shape_cast %get3A_285 : vector<128xf32> to vector<1x128xf32>
      %broadcast_in_dim3A_287 = vector.shape_cast %eq3A_279 : vector<512x1xi1> to vector<512x1xi1>
      %broadcast_in_dim3A_288 = vector.broadcast %broadcast_in_dim3A_287 : vector<512x1xi1> to vector<512x128xi1>
      %broadcast_in_dim3A_289 = vector.shape_cast %broadcast_in_dim3A_286 : vector<1x128xf32> to vector<1x128xf32>
      %broadcast_in_dim3A_290 = vector.broadcast %broadcast_in_dim3A_289 : vector<1x128xf32> to vector<512x128xf32>
      %select_n3A_291 = arith.select %broadcast_in_dim3A_288, %broadcast_in_dim3A_290, %select_n3A_276 : vector<512x128xi1>, vector<512x128xf32>
      %eq3A_292 = arith.constant 7 : i32
      %eq3A_293 = vector.broadcast %eq3A_292 : i32 to vector<512x1xi32>
      %eq3A_294 = arith.cmpi eq, %and3A_185, %eq3A_293 : vector<512x1xi32>
      %get3A_295 = arith.constant 0 : index
      %get3A_296 = arith.constant 0 : index
      %get3A_297 = arith.constant 7 : index
      %get3A_298 = arith.constant 0 : index
      %get3A_299 = vector.load %arg4[%get3A_295, %get3A_296, %get3A_297, %get3A_298] : memref<3x3x8x128xf32, #tpu.memory_space<vmem>>, vector<1x1x1x128xf32>
      %get3A_300 = vector.shape_cast %get3A_299 : vector<1x1x1x128xf32> to vector<128xf32>
      %broadcast_in_dim3A_301 = vector.shape_cast %get3A_300 : vector<128xf32> to vector<1x128xf32>
      %broadcast_in_dim3A_302 = vector.shape_cast %eq3A_294 : vector<512x1xi1> to vector<512x1xi1>
      %broadcast_in_dim3A_303 = vector.broadcast %broadcast_in_dim3A_302 : vector<512x1xi1> to vector<512x128xi1>
      %broadcast_in_dim3A_304 = vector.shape_cast %broadcast_in_dim3A_301 : vector<1x128xf32> to vector<1x128xf32>
      %broadcast_in_dim3A_305 = vector.broadcast %broadcast_in_dim3A_304 : vector<1x128xf32> to vector<512x128xf32>
      %select_n3A_306 = arith.select %broadcast_in_dim3A_303, %broadcast_in_dim3A_305, %select_n3A_291 : vector<512x128xi1>, vector<512x128xf32>
      %add3A_307 = arith.addf %broadcast_in_dim3A_181, %select_n3A_306 : vector<512x128xf32>
      %shift_right_arithmetic3A_308 = arith.constant 3 : i32
      %shift_right_arithmetic3A_309 = vector.broadcast %shift_right_arithmetic3A_308 : i32 to vector<512x1xi32>
      %shift_right_arithmetic3A_310 = arith.shrsi %iota3A_179, %shift_right_arithmetic3A_309 : vector<512x1xi32>
      %and3A_311 = arith.constant 7 : i32
      %and3A_312 = vector.broadcast %and3A_311 : i32 to vector<512x1xi32>
      %and3A_313 = arith.andi %shift_right_arithmetic3A_310, %and3A_312 : vector<512x1xi32>
      %broadcast_in_dim3A_314 = arith.constant 0.000000e+00 : f32
      %broadcast_in_dim3A_315 = vector.broadcast %broadcast_in_dim3A_314 : f32 to vector<512x128xf32>
      %eq3A_316 = arith.constant 0 : i32
      %eq3A_317 = vector.broadcast %eq3A_316 : i32 to vector<512x1xi32>
      %eq3A_318 = arith.cmpi eq, %and3A_313, %eq3A_317 : vector<512x1xi32>
      %get3A_319 = arith.constant 0 : index
      %get3A_320 = arith.constant 1 : index
      %get3A_321 = arith.constant 0 : index
      %get3A_322 = arith.constant 0 : index
      %get3A_323 = vector.load %arg4[%get3A_319, %get3A_320, %get3A_321, %get3A_322] : memref<3x3x8x128xf32, #tpu.memory_space<vmem>>, vector<1x1x1x128xf32>
      %get3A_324 = vector.shape_cast %get3A_323 : vector<1x1x1x128xf32> to vector<128xf32>
      %broadcast_in_dim3A_325 = vector.shape_cast %get3A_324 : vector<128xf32> to vector<1x128xf32>
      %broadcast_in_dim3A_326 = vector.shape_cast %eq3A_318 : vector<512x1xi1> to vector<512x1xi1>
      %broadcast_in_dim3A_327 = vector.broadcast %broadcast_in_dim3A_326 : vector<512x1xi1> to vector<512x128xi1>
      %broadcast_in_dim3A_328 = vector.shape_cast %broadcast_in_dim3A_325 : vector<1x128xf32> to vector<1x128xf32>
      %broadcast_in_dim3A_329 = vector.broadcast %broadcast_in_dim3A_328 : vector<1x128xf32> to vector<512x128xf32>
      %select_n3A_330 = arith.select %broadcast_in_dim3A_327, %broadcast_in_dim3A_329, %broadcast_in_dim3A_315 : vector<512x128xi1>, vector<512x128xf32>
      %eq3A_331 = arith.constant 1 : i32
      %eq3A_332 = vector.broadcast %eq3A_331 : i32 to vector<512x1xi32>
      %eq3A_333 = arith.cmpi eq, %and3A_313, %eq3A_332 : vector<512x1xi32>
      %get3A_334 = arith.constant 0 : index
      %get3A_335 = arith.constant 1 : index
      %get3A_336 = arith.constant 1 : index
      %get3A_337 = arith.constant 0 : index
      %get3A_338 = vector.load %arg4[%get3A_334, %get3A_335, %get3A_336, %get3A_337] : memref<3x3x8x128xf32, #tpu.memory_space<vmem>>, vector<1x1x1x128xf32>
      %get3A_339 = vector.shape_cast %get3A_338 : vector<1x1x1x128xf32> to vector<128xf32>
      %broadcast_in_dim3A_340 = vector.shape_cast %get3A_339 : vector<128xf32> to vector<1x128xf32>
      %broadcast_in_dim3A_341 = vector.shape_cast %eq3A_333 : vector<512x1xi1> to vector<512x1xi1>
      %broadcast_in_dim3A_342 = vector.broadcast %broadcast_in_dim3A_341 : vector<512x1xi1> to vector<512x128xi1>
      %broadcast_in_dim3A_343 = vector.shape_cast %broadcast_in_dim3A_340 : vector<1x128xf32> to vector<1x128xf32>
      %broadcast_in_dim3A_344 = vector.broadcast %broadcast_in_dim3A_343 : vector<1x128xf32> to vector<512x128xf32>
      %select_n3A_345 = arith.select %broadcast_in_dim3A_342, %broadcast_in_dim3A_344, %select_n3A_330 : vector<512x128xi1>, vector<512x128xf32>
      %eq3A_346 = arith.constant 2 : i32
      %eq3A_347 = vector.broadcast %eq3A_346 : i32 to vector<512x1xi32>
      %eq3A_348 = arith.cmpi eq, %and3A_313, %eq3A_347 : vector<512x1xi32>
      %get3A_349 = arith.constant 0 : index
      %get3A_350 = arith.constant 1 : index
      %get3A_351 = arith.constant 2 : index
      %get3A_352 = arith.constant 0 : index
      %get3A_353 = vector.load %arg4[%get3A_349, %get3A_350, %get3A_351, %get3A_352] : memref<3x3x8x128xf32, #tpu.memory_space<vmem>>, vector<1x1x1x128xf32>
      %get3A_354 = vector.shape_cast %get3A_353 : vector<1x1x1x128xf32> to vector<128xf32>
      %broadcast_in_dim3A_355 = vector.shape_cast %get3A_354 : vector<128xf32> to vector<1x128xf32>
      %broadcast_in_dim3A_356 = vector.shape_cast %eq3A_348 : vector<512x1xi1> to vector<512x1xi1>
      %broadcast_in_dim3A_357 = vector.broadcast %broadcast_in_dim3A_356 : vector<512x1xi1> to vector<512x128xi1>
      %broadcast_in_dim3A_358 = vector.shape_cast %broadcast_in_dim3A_355 : vector<1x128xf32> to vector<1x128xf32>
      %broadcast_in_dim3A_359 = vector.broadcast %broadcast_in_dim3A_358 : vector<1x128xf32> to vector<512x128xf32>
      %select_n3A_360 = arith.select %broadcast_in_dim3A_357, %broadcast_in_dim3A_359, %select_n3A_345 : vector<512x128xi1>, vector<512x128xf32>
      %eq3A_361 = arith.constant 3 : i32
      %eq3A_362 = vector.broadcast %eq3A_361 : i32 to vector<512x1xi32>
      %eq3A_363 = arith.cmpi eq, %and3A_313, %eq3A_362 : vector<512x1xi32>
      %get3A_364 = arith.constant 0 : index
      %get3A_365 = arith.constant 1 : index
      %get3A_366 = arith.constant 3 : index
      %get3A_367 = arith.constant 0 : index
      %get3A_368 = vector.load %arg4[%get3A_364, %get3A_365, %get3A_366, %get3A_367] : memref<3x3x8x128xf32, #tpu.memory_space<vmem>>, vector<1x1x1x128xf32>
      %get3A_369 = vector.shape_cast %get3A_368 : vector<1x1x1x128xf32> to vector<128xf32>
      %broadcast_in_dim3A_370 = vector.shape_cast %get3A_369 : vector<128xf32> to vector<1x128xf32>
      %broadcast_in_dim3A_371 = vector.shape_cast %eq3A_363 : vector<512x1xi1> to vector<512x1xi1>
      %broadcast_in_dim3A_372 = vector.broadcast %broadcast_in_dim3A_371 : vector<512x1xi1> to vector<512x128xi1>
      %broadcast_in_dim3A_373 = vector.shape_cast %broadcast_in_dim3A_370 : vector<1x128xf32> to vector<1x128xf32>
      %broadcast_in_dim3A_374 = vector.broadcast %broadcast_in_dim3A_373 : vector<1x128xf32> to vector<512x128xf32>
      %select_n3A_375 = arith.select %broadcast_in_dim3A_372, %broadcast_in_dim3A_374, %select_n3A_360 : vector<512x128xi1>, vector<512x128xf32>
      %eq3A_376 = arith.constant 4 : i32
      %eq3A_377 = vector.broadcast %eq3A_376 : i32 to vector<512x1xi32>
      %eq3A_378 = arith.cmpi eq, %and3A_313, %eq3A_377 : vector<512x1xi32>
      %get3A_379 = arith.constant 0 : index
      %get3A_380 = arith.constant 1 : index
      %get3A_381 = arith.constant 4 : index
      %get3A_382 = arith.constant 0 : index
      %get3A_383 = vector.load %arg4[%get3A_379, %get3A_380, %get3A_381, %get3A_382] : memref<3x3x8x128xf32, #tpu.memory_space<vmem>>, vector<1x1x1x128xf32>
      %get3A_384 = vector.shape_cast %get3A_383 : vector<1x1x1x128xf32> to vector<128xf32>
      %broadcast_in_dim3A_385 = vector.shape_cast %get3A_384 : vector<128xf32> to vector<1x128xf32>
      %broadcast_in_dim3A_386 = vector.shape_cast %eq3A_378 : vector<512x1xi1> to vector<512x1xi1>
      %broadcast_in_dim3A_387 = vector.broadcast %broadcast_in_dim3A_386 : vector<512x1xi1> to vector<512x128xi1>
      %broadcast_in_dim3A_388 = vector.shape_cast %broadcast_in_dim3A_385 : vector<1x128xf32> to vector<1x128xf32>
      %broadcast_in_dim3A_389 = vector.broadcast %broadcast_in_dim3A_388 : vector<1x128xf32> to vector<512x128xf32>
      %select_n3A_390 = arith.select %broadcast_in_dim3A_387, %broadcast_in_dim3A_389, %select_n3A_375 : vector<512x128xi1>, vector<512x128xf32>
      %eq3A_391 = arith.constant 5 : i32
      %eq3A_392 = vector.broadcast %eq3A_391 : i32 to vector<512x1xi32>
      %eq3A_393 = arith.cmpi eq, %and3A_313, %eq3A_392 : vector<512x1xi32>
      %get3A_394 = arith.constant 0 : index
      %get3A_395 = arith.constant 1 : index
      %get3A_396 = arith.constant 5 : index
      %get3A_397 = arith.constant 0 : index
      %get3A_398 = vector.load %arg4[%get3A_394, %get3A_395, %get3A_396, %get3A_397] : memref<3x3x8x128xf32, #tpu.memory_space<vmem>>, vector<1x1x1x128xf32>
      %get3A_399 = vector.shape_cast %get3A_398 : vector<1x1x1x128xf32> to vector<128xf32>
      %broadcast_in_dim3A_400 = vector.shape_cast %get3A_399 : vector<128xf32> to vector<1x128xf32>
      %broadcast_in_dim3A_401 = vector.shape_cast %eq3A_393 : vector<512x1xi1> to vector<512x1xi1>
      %broadcast_in_dim3A_402 = vector.broadcast %broadcast_in_dim3A_401 : vector<512x1xi1> to vector<512x128xi1>
      %broadcast_in_dim3A_403 = vector.shape_cast %broadcast_in_dim3A_400 : vector<1x128xf32> to vector<1x128xf32>
      %broadcast_in_dim3A_404 = vector.broadcast %broadcast_in_dim3A_403 : vector<1x128xf32> to vector<512x128xf32>
      %select_n3A_405 = arith.select %broadcast_in_dim3A_402, %broadcast_in_dim3A_404, %select_n3A_390 : vector<512x128xi1>, vector<512x128xf32>
      %eq3A_406 = arith.constant 6 : i32
      %eq3A_407 = vector.broadcast %eq3A_406 : i32 to vector<512x1xi32>
      %eq3A_408 = arith.cmpi eq, %and3A_313, %eq3A_407 : vector<512x1xi32>
      %get3A_409 = arith.constant 0 : index
      %get3A_410 = arith.constant 1 : index
      %get3A_411 = arith.constant 6 : index
      %get3A_412 = arith.constant 0 : index
      %get3A_413 = vector.load %arg4[%get3A_409, %get3A_410, %get3A_411, %get3A_412] : memref<3x3x8x128xf32, #tpu.memory_space<vmem>>, vector<1x1x1x128xf32>
      %get3A_414 = vector.shape_cast %get3A_413 : vector<1x1x1x128xf32> to vector<128xf32>
      %broadcast_in_dim3A_415 = vector.shape_cast %get3A_414 : vector<128xf32> to vector<1x128xf32>
      %broadcast_in_dim3A_416 = vector.shape_cast %eq3A_408 : vector<512x1xi1> to vector<512x1xi1>
      %broadcast_in_dim3A_417 = vector.broadcast %broadcast_in_dim3A_416 : vector<512x1xi1> to vector<512x128xi1>
      %broadcast_in_dim3A_418 = vector.shape_cast %broadcast_in_dim3A_415 : vector<1x128xf32> to vector<1x128xf32>
      %broadcast_in_dim3A_419 = vector.broadcast %broadcast_in_dim3A_418 : vector<1x128xf32> to vector<512x128xf32>
      %select_n3A_420 = arith.select %broadcast_in_dim3A_417, %broadcast_in_dim3A_419, %select_n3A_405 : vector<512x128xi1>, vector<512x128xf32>
      %eq3A_421 = arith.constant 7 : i32
      %eq3A_422 = vector.broadcast %eq3A_421 : i32 to vector<512x1xi32>
      %eq3A_423 = arith.cmpi eq, %and3A_313, %eq3A_422 : vector<512x1xi32>
      %get3A_424 = arith.constant 0 : index
      %get3A_425 = arith.constant 1 : index
      %get3A_426 = arith.constant 7 : index
      %get3A_427 = arith.constant 0 : index
      %get3A_428 = vector.load %arg4[%get3A_424, %get3A_425, %get3A_426, %get3A_427] : memref<3x3x8x128xf32, #tpu.memory_space<vmem>>, vector<1x1x1x128xf32>
      %get3A_429 = vector.shape_cast %get3A_428 : vector<1x1x1x128xf32> to vector<128xf32>
      %broadcast_in_dim3A_430 = vector.shape_cast %get3A_429 : vector<128xf32> to vector<1x128xf32>
      %broadcast_in_dim3A_431 = vector.shape_cast %eq3A_423 : vector<512x1xi1> to vector<512x1xi1>
      %broadcast_in_dim3A_432 = vector.broadcast %broadcast_in_dim3A_431 : vector<512x1xi1> to vector<512x128xi1>
      %broadcast_in_dim3A_433 = vector.shape_cast %broadcast_in_dim3A_430 : vector<1x128xf32> to vector<1x128xf32>
      %broadcast_in_dim3A_434 = vector.broadcast %broadcast_in_dim3A_433 : vector<1x128xf32> to vector<512x128xf32>
      %select_n3A_435 = arith.select %broadcast_in_dim3A_432, %broadcast_in_dim3A_434, %select_n3A_420 : vector<512x128xi1>, vector<512x128xf32>
      %add3A_436 = arith.addf %add3A_307, %select_n3A_435 : vector<512x128xf32>
      %shift_right_arithmetic3A_437 = arith.constant 0 : i32
      %shift_right_arithmetic3A_438 = vector.broadcast %shift_right_arithmetic3A_437 : i32 to vector<512x1xi32>
      %shift_right_arithmetic3A_439 = arith.shrsi %iota3A_179, %shift_right_arithmetic3A_438 : vector<512x1xi32>
      %and3A_440 = arith.constant 7 : i32
      %and3A_441 = vector.broadcast %and3A_440 : i32 to vector<512x1xi32>
      %and3A_442 = arith.andi %shift_right_arithmetic3A_439, %and3A_441 : vector<512x1xi32>
      %broadcast_in_dim3A_443 = arith.constant 0.000000e+00 : f32
      %broadcast_in_dim3A_444 = vector.broadcast %broadcast_in_dim3A_443 : f32 to vector<512x128xf32>
      %eq3A_445 = arith.constant 0 : i32
      %eq3A_446 = vector.broadcast %eq3A_445 : i32 to vector<512x1xi32>
      %eq3A_447 = arith.cmpi eq, %and3A_442, %eq3A_446 : vector<512x1xi32>
      %get3A_448 = arith.constant 0 : index
      %get3A_449 = arith.constant 2 : index
      %get3A_450 = arith.constant 0 : index
      %get3A_451 = arith.constant 0 : index
      %get3A_452 = vector.load %arg4[%get3A_448, %get3A_449, %get3A_450, %get3A_451] : memref<3x3x8x128xf32, #tpu.memory_space<vmem>>, vector<1x1x1x128xf32>
      %get3A_453 = vector.shape_cast %get3A_452 : vector<1x1x1x128xf32> to vector<128xf32>
      %broadcast_in_dim3A_454 = vector.shape_cast %get3A_453 : vector<128xf32> to vector<1x128xf32>
      %broadcast_in_dim3A_455 = vector.shape_cast %eq3A_447 : vector<512x1xi1> to vector<512x1xi1>
      %broadcast_in_dim3A_456 = vector.broadcast %broadcast_in_dim3A_455 : vector<512x1xi1> to vector<512x128xi1>
      %broadcast_in_dim3A_457 = vector.shape_cast %broadcast_in_dim3A_454 : vector<1x128xf32> to vector<1x128xf32>
      %broadcast_in_dim3A_458 = vector.broadcast %broadcast_in_dim3A_457 : vector<1x128xf32> to vector<512x128xf32>
      %select_n3A_459 = arith.select %broadcast_in_dim3A_456, %broadcast_in_dim3A_458, %broadcast_in_dim3A_444 : vector<512x128xi1>, vector<512x128xf32>
      %eq3A_460 = arith.constant 1 : i32
      %eq3A_461 = vector.broadcast %eq3A_460 : i32 to vector<512x1xi32>
      %eq3A_462 = arith.cmpi eq, %and3A_442, %eq3A_461 : vector<512x1xi32>
      %get3A_463 = arith.constant 0 : index
      %get3A_464 = arith.constant 2 : index
      %get3A_465 = arith.constant 1 : index
      %get3A_466 = arith.constant 0 : index
      %get3A_467 = vector.load %arg4[%get3A_463, %get3A_464, %get3A_465, %get3A_466] : memref<3x3x8x128xf32, #tpu.memory_space<vmem>>, vector<1x1x1x128xf32>
      %get3A_468 = vector.shape_cast %get3A_467 : vector<1x1x1x128xf32> to vector<128xf32>
      %broadcast_in_dim3A_469 = vector.shape_cast %get3A_468 : vector<128xf32> to vector<1x128xf32>
      %broadcast_in_dim3A_470 = vector.shape_cast %eq3A_462 : vector<512x1xi1> to vector<512x1xi1>
      %broadcast_in_dim3A_471 = vector.broadcast %broadcast_in_dim3A_470 : vector<512x1xi1> to vector<512x128xi1>
      %broadcast_in_dim3A_472 = vector.shape_cast %broadcast_in_dim3A_469 : vector<1x128xf32> to vector<1x128xf32>
      %broadcast_in_dim3A_473 = vector.broadcast %broadcast_in_dim3A_472 : vector<1x128xf32> to vector<512x128xf32>
      %select_n3A_474 = arith.select %broadcast_in_dim3A_471, %broadcast_in_dim3A_473, %select_n3A_459 : vector<512x128xi1>, vector<512x128xf32>
      %eq3A_475 = arith.constant 2 : i32
      %eq3A_476 = vector.broadcast %eq3A_475 : i32 to vector<512x1xi32>
      %eq3A_477 = arith.cmpi eq, %and3A_442, %eq3A_476 : vector<512x1xi32>
      %get3A_478 = arith.constant 0 : index
      %get3A_479 = arith.constant 2 : index
      %get3A_480 = arith.constant 2 : index
      %get3A_481 = arith.constant 0 : index
      %get3A_482 = vector.load %arg4[%get3A_478, %get3A_479, %get3A_480, %get3A_481] : memref<3x3x8x128xf32, #tpu.memory_space<vmem>>, vector<1x1x1x128xf32>
      %get3A_483 = vector.shape_cast %get3A_482 : vector<1x1x1x128xf32> to vector<128xf32>
      %broadcast_in_dim3A_484 = vector.shape_cast %get3A_483 : vector<128xf32> to vector<1x128xf32>
      %broadcast_in_dim3A_485 = vector.shape_cast %eq3A_477 : vector<512x1xi1> to vector<512x1xi1>
      %broadcast_in_dim3A_486 = vector.broadcast %broadcast_in_dim3A_485 : vector<512x1xi1> to vector<512x128xi1>
      %broadcast_in_dim3A_487 = vector.shape_cast %broadcast_in_dim3A_484 : vector<1x128xf32> to vector<1x128xf32>
      %broadcast_in_dim3A_488 = vector.broadcast %broadcast_in_dim3A_487 : vector<1x128xf32> to vector<512x128xf32>
      %select_n3A_489 = arith.select %broadcast_in_dim3A_486, %broadcast_in_dim3A_488, %select_n3A_474 : vector<512x128xi1>, vector<512x128xf32>
      %eq3A_490 = arith.constant 3 : i32
      %eq3A_491 = vector.broadcast %eq3A_490 : i32 to vector<512x1xi32>
      %eq3A_492 = arith.cmpi eq, %and3A_442, %eq3A_491 : vector<512x1xi32>
      %get3A_493 = arith.constant 0 : index
      %get3A_494 = arith.constant 2 : index
      %get3A_495 = arith.constant 3 : index
      %get3A_496 = arith.constant 0 : index
      %get3A_497 = vector.load %arg4[%get3A_493, %get3A_494, %get3A_495, %get3A_496] : memref<3x3x8x128xf32, #tpu.memory_space<vmem>>, vector<1x1x1x128xf32>
      %get3A_498 = vector.shape_cast %get3A_497 : vector<1x1x1x128xf32> to vector<128xf32>
      %broadcast_in_dim3A_499 = vector.shape_cast %get3A_498 : vector<128xf32> to vector<1x128xf32>
      %broadcast_in_dim3A_500 = vector.shape_cast %eq3A_492 : vector<512x1xi1> to vector<512x1xi1>
      %broadcast_in_dim3A_501 = vector.broadcast %broadcast_in_dim3A_500 : vector<512x1xi1> to vector<512x128xi1>
      %broadcast_in_dim3A_502 = vector.shape_cast %broadcast_in_dim3A_499 : vector<1x128xf32> to vector<1x128xf32>
      %broadcast_in_dim3A_503 = vector.broadcast %broadcast_in_dim3A_502 : vector<1x128xf32> to vector<512x128xf32>
      %select_n3A_504 = arith.select %broadcast_in_dim3A_501, %broadcast_in_dim3A_503, %select_n3A_489 : vector<512x128xi1>, vector<512x128xf32>
      %eq3A_505 = arith.constant 4 : i32
      %eq3A_506 = vector.broadcast %eq3A_505 : i32 to vector<512x1xi32>
      %eq3A_507 = arith.cmpi eq, %and3A_442, %eq3A_506 : vector<512x1xi32>
      %get3A_508 = arith.constant 0 : index
      %get3A_509 = arith.constant 2 : index
      %get3A_510 = arith.constant 4 : index
      %get3A_511 = arith.constant 0 : index
      %get3A_512 = vector.load %arg4[%get3A_508, %get3A_509, %get3A_510, %get3A_511] : memref<3x3x8x128xf32, #tpu.memory_space<vmem>>, vector<1x1x1x128xf32>
      %get3A_513 = vector.shape_cast %get3A_512 : vector<1x1x1x128xf32> to vector<128xf32>
      %broadcast_in_dim3A_514 = vector.shape_cast %get3A_513 : vector<128xf32> to vector<1x128xf32>
      %broadcast_in_dim3A_515 = vector.shape_cast %eq3A_507 : vector<512x1xi1> to vector<512x1xi1>
      %broadcast_in_dim3A_516 = vector.broadcast %broadcast_in_dim3A_515 : vector<512x1xi1> to vector<512x128xi1>
      %broadcast_in_dim3A_517 = vector.shape_cast %broadcast_in_dim3A_514 : vector<1x128xf32> to vector<1x128xf32>
      %broadcast_in_dim3A_518 = vector.broadcast %broadcast_in_dim3A_517 : vector<1x128xf32> to vector<512x128xf32>
      %select_n3A_519 = arith.select %broadcast_in_dim3A_516, %broadcast_in_dim3A_518, %select_n3A_504 : vector<512x128xi1>, vector<512x128xf32>
      %eq3A_520 = arith.constant 5 : i32
      %eq3A_521 = vector.broadcast %eq3A_520 : i32 to vector<512x1xi32>
      %eq3A_522 = arith.cmpi eq, %and3A_442, %eq3A_521 : vector<512x1xi32>
      %get3A_523 = arith.constant 0 : index
      %get3A_524 = arith.constant 2 : index
      %get3A_525 = arith.constant 5 : index
      %get3A_526 = arith.constant 0 : index
      %get3A_527 = vector.load %arg4[%get3A_523, %get3A_524, %get3A_525, %get3A_526] : memref<3x3x8x128xf32, #tpu.memory_space<vmem>>, vector<1x1x1x128xf32>
      %get3A_528 = vector.shape_cast %get3A_527 : vector<1x1x1x128xf32> to vector<128xf32>
      %broadcast_in_dim3A_529 = vector.shape_cast %get3A_528 : vector<128xf32> to vector<1x128xf32>
      %broadcast_in_dim3A_530 = vector.shape_cast %eq3A_522 : vector<512x1xi1> to vector<512x1xi1>
      %broadcast_in_dim3A_531 = vector.broadcast %broadcast_in_dim3A_530 : vector<512x1xi1> to vector<512x128xi1>
      %broadcast_in_dim3A_532 = vector.shape_cast %broadcast_in_dim3A_529 : vector<1x128xf32> to vector<1x128xf32>
      %broadcast_in_dim3A_533 = vector.broadcast %broadcast_in_dim3A_532 : vector<1x128xf32> to vector<512x128xf32>
      %select_n3A_534 = arith.select %broadcast_in_dim3A_531, %broadcast_in_dim3A_533, %select_n3A_519 : vector<512x128xi1>, vector<512x128xf32>
      %eq3A_535 = arith.constant 6 : i32
      %eq3A_536 = vector.broadcast %eq3A_535 : i32 to vector<512x1xi32>
      %eq3A_537 = arith.cmpi eq, %and3A_442, %eq3A_536 : vector<512x1xi32>
      %get3A_538 = arith.constant 0 : index
      %get3A_539 = arith.constant 2 : index
      %get3A_540 = arith.constant 6 : index
      %get3A_541 = arith.constant 0 : index
      %get3A_542 = vector.load %arg4[%get3A_538, %get3A_539, %get3A_540, %get3A_541] : memref<3x3x8x128xf32, #tpu.memory_space<vmem>>, vector<1x1x1x128xf32>
      %get3A_543 = vector.shape_cast %get3A_542 : vector<1x1x1x128xf32> to vector<128xf32>
      %broadcast_in_dim3A_544 = vector.shape_cast %get3A_543 : vector<128xf32> to vector<1x128xf32>
      %broadcast_in_dim3A_545 = vector.shape_cast %eq3A_537 : vector<512x1xi1> to vector<512x1xi1>
      %broadcast_in_dim3A_546 = vector.broadcast %broadcast_in_dim3A_545 : vector<512x1xi1> to vector<512x128xi1>
      %broadcast_in_dim3A_547 = vector.shape_cast %broadcast_in_dim3A_544 : vector<1x128xf32> to vector<1x128xf32>
      %broadcast_in_dim3A_548 = vector.broadcast %broadcast_in_dim3A_547 : vector<1x128xf32> to vector<512x128xf32>
      %select_n3A_549 = arith.select %broadcast_in_dim3A_546, %broadcast_in_dim3A_548, %select_n3A_534 : vector<512x128xi1>, vector<512x128xf32>
      %eq3A_550 = arith.constant 7 : i32
      %eq3A_551 = vector.broadcast %eq3A_550 : i32 to vector<512x1xi32>
      %eq3A_552 = arith.cmpi eq, %and3A_442, %eq3A_551 : vector<512x1xi32>
      %get3A_553 = arith.constant 0 : index
      %get3A_554 = arith.constant 2 : index
      %get3A_555 = arith.constant 7 : index
      %get3A_556 = arith.constant 0 : index
      %get3A_557 = vector.load %arg4[%get3A_553, %get3A_554, %get3A_555, %get3A_556] : memref<3x3x8x128xf32, #tpu.memory_space<vmem>>, vector<1x1x1x128xf32>
      %get3A_558 = vector.shape_cast %get3A_557 : vector<1x1x1x128xf32> to vector<128xf32>
      %broadcast_in_dim3A_559 = vector.shape_cast %get3A_558 : vector<128xf32> to vector<1x128xf32>
      %broadcast_in_dim3A_560 = vector.shape_cast %eq3A_552 : vector<512x1xi1> to vector<512x1xi1>
      %broadcast_in_dim3A_561 = vector.broadcast %broadcast_in_dim3A_560 : vector<512x1xi1> to vector<512x128xi1>
      %broadcast_in_dim3A_562 = vector.shape_cast %broadcast_in_dim3A_559 : vector<1x128xf32> to vector<1x128xf32>
      %broadcast_in_dim3A_563 = vector.broadcast %broadcast_in_dim3A_562 : vector<1x128xf32> to vector<512x128xf32>
      %select_n3A_564 = arith.select %broadcast_in_dim3A_561, %broadcast_in_dim3A_563, %select_n3A_549 : vector<512x128xi1>, vector<512x128xf32>
      %add3A_565 = arith.addf %add3A_436, %select_n3A_564 : vector<512x128xf32>
      %swap3A_566 = arith.constant 0 : index
      %swap3A_567 = arith.constant 0 : index
      %swap3A_568 = arith.constant 0 : index
      %swap3A_569 = vector.load %arg7[%swap3A_566, %swap3A_567, %swap3A_568] : memref<3x512x128xf32, #tpu.memory_space<vmem>>, vector<1x512x128xf32>
      %swap3A_570 = vector.shape_cast %swap3A_569 : vector<1x512x128xf32> to vector<512x128xf32>
      %swap3A_571 = vector.shape_cast %add3A_565 : vector<512x128xf32> to vector<1x512x128xf32>
      tpu.vector_store %arg7[%swap3A_566, %swap3A_567, %swap3A_568], %swap3A_571 {strides = array<i32>} : memref<3x512x128xf32, #tpu.memory_space<vmem>>, vector<1x512x128xf32>,
      %broadcast_in_dim3A_572 = arith.constant 0.000000e+00 : f32
      %broadcast_in_dim3A_573 = vector.broadcast %broadcast_in_dim3A_572 : f32 to vector<512x128xf32>
      %shift_right_arithmetic3A_574 = arith.constant 6 : i32
      %shift_right_arithmetic3A_575 = vector.broadcast %shift_right_arithmetic3A_574 : i32 to vector<512x1xi32>
      %shift_right_arithmetic3A_576 = arith.shrsi %iota3A_179, %shift_right_arithmetic3A_575 : vector<512x1xi32>
      %and3A_577 = arith.constant 7 : i32
      %and3A_578 = vector.broadcast %and3A_577 : i32 to vector<512x1xi32>
      %and3A_579 = arith.andi %shift_right_arithmetic3A_576, %and3A_578 : vector<512x1xi32>
      %broadcast_in_dim3A_580 = arith.constant 0.000000e+00 : f32
      %broadcast_in_dim3A_581 = vector.broadcast %broadcast_in_dim3A_580 : f32 to vector<512x128xf32>
      %eq3A_582 = arith.constant 0 : i32
      %eq3A_583 = vector.broadcast %eq3A_582 : i32 to vector<512x1xi32>
      %eq3A_584 = arith.cmpi eq, %and3A_579, %eq3A_583 : vector<512x1xi32>
      %get3A_585 = arith.constant 1 : index
      %get3A_586 = arith.constant 0 : index
      %get3A_587 = arith.constant 0 : index
      %get3A_588 = arith.constant 0 : index
      %get3A_589 = vector.load %arg4[%get3A_585, %get3A_586, %get3A_587, %get3A_588] : memref<3x3x8x128xf32, #tpu.memory_space<vmem>>, vector<1x1x1x128xf32>
      %get3A_590 = vector.shape_cast %get3A_589 : vector<1x1x1x128xf32> to vector<128xf32>
      %broadcast_in_dim3A_591 = vector.shape_cast %get3A_590 : vector<128xf32> to vector<1x128xf32>
      %broadcast_in_dim3A_592 = vector.shape_cast %eq3A_584 : vector<512x1xi1> to vector<512x1xi1>
      %broadcast_in_dim3A_593 = vector.broadcast %broadcast_in_dim3A_592 : vector<512x1xi1> to vector<512x128xi1>
      %broadcast_in_dim3A_594 = vector.shape_cast %broadcast_in_dim3A_591 : vector<1x128xf32> to vector<1x128xf32>
      %broadcast_in_dim3A_595 = vector.broadcast %broadcast_in_dim3A_594 : vector<1x128xf32> to vector<512x128xf32>
      %select_n3A_596 = arith.select %broadcast_in_dim3A_593, %broadcast_in_dim3A_595, %broadcast_in_dim3A_581 : vector<512x128xi1>, vector<512x128xf32>
      %eq3A_597 = arith.constant 1 : i32
      %eq3A_598 = vector.broadcast %eq3A_597 : i32 to vector<512x1xi32>
      %eq3A_599 = arith.cmpi eq, %and3A_579, %eq3A_598 : vector<512x1xi32>
      %get3A_600 = arith.constant 1 : index
      %get3A_601 = arith.constant 0 : index
      %get3A_602 = arith.constant 1 : index
      %get3A_603 = arith.constant 0 : index
      %get3A_604 = vector.load %arg4[%get3A_600, %get3A_601, %get3A_602, %get3A_603] : memref<3x3x8x128xf32, #tpu.memory_space<vmem>>, vector<1x1x1x128xf32>
      %get3A_605 = vector.shape_cast %get3A_604 : vector<1x1x1x128xf32> to vector<128xf32>
      %broadcast_in_dim3A_606 = vector.shape_cast %get3A_605 : vector<128xf32> to vector<1x128xf32>
      %broadcast_in_dim3A_607 = vector.shape_cast %eq3A_599 : vector<512x1xi1> to vector<512x1xi1>
      %broadcast_in_dim3A_608 = vector.broadcast %broadcast_in_dim3A_607 : vector<512x1xi1> to vector<512x128xi1>
      %broadcast_in_dim3A_609 = vector.shape_cast %broadcast_in_dim3A_606 : vector<1x128xf32> to vector<1x128xf32>
      %broadcast_in_dim3A_610 = vector.broadcast %broadcast_in_dim3A_609 : vector<1x128xf32> to vector<512x128xf32>
      %select_n3A_611 = arith.select %broadcast_in_dim3A_608, %broadcast_in_dim3A_610, %select_n3A_596 : vector<512x128xi1>, vector<512x128xf32>
      %eq3A_612 = arith.constant 2 : i32
      %eq3A_613 = vector.broadcast %eq3A_612 : i32 to vector<512x1xi32>
      %eq3A_614 = arith.cmpi eq, %and3A_579, %eq3A_613 : vector<512x1xi32>
      %get3A_615 = arith.constant 1 : index
      %get3A_616 = arith.constant 0 : index
      %get3A_617 = arith.constant 2 : index
      %get3A_618 = arith.constant 0 : index
      %get3A_619 = vector.load %arg4[%get3A_615, %get3A_616, %get3A_617, %get3A_618] : memref<3x3x8x128xf32, #tpu.memory_space<vmem>>, vector<1x1x1x128xf32>
      %get3A_620 = vector.shape_cast %get3A_619 : vector<1x1x1x128xf32> to vector<128xf32>
      %broadcast_in_dim3A_621 = vector.shape_cast %get3A_620 : vector<128xf32> to vector<1x128xf32>
      %broadcast_in_dim3A_622 = vector.shape_cast %eq3A_614 : vector<512x1xi1> to vector<512x1xi1>
      %broadcast_in_dim3A_623 = vector.broadcast %broadcast_in_dim3A_622 : vector<512x1xi1> to vector<512x128xi1>
      %broadcast_in_dim3A_624 = vector.shape_cast %broadcast_in_dim3A_621 : vector<1x128xf32> to vector<1x128xf32>
      %broadcast_in_dim3A_625 = vector.broadcast %broadcast_in_dim3A_624 : vector<1x128xf32> to vector<512x128xf32>
      %select_n3A_626 = arith.select %broadcast_in_dim3A_623, %broadcast_in_dim3A_625, %select_n3A_611 : vector<512x128xi1>, vector<512x128xf32>
      %eq3A_627 = arith.constant 3 : i32
      %eq3A_628 = vector.broadcast %eq3A_627 : i32 to vector<512x1xi32>
      %eq3A_629 = arith.cmpi eq, %and3A_579, %eq3A_628 : vector<512x1xi32>
      %get3A_630 = arith.constant 1 : index
      %get3A_631 = arith.constant 0 : index
      %get3A_632 = arith.constant 3 : index
      %get3A_633 = arith.constant 0 : index
      %get3A_634 = vector.load %arg4[%get3A_630, %get3A_631, %get3A_632, %get3A_633] : memref<3x3x8x128xf32, #tpu.memory_space<vmem>>, vector<1x1x1x128xf32>
      %get3A_635 = vector.shape_cast %get3A_634 : vector<1x1x1x128xf32> to vector<128xf32>
      %broadcast_in_dim3A_636 = vector.shape_cast %get3A_635 : vector<128xf32> to vector<1x128xf32>
      %broadcast_in_dim3A_637 = vector.shape_cast %eq3A_629 : vector<512x1xi1> to vector<512x1xi1>
      %broadcast_in_dim3A_638 = vector.broadcast %broadcast_in_dim3A_637 : vector<512x1xi1> to vector<512x128xi1>
      %broadcast_in_dim3A_639 = vector.shape_cast %broadcast_in_dim3A_636 : vector<1x128xf32> to vector<1x128xf32>
      %broadcast_in_dim3A_640 = vector.broadcast %broadcast_in_dim3A_639 : vector<1x128xf32> to vector<512x128xf32>
      %select_n3A_641 = arith.select %broadcast_in_dim3A_638, %broadcast_in_dim3A_640, %select_n3A_626 : vector<512x128xi1>, vector<512x128xf32>
      %eq3A_642 = arith.constant 4 : i32
      %eq3A_643 = vector.broadcast %eq3A_642 : i32 to vector<512x1xi32>
      %eq3A_644 = arith.cmpi eq, %and3A_579, %eq3A_643 : vector<512x1xi32>
      %get3A_645 = arith.constant 1 : index
      %get3A_646 = arith.constant 0 : index
      %get3A_647 = arith.constant 4 : index
      %get3A_648 = arith.constant 0 : index
      %get3A_649 = vector.load %arg4[%get3A_645, %get3A_646, %get3A_647, %get3A_648] : memref<3x3x8x128xf32, #tpu.memory_space<vmem>>, vector<1x1x1x128xf32>
      %get3A_650 = vector.shape_cast %get3A_649 : vector<1x1x1x128xf32> to vector<128xf32>
      %broadcast_in_dim3A_651 = vector.shape_cast %get3A_650 : vector<128xf32> to vector<1x128xf32>
      %broadcast_in_dim3A_652 = vector.shape_cast %eq3A_644 : vector<512x1xi1> to vector<512x1xi1>
      %broadcast_in_dim3A_653 = vector.broadcast %broadcast_in_dim3A_652 : vector<512x1xi1> to vector<512x128xi1>
      %broadcast_in_dim3A_654 = vector.shape_cast %broadcast_in_dim3A_651 : vector<1x128xf32> to vector<1x128xf32>
      %broadcast_in_dim3A_655 = vector.broadcast %broadcast_in_dim3A_654 : vector<1x128xf32> to vector<512x128xf32>
      %select_n3A_656 = arith.select %broadcast_in_dim3A_653, %broadcast_in_dim3A_655, %select_n3A_641 : vector<512x128xi1>, vector<512x128xf32>
      %eq3A_657 = arith.constant 5 : i32
      %eq3A_658 = vector.broadcast %eq3A_657 : i32 to vector<512x1xi32>
      %eq3A_659 = arith.cmpi eq, %and3A_579, %eq3A_658 : vector<512x1xi32>
      %get3A_660 = arith.constant 1 : index
      %get3A_661 = arith.constant 0 : index
      %get3A_662 = arith.constant 5 : index
      %get3A_663 = arith.constant 0 : index
      %get3A_664 = vector.load %arg4[%get3A_660, %get3A_661, %get3A_662, %get3A_663] : memref<3x3x8x128xf32, #tpu.memory_space<vmem>>, vector<1x1x1x128xf32>
      %get3A_665 = vector.shape_cast %get3A_664 : vector<1x1x1x128xf32> to vector<128xf32>
      %broadcast_in_dim3A_666 = vector.shape_cast %get3A_665 : vector<128xf32> to vector<1x128xf32>
      %broadcast_in_dim3A_667 = vector.shape_cast %eq3A_659 : vector<512x1xi1> to vector<512x1xi1>
      %broadcast_in_dim3A_668 = vector.broadcast %broadcast_in_dim3A_667 : vector<512x1xi1> to vector<512x128xi1>
      %broadcast_in_dim3A_669 = vector.shape_cast %broadcast_in_dim3A_666 : vector<1x128xf32> to vector<1x128xf32>
      %broadcast_in_dim3A_670 = vector.broadcast %broadcast_in_dim3A_669 : vector<1x128xf32> to vector<512x128xf32>
      %select_n3A_671 = arith.select %broadcast_in_dim3A_668, %broadcast_in_dim3A_670, %select_n3A_656 : vector<512x128xi1>, vector<512x128xf32>
      %eq3A_672 = arith.constant 6 : i32
      %eq3A_673 = vector.broadcast %eq3A_672 : i32 to vector<512x1xi32>
      %eq3A_674 = arith.cmpi eq, %and3A_579, %eq3A_673 : vector<512x1xi32>
      %get3A_675 = arith.constant 1 : index
      %get3A_676 = arith.constant 0 : index
      %get3A_677 = arith.constant 6 : index
      %get3A_678 = arith.constant 0 : index
      %get3A_679 = vector.load %arg4[%get3A_675, %get3A_676, %get3A_677, %get3A_678] : memref<3x3x8x128xf32, #tpu.memory_space<vmem>>, vector<1x1x1x128xf32>
      %get3A_680 = vector.shape_cast %get3A_679 : vector<1x1x1x128xf32> to vector<128xf32>
      %broadcast_in_dim3A_681 = vector.shape_cast %get3A_680 : vector<128xf32> to vector<1x128xf32>
      %broadcast_in_dim3A_682 = vector.shape_cast %eq3A_674 : vector<512x1xi1> to vector<512x1xi1>
      %broadcast_in_dim3A_683 = vector.broadcast %broadcast_in_dim3A_682 : vector<512x1xi1> to vector<512x128xi1>
      %broadcast_in_dim3A_684 = vector.shape_cast %broadcast_in_dim3A_681 : vector<1x128xf32> to vector<1x128xf32>
      %broadcast_in_dim3A_685 = vector.broadcast %broadcast_in_dim3A_684 : vector<1x128xf32> to vector<512x128xf32>
      %select_n3A_686 = arith.select %broadcast_in_dim3A_683, %broadcast_in_dim3A_685, %select_n3A_671 : vector<512x128xi1>, vector<512x128xf32>
      %eq3A_687 = arith.constant 7 : i32
      %eq3A_688 = vector.broadcast %eq3A_687 : i32 to vector<512x1xi32>
      %eq3A_689 = arith.cmpi eq, %and3A_579, %eq3A_688 : vector<512x1xi32>
      %get3A_690 = arith.constant 1 : index
      %get3A_691 = arith.constant 0 : index
      %get3A_692 = arith.constant 7 : index
      %get3A_693 = arith.constant 0 : index
      %get3A_694 = vector.load %arg4[%get3A_690, %get3A_691, %get3A_692, %get3A_693] : memref<3x3x8x128xf32, #tpu.memory_space<vmem>>, vector<1x1x1x128xf32>
      %get3A_695 = vector.shape_cast %get3A_694 : vector<1x1x1x128xf32> to vector<128xf32>
      %broadcast_in_dim3A_696 = vector.shape_cast %get3A_695 : vector<128xf32> to vector<1x128xf32>
      %broadcast_in_dim3A_697 = vector.shape_cast %eq3A_689 : vector<512x1xi1> to vector<512x1xi1>
      %broadcast_in_dim3A_698 = vector.broadcast %broadcast_in_dim3A_697 : vector<512x1xi1> to vector<512x128xi1>
      %broadcast_in_dim3A_699 = vector.shape_cast %broadcast_in_dim3A_696 : vector<1x128xf32> to vector<1x128xf32>
      %broadcast_in_dim3A_700 = vector.broadcast %broadcast_in_dim3A_699 : vector<1x128xf32> to vector<512x128xf32>
      %select_n3A_701 = arith.select %broadcast_in_dim3A_698, %broadcast_in_dim3A_700, %select_n3A_686 : vector<512x128xi1>, vector<512x128xf32>
      %add3A_702 = arith.addf %broadcast_in_dim3A_573, %select_n3A_701 : vector<512x128xf32>
      %shift_right_arithmetic3A_703 = arith.constant 3 : i32
      %shift_right_arithmetic3A_704 = vector.broadcast %shift_right_arithmetic3A_703 : i32 to vector<512x1xi32>
      %shift_right_arithmetic3A_705 = arith.shrsi %iota3A_179, %shift_right_arithmetic3A_704 : vector<512x1xi32>
      %and3A_706 = arith.constant 7 : i32
      %and3A_707 = vector.broadcast %and3A_706 : i32 to vector<512x1xi32>
      %and3A_708 = arith.andi %shift_right_arithmetic3A_705, %and3A_707 : vector<512x1xi32>
      %broadcast_in_dim3A_709 = arith.constant 0.000000e+00 : f32
      %broadcast_in_dim3A_710 = vector.broadcast %broadcast_in_dim3A_709 : f32 to vector<512x128xf32>
      %eq3A_711 = arith.constant 0 : i32
      %eq3A_712 = vector.broadcast %eq3A_711 : i32 to vector<512x1xi32>
      %eq3A_713 = arith.cmpi eq, %and3A_708, %eq3A_712 : vector<512x1xi32>
      %get3A_714 = arith.constant 1 : index
      %get3A_715 = arith.constant 1 : index
      %get3A_716 = arith.constant 0 : index
      %get3A_717 = arith.constant 0 : index
      %get3A_718 = vector.load %arg4[%get3A_714, %get3A_715, %get3A_716, %get3A_717] : memref<3x3x8x128xf32, #tpu.memory_space<vmem>>, vector<1x1x1x128xf32>
      %get3A_719 = vector.shape_cast %get3A_718 : vector<1x1x1x128xf32> to vector<128xf32>
      %broadcast_in_dim3A_720 = vector.shape_cast %get3A_719 : vector<128xf32> to vector<1x128xf32>
      %broadcast_in_dim3A_721 = vector.shape_cast %eq3A_713 : vector<512x1xi1> to vector<512x1xi1>
      %broadcast_in_dim3A_722 = vector.broadcast %broadcast_in_dim3A_721 : vector<512x1xi1> to vector<512x128xi1>
      %broadcast_in_dim3A_723 = vector.shape_cast %broadcast_in_dim3A_720 : vector<1x128xf32> to vector<1x128xf32>
      %broadcast_in_dim3A_724 = vector.broadcast %broadcast_in_dim3A_723 : vector<1x128xf32> to vector<512x128xf32>
      %select_n3A_725 = arith.select %broadcast_in_dim3A_722, %broadcast_in_dim3A_724, %broadcast_in_dim3A_710 : vector<512x128xi1>, vector<512x128xf32>
      %eq3A_726 = arith.constant 1 : i32
      %eq3A_727 = vector.broadcast %eq3A_726 : i32 to vector<512x1xi32>
      %eq3A_728 = arith.cmpi eq, %and3A_708, %eq3A_727 : vector<512x1xi32>
      %get3A_729 = arith.constant 1 : index
      %get3A_730 = arith.constant 1 : index
      %get3A_731 = arith.constant 1 : index
      %get3A_732 = arith.constant 0 : index
      %get3A_733 = vector.load %arg4[%get3A_729, %get3A_730, %get3A_731, %get3A_732] : memref<3x3x8x128xf32, #tpu.memory_space<vmem>>, vector<1x1x1x128xf32>
      %get3A_734 = vector.shape_cast %get3A_733 : vector<1x1x1x128xf32> to vector<128xf32>
      %broadcast_in_dim3A_735 = vector.shape_cast %get3A_734 : vector<128xf32> to vector<1x128xf32>
      %broadcast_in_dim3A_736 = vector.shape_cast %eq3A_728 : vector<512x1xi1> to vector<512x1xi1>
      %broadcast_in_dim3A_737 = vector.broadcast %broadcast_in_dim3A_736 : vector<512x1xi1> to vector<512x128xi1>
      %broadcast_in_dim3A_738 = vector.shape_cast %broadcast_in_dim3A_735 : vector<1x128xf32> to vector<1x128xf32>
      %broadcast_in_dim3A_739 = vector.broadcast %broadcast_in_dim3A_738 : vector<1x128xf32> to vector<512x128xf32>
      %select_n3A_740 = arith.select %broadcast_in_dim3A_737, %broadcast_in_dim3A_739, %select_n3A_725 : vector<512x128xi1>, vector<512x128xf32>
      %eq3A_741 = arith.constant 2 : i32
      %eq3A_742 = vector.broadcast %eq3A_741 : i32 to vector<512x1xi32>
      %eq3A_743 = arith.cmpi eq, %and3A_708, %eq3A_742 : vector<512x1xi32>
      %get3A_744 = arith.constant 1 : index
      %get3A_745 = arith.constant 1 : index
      %get3A_746 = arith.constant 2 : index
      %get3A_747 = arith.constant 0 : index
      %get3A_748 = vector.load %arg4[%get3A_744, %get3A_745, %get3A_746, %get3A_747] : memref<3x3x8x128xf32, #tpu.memory_space<vmem>>, vector<1x1x1x128xf32>
      %get3A_749 = vector.shape_cast %get3A_748 : vector<1x1x1x128xf32> to vector<128xf32>
      %broadcast_in_dim3A_750 = vector.shape_cast %get3A_749 : vector<128xf32> to vector<1x128xf32>
      %broadcast_in_dim3A_751 = vector.shape_cast %eq3A_743 : vector<512x1xi1> to vector<512x1xi1>
      %broadcast_in_dim3A_752 = vector.broadcast %broadcast_in_dim3A_751 : vector<512x1xi1> to vector<512x128xi1>
      %broadcast_in_dim3A_753 = vector.shape_cast %broadcast_in_dim3A_750 : vector<1x128xf32> to vector<1x128xf32>
      %broadcast_in_dim3A_754 = vector.broadcast %broadcast_in_dim3A_753 : vector<1x128xf32> to vector<512x128xf32>
      %select_n3A_755 = arith.select %broadcast_in_dim3A_752, %broadcast_in_dim3A_754, %select_n3A_740 : vector<512x128xi1>, vector<512x128xf32>
      %eq3A_756 = arith.constant 3 : i32
      %eq3A_757 = vector.broadcast %eq3A_756 : i32 to vector<512x1xi32>
      %eq3A_758 = arith.cmpi eq, %and3A_708, %eq3A_757 : vector<512x1xi32>
      %get3A_759 = arith.constant 1 : index
      %get3A_760 = arith.constant 1 : index
      %get3A_761 = arith.constant 3 : index
      %get3A_762 = arith.constant 0 : index
      %get3A_763 = vector.load %arg4[%get3A_759, %get3A_760, %get3A_761, %get3A_762] : memref<3x3x8x128xf32, #tpu.memory_space<vmem>>, vector<1x1x1x128xf32>
      %get3A_764 = vector.shape_cast %get3A_763 : vector<1x1x1x128xf32> to vector<128xf32>
      %broadcast_in_dim3A_765 = vector.shape_cast %get3A_764 : vector<128xf32> to vector<1x128xf32>
      %broadcast_in_dim3A_766 = vector.shape_cast %eq3A_758 : vector<512x1xi1> to vector<512x1xi1>
      %broadcast_in_dim3A_767 = vector.broadcast %broadcast_in_dim3A_766 : vector<512x1xi1> to vector<512x128xi1>
      %broadcast_in_dim3A_768 = vector.shape_cast %broadcast_in_dim3A_765 : vector<1x128xf32> to vector<1x128xf32>
      %broadcast_in_dim3A_769 = vector.broadcast %broadcast_in_dim3A_768 : vector<1x128xf32> to vector<512x128xf32>
      %select_n3A_770 = arith.select %broadcast_in_dim3A_767, %broadcast_in_dim3A_769, %select_n3A_755 : vector<512x128xi1>, vector<512x128xf32>
      %eq3A_771 = arith.constant 4 : i32
      %eq3A_772 = vector.broadcast %eq3A_771 : i32 to vector<512x1xi32>
      %eq3A_773 = arith.cmpi eq, %and3A_708, %eq3A_772 : vector<512x1xi32>
      %get3A_774 = arith.constant 1 : index
      %get3A_775 = arith.constant 1 : index
      %get3A_776 = arith.constant 4 : index
      %get3A_777 = arith.constant 0 : index
      %get3A_778 = vector.load %arg4[%get3A_774, %get3A_775, %get3A_776, %get3A_777] : memref<3x3x8x128xf32, #tpu.memory_space<vmem>>, vector<1x1x1x128xf32>
      %get3A_779 = vector.shape_cast %get3A_778 : vector<1x1x1x128xf32> to vector<128xf32>
      %broadcast_in_dim3A_780 = vector.shape_cast %get3A_779 : vector<128xf32> to vector<1x128xf32>
      %broadcast_in_dim3A_781 = vector.shape_cast %eq3A_773 : vector<512x1xi1> to vector<512x1xi1>
      %broadcast_in_dim3A_782 = vector.broadcast %broadcast_in_dim3A_781 : vector<512x1xi1> to vector<512x128xi1>
      %broadcast_in_dim3A_783 = vector.shape_cast %broadcast_in_dim3A_780 : vector<1x128xf32> to vector<1x128xf32>
      %broadcast_in_dim3A_784 = vector.broadcast %broadcast_in_dim3A_783 : vector<1x128xf32> to vector<512x128xf32>
      %select_n3A_785 = arith.select %broadcast_in_dim3A_782, %broadcast_in_dim3A_784, %select_n3A_770 : vector<512x128xi1>, vector<512x128xf32>
      %eq3A_786 = arith.constant 5 : i32
      %eq3A_787 = vector.broadcast %eq3A_786 : i32 to vector<512x1xi32>
      %eq3A_788 = arith.cmpi eq, %and3A_708, %eq3A_787 : vector<512x1xi32>
      %get3A_789 = arith.constant 1 : index
      %get3A_790 = arith.constant 1 : index
      %get3A_791 = arith.constant 5 : index
      %get3A_792 = arith.constant 0 : index
      %get3A_793 = vector.load %arg4[%get3A_789, %get3A_790, %get3A_791, %get3A_792] : memref<3x3x8x128xf32, #tpu.memory_space<vmem>>, vector<1x1x1x128xf32>
      %get3A_794 = vector.shape_cast %get3A_793 : vector<1x1x1x128xf32> to vector<128xf32>
      %broadcast_in_dim3A_795 = vector.shape_cast %get3A_794 : vector<128xf32> to vector<1x128xf32>
      %broadcast_in_dim3A_796 = vector.shape_cast %eq3A_788 : vector<512x1xi1> to vector<512x1xi1>
      %broadcast_in_dim3A_797 = vector.broadcast %broadcast_in_dim3A_796 : vector<512x1xi1> to vector<512x128xi1>
      %broadcast_in_dim3A_798 = vector.shape_cast %broadcast_in_dim3A_795 : vector<1x128xf32> to vector<1x128xf32>
      %broadcast_in_dim3A_799 = vector.broadcast %broadcast_in_dim3A_798 : vector<1x128xf32> to vector<512x128xf32>
      %select_n3A_800 = arith.select %broadcast_in_dim3A_797, %broadcast_in_dim3A_799, %select_n3A_785 : vector<512x128xi1>, vector<512x128xf32>
      %eq3A_801 = arith.constant 6 : i32
      %eq3A_802 = vector.broadcast %eq3A_801 : i32 to vector<512x1xi32>
      %eq3A_803 = arith.cmpi eq, %and3A_708, %eq3A_802 : vector<512x1xi32>
      %get3A_804 = arith.constant 1 : index
      %get3A_805 = arith.constant 1 : index
      %get3A_806 = arith.constant 6 : index
      %get3A_807 = arith.constant 0 : index
      %get3A_808 = vector.load %arg4[%get3A_804, %get3A_805, %get3A_806, %get3A_807] : memref<3x3x8x128xf32, #tpu.memory_space<vmem>>, vector<1x1x1x128xf32>
      %get3A_809 = vector.shape_cast %get3A_808 : vector<1x1x1x128xf32> to vector<128xf32>
      %broadcast_in_dim3A_810 = vector.shape_cast %get3A_809 : vector<128xf32> to vector<1x128xf32>
      %broadcast_in_dim3A_811 = vector.shape_cast %eq3A_803 : vector<512x1xi1> to vector<512x1xi1>
      %broadcast_in_dim3A_812 = vector.broadcast %broadcast_in_dim3A_811 : vector<512x1xi1> to vector<512x128xi1>
      %broadcast_in_dim3A_813 = vector.shape_cast %broadcast_in_dim3A_810 : vector<1x128xf32> to vector<1x128xf32>
      %broadcast_in_dim3A_814 = vector.broadcast %broadcast_in_dim3A_813 : vector<1x128xf32> to vector<512x128xf32>
      %select_n3A_815 = arith.select %broadcast_in_dim3A_812, %broadcast_in_dim3A_814, %select_n3A_800 : vector<512x128xi1>, vector<512x128xf32>
      %eq3A_816 = arith.constant 7 : i32
      %eq3A_817 = vector.broadcast %eq3A_816 : i32 to vector<512x1xi32>
      %eq3A_818 = arith.cmpi eq, %and3A_708, %eq3A_817 : vector<512x1xi32>
      %get3A_819 = arith.constant 1 : index
      %get3A_820 = arith.constant 1 : index
      %get3A_821 = arith.constant 7 : index
      %get3A_822 = arith.constant 0 : index
      %get3A_823 = vector.load %arg4[%get3A_819, %get3A_820, %get3A_821, %get3A_822] : memref<3x3x8x128xf32, #tpu.memory_space<vmem>>, vector<1x1x1x128xf32>
      %get3A_824 = vector.shape_cast %get3A_823 : vector<1x1x1x128xf32> to vector<128xf32>
      %broadcast_in_dim3A_825 = vector.shape_cast %get3A_824 : vector<128xf32> to vector<1x128xf32>
      %broadcast_in_dim3A_826 = vector.shape_cast %eq3A_818 : vector<512x1xi1> to vector<512x1xi1>
      %broadcast_in_dim3A_827 = vector.broadcast %broadcast_in_dim3A_826 : vector<512x1xi1> to vector<512x128xi1>
      %broadcast_in_dim3A_828 = vector.shape_cast %broadcast_in_dim3A_825 : vector<1x128xf32> to vector<1x128xf32>
      %broadcast_in_dim3A_829 = vector.broadcast %broadcast_in_dim3A_828 : vector<1x128xf32> to vector<512x128xf32>
      %select_n3A_830 = arith.select %broadcast_in_dim3A_827, %broadcast_in_dim3A_829, %select_n3A_815 : vector<512x128xi1>, vector<512x128xf32>
      %add3A_831 = arith.addf %add3A_702, %select_n3A_830 : vector<512x128xf32>
      %shift_right_arithmetic3A_832 = arith.constant 0 : i32
      %shift_right_arithmetic3A_833 = vector.broadcast %shift_right_arithmetic3A_832 : i32 to vector<512x1xi32>
      %shift_right_arithmetic3A_834 = arith.shrsi %iota3A_179, %shift_right_arithmetic3A_833 : vector<512x1xi32>
      %and3A_835 = arith.constant 7 : i32
      %and3A_836 = vector.broadcast %and3A_835 : i32 to vector<512x1xi32>
      %and3A_837 = arith.andi %shift_right_arithmetic3A_834, %and3A_836 : vector<512x1xi32>
      %broadcast_in_dim3A_838 = arith.constant 0.000000e+00 : f32
      %broadcast_in_dim3A_839 = vector.broadcast %broadcast_in_dim3A_838 : f32 to vector<512x128xf32>
      %eq3A_840 = arith.constant 0 : i32
      %eq3A_841 = vector.broadcast %eq3A_840 : i32 to vector<512x1xi32>
      %eq3A_842 = arith.cmpi eq, %and3A_837, %eq3A_841 : vector<512x1xi32>
      %get3A_843 = arith.constant 1 : index
      %get3A_844 = arith.constant 2 : index
      %get3A_845 = arith.constant 0 : index
      %get3A_846 = arith.constant 0 : index
      %get3A_847 = vector.load %arg4[%get3A_843, %get3A_844, %get3A_845, %get3A_846] : memref<3x3x8x128xf32, #tpu.memory_space<vmem>>, vector<1x1x1x128xf32>
      %get3A_848 = vector.shape_cast %get3A_847 : vector<1x1x1x128xf32> to vector<128xf32>
      %broadcast_in_dim3A_849 = vector.shape_cast %get3A_848 : vector<128xf32> to vector<1x128xf32>
      %broadcast_in_dim3A_850 = vector.shape_cast %eq3A_842 : vector<512x1xi1> to vector<512x1xi1>
      %broadcast_in_dim3A_851 = vector.broadcast %broadcast_in_dim3A_850 : vector<512x1xi1> to vector<512x128xi1>
      %broadcast_in_dim3A_852 = vector.shape_cast %broadcast_in_dim3A_849 : vector<1x128xf32> to vector<1x128xf32>
      %broadcast_in_dim3A_853 = vector.broadcast %broadcast_in_dim3A_852 : vector<1x128xf32> to vector<512x128xf32>
      %select_n3A_854 = arith.select %broadcast_in_dim3A_851, %broadcast_in_dim3A_853, %broadcast_in_dim3A_839 : vector<512x128xi1>, vector<512x128xf32>
      %eq3A_855 = arith.constant 1 : i32
      %eq3A_856 = vector.broadcast %eq3A_855 : i32 to vector<512x1xi32>
      %eq3A_857 = arith.cmpi eq, %and3A_837, %eq3A_856 : vector<512x1xi32>
      %get3A_858 = arith.constant 1 : index
      %get3A_859 = arith.constant 2 : index
      %get3A_860 = arith.constant 1 : index
      %get3A_861 = arith.constant 0 : index
      %get3A_862 = vector.load %arg4[%get3A_858, %get3A_859, %get3A_860, %get3A_861] : memref<3x3x8x128xf32, #tpu.memory_space<vmem>>, vector<1x1x1x128xf32>
      %get3A_863 = vector.shape_cast %get3A_862 : vector<1x1x1x128xf32> to vector<128xf32>
      %broadcast_in_dim3A_864 = vector.shape_cast %get3A_863 : vector<128xf32> to vector<1x128xf32>
      %broadcast_in_dim3A_865 = vector.shape_cast %eq3A_857 : vector<512x1xi1> to vector<512x1xi1>
      %broadcast_in_dim3A_866 = vector.broadcast %broadcast_in_dim3A_865 : vector<512x1xi1> to vector<512x128xi1>
      %broadcast_in_dim3A_867 = vector.shape_cast %broadcast_in_dim3A_864 : vector<1x128xf32> to vector<1x128xf32>
      %broadcast_in_dim3A_868 = vector.broadcast %broadcast_in_dim3A_867 : vector<1x128xf32> to vector<512x128xf32>
      %select_n3A_869 = arith.select %broadcast_in_dim3A_866, %broadcast_in_dim3A_868, %select_n3A_854 : vector<512x128xi1>, vector<512x128xf32>
      %eq3A_870 = arith.constant 2 : i32
      %eq3A_871 = vector.broadcast %eq3A_870 : i32 to vector<512x1xi32>
      %eq3A_872 = arith.cmpi eq, %and3A_837, %eq3A_871 : vector<512x1xi32>
      %get3A_873 = arith.constant 1 : index
      %get3A_874 = arith.constant 2 : index
      %get3A_875 = arith.constant 2 : index
      %get3A_876 = arith.constant 0 : index
      %get3A_877 = vector.load %arg4[%get3A_873, %get3A_874, %get3A_875, %get3A_876] : memref<3x3x8x128xf32, #tpu.memory_space<vmem>>, vector<1x1x1x128xf32>
      %get3A_878 = vector.shape_cast %get3A_877 : vector<1x1x1x128xf32> to vector<128xf32>
      %broadcast_in_dim3A_879 = vector.shape_cast %get3A_878 : vector<128xf32> to vector<1x128xf32>
      %broadcast_in_dim3A_880 = vector.shape_cast %eq3A_872 : vector<512x1xi1> to vector<512x1xi1>
      %broadcast_in_dim3A_881 = vector.broadcast %broadcast_in_dim3A_880 : vector<512x1xi1> to vector<512x128xi1>
      %broadcast_in_dim3A_882 = vector.shape_cast %broadcast_in_dim3A_879 : vector<1x128xf32> to vector<1x128xf32>
      %broadcast_in_dim3A_883 = vector.broadcast %broadcast_in_dim3A_882 : vector<1x128xf32> to vector<512x128xf32>
      %select_n3A_884 = arith.select %broadcast_in_dim3A_881, %broadcast_in_dim3A_883, %select_n3A_869 : vector<512x128xi1>, vector<512x128xf32>
      %eq3A_885 = arith.constant 3 : i32
      %eq3A_886 = vector.broadcast %eq3A_885 : i32 to vector<512x1xi32>
      %eq3A_887 = arith.cmpi eq, %and3A_837, %eq3A_886 : vector<512x1xi32>
      %get3A_888 = arith.constant 1 : index
      %get3A_889 = arith.constant 2 : index
      %get3A_890 = arith.constant 3 : index
      %get3A_891 = arith.constant 0 : index
      %get3A_892 = vector.load %arg4[%get3A_888, %get3A_889, %get3A_890, %get3A_891] : memref<3x3x8x128xf32, #tpu.memory_space<vmem>>, vector<1x1x1x128xf32>
      %get3A_893 = vector.shape_cast %get3A_892 : vector<1x1x1x128xf32> to vector<128xf32>
      %broadcast_in_dim3A_894 = vector.shape_cast %get3A_893 : vector<128xf32> to vector<1x128xf32>
      %broadcast_in_dim3A_895 = vector.shape_cast %eq3A_887 : vector<512x1xi1> to vector<512x1xi1>
      %broadcast_in_dim3A_896 = vector.broadcast %broadcast_in_dim3A_895 : vector<512x1xi1> to vector<512x128xi1>
      %broadcast_in_dim3A_897 = vector.shape_cast %broadcast_in_dim3A_894 : vector<1x128xf32> to vector<1x128xf32>
      %broadcast_in_dim3A_898 = vector.broadcast %broadcast_in_dim3A_897 : vector<1x128xf32> to vector<512x128xf32>
      %select_n3A_899 = arith.select %broadcast_in_dim3A_896, %broadcast_in_dim3A_898, %select_n3A_884 : vector<512x128xi1>, vector<512x128xf32>
      %eq3A_900 = arith.constant 4 : i32
      %eq3A_901 = vector.broadcast %eq3A_900 : i32 to vector<512x1xi32>
      %eq3A_902 = arith.cmpi eq, %and3A_837, %eq3A_901 : vector<512x1xi32>
      %get3A_903 = arith.constant 1 : index
      %get3A_904 = arith.constant 2 : index
      %get3A_905 = arith.constant 4 : index
      %get3A_906 = arith.constant 0 : index
      %get3A_907 = vector.load %arg4[%get3A_903, %get3A_904, %get3A_905, %get3A_906] : memref<3x3x8x128xf32, #tpu.memory_space<vmem>>, vector<1x1x1x128xf32>
      %get3A_908 = vector.shape_cast %get3A_907 : vector<1x1x1x128xf32> to vector<128xf32>
      %broadcast_in_dim3A_909 = vector.shape_cast %get3A_908 : vector<128xf32> to vector<1x128xf32>
      %broadcast_in_dim3A_910 = vector.shape_cast %eq3A_902 : vector<512x1xi1> to vector<512x1xi1>
      %broadcast_in_dim3A_911 = vector.broadcast %broadcast_in_dim3A_910 : vector<512x1xi1> to vector<512x128xi1>
      %broadcast_in_dim3A_912 = vector.shape_cast %broadcast_in_dim3A_909 : vector<1x128xf32> to vector<1x128xf32>
      %broadcast_in_dim3A_913 = vector.broadcast %broadcast_in_dim3A_912 : vector<1x128xf32> to vector<512x128xf32>
      %select_n3A_914 = arith.select %broadcast_in_dim3A_911, %broadcast_in_dim3A_913, %select_n3A_899 : vector<512x128xi1>, vector<512x128xf32>
      %eq3A_915 = arith.constant 5 : i32
      %eq3A_916 = vector.broadcast %eq3A_915 : i32 to vector<512x1xi32>
      %eq3A_917 = arith.cmpi eq, %and3A_837, %eq3A_916 : vector<512x1xi32>
      %get3A_918 = arith.constant 1 : index
      %get3A_919 = arith.constant 2 : index
      %get3A_920 = arith.constant 5 : index
      %get3A_921 = arith.constant 0 : index
      %get3A_922 = vector.load %arg4[%get3A_918, %get3A_919, %get3A_920, %get3A_921] : memref<3x3x8x128xf32, #tpu.memory_space<vmem>>, vector<1x1x1x128xf32>
      %get3A_923 = vector.shape_cast %get3A_922 : vector<1x1x1x128xf32> to vector<128xf32>
      %broadcast_in_dim3A_924 = vector.shape_cast %get3A_923 : vector<128xf32> to vector<1x128xf32>
      %broadcast_in_dim3A_925 = vector.shape_cast %eq3A_917 : vector<512x1xi1> to vector<512x1xi1>
      %broadcast_in_dim3A_926 = vector.broadcast %broadcast_in_dim3A_925 : vector<512x1xi1> to vector<512x128xi1>
      %broadcast_in_dim3A_927 = vector.shape_cast %broadcast_in_dim3A_924 : vector<1x128xf32> to vector<1x128xf32>
      %broadcast_in_dim3A_928 = vector.broadcast %broadcast_in_dim3A_927 : vector<1x128xf32> to vector<512x128xf32>
      %select_n3A_929 = arith.select %broadcast_in_dim3A_926, %broadcast_in_dim3A_928, %select_n3A_914 : vector<512x128xi1>, vector<512x128xf32>
      %eq3A_930 = arith.constant 6 : i32
      %eq3A_931 = vector.broadcast %eq3A_930 : i32 to vector<512x1xi32>
      %eq3A_932 = arith.cmpi eq, %and3A_837, %eq3A_931 : vector<512x1xi32>
      %get3A_933 = arith.constant 1 : index
      %get3A_934 = arith.constant 2 : index
      %get3A_935 = arith.constant 6 : index
      %get3A_936 = arith.constant 0 : index
      %get3A_937 = vector.load %arg4[%get3A_933, %get3A_934, %get3A_935, %get3A_936] : memref<3x3x8x128xf32, #tpu.memory_space<vmem>>, vector<1x1x1x128xf32>
      %get3A_938 = vector.shape_cast %get3A_937 : vector<1x1x1x128xf32> to vector<128xf32>
      %broadcast_in_dim3A_939 = vector.shape_cast %get3A_938 : vector<128xf32> to vector<1x128xf32>
      %broadcast_in_dim3A_940 = vector.shape_cast %eq3A_932 : vector<512x1xi1> to vector<512x1xi1>
      %broadcast_in_dim3A_941 = vector.broadcast %broadcast_in_dim3A_940 : vector<512x1xi1> to vector<512x128xi1>
      %broadcast_in_dim3A_942 = vector.shape_cast %broadcast_in_dim3A_939 : vector<1x128xf32> to vector<1x128xf32>
      %broadcast_in_dim3A_943 = vector.broadcast %broadcast_in_dim3A_942 : vector<1x128xf32> to vector<512x128xf32>
      %select_n3A_944 = arith.select %broadcast_in_dim3A_941, %broadcast_in_dim3A_943, %select_n3A_929 : vector<512x128xi1>, vector<512x128xf32>
      %eq3A_945 = arith.constant 7 : i32
      %eq3A_946 = vector.broadcast %eq3A_945 : i32 to vector<512x1xi32>
      %eq3A_947 = arith.cmpi eq, %and3A_837, %eq3A_946 : vector<512x1xi32>
      %get3A_948 = arith.constant 1 : index
      %get3A_949 = arith.constant 2 : index
      %get3A_950 = arith.constant 7 : index
      %get3A_951 = arith.constant 0 : index
      %get3A_952 = vector.load %arg4[%get3A_948, %get3A_949, %get3A_950, %get3A_951] : memref<3x3x8x128xf32, #tpu.memory_space<vmem>>, vector<1x1x1x128xf32>
      %get3A_953 = vector.shape_cast %get3A_952 : vector<1x1x1x128xf32> to vector<128xf32>
      %broadcast_in_dim3A_954 = vector.shape_cast %get3A_953 : vector<128xf32> to vector<1x128xf32>
      %broadcast_in_dim3A_955 = vector.shape_cast %eq3A_947 : vector<512x1xi1> to vector<512x1xi1>
      %broadcast_in_dim3A_956 = vector.broadcast %broadcast_in_dim3A_955 : vector<512x1xi1> to vector<512x128xi1>
      %broadcast_in_dim3A_957 = vector.shape_cast %broadcast_in_dim3A_954 : vector<1x128xf32> to vector<1x128xf32>
      %broadcast_in_dim3A_958 = vector.broadcast %broadcast_in_dim3A_957 : vector<1x128xf32> to vector<512x128xf32>
      %select_n3A_959 = arith.select %broadcast_in_dim3A_956, %broadcast_in_dim3A_958, %select_n3A_944 : vector<512x128xi1>, vector<512x128xf32>
      %add3A_960 = arith.addf %add3A_831, %select_n3A_959 : vector<512x128xf32>
      %swap3A_961 = arith.constant 1 : index
      %swap3A_962 = arith.constant 0 : index
      %swap3A_963 = arith.constant 0 : index
      %swap3A_964 = vector.load %arg7[%swap3A_961, %swap3A_962, %swap3A_963] : memref<3x512x128xf32, #tpu.memory_space<vmem>>, vector<1x512x128xf32>
      %swap3A_965 = vector.shape_cast %swap3A_964 : vector<1x512x128xf32> to vector<512x128xf32>
      %swap3A_966 = vector.shape_cast %add3A_960 : vector<512x128xf32> to vector<1x512x128xf32>
      tpu.vector_store %arg7[%swap3A_961, %swap3A_962, %swap3A_963], %swap3A_966 {strides = array<i32>} : memref<3x512x128xf32, #tpu.memory_space<vmem>>, vector<1x512x128xf32>,
      %broadcast_in_dim3A_967 = arith.constant 0.000000e+00 : f32
      %broadcast_in_dim3A_968 = vector.broadcast %broadcast_in_dim3A_967 : f32 to vector<512x128xf32>
      %shift_right_arithmetic3A_969 = arith.constant 6 : i32
      %shift_right_arithmetic3A_970 = vector.broadcast %shift_right_arithmetic3A_969 : i32 to vector<512x1xi32>
      %shift_right_arithmetic3A_971 = arith.shrsi %iota3A_179, %shift_right_arithmetic3A_970 : vector<512x1xi32>
      %and3A_972 = arith.constant 7 : i32
      %and3A_973 = vector.broadcast %and3A_972 : i32 to vector<512x1xi32>
      %and3A_974 = arith.andi %shift_right_arithmetic3A_971, %and3A_973 : vector<512x1xi32>
      %broadcast_in_dim3A_975 = arith.constant 0.000000e+00 : f32
      %broadcast_in_dim3A_976 = vector.broadcast %broadcast_in_dim3A_975 : f32 to vector<512x128xf32>
      %eq3A_977 = arith.constant 0 : i32
      %eq3A_978 = vector.broadcast %eq3A_977 : i32 to vector<512x1xi32>
      %eq3A_979 = arith.cmpi eq, %and3A_974, %eq3A_978 : vector<512x1xi32>
      %get3A_980 = arith.constant 2 : index
      %get3A_981 = arith.constant 0 : index
      %get3A_982 = arith.constant 0 : index
      %get3A_983 = arith.constant 0 : index
      %get3A_984 = vector.load %arg4[%get3A_980, %get3A_981, %get3A_982, %get3A_983] : memref<3x3x8x128xf32, #tpu.memory_space<vmem>>, vector<1x1x1x128xf32>
      %get3A_985 = vector.shape_cast %get3A_984 : vector<1x1x1x128xf32> to vector<128xf32>
      %broadcast_in_dim3A_986 = vector.shape_cast %get3A_985 : vector<128xf32> to vector<1x128xf32>
      %broadcast_in_dim3A_987 = vector.shape_cast %eq3A_979 : vector<512x1xi1> to vector<512x1xi1>
      %broadcast_in_dim3A_988 = vector.broadcast %broadcast_in_dim3A_987 : vector<512x1xi1> to vector<512x128xi1>
      %broadcast_in_dim3A_989 = vector.shape_cast %broadcast_in_dim3A_986 : vector<1x128xf32> to vector<1x128xf32>
      %broadcast_in_dim3A_990 = vector.broadcast %broadcast_in_dim3A_989 : vector<1x128xf32> to vector<512x128xf32>
      %select_n3A_991 = arith.select %broadcast_in_dim3A_988, %broadcast_in_dim3A_990, %broadcast_in_dim3A_976 : vector<512x128xi1>, vector<512x128xf32>
      %eq3A_992 = arith.constant 1 : i32
      %eq3A_993 = vector.broadcast %eq3A_992 : i32 to vector<512x1xi32>
      %eq3A_994 = arith.cmpi eq, %and3A_974, %eq3A_993 : vector<512x1xi32>
      %get3A_995 = arith.constant 2 : index
      %get3A_996 = arith.constant 0 : index
      %get3A_997 = arith.constant 1 : index
      %get3A_998 = arith.constant 0 : index
      %get3A_999 = vector.load %arg4[%get3A_995, %get3A_996, %get3A_997, %get3A_998] : memref<3x3x8x128xf32, #tpu.memory_space<vmem>>, vector<1x1x1x128xf32>
      %get3A_1000 = vector.shape_cast %get3A_999 : vector<1x1x1x128xf32> to vector<128xf32>
      %broadcast_in_dim3A_1001 = vector.shape_cast %get3A_1000 : vector<128xf32> to vector<1x128xf32>
      %broadcast_in_dim3A_1002 = vector.shape_cast %eq3A_994 : vector<512x1xi1> to vector<512x1xi1>
      %broadcast_in_dim3A_1003 = vector.broadcast %broadcast_in_dim3A_1002 : vector<512x1xi1> to vector<512x128xi1>
      %broadcast_in_dim3A_1004 = vector.shape_cast %broadcast_in_dim3A_1001 : vector<1x128xf32> to vector<1x128xf32>
      %broadcast_in_dim3A_1005 = vector.broadcast %broadcast_in_dim3A_1004 : vector<1x128xf32> to vector<512x128xf32>
      %select_n3A_1006 = arith.select %broadcast_in_dim3A_1003, %broadcast_in_dim3A_1005, %select_n3A_991 : vector<512x128xi1>, vector<512x128xf32>
      %eq3A_1007 = arith.constant 2 : i32
      %eq3A_1008 = vector.broadcast %eq3A_1007 : i32 to vector<512x1xi32>
      %eq3A_1009 = arith.cmpi eq, %and3A_974, %eq3A_1008 : vector<512x1xi32>
      %get3A_1010 = arith.constant 2 : index
      %get3A_1011 = arith.constant 0 : index
      %get3A_1012 = arith.constant 2 : index
      %get3A_1013 = arith.constant 0 : index
      %get3A_1014 = vector.load %arg4[%get3A_1010, %get3A_1011, %get3A_1012, %get3A_1013] : memref<3x3x8x128xf32, #tpu.memory_space<vmem>>, vector<1x1x1x128xf32>
      %get3A_1015 = vector.shape_cast %get3A_1014 : vector<1x1x1x128xf32> to vector<128xf32>
      %broadcast_in_dim3A_1016 = vector.shape_cast %get3A_1015 : vector<128xf32> to vector<1x128xf32>
      %broadcast_in_dim3A_1017 = vector.shape_cast %eq3A_1009 : vector<512x1xi1> to vector<512x1xi1>
      %broadcast_in_dim3A_1018 = vector.broadcast %broadcast_in_dim3A_1017 : vector<512x1xi1> to vector<512x128xi1>
      %broadcast_in_dim3A_1019 = vector.shape_cast %broadcast_in_dim3A_1016 : vector<1x128xf32> to vector<1x128xf32>
      %broadcast_in_dim3A_1020 = vector.broadcast %broadcast_in_dim3A_1019 : vector<1x128xf32> to vector<512x128xf32>
      %select_n3A_1021 = arith.select %broadcast_in_dim3A_1018, %broadcast_in_dim3A_1020, %select_n3A_1006 : vector<512x128xi1>, vector<512x128xf32>
      %eq3A_1022 = arith.constant 3 : i32
      %eq3A_1023 = vector.broadcast %eq3A_1022 : i32 to vector<512x1xi32>
      %eq3A_1024 = arith.cmpi eq, %and3A_974, %eq3A_1023 : vector<512x1xi32>
      %get3A_1025 = arith.constant 2 : index
      %get3A_1026 = arith.constant 0 : index
      %get3A_1027 = arith.constant 3 : index
      %get3A_1028 = arith.constant 0 : index
      %get3A_1029 = vector.load %arg4[%get3A_1025, %get3A_1026, %get3A_1027, %get3A_1028] : memref<3x3x8x128xf32, #tpu.memory_space<vmem>>, vector<1x1x1x128xf32>
      %get3A_1030 = vector.shape_cast %get3A_1029 : vector<1x1x1x128xf32> to vector<128xf32>
      %broadcast_in_dim3A_1031 = vector.shape_cast %get3A_1030 : vector<128xf32> to vector<1x128xf32>
      %broadcast_in_dim3A_1032 = vector.shape_cast %eq3A_1024 : vector<512x1xi1> to vector<512x1xi1>
      %broadcast_in_dim3A_1033 = vector.broadcast %broadcast_in_dim3A_1032 : vector<512x1xi1> to vector<512x128xi1>
      %broadcast_in_dim3A_1034 = vector.shape_cast %broadcast_in_dim3A_1031 : vector<1x128xf32> to vector<1x128xf32>
      %broadcast_in_dim3A_1035 = vector.broadcast %broadcast_in_dim3A_1034 : vector<1x128xf32> to vector<512x128xf32>
      %select_n3A_1036 = arith.select %broadcast_in_dim3A_1033, %broadcast_in_dim3A_1035, %select_n3A_1021 : vector<512x128xi1>, vector<512x128xf32>
      %eq3A_1037 = arith.constant 4 : i32
      %eq3A_1038 = vector.broadcast %eq3A_1037 : i32 to vector<512x1xi32>
      %eq3A_1039 = arith.cmpi eq, %and3A_974, %eq3A_1038 : vector<512x1xi32>
      %get3A_1040 = arith.constant 2 : index
      %get3A_1041 = arith.constant 0 : index
      %get3A_1042 = arith.constant 4 : index
      %get3A_1043 = arith.constant 0 : index
      %get3A_1044 = vector.load %arg4[%get3A_1040, %get3A_1041, %get3A_1042, %get3A_1043] : memref<3x3x8x128xf32, #tpu.memory_space<vmem>>, vector<1x1x1x128xf32>
      %get3A_1045 = vector.shape_cast %get3A_1044 : vector<1x1x1x128xf32> to vector<128xf32>
      %broadcast_in_dim3A_1046 = vector.shape_cast %get3A_1045 : vector<128xf32> to vector<1x128xf32>
      %broadcast_in_dim3A_1047 = vector.shape_cast %eq3A_1039 : vector<512x1xi1> to vector<512x1xi1>
      %broadcast_in_dim3A_1048 = vector.broadcast %broadcast_in_dim3A_1047 : vector<512x1xi1> to vector<512x128xi1>
      %broadcast_in_dim3A_1049 = vector.shape_cast %broadcast_in_dim3A_1046 : vector<1x128xf32> to vector<1x128xf32>
      %broadcast_in_dim3A_1050 = vector.broadcast %broadcast_in_dim3A_1049 : vector<1x128xf32> to vector<512x128xf32>
      %select_n3A_1051 = arith.select %broadcast_in_dim3A_1048, %broadcast_in_dim3A_1050, %select_n3A_1036 : vector<512x128xi1>, vector<512x128xf32>
      %eq3A_1052 = arith.constant 5 : i32
      %eq3A_1053 = vector.broadcast %eq3A_1052 : i32 to vector<512x1xi32>
      %eq3A_1054 = arith.cmpi eq, %and3A_974, %eq3A_1053 : vector<512x1xi32>
      %get3A_1055 = arith.constant 2 : index
      %get3A_1056 = arith.constant 0 : index
      %get3A_1057 = arith.constant 5 : index
      %get3A_1058 = arith.constant 0 : index
      %get3A_1059 = vector.load %arg4[%get3A_1055, %get3A_1056, %get3A_1057, %get3A_1058] : memref<3x3x8x128xf32, #tpu.memory_space<vmem>>, vector<1x1x1x128xf32>
      %get3A_1060 = vector.shape_cast %get3A_1059 : vector<1x1x1x128xf32> to vector<128xf32>
      %broadcast_in_dim3A_1061 = vector.shape_cast %get3A_1060 : vector<128xf32> to vector<1x128xf32>
      %broadcast_in_dim3A_1062 = vector.shape_cast %eq3A_1054 : vector<512x1xi1> to vector<512x1xi1>
      %broadcast_in_dim3A_1063 = vector.broadcast %broadcast_in_dim3A_1062 : vector<512x1xi1> to vector<512x128xi1>
      %broadcast_in_dim3A_1064 = vector.shape_cast %broadcast_in_dim3A_1061 : vector<1x128xf32> to vector<1x128xf32>
      %broadcast_in_dim3A_1065 = vector.broadcast %broadcast_in_dim3A_1064 : vector<1x128xf32> to vector<512x128xf32>
      %select_n3A_1066 = arith.select %broadcast_in_dim3A_1063, %broadcast_in_dim3A_1065, %select_n3A_1051 : vector<512x128xi1>, vector<512x128xf32>
      %eq3A_1067 = arith.constant 6 : i32
      %eq3A_1068 = vector.broadcast %eq3A_1067 : i32 to vector<512x1xi32>
      %eq3A_1069 = arith.cmpi eq, %and3A_974, %eq3A_1068 : vector<512x1xi32>
      %get3A_1070 = arith.constant 2 : index
      %get3A_1071 = arith.constant 0 : index
      %get3A_1072 = arith.constant 6 : index
      %get3A_1073 = arith.constant 0 : index
      %get3A_1074 = vector.load %arg4[%get3A_1070, %get3A_1071, %get3A_1072, %get3A_1073] : memref<3x3x8x128xf32, #tpu.memory_space<vmem>>, vector<1x1x1x128xf32>
      %get3A_1075 = vector.shape_cast %get3A_1074 : vector<1x1x1x128xf32> to vector<128xf32>
      %broadcast_in_dim3A_1076 = vector.shape_cast %get3A_1075 : vector<128xf32> to vector<1x128xf32>
      %broadcast_in_dim3A_1077 = vector.shape_cast %eq3A_1069 : vector<512x1xi1> to vector<512x1xi1>
      %broadcast_in_dim3A_1078 = vector.broadcast %broadcast_in_dim3A_1077 : vector<512x1xi1> to vector<512x128xi1>
      %broadcast_in_dim3A_1079 = vector.shape_cast %broadcast_in_dim3A_1076 : vector<1x128xf32> to vector<1x128xf32>
      %broadcast_in_dim3A_1080 = vector.broadcast %broadcast_in_dim3A_1079 : vector<1x128xf32> to vector<512x128xf32>
      %select_n3A_1081 = arith.select %broadcast_in_dim3A_1078, %broadcast_in_dim3A_1080, %select_n3A_1066 : vector<512x128xi1>, vector<512x128xf32>
      %eq3A_1082 = arith.constant 7 : i32
      %eq3A_1083 = vector.broadcast %eq3A_1082 : i32 to vector<512x1xi32>
      %eq3A_1084 = arith.cmpi eq, %and3A_974, %eq3A_1083 : vector<512x1xi32>
      %get3A_1085 = arith.constant 2 : index
      %get3A_1086 = arith.constant 0 : index
      %get3A_1087 = arith.constant 7 : index
      %get3A_1088 = arith.constant 0 : index
      %get3A_1089 = vector.load %arg4[%get3A_1085, %get3A_1086, %get3A_1087, %get3A_1088] : memref<3x3x8x128xf32, #tpu.memory_space<vmem>>, vector<1x1x1x128xf32>
      %get3A_1090 = vector.shape_cast %get3A_1089 : vector<1x1x1x128xf32> to vector<128xf32>
      %broadcast_in_dim3A_1091 = vector.shape_cast %get3A_1090 : vector<128xf32> to vector<1x128xf32>
      %broadcast_in_dim3A_1092 = vector.shape_cast %eq3A_1084 : vector<512x1xi1> to vector<512x1xi1>
      %broadcast_in_dim3A_1093 = vector.broadcast %broadcast_in_dim3A_1092 : vector<512x1xi1> to vector<512x128xi1>
      %broadcast_in_dim3A_1094 = vector.shape_cast %broadcast_in_dim3A_1091 : vector<1x128xf32> to vector<1x128xf32>
      %broadcast_in_dim3A_1095 = vector.broadcast %broadcast_in_dim3A_1094 : vector<1x128xf32> to vector<512x128xf32>
      %select_n3A_1096 = arith.select %broadcast_in_dim3A_1093, %broadcast_in_dim3A_1095, %select_n3A_1081 : vector<512x128xi1>, vector<512x128xf32>
      %add3A_1097 = arith.addf %broadcast_in_dim3A_968, %select_n3A_1096 : vector<512x128xf32>
      %shift_right_arithmetic3A_1098 = arith.constant 3 : i32
      %shift_right_arithmetic3A_1099 = vector.broadcast %shift_right_arithmetic3A_1098 : i32 to vector<512x1xi32>
      %shift_right_arithmetic3A_1100 = arith.shrsi %iota3A_179, %shift_right_arithmetic3A_1099 : vector<512x1xi32>
      %and3A_1101 = arith.constant 7 : i32
      %and3A_1102 = vector.broadcast %and3A_1101 : i32 to vector<512x1xi32>
      %and3A_1103 = arith.andi %shift_right_arithmetic3A_1100, %and3A_1102 : vector<512x1xi32>
      %broadcast_in_dim3A_1104 = arith.constant 0.000000e+00 : f32
      %broadcast_in_dim3A_1105 = vector.broadcast %broadcast_in_dim3A_1104 : f32 to vector<512x128xf32>
      %eq3A_1106 = arith.constant 0 : i32
      %eq3A_1107 = vector.broadcast %eq3A_1106 : i32 to vector<512x1xi32>
      %eq3A_1108 = arith.cmpi eq, %and3A_1103, %eq3A_1107 : vector<512x1xi32>
      %get3A_1109 = arith.constant 2 : index
      %get3A_1110 = arith.constant 1 : index
      %get3A_1111 = arith.constant 0 : index
      %get3A_1112 = arith.constant 0 : index
      %get3A_1113 = vector.load %arg4[%get3A_1109, %get3A_1110, %get3A_1111, %get3A_1112] : memref<3x3x8x128xf32, #tpu.memory_space<vmem>>, vector<1x1x1x128xf32>
      %get3A_1114 = vector.shape_cast %get3A_1113 : vector<1x1x1x128xf32> to vector<128xf32>
      %broadcast_in_dim3A_1115 = vector.shape_cast %get3A_1114 : vector<128xf32> to vector<1x128xf32>
      %broadcast_in_dim3A_1116 = vector.shape_cast %eq3A_1108 : vector<512x1xi1> to vector<512x1xi1>
      %broadcast_in_dim3A_1117 = vector.broadcast %broadcast_in_dim3A_1116 : vector<512x1xi1> to vector<512x128xi1>
      %broadcast_in_dim3A_1118 = vector.shape_cast %broadcast_in_dim3A_1115 : vector<1x128xf32> to vector<1x128xf32>
      %broadcast_in_dim3A_1119 = vector.broadcast %broadcast_in_dim3A_1118 : vector<1x128xf32> to vector<512x128xf32>
      %select_n3A_1120 = arith.select %broadcast_in_dim3A_1117, %broadcast_in_dim3A_1119, %broadcast_in_dim3A_1105 : vector<512x128xi1>, vector<512x128xf32>
      %eq3A_1121 = arith.constant 1 : i32
      %eq3A_1122 = vector.broadcast %eq3A_1121 : i32 to vector<512x1xi32>
      %eq3A_1123 = arith.cmpi eq, %and3A_1103, %eq3A_1122 : vector<512x1xi32>
      %get3A_1124 = arith.constant 2 : index
      %get3A_1125 = arith.constant 1 : index
      %get3A_1126 = arith.constant 1 : index
      %get3A_1127 = arith.constant 0 : index
      %get3A_1128 = vector.load %arg4[%get3A_1124, %get3A_1125, %get3A_1126, %get3A_1127] : memref<3x3x8x128xf32, #tpu.memory_space<vmem>>, vector<1x1x1x128xf32>
      %get3A_1129 = vector.shape_cast %get3A_1128 : vector<1x1x1x128xf32> to vector<128xf32>
      %broadcast_in_dim3A_1130 = vector.shape_cast %get3A_1129 : vector<128xf32> to vector<1x128xf32>
      %broadcast_in_dim3A_1131 = vector.shape_cast %eq3A_1123 : vector<512x1xi1> to vector<512x1xi1>
      %broadcast_in_dim3A_1132 = vector.broadcast %broadcast_in_dim3A_1131 : vector<512x1xi1> to vector<512x128xi1>
      %broadcast_in_dim3A_1133 = vector.shape_cast %broadcast_in_dim3A_1130 : vector<1x128xf32> to vector<1x128xf32>
      %broadcast_in_dim3A_1134 = vector.broadcast %broadcast_in_dim3A_1133 : vector<1x128xf32> to vector<512x128xf32>
      %select_n3A_1135 = arith.select %broadcast_in_dim3A_1132, %broadcast_in_dim3A_1134, %select_n3A_1120 : vector<512x128xi1>, vector<512x128xf32>
      %eq3A_1136 = arith.constant 2 : i32
      %eq3A_1137 = vector.broadcast %eq3A_1136 : i32 to vector<512x1xi32>
      %eq3A_1138 = arith.cmpi eq, %and3A_1103, %eq3A_1137 : vector<512x1xi32>
      %get3A_1139 = arith.constant 2 : index
      %get3A_1140 = arith.constant 1 : index
      %get3A_1141 = arith.constant 2 : index
      %get3A_1142 = arith.constant 0 : index
      %get3A_1143 = vector.load %arg4[%get3A_1139, %get3A_1140, %get3A_1141, %get3A_1142] : memref<3x3x8x128xf32, #tpu.memory_space<vmem>>, vector<1x1x1x128xf32>
      %get3A_1144 = vector.shape_cast %get3A_1143 : vector<1x1x1x128xf32> to vector<128xf32>
      %broadcast_in_dim3A_1145 = vector.shape_cast %get3A_1144 : vector<128xf32> to vector<1x128xf32>
      %broadcast_in_dim3A_1146 = vector.shape_cast %eq3A_1138 : vector<512x1xi1> to vector<512x1xi1>
      %broadcast_in_dim3A_1147 = vector.broadcast %broadcast_in_dim3A_1146 : vector<512x1xi1> to vector<512x128xi1>
      %broadcast_in_dim3A_1148 = vector.shape_cast %broadcast_in_dim3A_1145 : vector<1x128xf32> to vector<1x128xf32>
      %broadcast_in_dim3A_1149 = vector.broadcast %broadcast_in_dim3A_1148 : vector<1x128xf32> to vector<512x128xf32>
      %select_n3A_1150 = arith.select %broadcast_in_dim3A_1147, %broadcast_in_dim3A_1149, %select_n3A_1135 : vector<512x128xi1>, vector<512x128xf32>
      %eq3A_1151 = arith.constant 3 : i32
      %eq3A_1152 = vector.broadcast %eq3A_1151 : i32 to vector<512x1xi32>
      %eq3A_1153 = arith.cmpi eq, %and3A_1103, %eq3A_1152 : vector<512x1xi32>
      %get3A_1154 = arith.constant 2 : index
      %get3A_1155 = arith.constant 1 : index
      %get3A_1156 = arith.constant 3 : index
      %get3A_1157 = arith.constant 0 : index
      %get3A_1158 = vector.load %arg4[%get3A_1154, %get3A_1155, %get3A_1156, %get3A_1157] : memref<3x3x8x128xf32, #tpu.memory_space<vmem>>, vector<1x1x1x128xf32>
      %get3A_1159 = vector.shape_cast %get3A_1158 : vector<1x1x1x128xf32> to vector<128xf32>
      %broadcast_in_dim3A_1160 = vector.shape_cast %get3A_1159 : vector<128xf32> to vector<1x128xf32>
      %broadcast_in_dim3A_1161 = vector.shape_cast %eq3A_1153 : vector<512x1xi1> to vector<512x1xi1>
      %broadcast_in_dim3A_1162 = vector.broadcast %broadcast_in_dim3A_1161 : vector<512x1xi1> to vector<512x128xi1>
      %broadcast_in_dim3A_1163 = vector.shape_cast %broadcast_in_dim3A_1160 : vector<1x128xf32> to vector<1x128xf32>
      %broadcast_in_dim3A_1164 = vector.broadcast %broadcast_in_dim3A_1163 : vector<1x128xf32> to vector<512x128xf32>
      %select_n3A_1165 = arith.select %broadcast_in_dim3A_1162, %broadcast_in_dim3A_1164, %select_n3A_1150 : vector<512x128xi1>, vector<512x128xf32>
      %eq3A_1166 = arith.constant 4 : i32
      %eq3A_1167 = vector.broadcast %eq3A_1166 : i32 to vector<512x1xi32>
      %eq3A_1168 = arith.cmpi eq, %and3A_1103, %eq3A_1167 : vector<512x1xi32>
      %get3A_1169 = arith.constant 2 : index
      %get3A_1170 = arith.constant 1 : index
      %get3A_1171 = arith.constant 4 : index
      %get3A_1172 = arith.constant 0 : index
      %get3A_1173 = vector.load %arg4[%get3A_1169, %get3A_1170, %get3A_1171, %get3A_1172] : memref<3x3x8x128xf32, #tpu.memory_space<vmem>>, vector<1x1x1x128xf32>
      %get3A_1174 = vector.shape_cast %get3A_1173 : vector<1x1x1x128xf32> to vector<128xf32>
      %broadcast_in_dim3A_1175 = vector.shape_cast %get3A_1174 : vector<128xf32> to vector<1x128xf32>
      %broadcast_in_dim3A_1176 = vector.shape_cast %eq3A_1168 : vector<512x1xi1> to vector<512x1xi1>
      %broadcast_in_dim3A_1177 = vector.broadcast %broadcast_in_dim3A_1176 : vector<512x1xi1> to vector<512x128xi1>
      %broadcast_in_dim3A_1178 = vector.shape_cast %broadcast_in_dim3A_1175 : vector<1x128xf32> to vector<1x128xf32>
      %broadcast_in_dim3A_1179 = vector.broadcast %broadcast_in_dim3A_1178 : vector<1x128xf32> to vector<512x128xf32>
      %select_n3A_1180 = arith.select %broadcast_in_dim3A_1177, %broadcast_in_dim3A_1179, %select_n3A_1165 : vector<512x128xi1>, vector<512x128xf32>
      %eq3A_1181 = arith.constant 5 : i32
      %eq3A_1182 = vector.broadcast %eq3A_1181 : i32 to vector<512x1xi32>
      %eq3A_1183 = arith.cmpi eq, %and3A_1103, %eq3A_1182 : vector<512x1xi32>
      %get3A_1184 = arith.constant 2 : index
      %get3A_1185 = arith.constant 1 : index
      %get3A_1186 = arith.constant 5 : index
      %get3A_1187 = arith.constant 0 : index
      %get3A_1188 = vector.load %arg4[%get3A_1184, %get3A_1185, %get3A_1186, %get3A_1187] : memref<3x3x8x128xf32, #tpu.memory_space<vmem>>, vector<1x1x1x128xf32>
      %get3A_1189 = vector.shape_cast %get3A_1188 : vector<1x1x1x128xf32> to vector<128xf32>
      %broadcast_in_dim3A_1190 = vector.shape_cast %get3A_1189 : vector<128xf32> to vector<1x128xf32>
      %broadcast_in_dim3A_1191 = vector.shape_cast %eq3A_1183 : vector<512x1xi1> to vector<512x1xi1>
      %broadcast_in_dim3A_1192 = vector.broadcast %broadcast_in_dim3A_1191 : vector<512x1xi1> to vector<512x128xi1>
      %broadcast_in_dim3A_1193 = vector.shape_cast %broadcast_in_dim3A_1190 : vector<1x128xf32> to vector<1x128xf32>
      %broadcast_in_dim3A_1194 = vector.broadcast %broadcast_in_dim3A_1193 : vector<1x128xf32> to vector<512x128xf32>
      %select_n3A_1195 = arith.select %broadcast_in_dim3A_1192, %broadcast_in_dim3A_1194, %select_n3A_1180 : vector<512x128xi1>, vector<512x128xf32>
      %eq3A_1196 = arith.constant 6 : i32
      %eq3A_1197 = vector.broadcast %eq3A_1196 : i32 to vector<512x1xi32>
      %eq3A_1198 = arith.cmpi eq, %and3A_1103, %eq3A_1197 : vector<512x1xi32>
      %get3A_1199 = arith.constant 2 : index
      %get3A_1200 = arith.constant 1 : index
      %get3A_1201 = arith.constant 6 : index
      %get3A_1202 = arith.constant 0 : index
      %get3A_1203 = vector.load %arg4[%get3A_1199, %get3A_1200, %get3A_1201, %get3A_1202] : memref<3x3x8x128xf32, #tpu.memory_space<vmem>>, vector<1x1x1x128xf32>
      %get3A_1204 = vector.shape_cast %get3A_1203 : vector<1x1x1x128xf32> to vector<128xf32>
      %broadcast_in_dim3A_1205 = vector.shape_cast %get3A_1204 : vector<128xf32> to vector<1x128xf32>
      %broadcast_in_dim3A_1206 = vector.shape_cast %eq3A_1198 : vector<512x1xi1> to vector<512x1xi1>
      %broadcast_in_dim3A_1207 = vector.broadcast %broadcast_in_dim3A_1206 : vector<512x1xi1> to vector<512x128xi1>
      %broadcast_in_dim3A_1208 = vector.shape_cast %broadcast_in_dim3A_1205 : vector<1x128xf32> to vector<1x128xf32>
      %broadcast_in_dim3A_1209 = vector.broadcast %broadcast_in_dim3A_1208 : vector<1x128xf32> to vector<512x128xf32>
      %select_n3A_1210 = arith.select %broadcast_in_dim3A_1207, %broadcast_in_dim3A_1209, %select_n3A_1195 : vector<512x128xi1>, vector<512x128xf32>
      %eq3A_1211 = arith.constant 7 : i32
      %eq3A_1212 = vector.broadcast %eq3A_1211 : i32 to vector<512x1xi32>
      %eq3A_1213 = arith.cmpi eq, %and3A_1103, %eq3A_1212 : vector<512x1xi32>
      %get3A_1214 = arith.constant 2 : index
      %get3A_1215 = arith.constant 1 : index
      %get3A_1216 = arith.constant 7 : index
      %get3A_1217 = arith.constant 0 : index
      %get3A_1218 = vector.load %arg4[%get3A_1214, %get3A_1215, %get3A_1216, %get3A_1217] : memref<3x3x8x128xf32, #tpu.memory_space<vmem>>, vector<1x1x1x128xf32>
      %get3A_1219 = vector.shape_cast %get3A_1218 : vector<1x1x1x128xf32> to vector<128xf32>
      %broadcast_in_dim3A_1220 = vector.shape_cast %get3A_1219 : vector<128xf32> to vector<1x128xf32>
      %broadcast_in_dim3A_1221 = vector.shape_cast %eq3A_1213 : vector<512x1xi1> to vector<512x1xi1>
      %broadcast_in_dim3A_1222 = vector.broadcast %broadcast_in_dim3A_1221 : vector<512x1xi1> to vector<512x128xi1>
      %broadcast_in_dim3A_1223 = vector.shape_cast %broadcast_in_dim3A_1220 : vector<1x128xf32> to vector<1x128xf32>
      %broadcast_in_dim3A_1224 = vector.broadcast %broadcast_in_dim3A_1223 : vector<1x128xf32> to vector<512x128xf32>
      %select_n3A_1225 = arith.select %broadcast_in_dim3A_1222, %broadcast_in_dim3A_1224, %select_n3A_1210 : vector<512x128xi1>, vector<512x128xf32>
      %add3A_1226 = arith.addf %add3A_1097, %select_n3A_1225 : vector<512x128xf32>
      %shift_right_arithmetic3A_1227 = arith.constant 0 : i32
      %shift_right_arithmetic3A_1228 = vector.broadcast %shift_right_arithmetic3A_1227 : i32 to vector<512x1xi32>
      %shift_right_arithmetic3A_1229 = arith.shrsi %iota3A_179, %shift_right_arithmetic3A_1228 : vector<512x1xi32>
      %and3A_1230 = arith.constant 7 : i32
      %and3A_1231 = vector.broadcast %and3A_1230 : i32 to vector<512x1xi32>
      %and3A_1232 = arith.andi %shift_right_arithmetic3A_1229, %and3A_1231 : vector<512x1xi32>
      %broadcast_in_dim3A_1233 = arith.constant 0.000000e+00 : f32
      %broadcast_in_dim3A_1234 = vector.broadcast %broadcast_in_dim3A_1233 : f32 to vector<512x128xf32>
      %eq3A_1235 = arith.constant 0 : i32
      %eq3A_1236 = vector.broadcast %eq3A_1235 : i32 to vector<512x1xi32>
      %eq3A_1237 = arith.cmpi eq, %and3A_1232, %eq3A_1236 : vector<512x1xi32>
      %get3A_1238 = arith.constant 2 : index
      %get3A_1239 = arith.constant 2 : index
      %get3A_1240 = arith.constant 0 : index
      %get3A_1241 = arith.constant 0 : index
      %get3A_1242 = vector.load %arg4[%get3A_1238, %get3A_1239, %get3A_1240, %get3A_1241] : memref<3x3x8x128xf32, #tpu.memory_space<vmem>>, vector<1x1x1x128xf32>
      %get3A_1243 = vector.shape_cast %get3A_1242 : vector<1x1x1x128xf32> to vector<128xf32>
      %broadcast_in_dim3A_1244 = vector.shape_cast %get3A_1243 : vector<128xf32> to vector<1x128xf32>
      %broadcast_in_dim3A_1245 = vector.shape_cast %eq3A_1237 : vector<512x1xi1> to vector<512x1xi1>
      %broadcast_in_dim3A_1246 = vector.broadcast %broadcast_in_dim3A_1245 : vector<512x1xi1> to vector<512x128xi1>
      %broadcast_in_dim3A_1247 = vector.shape_cast %broadcast_in_dim3A_1244 : vector<1x128xf32> to vector<1x128xf32>
      %broadcast_in_dim3A_1248 = vector.broadcast %broadcast_in_dim3A_1247 : vector<1x128xf32> to vector<512x128xf32>
      %select_n3A_1249 = arith.select %broadcast_in_dim3A_1246, %broadcast_in_dim3A_1248, %broadcast_in_dim3A_1234 : vector<512x128xi1>, vector<512x128xf32>
      %eq3A_1250 = arith.constant 1 : i32
      %eq3A_1251 = vector.broadcast %eq3A_1250 : i32 to vector<512x1xi32>
      %eq3A_1252 = arith.cmpi eq, %and3A_1232, %eq3A_1251 : vector<512x1xi32>
      %get3A_1253 = arith.constant 2 : index
      %get3A_1254 = arith.constant 2 : index
      %get3A_1255 = arith.constant 1 : index
      %get3A_1256 = arith.constant 0 : index
      %get3A_1257 = vector.load %arg4[%get3A_1253, %get3A_1254, %get3A_1255, %get3A_1256] : memref<3x3x8x128xf32, #tpu.memory_space<vmem>>, vector<1x1x1x128xf32>
      %get3A_1258 = vector.shape_cast %get3A_1257 : vector<1x1x1x128xf32> to vector<128xf32>
      %broadcast_in_dim3A_1259 = vector.shape_cast %get3A_1258 : vector<128xf32> to vector<1x128xf32>
      %broadcast_in_dim3A_1260 = vector.shape_cast %eq3A_1252 : vector<512x1xi1> to vector<512x1xi1>
      %broadcast_in_dim3A_1261 = vector.broadcast %broadcast_in_dim3A_1260 : vector<512x1xi1> to vector<512x128xi1>
      %broadcast_in_dim3A_1262 = vector.shape_cast %broadcast_in_dim3A_1259 : vector<1x128xf32> to vector<1x128xf32>
      %broadcast_in_dim3A_1263 = vector.broadcast %broadcast_in_dim3A_1262 : vector<1x128xf32> to vector<512x128xf32>
      %select_n3A_1264 = arith.select %broadcast_in_dim3A_1261, %broadcast_in_dim3A_1263, %select_n3A_1249 : vector<512x128xi1>, vector<512x128xf32>
      %eq3A_1265 = arith.constant 2 : i32
      %eq3A_1266 = vector.broadcast %eq3A_1265 : i32 to vector<512x1xi32>
      %eq3A_1267 = arith.cmpi eq, %and3A_1232, %eq3A_1266 : vector<512x1xi32>
      %get3A_1268 = arith.constant 2 : index
      %get3A_1269 = arith.constant 2 : index
      %get3A_1270 = arith.constant 2 : index
      %get3A_1271 = arith.constant 0 : index
      %get3A_1272 = vector.load %arg4[%get3A_1268, %get3A_1269, %get3A_1270, %get3A_1271] : memref<3x3x8x128xf32, #tpu.memory_space<vmem>>, vector<1x1x1x128xf32>
      %get3A_1273 = vector.shape_cast %get3A_1272 : vector<1x1x1x128xf32> to vector<128xf32>
      %broadcast_in_dim3A_1274 = vector.shape_cast %get3A_1273 : vector<128xf32> to vector<1x128xf32>
      %broadcast_in_dim3A_1275 = vector.shape_cast %eq3A_1267 : vector<512x1xi1> to vector<512x1xi1>
      %broadcast_in_dim3A_1276 = vector.broadcast %broadcast_in_dim3A_1275 : vector<512x1xi1> to vector<512x128xi1>
      %broadcast_in_dim3A_1277 = vector.shape_cast %broadcast_in_dim3A_1274 : vector<1x128xf32> to vector<1x128xf32>
      %broadcast_in_dim3A_1278 = vector.broadcast %broadcast_in_dim3A_1277 : vector<1x128xf32> to vector<512x128xf32>
      %select_n3A_1279 = arith.select %broadcast_in_dim3A_1276, %broadcast_in_dim3A_1278, %select_n3A_1264 : vector<512x128xi1>, vector<512x128xf32>
      %eq3A_1280 = arith.constant 3 : i32
      %eq3A_1281 = vector.broadcast %eq3A_1280 : i32 to vector<512x1xi32>
      %eq3A_1282 = arith.cmpi eq, %and3A_1232, %eq3A_1281 : vector<512x1xi32>
      %get3A_1283 = arith.constant 2 : index
      %get3A_1284 = arith.constant 2 : index
      %get3A_1285 = arith.constant 3 : index
      %get3A_1286 = arith.constant 0 : index
      %get3A_1287 = vector.load %arg4[%get3A_1283, %get3A_1284, %get3A_1285, %get3A_1286] : memref<3x3x8x128xf32, #tpu.memory_space<vmem>>, vector<1x1x1x128xf32>
      %get3A_1288 = vector.shape_cast %get3A_1287 : vector<1x1x1x128xf32> to vector<128xf32>
      %broadcast_in_dim3A_1289 = vector.shape_cast %get3A_1288 : vector<128xf32> to vector<1x128xf32>
      %broadcast_in_dim3A_1290 = vector.shape_cast %eq3A_1282 : vector<512x1xi1> to vector<512x1xi1>
      %broadcast_in_dim3A_1291 = vector.broadcast %broadcast_in_dim3A_1290 : vector<512x1xi1> to vector<512x128xi1>
      %broadcast_in_dim3A_1292 = vector.shape_cast %broadcast_in_dim3A_1289 : vector<1x128xf32> to vector<1x128xf32>
      %broadcast_in_dim3A_1293 = vector.broadcast %broadcast_in_dim3A_1292 : vector<1x128xf32> to vector<512x128xf32>
      %select_n3A_1294 = arith.select %broadcast_in_dim3A_1291, %broadcast_in_dim3A_1293, %select_n3A_1279 : vector<512x128xi1>, vector<512x128xf32>
      %eq3A_1295 = arith.constant 4 : i32
      %eq3A_1296 = vector.broadcast %eq3A_1295 : i32 to vector<512x1xi32>
      %eq3A_1297 = arith.cmpi eq, %and3A_1232, %eq3A_1296 : vector<512x1xi32>
      %get3A_1298 = arith.constant 2 : index
      %get3A_1299 = arith.constant 2 : index
      %get3A_1300 = arith.constant 4 : index
      %get3A_1301 = arith.constant 0 : index
      %get3A_1302 = vector.load %arg4[%get3A_1298, %get3A_1299, %get3A_1300, %get3A_1301] : memref<3x3x8x128xf32, #tpu.memory_space<vmem>>, vector<1x1x1x128xf32>
      %get3A_1303 = vector.shape_cast %get3A_1302 : vector<1x1x1x128xf32> to vector<128xf32>
      %broadcast_in_dim3A_1304 = vector.shape_cast %get3A_1303 : vector<128xf32> to vector<1x128xf32>
      %broadcast_in_dim3A_1305 = vector.shape_cast %eq3A_1297 : vector<512x1xi1> to vector<512x1xi1>
      %broadcast_in_dim3A_1306 = vector.broadcast %broadcast_in_dim3A_1305 : vector<512x1xi1> to vector<512x128xi1>
      %broadcast_in_dim3A_1307 = vector.shape_cast %broadcast_in_dim3A_1304 : vector<1x128xf32> to vector<1x128xf32>
      %broadcast_in_dim3A_1308 = vector.broadcast %broadcast_in_dim3A_1307 : vector<1x128xf32> to vector<512x128xf32>
      %select_n3A_1309 = arith.select %broadcast_in_dim3A_1306, %broadcast_in_dim3A_1308, %select_n3A_1294 : vector<512x128xi1>, vector<512x128xf32>
      %eq3A_1310 = arith.constant 5 : i32
      %eq3A_1311 = vector.broadcast %eq3A_1310 : i32 to vector<512x1xi32>
      %eq3A_1312 = arith.cmpi eq, %and3A_1232, %eq3A_1311 : vector<512x1xi32>
      %get3A_1313 = arith.constant 2 : index
      %get3A_1314 = arith.constant 2 : index
      %get3A_1315 = arith.constant 5 : index
      %get3A_1316 = arith.constant 0 : index
      %get3A_1317 = vector.load %arg4[%get3A_1313, %get3A_1314, %get3A_1315, %get3A_1316] : memref<3x3x8x128xf32, #tpu.memory_space<vmem>>, vector<1x1x1x128xf32>
      %get3A_1318 = vector.shape_cast %get3A_1317 : vector<1x1x1x128xf32> to vector<128xf32>
      %broadcast_in_dim3A_1319 = vector.shape_cast %get3A_1318 : vector<128xf32> to vector<1x128xf32>
      %broadcast_in_dim3A_1320 = vector.shape_cast %eq3A_1312 : vector<512x1xi1> to vector<512x1xi1>
      %broadcast_in_dim3A_1321 = vector.broadcast %broadcast_in_dim3A_1320 : vector<512x1xi1> to vector<512x128xi1>
      %broadcast_in_dim3A_1322 = vector.shape_cast %broadcast_in_dim3A_1319 : vector<1x128xf32> to vector<1x128xf32>
      %broadcast_in_dim3A_1323 = vector.broadcast %broadcast_in_dim3A_1322 : vector<1x128xf32> to vector<512x128xf32>
      %select_n3A_1324 = arith.select %broadcast_in_dim3A_1321, %broadcast_in_dim3A_1323, %select_n3A_1309 : vector<512x128xi1>, vector<512x128xf32>
      %eq3A_1325 = arith.constant 6 : i32
      %eq3A_1326 = vector.broadcast %eq3A_1325 : i32 to vector<512x1xi32>
      %eq3A_1327 = arith.cmpi eq, %and3A_1232, %eq3A_1326 : vector<512x1xi32>
      %get3A_1328 = arith.constant 2 : index
      %get3A_1329 = arith.constant 2 : index
      %get3A_1330 = arith.constant 6 : index
      %get3A_1331 = arith.constant 0 : index
      %get3A_1332 = vector.load %arg4[%get3A_1328, %get3A_1329, %get3A_1330, %get3A_1331] : memref<3x3x8x128xf32, #tpu.memory_space<vmem>>, vector<1x1x1x128xf32>
      %get3A_1333 = vector.shape_cast %get3A_1332 : vector<1x1x1x128xf32> to vector<128xf32>
      %broadcast_in_dim3A_1334 = vector.shape_cast %get3A_1333 : vector<128xf32> to vector<1x128xf32>
      %broadcast_in_dim3A_1335 = vector.shape_cast %eq3A_1327 : vector<512x1xi1> to vector<512x1xi1>
      %broadcast_in_dim3A_1336 = vector.broadcast %broadcast_in_dim3A_1335 : vector<512x1xi1> to vector<512x128xi1>
      %broadcast_in_dim3A_1337 = vector.shape_cast %broadcast_in_dim3A_1334 : vector<1x128xf32> to vector<1x128xf32>
      %broadcast_in_dim3A_1338 = vector.broadcast %broadcast_in_dim3A_1337 : vector<1x128xf32> to vector<512x128xf32>
      %select_n3A_1339 = arith.select %broadcast_in_dim3A_1336, %broadcast_in_dim3A_1338, %select_n3A_1324 : vector<512x128xi1>, vector<512x128xf32>
      %eq3A_1340 = arith.constant 7 : i32
      %eq3A_1341 = vector.broadcast %eq3A_1340 : i32 to vector<512x1xi32>
      %eq3A_1342 = arith.cmpi eq, %and3A_1232, %eq3A_1341 : vector<512x1xi32>
      %get3A_1343 = arith.constant 2 : index
      %get3A_1344 = arith.constant 2 : index
      %get3A_1345 = arith.constant 7 : index
      %get3A_1346 = arith.constant 0 : index
      %get3A_1347 = vector.load %arg4[%get3A_1343, %get3A_1344, %get3A_1345, %get3A_1346] : memref<3x3x8x128xf32, #tpu.memory_space<vmem>>, vector<1x1x1x128xf32>
      %get3A_1348 = vector.shape_cast %get3A_1347 : vector<1x1x1x128xf32> to vector<128xf32>
      %broadcast_in_dim3A_1349 = vector.shape_cast %get3A_1348 : vector<128xf32> to vector<1x128xf32>
      %broadcast_in_dim3A_1350 = vector.shape_cast %eq3A_1342 : vector<512x1xi1> to vector<512x1xi1>
      %broadcast_in_dim3A_1351 = vector.broadcast %broadcast_in_dim3A_1350 : vector<512x1xi1> to vector<512x128xi1>
      %broadcast_in_dim3A_1352 = vector.shape_cast %broadcast_in_dim3A_1349 : vector<1x128xf32> to vector<1x128xf32>
      %broadcast_in_dim3A_1353 = vector.broadcast %broadcast_in_dim3A_1352 : vector<1x128xf32> to vector<512x128xf32>
      %select_n3A_1354 = arith.select %broadcast_in_dim3A_1351, %broadcast_in_dim3A_1353, %select_n3A_1339 : vector<512x128xi1>, vector<512x128xf32>
      %add3A_1355 = arith.addf %add3A_1226, %select_n3A_1354 : vector<512x128xf32>
      %swap3A_1356 = arith.constant 2 : index
      %swap3A_1357 = arith.constant 0 : index
      %swap3A_1358 = arith.constant 0 : index
      %swap3A_1359 = vector.load %arg7[%swap3A_1356, %swap3A_1357, %swap3A_1358] : memref<3x512x128xf32, #tpu.memory_space<vmem>>, vector<1x512x128xf32>
      %swap3A_1360 = vector.shape_cast %swap3A_1359 : vector<1x512x128xf32> to vector<512x128xf32>
      %swap3A_1361 = vector.shape_cast %add3A_1355 : vector<512x128xf32> to vector<1x512x128xf32>
      tpu.vector_store %arg7[%swap3A_1356, %swap3A_1357, %swap3A_1358], %swap3A_1361 {strides = array<i32>} : memref<3x512x128xf32, #tpu.memory_space<vmem>>, vector<1x512x128xf32>,
    } else {
    }
    return
  }
  func.func @transform_0(%arg0: i32) -> (i32, i32) {
    %c0_i32 = arith.constant 0 : i32
    %c0_i32_0 = arith.constant 0 : i32
    return %arg0, %c0_i32 : i32, i32
  }
  func.func @transform_1(%arg0: i32) -> (i32, i32, i32) {
    %c0_i32 = arith.constant 0 : i32
    %c0_i32_0 = arith.constant 0 : i32
    %c0_i32_1 = arith.constant 0 : i32
    %c0_i32_2 = arith.constant 0 : i32
    return %c0_i32, %c0_i32_0, %c0_i32_1 : i32, i32, i32
  }
  func.func @transform_2(%arg0: i32) -> (i32, i32, i32) {
    %c0_i32 = arith.constant 0 : i32
    %c0_i32_0 = arith.constant 0 : i32
    %c0_i32_1 = arith.constant 0 : i32
    %c0_i32_2 = arith.constant 0 : i32
    return %c0_i32, %c0_i32_0, %c0_i32_1 : i32, i32, i32
  }
  func.func @transform_3(%arg0: i32) -> (i32, i32, i32, i32) {
    %c0_i32 = arith.constant 0 : i32
    %c0_i32_0 = arith.constant 0 : i32
    %c0_i32_1 = arith.constant 0 : i32
    %c0_i32_2 = arith.constant 0 : i32
    %c0_i32_3 = arith.constant 0 : i32
    return %c0_i32, %c0_i32_0, %c0_i32_1, %c0_i32_2 : i32, i32, i32, i32
  }
  func.func @transform_4(%arg0: i32) -> (i32, i32) {
    %c0_i32 = arith.constant 0 : i32
    %c0_i32_0 = arith.constant 0 : i32
    return %arg0, %c0_i32 : i32, i32
  }
  func.func @transform_5(%arg0: i32) -> (i32, i32) {
    %c0_i32 = arith.constant 0 : i32
    %c0_i32_0 = arith.constant 0 : i32
    %c0_i32_1 = arith.constant 0 : i32
    return %c0_i32, %c0_i32_0 : i32, i32
  }
  func.func @transform_6(%arg0: i32) -> (i32, i32, i32) {
    %c0_i32 = arith.constant 0 : i32
    %c0_i32_0 = arith.constant 0 : i32
    %c0_i32_1 = arith.constant 0 : i32
    %c0_i32_2 = arith.constant 0 : i32
    return %c0_i32, %c0_i32_0, %c0_i32_1 : i32, i32, i32
  }
}

module attributes {stable_mosaic.version = 14 : i64} {
  func.func @_mlp_body(%arg0: memref<1x1xf32, #tpu.memory_space<vmem>>, %arg1: memref<10000x128xf32, #tpu.memory_space<vmem>>, %arg2: memref<10000x128xf32, #tpu.memory_space<vmem>>, %arg3: memref<10000x128xf32, #tpu.memory_space<vmem>>, %arg4: memref<128x128xf32, #tpu.memory_space<vmem>>, %arg5: memref<1x128xf32, #tpu.memory_space<vmem>>, %arg6: memref<1x128xf32, #tpu.memory_space<vmem>>, %arg7: memref<1x128xf32, #tpu.memory_space<vmem>>, %arg8: memref<128x128xf32, #tpu.memory_space<vmem>>, %arg9: memref<1x128xf32, #tpu.memory_space<vmem>>, %arg10: memref<1x128xf32, #tpu.memory_space<vmem>>, %arg11: memref<1x128xf32, #tpu.memory_space<vmem>>, %arg12: memref<10000x128xf32, #tpu.memory_space<vmem>>) attributes {dimension_semantics = [], scalar_prefetch = 0 : i64, scratch_operands = 0 : i64, tpu.core_type = #tpu.core_type<tc>} {
    %get3A = arith.constant 0 : index
    %get3A_0 = arith.constant 0 : index
    %get3A_1 = vector.load %arg0[%get3A, %get3A_0] : memref<1x1xf32, #tpu.memory_space<vmem>>, vector<1x1xf32>
    %get3A_2 = arith.constant 0 : index
    %get3A_3 = arith.constant 0 : index
    %get3A_4 = vector.load %arg1[%get3A_2, %get3A_3] : memref<10000x128xf32, #tpu.memory_space<vmem>>, vector<10000x128xf32>
    %mul3A = vector.broadcast %get3A_1 : vector<1x1xf32> to vector<10000x128xf32>
    %mul3A_5 = arith.mulf %mul3A, %get3A_4 : vector<10000x128xf32>
    %get3A_6 = arith.constant 0 : index
    %get3A_7 = arith.constant 0 : index
    %get3A_8 = vector.load %arg2[%get3A_6, %get3A_7] : memref<10000x128xf32, #tpu.memory_space<vmem>>, vector<10000x128xf32>
    %add3A = arith.addf %mul3A_5, %get3A_8 : vector<10000x128xf32>
    %get3A_9 = arith.constant 0 : index
    %get3A_10 = arith.constant 0 : index
    %get3A_11 = vector.load %arg3[%get3A_9, %get3A_10] : memref<10000x128xf32, #tpu.memory_space<vmem>>, vector<10000x128xf32>
    %add3A_12 = arith.addf %add3A, %get3A_11 : vector<10000x128xf32>
    %get3A_13 = arith.constant 0 : index
    %get3A_14 = arith.constant 0 : index
    %get3A_15 = vector.load %arg4[%get3A_13, %get3A_14] : memref<128x128xf32, #tpu.memory_space<vmem>>, vector<128x128xf32>
    %dot_general3A = arith.constant dense<0.000000e+00> : vector<10000x128xf32>
    %dot_general3A_16 = tpu.matmul %add3A_12, %get3A_15, %dot_general3A {dimension_numbers = #tpu.dot_dimension_numbers<[1], [0], [0], [1], [0, 0, 1, 1], [], []>, transpose_lhs_hint = false} : vector<10000x128xf32>, vector<128x128xf32>, vector<10000x128xf32> -> vector<10000x128xf32>
    %get3A_17 = arith.constant 0 : index
    %get3A_18 = arith.constant 0 : index
    %get3A_19 = vector.load %arg5[%get3A_17, %get3A_18] : memref<1x128xf32, #tpu.memory_space<vmem>>, vector<1x128xf32>
    %add3A_20 = vector.broadcast %get3A_19 : vector<1x128xf32> to vector<10000x128xf32>
    %add3A_21 = arith.addf %dot_general3A_16, %add3A_20 : vector<10000x128xf32>
    %reduce_sum3A = arith.constant dense<0.000000e+00> : vector<128xf32>
    %reduce_sum3A_22 = vector.multi_reduction <add>, %add3A_21, %reduce_sum3A [0] : vector<10000x128xf32> to vector<128xf32>
    %broadcast_in_dim3A = vector.shape_cast %reduce_sum3A_22 : vector<128xf32> to vector<1x128xf32>
    %div3A = arith.constant 1.000000e+04 : f32
    %div3A_23 = vector.broadcast %div3A : f32 to vector<1x128xf32>
    %div3A_24 = arith.divf %broadcast_in_dim3A, %div3A_23 : vector<1x128xf32>
    %sub3A = vector.broadcast %div3A_24 : vector<1x128xf32> to vector<10000x128xf32>
    %sub3A_25 = arith.subf %add3A_21, %sub3A : vector<10000x128xf32>
    %mul3A_26 = arith.mulf %sub3A_25, %sub3A_25 : vector<10000x128xf32>
    %reduce_sum3A_27 = arith.constant dense<0.000000e+00> : vector<128xf32>
    %reduce_sum3A_28 = vector.multi_reduction <add>, %mul3A_26, %reduce_sum3A_27 [0] : vector<10000x128xf32> to vector<128xf32>
    %broadcast_in_dim3A_29 = vector.shape_cast %reduce_sum3A_28 : vector<128xf32> to vector<1x128xf32>
    %div3A_30 = arith.constant 1.000000e+04 : f32
    %div3A_31 = vector.broadcast %div3A_30 : f32 to vector<1x128xf32>
    %div3A_32 = arith.divf %broadcast_in_dim3A_29, %div3A_31 : vector<1x128xf32>
    %get3A_33 = arith.constant 0 : index
    %get3A_34 = arith.constant 0 : index
    %get3A_35 = vector.load %arg6[%get3A_33, %get3A_34] : memref<1x128xf32, #tpu.memory_space<vmem>>, vector<1x128xf32>
    %mul3A_36 = vector.broadcast %get3A_35 : vector<1x128xf32> to vector<10000x128xf32>
    %mul3A_37 = arith.mulf %mul3A_36, %sub3A_25 : vector<10000x128xf32>
    %add3A_38 = arith.constant 9.99999974E-6 : f32
    %add3A_39 = vector.broadcast %add3A_38 : f32 to vector<1x128xf32>
    %add3A_40 = arith.addf %div3A_32, %add3A_39 : vector<1x128xf32>
    %rsqrt3A = math.rsqrt %add3A_40 : vector<1x128xf32>
    %mul3A_41 = vector.broadcast %rsqrt3A : vector<1x128xf32> to vector<10000x128xf32>
    %mul3A_42 = arith.mulf %mul3A_37, %mul3A_41 : vector<10000x128xf32>
    %get3A_43 = arith.constant 0 : index
    %get3A_44 = arith.constant 0 : index
    %get3A_45 = vector.load %arg7[%get3A_43, %get3A_44] : memref<1x128xf32, #tpu.memory_space<vmem>>, vector<1x128xf32>
    %add3A_46 = vector.broadcast %get3A_45 : vector<1x128xf32> to vector<10000x128xf32>
    %add3A_47 = arith.addf %mul3A_42, %add3A_46 : vector<10000x128xf32>
    %max3A = arith.constant 0.000000e+00 : f32
    %max3A_48 = vector.broadcast %max3A : f32 to vector<10000x128xf32>
    %max3A_49 = arith.maximumf %add3A_47, %max3A_48 : vector<10000x128xf32>
    %get3A_50 = arith.constant 0 : index
    %get3A_51 = arith.constant 0 : index
    %get3A_52 = vector.load %arg8[%get3A_50, %get3A_51] : memref<128x128xf32, #tpu.memory_space<vmem>>, vector<128x128xf32>
    %dot_general3A_53 = arith.constant dense<0.000000e+00> : vector<10000x128xf32>
    %dot_general3A_54 = tpu.matmul %max3A_49, %get3A_52, %dot_general3A_53 {dimension_numbers = #tpu.dot_dimension_numbers<[1], [0], [0], [1], [0, 0, 1, 1], [], []>, transpose_lhs_hint = false} : vector<10000x128xf32>, vector<128x128xf32>, vector<10000x128xf32> -> vector<10000x128xf32>
    %get3A_55 = arith.constant 0 : index
    %get3A_56 = arith.constant 0 : index
    %get3A_57 = vector.load %arg9[%get3A_55, %get3A_56] : memref<1x128xf32, #tpu.memory_space<vmem>>, vector<1x128xf32>
    %add3A_58 = vector.broadcast %get3A_57 : vector<1x128xf32> to vector<10000x128xf32>
    %add3A_59 = arith.addf %dot_general3A_54, %add3A_58 : vector<10000x128xf32>
    %reduce_sum3A_60 = arith.constant dense<0.000000e+00> : vector<128xf32>
    %reduce_sum3A_61 = vector.multi_reduction <add>, %add3A_59, %reduce_sum3A_60 [0] : vector<10000x128xf32> to vector<128xf32>
    %broadcast_in_dim3A_62 = vector.shape_cast %reduce_sum3A_61 : vector<128xf32> to vector<1x128xf32>
    %div3A_63 = arith.constant 1.000000e+04 : f32
    %div3A_64 = vector.broadcast %div3A_63 : f32 to vector<1x128xf32>
    %div3A_65 = arith.divf %broadcast_in_dim3A_62, %div3A_64 : vector<1x128xf32>
    %sub3A_66 = vector.broadcast %div3A_65 : vector<1x128xf32> to vector<10000x128xf32>
    %sub3A_67 = arith.subf %add3A_59, %sub3A_66 : vector<10000x128xf32>
    %mul3A_68 = arith.mulf %sub3A_67, %sub3A_67 : vector<10000x128xf32>
    %reduce_sum3A_69 = arith.constant dense<0.000000e+00> : vector<128xf32>
    %reduce_sum3A_70 = vector.multi_reduction <add>, %mul3A_68, %reduce_sum3A_69 [0] : vector<10000x128xf32> to vector<128xf32>
    %broadcast_in_dim3A_71 = vector.shape_cast %reduce_sum3A_70 : vector<128xf32> to vector<1x128xf32>
    %div3A_72 = arith.constant 1.000000e+04 : f32
    %div3A_73 = vector.broadcast %div3A_72 : f32 to vector<1x128xf32>
    %div3A_74 = arith.divf %broadcast_in_dim3A_71, %div3A_73 : vector<1x128xf32>
    %get3A_75 = arith.constant 0 : index
    %get3A_76 = arith.constant 0 : index
    %get3A_77 = vector.load %arg10[%get3A_75, %get3A_76] : memref<1x128xf32, #tpu.memory_space<vmem>>, vector<1x128xf32>
    %mul3A_78 = vector.broadcast %get3A_77 : vector<1x128xf32> to vector<10000x128xf32>
    %mul3A_79 = arith.mulf %mul3A_78, %sub3A_67 : vector<10000x128xf32>
    %add3A_80 = arith.constant 9.99999974E-6 : f32
    %add3A_81 = vector.broadcast %add3A_80 : f32 to vector<1x128xf32>
    %add3A_82 = arith.addf %div3A_74, %add3A_81 : vector<1x128xf32>
    %rsqrt3A_83 = math.rsqrt %add3A_82 : vector<1x128xf32>
    %mul3A_84 = vector.broadcast %rsqrt3A_83 : vector<1x128xf32> to vector<10000x128xf32>
    %mul3A_85 = arith.mulf %mul3A_79, %mul3A_84 : vector<10000x128xf32>
    %get3A_86 = arith.constant 0 : index
    %get3A_87 = arith.constant 0 : index
    %get3A_88 = vector.load %arg11[%get3A_86, %get3A_87] : memref<1x128xf32, #tpu.memory_space<vmem>>, vector<1x128xf32>
    %add3A_89 = vector.broadcast %get3A_88 : vector<1x128xf32> to vector<10000x128xf32>
    %add3A_90 = arith.addf %mul3A_85, %add3A_89 : vector<10000x128xf32>
    %max3A_91 = arith.constant 0.000000e+00 : f32
    %max3A_92 = vector.broadcast %max3A_91 : f32 to vector<10000x128xf32>
    %max3A_93 = arith.maximumf %add3A_90, %max3A_92 : vector<10000x128xf32>
    %swap3A = arith.constant 0 : index
    %swap3A_94 = arith.constant 0 : index
    %swap3A_95 = vector.load %arg12[%swap3A, %swap3A_94] : memref<10000x128xf32, #tpu.memory_space<vmem>>, vector<10000x128xf32>
    tpu.vector_store %arg12[%swap3A, %swap3A_94], %max3A_93 {strides = array<i32>} : memref<10000x128xf32, #tpu.memory_space<vmem>>, vector<10000x128xf32>,
    return
  }
}

module attributes {stable_mosaic.version = 14 : i64} {
  func.func @_mlp_body(%arg0: memref<1x1xf32, #tpu.memory_space<vmem>>, %arg1: memref<10000x128xf32, #tpu.memory_space<vmem>>, %arg2: memref<10000x128xf32, #tpu.memory_space<vmem>>, %arg3: memref<10000x128xf32, #tpu.memory_space<vmem>>, %arg4: memref<128x128xf32, #tpu.memory_space<vmem>>, %arg5: memref<1x128xf32, #tpu.memory_space<vmem>>, %arg6: memref<1x128xf32, #tpu.memory_space<vmem>>, %arg7: memref<1x128xf32, #tpu.memory_space<vmem>>, %arg8: memref<128x128xf32, #tpu.memory_space<vmem>>, %arg9: memref<1x128xf32, #tpu.memory_space<vmem>>, %arg10: memref<1x128xf32, #tpu.memory_space<vmem>>, %arg11: memref<1x128xf32, #tpu.memory_space<vmem>>, %arg12: memref<10000x128xf32, #tpu.memory_space<vmem>>) attributes {dimension_semantics = [], scalar_prefetch = 0 : i64, scratch_operands = 0 : i64, tpu.core_type = #tpu.core_type<tc>} {
    %get3A = arith.constant 0 : index
    %get3A_0 = arith.constant 0 : index
    %get3A_1 = vector.load %arg0[%get3A, %get3A_0] : memref<1x1xf32, #tpu.memory_space<vmem>>, vector<1x1xf32>
    %get3A_2 = arith.constant 0 : index
    %get3A_3 = arith.constant 0 : index
    %get3A_4 = vector.load %arg1[%get3A_2, %get3A_3] : memref<10000x128xf32, #tpu.memory_space<vmem>>, vector<10000x128xf32>
    %mul3A = vector.broadcast %get3A_1 : vector<1x1xf32> to vector<10000x128xf32>
    %mul3A_5 = arith.mulf %mul3A, %get3A_4 : vector<10000x128xf32>
    %get3A_6 = arith.constant 0 : index
    %get3A_7 = arith.constant 0 : index
    %get3A_8 = vector.load %arg2[%get3A_6, %get3A_7] : memref<10000x128xf32, #tpu.memory_space<vmem>>, vector<10000x128xf32>
    %add3A = arith.addf %mul3A_5, %get3A_8 : vector<10000x128xf32>
    %get3A_9 = arith.constant 0 : index
    %get3A_10 = arith.constant 0 : index
    %get3A_11 = vector.load %arg3[%get3A_9, %get3A_10] : memref<10000x128xf32, #tpu.memory_space<vmem>>, vector<10000x128xf32>
    %add3A_12 = arith.addf %add3A, %get3A_11 : vector<10000x128xf32>
    %get3A_13 = arith.constant 0 : index
    %get3A_14 = arith.constant 0 : index
    %get3A_15 = vector.load %arg4[%get3A_13, %get3A_14] : memref<128x128xf32, #tpu.memory_space<vmem>>, vector<128x128xf32>
    %dot_general3A = arith.constant dense<0.000000e+00> : vector<10000x128xf32>
    %dot_general3A_16 = tpu.matmul %add3A_12, %get3A_15, %dot_general3A {dimension_numbers = #tpu.dot_dimension_numbers<[1], [0], [0], [1], [0, 0, 1, 1], [], []>, transpose_lhs_hint = false} : vector<10000x128xf32>, vector<128x128xf32>, vector<10000x128xf32> -> vector<10000x128xf32>
    %get3A_17 = arith.constant 0 : index
    %get3A_18 = arith.constant 0 : index
    %get3A_19 = vector.load %arg5[%get3A_17, %get3A_18] : memref<1x128xf32, #tpu.memory_space<vmem>>, vector<1x128xf32>
    %add3A_20 = vector.broadcast %get3A_19 : vector<1x128xf32> to vector<10000x128xf32>
    %add3A_21 = arith.addf %dot_general3A_16, %add3A_20 : vector<10000x128xf32>
    %reduce_sum3A = arith.constant dense<0.000000e+00> : vector<128xf32>
    %reduce_sum3A_22 = vector.multi_reduction <add>, %add3A_21, %reduce_sum3A [0] : vector<10000x128xf32> to vector<128xf32>
    %broadcast_in_dim3A = vector.shape_cast %reduce_sum3A_22 : vector<128xf32> to vector<1x128xf32>
    %div3A = arith.constant 1.000000e+04 : f32
    %div3A_23 = vector.broadcast %div3A : f32 to vector<1x128xf32>
    %div3A_24 = arith.divf %broadcast_in_dim3A, %div3A_23 : vector<1x128xf32>
    %sub3A = vector.broadcast %div3A_24 : vector<1x128xf32> to vector<10000x128xf32>
    %sub3A_25 = arith.subf %add3A_21, %sub3A : vector<10000x128xf32>
    %mul3A_26 = arith.mulf %sub3A_25, %sub3A_25 : vector<10000x128xf32>
    %reduce_sum3A_27 = arith.constant dense<0.000000e+00> : vector<128xf32>
    %reduce_sum3A_28 = vector.multi_reduction <add>, %mul3A_26, %reduce_sum3A_27 [0] : vector<10000x128xf32> to vector<128xf32>
    %broadcast_in_dim3A_29 = vector.shape_cast %reduce_sum3A_28 : vector<128xf32> to vector<1x128xf32>
    %div3A_30 = arith.constant 1.000000e+04 : f32
    %div3A_31 = vector.broadcast %div3A_30 : f32 to vector<1x128xf32>
    %div3A_32 = arith.divf %broadcast_in_dim3A_29, %div3A_31 : vector<1x128xf32>
    %get3A_33 = arith.constant 0 : index
    %get3A_34 = arith.constant 0 : index
    %get3A_35 = vector.load %arg6[%get3A_33, %get3A_34] : memref<1x128xf32, #tpu.memory_space<vmem>>, vector<1x128xf32>
    %mul3A_36 = vector.broadcast %get3A_35 : vector<1x128xf32> to vector<10000x128xf32>
    %mul3A_37 = arith.mulf %mul3A_36, %sub3A_25 : vector<10000x128xf32>
    %add3A_38 = arith.constant 9.99999974E-6 : f32
    %add3A_39 = vector.broadcast %add3A_38 : f32 to vector<1x128xf32>
    %add3A_40 = arith.addf %div3A_32, %add3A_39 : vector<1x128xf32>
    %rsqrt3A = math.rsqrt %add3A_40 : vector<1x128xf32>
    %mul3A_41 = vector.broadcast %rsqrt3A : vector<1x128xf32> to vector<10000x128xf32>
    %mul3A_42 = arith.mulf %mul3A_37, %mul3A_41 : vector<10000x128xf32>
    %get3A_43 = arith.constant 0 : index
    %get3A_44 = arith.constant 0 : index
    %get3A_45 = vector.load %arg7[%get3A_43, %get3A_44] : memref<1x128xf32, #tpu.memory_space<vmem>>, vector<1x128xf32>
    %add3A_46 = vector.broadcast %get3A_45 : vector<1x128xf32> to vector<10000x128xf32>
    %add3A_47 = arith.addf %mul3A_42, %add3A_46 : vector<10000x128xf32>
    %max3A = arith.constant 0.000000e+00 : f32
    %max3A_48 = vector.broadcast %max3A : f32 to vector<10000x128xf32>
    %max3A_49 = arith.maximumf %add3A_47, %max3A_48 : vector<10000x128xf32>
    %get3A_50 = arith.constant 0 : index
    %get3A_51 = arith.constant 0 : index
    %get3A_52 = vector.load %arg8[%get3A_50, %get3A_51] : memref<128x128xf32, #tpu.memory_space<vmem>>, vector<128x128xf32>
    %dot_general3A_53 = arith.constant dense<0.000000e+00> : vector<10000x128xf32>
    %dot_general3A_54 = tpu.matmul %max3A_49, %get3A_52, %dot_general3A_53 {dimension_numbers = #tpu.dot_dimension_numbers<[1], [0], [0], [1], [0, 0, 1, 1], [], []>, transpose_lhs_hint = false} : vector<10000x128xf32>, vector<128x128xf32>, vector<10000x128xf32> -> vector<10000x128xf32>
    %get3A_55 = arith.constant 0 : index
    %get3A_56 = arith.constant 0 : index
    %get3A_57 = vector.load %arg9[%get3A_55, %get3A_56] : memref<1x128xf32, #tpu.memory_space<vmem>>, vector<1x128xf32>
    %add3A_58 = vector.broadcast %get3A_57 : vector<1x128xf32> to vector<10000x128xf32>
    %add3A_59 = arith.addf %dot_general3A_54, %add3A_58 : vector<10000x128xf32>
    %reduce_sum3A_60 = arith.constant dense<0.000000e+00> : vector<128xf32>
    %reduce_sum3A_61 = vector.multi_reduction <add>, %add3A_59, %reduce_sum3A_60 [0] : vector<10000x128xf32> to vector<128xf32>
    %broadcast_in_dim3A_62 = vector.shape_cast %reduce_sum3A_61 : vector<128xf32> to vector<1x128xf32>
    %div3A_63 = arith.constant 1.000000e+04 : f32
    %div3A_64 = vector.broadcast %div3A_63 : f32 to vector<1x128xf32>
    %div3A_65 = arith.divf %broadcast_in_dim3A_62, %div3A_64 : vector<1x128xf32>
    %sub3A_66 = vector.broadcast %div3A_65 : vector<1x128xf32> to vector<10000x128xf32>
    %sub3A_67 = arith.subf %add3A_59, %sub3A_66 : vector<10000x128xf32>
    %mul3A_68 = arith.mulf %sub3A_67, %sub3A_67 : vector<10000x128xf32>
    %reduce_sum3A_69 = arith.constant dense<0.000000e+00> : vector<128xf32>
    %reduce_sum3A_70 = vector.multi_reduction <add>, %mul3A_68, %reduce_sum3A_69 [0] : vector<10000x128xf32> to vector<128xf32>
    %broadcast_in_dim3A_71 = vector.shape_cast %reduce_sum3A_70 : vector<128xf32> to vector<1x128xf32>
    %div3A_72 = arith.constant 1.000000e+04 : f32
    %div3A_73 = vector.broadcast %div3A_72 : f32 to vector<1x128xf32>
    %div3A_74 = arith.divf %broadcast_in_dim3A_71, %div3A_73 : vector<1x128xf32>
    %get3A_75 = arith.constant 0 : index
    %get3A_76 = arith.constant 0 : index
    %get3A_77 = vector.load %arg10[%get3A_75, %get3A_76] : memref<1x128xf32, #tpu.memory_space<vmem>>, vector<1x128xf32>
    %mul3A_78 = vector.broadcast %get3A_77 : vector<1x128xf32> to vector<10000x128xf32>
    %mul3A_79 = arith.mulf %mul3A_78, %sub3A_67 : vector<10000x128xf32>
    %add3A_80 = arith.constant 9.99999974E-6 : f32
    %add3A_81 = vector.broadcast %add3A_80 : f32 to vector<1x128xf32>
    %add3A_82 = arith.addf %div3A_74, %add3A_81 : vector<1x128xf32>
    %rsqrt3A_83 = math.rsqrt %add3A_82 : vector<1x128xf32>
    %mul3A_84 = vector.broadcast %rsqrt3A_83 : vector<1x128xf32> to vector<10000x128xf32>
    %mul3A_85 = arith.mulf %mul3A_79, %mul3A_84 : vector<10000x128xf32>
    %get3A_86 = arith.constant 0 : index
    %get3A_87 = arith.constant 0 : index
    %get3A_88 = vector.load %arg11[%get3A_86, %get3A_87] : memref<1x128xf32, #tpu.memory_space<vmem>>, vector<1x128xf32>
    %add3A_89 = vector.broadcast %get3A_88 : vector<1x128xf32> to vector<10000x128xf32>
    %add3A_90 = arith.addf %mul3A_85, %add3A_89 : vector<10000x128xf32>
    %swap3A = arith.constant 0 : index
    %swap3A_91 = arith.constant 0 : index
    %swap3A_92 = vector.load %arg12[%swap3A, %swap3A_91] : memref<10000x128xf32, #tpu.memory_space<vmem>>, vector<10000x128xf32>
    tpu.vector_store %arg12[%swap3A, %swap3A_91], %add3A_90 {strides = array<i32>} : memref<10000x128xf32, #tpu.memory_space<vmem>>, vector<10000x128xf32>,
    return
  }
}

</mosaic_0001>

<sc_bundles>
// kernel: kernel.12.cloned.1.call-start
scs
__scs_entry_jumppad:
0x0: {  	(pc) =	sbr.rel $0x88, $3  }
0x1: {  	(tag) =	ssettag $0x0;
	lr =	simm.s32 $0x1  }
0x2: {  	[smem:$0x3F93] =	sst lr;
	_ =	strace $0xD0000000  }
0x3: {  	_ = 	snop  }
0x4: {  	_ = 	snop  }
0x5: {  	_ = 	snop  }
0x6: {  	_ = 	snop  }
0x7: {  	_ = 	snop  }
__scs_overlays_trampoline_lowered:
0x8: {  	[smem:$0x3FA2] =	sst s0  }
0x9: {  	[smem:$0x3FA3] =	sst s1  }
0xa: {  	[smem:$0x3FA4] =	sst s2  }
0xb: {  	[smem:$0x3FA5] =	sst s3  }
0xc: {  	[smem:$0x3FA6] =	sst s4  }
0xd: {  	[smem:$0x3FA7] =	sst s5  }
0xe: {  	[smem:$0x3FA8] =	sst s6  }
0xf: {  	[smem:$0x3FA9] =	sst s7  }
0x10: {  	[smem:$0x3FAA] =	sst s8  }
0x11: {  	[smem:$0x3FAB] =	sst s9;
	s0 =	simm.s32 @!p0 $0x0  }
0x12: {  	s1 =	sld [smem:$0x3F91];
	s0 =	simm.s32 @p0 $0x1  }
0x13: {  	[smem:$0x3FAC] =	sst s0;
	s0 =	simm.s32 @!p1 $0x0  }
0x14: {  	s2 =	sld [smem:$0x3F90];
	s0 =	simm.s32 @p1 $0x1  }
0x15: {  	[smem:$0x3FAD] =	sst s0;
	s0 =	simm.s32 @!p2 $0x0  }
0x16: {  	s3 =	sld [smem:$0x3FDB];
	s0 =	simm.s32 @p2 $0x1  }
0x17: {  	s4 =	simm.s32 $0x1BF5;
	[smem:$0x3FAF] =	sst s0  }
0x18: {  	s0 =	sld [smem:$0x3F92];
	_ =	swait.ge [sflag:s4], $0x0  }
0x19: {  	s7 =	sld [smem:$0x3F93]  }
0x1a: {  	s8 =	sadd.s32 $0xFFFFE003, lr  }
0x1b: {  	s9 =	sadd.s32 $0xFFFFFEF7, lr;
	s5 =	simm.s32 $0xFFFFFFFF;
	p2 =	slt.u32 s8, $0xFFFFF086  }
0x1c: {  	p1 =	slt.u32 s9, $0xF7A;
	s5 =	simm.s32 @!p2 $0x0  }
0x1d: {  	s5 =	simm.s32 @p1 $0x1;
	p0 =	seq.s32 s7, s2  }
0x1e: {  	s7 =	smul.u32 @!p0 $0xF7A, s2;
	p2 =	seq.s32 @!p0 s5, $0x0  }
0x1f: {  	s9 =	smul.u32 $0xF7A, s1;
	s8 =	simm.s32 @!p0 $0x1BF5;
	p2 =	por !p2, p0  }
0x20: {  	[sflag:s8] =	ssyncset.s32 @!p0 $0xFFFFF086;
	s6 =	sadd.s32 @!p0 s3, s7;
	s7 =	simm.s32 @!p0 $0x108  }
0x21: {  	s3 =	sadd.s32 s3, s9;
	s6 =	sadd.s32 @!p0 $0x88, s6;
	s7 =	simm.s32 @p2 $0x1082  }
0x22: {  	[simem:s7], [sflag:s8] =	dma.local @!p0 [hbm:s6], $0xF7A  }
0x23: {  	s9 =	sor.u32 $0xD0000000, s2;
	s6 =	simm.s32 $0x108;
	_ =	swait.ge @!p0 [sflag:s8], $0x0  }
0x24: {  	s3 =	sadd.s32 $0x88, s3;
	s6 =	simm.s32 @!p1 $0x1082;
	[sflag:s4] =	ssyncset.s32 $0xFFFFF086  }
0x25: {  	[simem:s6], [sflag:s4] =	dma.local [hbm:s3], $0xF7A  }
0x26: {  	[smem:$0x3F93] =	sst s1;
	(tag) =	ssettag s2;
	_ =	strace s9  }
0x27: {  	s1 =	sld [smem:$0x3FA3]  }
0x28: {  	s2 =	sld [smem:$0x3FA4]  }
0x29: {  	s4 =	sld [smem:$0x3FA6]  }
0x2a: {  	p0 =	seq.s32 s5, $0x0;
	s5 =	sld [smem:$0x3FA7]  }
0x2b: {  	s6 =	sld [smem:$0x3FA8]  }
0x2c: {  	s7 =	sld [smem:$0x3FA9]  }
0x2d: {  	s3 =	simm.s32 $0x108;
	s8 =	sld [smem:$0x3FAA]  }
0x2e: {  	s3 =	simm.s32 @!p0 $0x1082;
	s9 =	sld [smem:$0x3FAB]  }
0x2f: {  	lr =	sadd.s32 s0, s3;
	s0 =	sld [smem:$0x3FA2]  }
0x30: {  	s3 =	sld [smem:$0x3FA5]  }
0x31: {  	[smem:$0x3FAE] =	sst s10  }
0x32: {  	s10 =	sld [smem:$0x3FAC];
	_ =	sdelay $0x3  }
0x33: {  	p0 =	seq.s32 s10, $0x1;
	s10 =	sld [smem:$0x3FAE];
	_ =	sdelay $0x3  }
0x34: {  	[smem:$0x3FAE] =	sst s10  }
0x35: {  	s10 =	sld [smem:$0x3FAD];
	_ =	sdelay $0x3  }
0x36: {  	p1 =	seq.s32 s10, $0x1;
	s10 =	sld [smem:$0x3FAE];
	_ =	sdelay $0x3  }
0x37: {  	[smem:$0x3FAE] =	sst s10  }
0x38: {  	s10 =	sld [smem:$0x3FAF]  }
0x39: {  	_ = 	snop;
	(pc) =	sbr.ind lr, $3  }
0x3a: {  	_ = 	snop  }
0x3b: {  	_ = 	snop  }
0x3c: {  	p2 =	seq.s32 s10, $0x1;
	s10 =	sld [smem:$0x3FAE]  }
0x3d: {  	_ =	shalt  }
0x3e: {  	_ =	shalt  }
0x3f: {  	_ =	shalt  }
0x40: {  	_ =	shalt  }
0x41: {  	_ =	shalt  }
0x42: {  	_ =	shalt  }
0x43: {  	_ =	shalt  }
0x44: {  	_ =	shalt  }
0x45: {  	_ =	shalt  }
0x46: {  	_ =	shalt  }
0x47: {  	_ =	shalt  }
0x48: {  	_ =	shalt  }
0x49: {  	_ =	shalt  }
0x4a: {  	_ =	shalt  }
0x4b: {  	_ =	shalt  }
0x4c: {  	_ =	shalt  }
0x4d: {  	_ =	shalt  }
0x4e: {  	_ =	shalt  }
0x4f: {  	_ =	shalt  }
0x50: {  	_ =	shalt  }
0x51: {  	_ =	shalt  }
0x52: {  	_ =	shalt  }
0x53: {  	_ =	shalt  }
0x54: {  	_ =	shalt  }
0x55: {  	_ =	shalt  }
0x56: {  	_ =	shalt  }
0x57: {  	_ =	shalt  }
0x58: {  	_ =	shalt  }
0x59: {  	_ =	shalt  }
0x5a: {  	_ =	shalt  }
0x5b: {  	_ =	shalt  }
0x5c: {  	_ =	shalt  }
0x5d: {  	_ =	shalt  }
0x5e: {  	_ =	shalt  }
0x5f: {  	_ =	shalt  }
0x60: {  	_ =	shalt  }
0x61: {  	_ =	shalt  }
0x62: {  	_ =	shalt  }
0x63: {  	_ =	shalt  }
0x64: {  	_ =	shalt  }
0x65: {  	_ =	shalt  }
0x66: {  	_ =	shalt  }
0x67: {  	_ =	shalt  }
0x68: {  	_ =	shalt  }
0x69: {  	_ =	shalt  }
0x6a: {  	_ =	shalt  }
0x6b: {  	_ =	shalt  }
0x6c: {  	_ =	shalt  }
0x6d: {  	_ =	shalt  }
0x6e: {  	_ =	shalt  }
0x6f: {  	_ =	shalt  }
0x70: {  	_ =	shalt  }
0x71: {  	_ =	shalt  }
0x72: {  	_ =	shalt  }
0x73: {  	_ =	shalt  }
0x74: {  	_ =	shalt  }
0x75: {  	_ =	shalt  }
0x76: {  	_ =	shalt  }
0x77: {  	_ =	shalt  }
0x78: {  	_ =	shalt  }
0x79: {  	_ =	shalt  }
0x7a: {  	_ =	shalt  }
0x7b: {  	_ =	shalt  }
0x7c: {  	_ =	shalt  }
0x7d: {  	_ =	shalt  }
0x7e: {  	_ =	shalt  }
0x7f: {  	_ =	shalt  }
0x80: {  	_ =	shalt  }
0x81: {  	_ =	shalt  }
0x82: {  	_ =	shalt  }
0x83: {  	_ =	shalt  }
0x84: {  	_ =	shalt  }
0x85: {  	_ =	shalt  }
0x86: {  	_ =	shalt  }
0x87: {  	_ =	shalt  }
.Lfunc_end0:
.L_simem_size_0:
called_computation.1_lowered:
.L_overlay_start_0:
0x88: {  	s2 =	sld [smem:$0x3FD9]  }
0x89: {  	s3 =	sld [smem:$0x3FFE];
	_ =	sdelay $0x1  }
0x8a: {  	s1 =	srdreg.scid  }
0x8b: {  	s0 =	sand.u32 $0x1, s1  }
0x8c: {  	s17 =	sshll.u32 s0, $0xA;
	s2 =	sadd.s32 s3, s2  }
0x8d: {  	s2 =	sadd.s32 s2, s17  }
0x8e: {  	[smem:$0x3FBA] =	sst s2  }
0x8f: {  	_ = 	snop  }
0x90: {  	s2 =	sld [smem:$0x3FD0];
	(tm) =	ssettm $0x1  }
0x91: {  	s18 =	sld [smem:$0x3FFB];
	_ =	sdelay $0x3  }
0x92: {  	_ =	strace s18  }
0x93: {  	s3 =	sld [smem:$0x3FFC];
	_ =	sdelay $0x3  }
0x94: {  	_ =	strace s3  }
0x95: {  	s3 =	sld [smem:$0x3FFD];
	_ =	sdelay $0x3  }
0x96: {  	_ =	strace s3  }
0x97: {  	_ =	strace $0x8FFFFFFF  }
0x98: {  	s19 =	sld [smem:$0x3FDB];
	_ =	sdelay $0x1  }
0x99: {  	s4 =	simm.s32 $_scs_section_size  }
0x9a: {  	s5 =	simm.s32 $_size__tile_overlayer_lowered;
	s6 =	simm.s32 $_tile_overlayer_lowered  }
0x9b: {  	s22 =	simm.s32 $0x1BFF;
	s21 =	sshll.u32 s6, $0x1;
	s3 =	sadd.s32 s4, s19  }
0x9c: {  	s7 =	simm.s32 $0x0;
	s20 =	sshll.u32 s5, $0x1;
	s5 =	sadd.s32 s21, s3  }
0x9d: {  	[timem:s7], [sflag:s22] =	dma.local [hbm:s5], s20  }
0x9e: {  	_ =	swait.ge [sflag:s22], s20  }
0x9f: {  	s4 =	ssub.s32 $0x0, s20;
	[sflag:s22] =	ssyncset.done $0x0  }
0xa0: {  	[sflag:s22] =	ssyncadd.s32 s4;
	_ =	sdelay $0x1  }
0xa1: {  	s23 =	simm.s32 $0x1B8B  }
0xa2: {  	_ =	swait.ge [sflag:s23], $0x1  }
0xa3: {  	[sflag:s23] =	ssyncset.done $0x0  }
0xa4: {  	s25 =	simm.s32 $0x1B8E;
	s24 =	sld [smem:$0x3FFE];
	[sflag:s23] =	ssyncadd.s32 $0xFFFFFFFF  }
0xa5: {  	s26 =	simm.s32 $execute0_lowered;
	[smem:$0x3FD2] =	sst s25  }
0xa6: {  	s5 =	sshll.u32 s26, $0x1;
	_ =	strace $0x80000049;
	[dreg:$0x1] =	wrdreg $0xFFFFFFFF  }
0xa7: {  	s28 =	simm.s32 $_size_execute0_lowered;
	s3 =	sadd.s32 s3, s5;
	[dreg:$0x0] =	wrdreg $0x0  }
0xa8: {  	s5 =	sshll.u32 s28, $0x1;
	[dreg:$0x2] =	wrdreg s3  }
0xa9: {  	[dreg:$0x3] =	wrdreg s5  }
0xaa: {  	[dreg:$0x4] =	wrdreg $0xC0  }
0xab: {  	_ =	task [dreg:s7], $0x5FFFF  }
0xac: {  	[dreg:$0x1] =	wrdreg $0xFFFFFFFF  }
0xad: {  	[dreg:$0x0] =	wrdreg $0x60  }
0xae: {  	[dreg:$0x2] =	wrdreg s2  }
0xaf: {  	[dreg:$0x3] =	wrdreg s24  }
0xb0: {  	[dreg:$0x4] =	wrdreg $0x83000  }
0xb1: {  	[dreg:$0x5] =	wrdreg $0x9  }
0xb2: {  	_ =	task.clear_ibuf [dreg:s7], $0x6FFFF;
	_ =	strace $0x90000049  }
0xb3: {  	s29 =	simm.s32 $0x9;
	_ =	strace $0x8000004B  }
0xb4: {  	_ =	swait.ge [sflag:s29], $0x1  }
0xb5: {  	[sflag:s29] =	ssyncadd.s32 $0xFFFFFFFF  }
0xb6: {  	_ =	strace $0x9000004B  }
0xb7: {  	_ =	sfence  }
0xb8: {  	s30 =	sld [smem:$0x0];
	_ =	sdelay $0x2  }
0xb9: {  	s31 =	sshll.u32 s1, $0xD;
	s1 =	sshrl.u32 s1, $0x2  }
0xba: {  	s3 =	sand.u32 $0x4000, s31;
	s1 =	sadd.s32 s1, s30  }
0xbb: {  	s0 =	sor.u32 s3, s0;
	s1 =	sshll.u32 s1, $0x11  }
0xbc: {  	s0 =	sor.u32 s1, s0  }
0xbd: {  	s0 =	sadd.s32 $0x8F2B, s0  }
0xbe: {  	[sflag:s0] =	ssyncadd.remote.s32 $0x1  }
0xbf: {  	_ =	sfence.sel $0xFFFF  }
0xc0: {  	[dreg:$0x0] =	wrdreg $0xFFFFFFFF;
	(pc) =	sbr.abs _section_cstart, $3  }
0xc1: {  	[dreg:$0x1] =	wrdreg $0xFFFFFFFF  }
0xc2: {  	_ =	task.clear_ibuf [dreg:s7], $0x2FFFF;
	_ =	strace $0x9FFFFFFF  }
0xc3: {  	(tm) =	ssettm $0x7FFFFFFF  }
tec
execute0_lowered:
.L_overlay_start_1:
0x0: {  	(tag) =	ssettag $0x1  }
0x1: {  	s1 =	rddreg [dreg:$0x0]  }
0x2: {  	s0 =	rddreg [dreg:$0x1]  }
0x3: {  	s3 =	rddreg [dreg:$0x2]  }
0x4: {  	s4 =	simm.s32 $0x0;
	s14 =	stileid.u32;
	s7 =	srdreg.scid  }
0x5: {  	s28 =	simm.s32 $0x280;
	s29 =	simm.s32 $0x1;
	s30 =	simm.s32 $0x5  }
0x6: {  	s31 =	simm.s32 $0x4300;
	[smem:$0x7FF] =	sst s4;
	s2 =	smul.u32 $0x14000, s14  }
0x7: {  	s5 =	sadd.s32 $0x15200, s0;
	s6 =	sadd.s32 $0x1F200, s0;
	s9 =	sand.u32 $0x1, s7  }
0x8: {  	s7 =	sadd.s32 $0xB200, s0;
	s12 =	sshll.u32 s14, $0x1;
	s19 =	smul.u32 $0x50000, s14  }
0x9: {  	s11 =	smul.u32 $0x140000, s9;
	s26 =	ssub.s32 $0x2, s9;
	s9 =	sor.u32 s9, s12  }
0xa: {  	s8 =	sadd.s32 $0x7200, s0;
	_ =	strace $0x8000004A;
	s13 =	smul.u32 $0x500, s9  }
0xb: {  	s10 =	sshrl.u32 s2, $0x3;
	s15 =	sshrl.u32 s26, $0x1;
	s9 =	smul.u32 $0x50, s9  }
0xc: {  	s10 =	sadd.s32 s10, s0;
	s2 =	sadd.s32 s2, s11;
	s16 =	ssub.s32 s26, s15  }
0xd: {  	s11 =	sshrl.u32 s19, $0x2;
	s2 =	sshrl.u32 s2, $0x3;
	s20 =	sadd.s32 s5, s13  }
0xe: {  	s21 =	sadd.s32 s6, s13;
	s22 =	sadd.s32 s7, s13;
	[dreg:$0x4] =	wrdreg s20  }
0xf: {  	s23 =	sor.u32 $0x10, s13;
	s11 =	sadd.s32 s11, s3;
	[dreg:$0x5] =	wrdreg s21  }
0x10: {  	s10 =	sadd.s32 $0x29200, s10;
	s17 =	sor.u32 $0x2, s9;
	[dreg:$0x6] =	wrdreg s22  }
0x11: {  	s18 =	sor.u32 $0x3, s9;
	s0 =	sadd.s32 s2, s0;
	[dreg:$0x7] =	wrdreg s11  }
0x12: {  	[dreg:$0x8] =	wrdreg s10;
	s24 =	sadd.s32 s5, s23;
	s25 =	sadd.s32 s6, s23  }
.Ltmp0:
0x13: {  	s26 =	sadd.s32 s7, s23;
	s20 =	smax.u32 s16, $0x1;
	(pc) =	sbr.rel .LBB2_1-.Ltmp0, $4  }
0x14: {  	s21 =	simm.s32 $0x6;
	s22 =	simm.s32 $0x100;
	[dreg:$0x9] =	wrdreg s24  }
0x15: {  	s23 =	simm.s32 $0x200;
	s2 =	simm.s32 $0x0;
	[dreg:$0xa] =	wrdreg s25  }
0x16: {  	[dreg:$0xb] =	wrdreg s26;
	s19 =	sadd.s32 $0x51200, s0;
	s24 =	simm.s32 $0x80  }
0x17: {  	s25 =	simm.s32 $0x300;
	s26 =	simm.s32 $0x180;
	s0 =	simm.s32 $0x3  }
.LBB2_8:
0x18: {  	s2 =	sadd.s32 $0x1, s2  }
0x19: {  	p0 =	sne.s32 s2, s20  }
.Ltmp1:
0x1a: {  	[bflag:$0x0] =	sbarrier.arrive $0xFFFF;
	(pc) =	sbr.rel @!p0 .LBB2_9-.Ltmp1, $4  }
0x1b: {  	[hbm:s19], [sflag:s9] =	dma.local [spmem:s10], $0x2800  }
0x1c: {  	_ =	swait.ge [sflag:s21], $0x2800  }
0x1d: {  	[sflag:s21] =	ssyncset.done $0x0  }
0x1e: {  	[sflag:s21] =	ssyncadd.s32 $0xFFFFD800  }
.LBB2_1:
0x1f: {  	s9 =	rddreg [dreg:$0x4]  }
0x20: {  	[tilespmem:s4], [sflag:$0x6] =	stream.linear.gather [hbm4b:s9+s4], $0x80, $0x38;
	[tilespmem:$0x1C300] =	vst v63  }
0x21: {  	_ =	swait.ge [sflag:s21], $0x80  }
0x22: {  	[sflag:s21] =	ssyncset.done $0x0  }
0x23: {  	s11 =	rddreg [dreg:$0x5];
	[sflag:s21] =	ssyncadd.s32 $0xFFFFFF80  }
0x24: {  	[tilespmem:s22], [sflag:$0x6] =	stream.linear.gather [hbm4b:s11+s4], $0x80, $0x38;
	[tilespmem:$0x1C300] =	vst v63  }
0x25: {  	_ =	swait.ge [sflag:s21], $0x80  }
0x26: {  	[sflag:s21] =	ssyncset.done $0x0  }
0x27: {  	s13 =	stileid.u32;
	s12 =	rddreg [dreg:$0x6];
	[sflag:s21] =	ssyncadd.s32 $0xFFFFFF80  }
0x28: {  	[tilespmem:s23], [sflag:$0x6] =	stream.linear.gather [hbm4b:s12+s4], $0x80, $0x38;
	[tilespmem:$0x1C300] =	vst v63  }
0x29: {  	s9 =	sshll.u32 s13, $0x6;
	_ =	swait.ge [sflag:s21], $0x80  }
0x2a: {  	s9 =	sor.u32 $0x1C06, s9;
	[sflag:s21] =	ssyncset.done $0x0;
	s10 =	rddreg [dreg:$0x7]  }
0x2b: {  	s11 =	rddreg [dreg:$0x8];
	[sflag:s21] =	ssyncadd.s32 $0xFFFFFF80;
	s10 =	sshrl.u32 s10, $0x3  }
0x2c: {  	[spmem:s10], [sflag:s9] =	dma.local [hbm:s11], $0x2800  }
0x2d: {  	_ =	swait.ge [sflag:s21], $0x2800  }
0x2e: {  	[sflag:s21] =	ssyncset.done $0x0  }
0x2f: {  	[sflag:s21] =	ssyncadd.s32 $0xFFFFD800  }
0x30: {  	[bflag:$0x0] =	sbarrier.arrive $0xFFFF  }
0x31: {  	[tilespmem:s25], [sflag:$0x1] =	stream.indirect.gather [hbm4b:s1+s24], $0x80, s4, s24, $0xb8;
	[tilespmem:$0x1C300] =	vst v63  }
0x32: {  	s14 =	rddreg [dreg:$0x9]  }
0x33: {  	[tilespmem:s24], [sflag:$0x5] =	stream.linear.gather [hbm4b:s14+s4], $0x80, $0x38;
	[tilespmem:$0x1C300] =	vst v63  }
0x34: {  	s15 =	rddreg [dreg:$0xa]  }
0x35: {  	[tilespmem:s26], [sflag:$0x5] =	stream.linear.gather [hbm4b:s15+s4], $0x80, $0x38;
	[tilespmem:$0x1C300] =	vst v63  }
0x36: {  	s11 =	simm.s32 $0x0;
	s16 =	rddreg [dreg:$0xb]  }
0x37: {  	[tilespmem:s28], [sflag:$0x5] =	stream.linear.gather [hbm4b:s16+s4], $0x80, $0x38;
	[tilespmem:$0x1C300] =	vst v63  }
.LBB2_2:
0x38: {  	_ =	swait.ge [sflag:s29], $0x4000  }
0x39: {  	[sflag:s29] =	ssyncset.done $0x0  }
0x3a: {  	[sflag:s29] =	ssyncadd.s32 $0xFFFFC000  }
0x3b: {  	[tilespmem:s25], [sflag:$0x3] =	stream.indirect.gather.add.f32 [hbm:s8], $0x80, s23, s24, $0xb8;
	[tilespmem:$0x1C300] =	vst v63  }
0x3c: {  	_ =	swait.ge [sflag:s30], $0x80  }
0x3d: {  	[sflag:s30] =	ssyncset.done $0x0  }
0x3e: {  	[sflag:s30] =	ssyncadd.s32 $0xFFFFFF80  }
0x3f: {  	_ =	swait.ge [sflag:s30], $0x80  }
0x40: {  	[sflag:s30] =	ssyncset.done $0x0  }
0x41: {  	[sflag:s30] =	ssyncadd.s32 $0xFFFFFF80  }
0x42: {  	_ =	swait.ge [sflag:s30], $0x80  }
0x43: {  	[sflag:s30] =	ssyncset.done $0x0  }
0x44: {  	[sflag:s30] =	ssyncadd.s32 $0xFFFFFF80  }
0x45: {  	[tilespmem:s31], [sflag:$0x2] =	stream.indirect.gather [hbm4b:s1+s24], $0x80, s24, s24, $0xb8;
	[tilespmem:$0x1C300] =	vst v63  }
0x46: {  	_ =	swait.ge [sflag:s0], $0x4000  }
0x47: {  	[sflag:s0] =	ssyncset.done $0x0  }
0x48: {  	s12 =	simm.s32 $0x0;
	[sflag:s0] =	ssyncadd.s32 $0xFFFFC000  }
0x49: {  	v2 =	vld [tilespmem:s12+$0x300]  }
0x4a: {  	v4 =	vld [tilespmem:s12+$0x310]  }
0x4b: {  	v3 =	vld [tilespmem:s12+$0x320]  }
0x4c: {  	v1 =	vld [tilespmem:s12+$0x330]  }
0x4d: {  	v0 =	vld [tilespmem:s12+$0x340]  }
0x4e: {  	v5 =	vmax.f32 v2, $0.0e+00;
	v2 =	vld [tilespmem:s12+$0x350]  }
0x4f: {  	s13 =	simm.s32 $0x200;
	[tilespmem:s12+$0x300] =	vst v5;
	v5 =	vmax.f32 v4, $0.0e+00;
	v4 =	vld [tilespmem:s12+$0x360]  }
.LBB2_3:
0x50: {  	s14 =	sshra.s32 s13, $0x2;
	p0 =	sne.s32 s13, $0xFE00;
	[tilespmem:s12+$0x310] =	vst v5;
	v3 =	vmax.f32 v3, $0.0e+00;
	v5 =	vld [tilespmem:s12+$0x370]  }
0x51: {  	v6 =	vld [tilespmem:s14+$0x300];
	[tilespmem:s12+$0x320] =	vst v3;
	v1 =	vmax.f32 v1, $0.0e+00  }
0x52: {  	v7 =	vld [tilespmem:s14+$0x310];
	[tilespmem:s12+$0x330] =	vst v1;
	v0 =	vmax.f32 v0, $0.0e+00  }
.Ltmp2:
0x53: {  	v3 =	vld [tilespmem:s14+$0x320];
	[tilespmem:s12+$0x340] =	vst v0;
	v0 =	vmax.f32 v2, $0.0e+00;
	(pc) =	sbr.rel @p0 .LBB2_3-.Ltmp2, $4  }
0x54: {  	v1 =	vld [tilespmem:s14+$0x330];
	[tilespmem:s12+$0x350] =	vst v0;
	v2 =	vmax.f32 v4, $0.0e+00  }
0x55: {  	v0 =	vld [tilespmem:s14+$0x340];
	[tilespmem:s12+$0x360] =	vst v2;
	v4 =	vmax.f32 v5, $0.0e+00  }
0x56: {  	v5 =	vmax.f32 v6, $0.0e+00;
	v2 =	vld [tilespmem:s14+$0x350];
	[tilespmem:s12+$0x370] =	vst v4;
	s12 =	smov.u32 s14  }
0x57: {  	s13 =	sadd.s32 $0x200, s13;
	[tilespmem:s12+$0x300] =	vst v5;
	v5 =	vmax.f32 v7, $0.0e+00;
	v4 =	vld [tilespmem:s12+$0x360]  }
0x58: {  	[tilespmem:s12+$0x310] =	vst v5;
	v3 =	vmax.f32 v3, $0.0e+00;
	v5 =	vld [tilespmem:s12+$0x370]  }
0x59: {  	[tilespmem:s12+$0x320] =	vst v3;
	v1 =	vmax.f32 v1, $0.0e+00  }
0x5a: {  	[tilespmem:s12+$0x330] =	vst v1;
	v0 =	vmax.f32 v0, $0.0e+00  }
0x5b: {  	[tilespmem:s12+$0x340] =	vst v0;
	v0 =	vmax.f32 v2, $0.0e+00  }
0x5c: {  	[tilespmem:s12+$0x350] =	vst v0;
	v0 =	vmax.f32 v4, $0.0e+00  }
0x5d: {  	[tilespmem:s12+$0x360] =	vst v0;
	v0 =	vmax.f32 v5, $0.0e+00  }
0x5e: {  	[tilespmem:s12+$0x370] =	vst v0  }
0x5f: {  	[spmem:s3] =	stream.indirect.scatter.add.f32 [tilespmem:s25], [sflag:$0x6], $0x80, s22, s24, $0xb8;
	[tilespmem:$0x1C300] =	vst v63  }
0x60: {  	_ =	swait.ge [sflag:s21], $0x4000  }
0x61: {  	p0 =	seq.s32 s11, $0x27;
	[sflag:s21] =	ssyncset.done $0x0  }
0x62: {  	s13 =	simm.s32 @p0 $0x2;
	[sflag:s21] =	ssyncadd.s32 $0xFFFFC000  }
0x63: {  	_ =	swait.ge @p0 [sflag:s13], $0x4000  }
0x64: {  	s14 =	simm.s32 @p0 $0x280;
	s15 =	simm.s32 @p0 $0x4300;
	[sflag:s13] =	ssyncset.done @p0 $0x0  }
0x65: {  	s12 =	sshll.u32 s11, $0x1;
	[sflag:s13] =	ssyncadd.s32 @p0 $0xFFFFC000;
	s13 =	simm.s32 @p0 $0x80  }
0x66: {  	[tilespmem:s15], [sflag:$0x3] =	stream.indirect.gather.add.f32 @p0 [hbm:s8], $0x80, s14, s13, $0xb8;
	[tilespmem:$0x1C300] =	vst v63  }
0x67: {  	s13 =	sadd.s32 @!p0 s12, s17  }
0x68: {  	s13 =	sshll.u32 @!p0 s13, $0x4  }
0x69: {  	s13 =	sand.u32 @!p0 $0x1FFFFFE0, s13  }
0x6a: {  	s15 =	simm.s32 @!p0 $0x0;
	s14 =	sadd.s32 @!p0 s5, s13  }
0x6b: {  	[tilespmem:s15], [sflag:$0x4] =	stream.linear.gather @!p0 [hbm4b:s14+s15], $0x80, $0x38;
	[tilespmem:$0x1C300] =	vst v63  }
0x6c: {  	s16 =	simm.s32 @!p0 $0x100;
	s14 =	sadd.s32 @!p0 s6, s13  }
0x6d: {  	[tilespmem:s16], [sflag:$0x4] =	stream.linear.gather @!p0 [hbm4b:s14+s15], $0x80, $0x38;
	[tilespmem:$0x1C300] =	vst v63  }
0x6e: {  	s13 =	sadd.s32 @!p0 s7, s13;
	s14 =	simm.s32 @!p0 $0x200  }
0x6f: {  	[tilespmem:s14], [sflag:$0x4] =	stream.linear.gather @!p0 [hbm4b:s13+s15], $0x80, $0x38;
	[tilespmem:$0x1C300] =	vst v63  }
0x70: {  	s13 =	simm.s32 @!p0 $0x2  }
0x71: {  	_ =	swait.ge @!p0 [sflag:s13], $0x4000  }
0x72: {  	s16 =	simm.s32 @!p0 $0x4300;
	[sflag:s13] =	ssyncset.done @!p0 $0x0  }
0x73: {  	s14 =	simm.s32 @!p0 $0x280;
	[sflag:s13] =	ssyncadd.s32 @!p0 $0xFFFFC000;
	s13 =	simm.s32 @!p0 $0x80  }
0x74: {  	[tilespmem:s16], [sflag:$0x3] =	stream.indirect.gather.add.f32 @!p0 [hbm:s8], $0x80, s14, s13, $0xb8;
	[tilespmem:$0x1C300] =	vst v63  }
0x75: {  	s14 =	simm.s32 @!p0 $0x4  }
0x76: {  	_ =	swait.ge @!p0 [sflag:s14], $0x80  }
0x77: {  	[sflag:s14] =	ssyncset.done @!p0 $0x0  }
0x78: {  	[sflag:s14] =	ssyncadd.s32 @!p0 $0xFFFFFF80  }
0x79: {  	_ =	swait.ge @!p0 [sflag:s14], $0x80  }
0x7a: {  	[sflag:s14] =	ssyncset.done @!p0 $0x0  }
0x7b: {  	[sflag:s14] =	ssyncadd.s32 @!p0 $0xFFFFFF80  }
0x7c: {  	_ =	swait.ge @!p0 [sflag:s14], $0x80  }
0x7d: {  	[sflag:s14] =	ssyncset.done @!p0 $0x0  }
0x7e: {  	[sflag:s14] =	ssyncadd.s32 @!p0 $0xFFFFFF80;
	s14 =	simm.s32 @!p0 $0x300  }
0x7f: {  	[tilespmem:s14], [sflag:$0x1] =	stream.indirect.gather @!p0 [hbm4b:s1+s13], $0x80, s15, s13, $0xb8;
	[tilespmem:$0x1C300] =	vst v63  }
0x80: {  	_ =	swait.ge [sflag:s0], $0x4000  }
0x81: {  	[sflag:s0] =	ssyncset.done $0x0  }
0x82: {  	s13 =	simm.s32 $0x0;
	[sflag:s0] =	ssyncadd.s32 $0xFFFFC000  }
0x83: {  	v2 =	vld [tilespmem:s13+$0x4300]  }
0x84: {  	v4 =	vld [tilespmem:s13+$0x4310]  }
0x85: {  	v3 =	vld [tilespmem:s13+$0x4320]  }
0x86: {  	v1 =	vld [tilespmem:s13+$0x4330]  }
0x87: {  	v0 =	vld [tilespmem:s13+$0x4340]  }
0x88: {  	v5 =	vmax.f32 v2, $0.0e+00;
	v2 =	vld [tilespmem:s13+$0x4350]  }
0x89: {  	s14 =	simm.s32 $0x200;
	[tilespmem:s13+$0x4300] =	vst v5;
	v5 =	vmax.f32 v4, $0.0e+00;
	v4 =	vld [tilespmem:s13+$0x4360]  }
.LBB2_5:
0x8a: {  	s15 =	sshra.s32 s14, $0x2;
	p1 =	sne.s32 s14, $0xFE00;
	[tilespmem:s13+$0x4310] =	vst v5;
	v3 =	vmax.f32 v3, $0.0e+00;
	v5 =	vld [tilespmem:s13+$0x4370]  }
0x8b: {  	v6 =	vld [tilespmem:s15+$0x4300];
	[tilespmem:s13+$0x4320] =	vst v3;
	v1 =	vmax.f32 v1, $0.0e+00  }
0x8c: {  	v7 =	vld [tilespmem:s15+$0x4310];
	[tilespmem:s13+$0x4330] =	vst v1;
	v0 =	vmax.f32 v0, $0.0e+00  }
.Ltmp3:
0x8d: {  	v3 =	vld [tilespmem:s15+$0x4320];
	[tilespmem:s13+$0x4340] =	vst v0;
	v0 =	vmax.f32 v2, $0.0e+00;
	(pc) =	sbr.rel @p1 .LBB2_5-.Ltmp3, $4  }
0x8e: {  	v1 =	vld [tilespmem:s15+$0x4330];
	[tilespmem:s13+$0x4350] =	vst v0;
	v2 =	vmax.f32 v4, $0.0e+00  }
0x8f: {  	v0 =	vld [tilespmem:s15+$0x4340];
	[tilespmem:s13+$0x4360] =	vst v2;
	v4 =	vmax.f32 v5, $0.0e+00  }
0x90: {  	v5 =	vmax.f32 v6, $0.0e+00;
	v2 =	vld [tilespmem:s15+$0x4350];
	[tilespmem:s13+$0x4370] =	vst v4;
	s13 =	smov.u32 s15  }
0x91: {  	s14 =	sadd.s32 $0x200, s14;
	[tilespmem:s13+$0x4300] =	vst v5;
	v5 =	vmax.f32 v7, $0.0e+00;
	v4 =	vld [tilespmem:s13+$0x4360]  }
0x92: {  	[tilespmem:s13+$0x4310] =	vst v5;
	v3 =	vmax.f32 v3, $0.0e+00;
	v60 =	vld [tilespmem:s13+$0x4370]  }
0x93: {  	[tilespmem:s13+$0x4320] =	vst v3;
	v1 =	vmax.f32 v1, $0.0e+00  }
0x94: {  	[tilespmem:s13+$0x4330] =	vst v1;
	v0 =	vmax.f32 v0, $0.0e+00  }
0x95: {  	[tilespmem:s13+$0x4340] =	vst v0;
	v61 =	vmax.f32 v2, $0.0e+00  }
0x96: {  	[tilespmem:s13+$0x4350] =	vst v61;
	v62 =	vmax.f32 v4, $0.0e+00  }
0x97: {  	[tilespmem:s13+$0x4360] =	vst v62;
	v63 =	vmax.f32 v60, $0.0e+00  }
.Ltmp4:
0x98: {  	[tilespmem:s13+$0x4370] =	vst v63;
	(pc) =	sbr.rel @p0 .LBB2_8-.Ltmp4, $4  }
0x99: {  	[spmem:s3] =	stream.indirect.scatter.add.f32 [tilespmem:s31], [sflag:$0x6], $0x80, s26, s24, $0xb8;
	[tilespmem:$0x1C300] =	vst v63  }
0x9a: {  	_ =	swait.ge [sflag:s21], $0x4000  }
0x9b: {  	[sflag:s21] =	ssyncset.done $0x0  }
0x9c: {  	[sflag:s21] =	ssyncadd.s32 $0xFFFFC000  }
0x9d: {  	s12 =	sadd.s32 s12, s18  }
0x9e: {  	s12 =	sshll.u32 s12, $0x4  }
0x9f: {  	s12 =	sand.u32 $0x1FFFFFF0, s12  }
0xa0: {  	s13 =	sadd.s32 s5, s12  }
0xa1: {  	[tilespmem:s24], [sflag:$0x5] =	stream.linear.gather [hbm4b:s13+s4], $0x80, $0x38;
	[tilespmem:$0x1C300] =	vst v63  }
.Ltmp5:
0xa2: {  	_ = 	snop;
	(pc) =	sbr.rel .LBB2_2-.Ltmp5, $4  }
0xa3: {  	s16 =	sadd.s32 s6, s12  }
0xa4: {  	[tilespmem:s26], [sflag:$0x5] =	stream.linear.gather [hbm4b:s16+s4], $0x80, $0x38;
	[tilespmem:$0x1C300] =	vst v63  }
0xa5: {  	s11 =	sadd.s32 $0x1, s11;
	s12 =	sadd.s32 s7, s12  }
0xa6: {  	[tilespmem:s28], [sflag:$0x5] =	stream.linear.gather [hbm4b:s12+s4], $0x80, $0x38;
	[tilespmem:$0x1C300] =	vst v63  }
.LBB2_9:
0xa7: {  	_ =	sfence.sel $0x180000  }
0xa8: {  	[bflag:$0x0] =	sbarrier.arrive $0xFFFF  }
0xa9: {  	_ =	strace $0x9000004A  }
0xaa: {  	s0 =	stileid.u32;
	[bflag:$0x2] =	sbarrier.arrive $0xFFFF  }
0xab: {  	p0 =	sne.s32 s0, $0x0;
	s0 =	rddreg [dreg:$0x3]  }
0xac: {  	s0 =	sadd.s32 @!p0 $0x100000, s0  }
0xad: {  	[sflag:s0] =	ssyncadd.tile.s32 @!p0 $0x1;
	_ =	shalt  }
.Lfunc_end2:
_tile_overlayer_lowered:
.L_overlay_start_2:
0xae: {  	(tag) =	ssettag $0x2  }
0xaf: {  	s0 =	rddreg [dreg:$0x0];
	s2 =	stileid.u32  }
0xb0: {  	s1 =	rddreg [dreg:$0x1];
	p0 =	sne.s32 s2, $0x0  }
0xb1: {  	s3 =	rddreg [dreg:$0x2];
	[bflag:$0x3] =	sbarrier.arrive $0xFFFF;
	s2 =	simm.s32 @!p0 $0x1C06  }
0xb2: {  	[timem:s3], [sflag:s2] =	dma.local @!p0 [hbm:s0], s1  }
0xb3: {  	s0 =	simm.s32 @!p0 $0x6  }
0xb4: {  	_ =	swait.ge @!p0 [sflag:s0], s1  }
0xb5: {  	s1 =	ssub.s32 @!p0 $0x0, s1;
	[sflag:s0] =	ssyncset.done @!p0 $0x0  }
0xb6: {  	[sflag:s0] =	ssyncadd.s32 @!p0 s1  }
0xb7: {  	[bflag:$0x3] =	sbarrier.arrive $0xFFFF  }
0xb8: {  	_ =	shalt  }

// kernel: kernel.15.cloned.1.call-start
scs
__scs_entry_jumppad:
0x0: {  	(pc) =	sbr.rel $0x88, $3  }
0x1: {  	(tag) =	ssettag $0x0;
	lr =	simm.s32 $0x1  }
0x2: {  	[smem:$0x3F93] =	sst lr;
	_ =	strace $0xD0000000  }
0x3: {  	_ = 	snop  }
0x4: {  	_ = 	snop  }
0x5: {  	_ = 	snop  }
0x6: {  	_ = 	snop  }
0x7: {  	_ = 	snop  }
__scs_overlays_trampoline_lowered:
0x8: {  	[smem:$0x3FA2] =	sst s0  }
0x9: {  	[smem:$0x3FA3] =	sst s1  }
0xa: {  	[smem:$0x3FA4] =	sst s2  }
0xb: {  	[smem:$0x3FA5] =	sst s3  }
0xc: {  	[smem:$0x3FA6] =	sst s4  }
0xd: {  	[smem:$0x3FA7] =	sst s5  }
0xe: {  	[smem:$0x3FA8] =	sst s6  }
0xf: {  	[smem:$0x3FA9] =	sst s7  }
0x10: {  	[smem:$0x3FAA] =	sst s8  }
0x11: {  	[smem:$0x3FAB] =	sst s9;
	s0 =	simm.s32 @!p0 $0x0  }
0x12: {  	s1 =	sld [smem:$0x3F91];
	s0 =	simm.s32 @p0 $0x1  }
0x13: {  	[smem:$0x3FAC] =	sst s0;
	s0 =	simm.s32 @!p1 $0x0  }
0x14: {  	s2 =	sld [smem:$0x3F90];
	s0 =	simm.s32 @p1 $0x1  }
0x15: {  	[smem:$0x3FAD] =	sst s0;
	s0 =	simm.s32 @!p2 $0x0  }
0x16: {  	s3 =	sld [smem:$0x3FDB];
	s0 =	simm.s32 @p2 $0x1  }
0x17: {  	s4 =	simm.s32 $0x1BF5;
	[smem:$0x3FAF] =	sst s0  }
0x18: {  	s0 =	sld [smem:$0x3F92];
	_ =	swait.ge [sflag:s4], $0x0  }
0x19: {  	s7 =	sld [smem:$0x3F93]  }
0x1a: {  	s8 =	sadd.s32 $0xFFFFE003, lr  }
0x1b: {  	s9 =	sadd.s32 $0xFFFFFEF7, lr;
	s5 =	simm.s32 $0xFFFFFFFF;
	p2 =	slt.u32 s8, $0xFFFFF086  }
0x1c: {  	p1 =	slt.u32 s9, $0xF7A;
	s5 =	simm.s32 @!p2 $0x0  }
0x1d: {  	s5 =	simm.s32 @p1 $0x1;
	p0 =	seq.s32 s7, s2  }
0x1e: {  	s7 =	smul.u32 @!p0 $0xF7A, s2;
	p2 =	seq.s32 @!p0 s5, $0x0  }
0x1f: {  	s9 =	smul.u32 $0xF7A, s1;
	s8 =	simm.s32 @!p0 $0x1BF5;
	p2 =	por !p2, p0  }
0x20: {  	[sflag:s8] =	ssyncset.s32 @!p0 $0xFFFFF086;
	s6 =	sadd.s32 @!p0 s3, s7;
	s7 =	simm.s32 @!p0 $0x108  }
0x21: {  	s3 =	sadd.s32 s3, s9;
	s6 =	sadd.s32 @!p0 $0x88, s6;
	s7 =	simm.s32 @p2 $0x1082  }
0x22: {  	[simem:s7], [sflag:s8] =	dma.local @!p0 [hbm:s6], $0xF7A  }
0x23: {  	s9 =	sor.u32 $0xD0000000, s2;
	s6 =	simm.s32 $0x108;
	_ =	swait.ge @!p0 [sflag:s8], $0x0  }
0x24: {  	s3 =	sadd.s32 $0x88, s3;
	s6 =	simm.s32 @!p1 $0x1082;
	[sflag:s4] =	ssyncset.s32 $0xFFFFF086  }
0x25: {  	[simem:s6], [sflag:s4] =	dma.local [hbm:s3], $0xF7A  }
0x26: {  	[smem:$0x3F93] =	sst s1;
	(tag) =	ssettag s2;
	_ =	strace s9  }
0x27: {  	s1 =	sld [smem:$0x3FA3]  }
0x28: {  	s2 =	sld [smem:$0x3FA4]  }
0x29: {  	s4 =	sld [smem:$0x3FA6]  }
0x2a: {  	p0 =	seq.s32 s5, $0x0;
	s5 =	sld [smem:$0x3FA7]  }
0x2b: {  	s6 =	sld [smem:$0x3FA8]  }
0x2c: {  	s7 =	sld [smem:$0x3FA9]  }
0x2d: {  	s3 =	simm.s32 $0x108;
	s8 =	sld [smem:$0x3FAA]  }
0x2e: {  	s3 =	simm.s32 @!p0 $0x1082;
	s9 =	sld [smem:$0x3FAB]  }
0x2f: {  	lr =	sadd.s32 s0, s3;
	s0 =	sld [smem:$0x3FA2]  }
0x30: {  	s3 =	sld [smem:$0x3FA5]  }
0x31: {  	[smem:$0x3FAE] =	sst s10  }
0x32: {  	s10 =	sld [smem:$0x3FAC];
	_ =	sdelay $0x3  }
0x33: {  	p0 =	seq.s32 s10, $0x1;
	s10 =	sld [smem:$0x3FAE];
	_ =	sdelay $0x3  }
0x34: {  	[smem:$0x3FAE] =	sst s10  }
0x35: {  	s10 =	sld [smem:$0x3FAD];
	_ =	sdelay $0x3  }
0x36: {  	p1 =	seq.s32 s10, $0x1;
	s10 =	sld [smem:$0x3FAE];
	_ =	sdelay $0x3  }
0x37: {  	[smem:$0x3FAE] =	sst s10  }
0x38: {  	s10 =	sld [smem:$0x3FAF]  }
0x39: {  	_ = 	snop;
	(pc) =	sbr.ind lr, $3  }
0x3a: {  	_ = 	snop  }
0x3b: {  	_ = 	snop  }
0x3c: {  	p2 =	seq.s32 s10, $0x1;
	s10 =	sld [smem:$0x3FAE]  }
0x3d: {  	_ =	shalt  }
0x3e: {  	_ =	shalt  }
0x3f: {  	_ =	shalt  }
0x40: {  	_ =	shalt  }
0x41: {  	_ =	shalt  }
0x42: {  	_ =	shalt  }
0x43: {  	_ =	shalt  }
0x44: {  	_ =	shalt  }
0x45: {  	_ =	shalt  }
0x46: {  	_ =	shalt  }
0x47: {  	_ =	shalt  }
0x48: {  	_ =	shalt  }
0x49: {  	_ =	shalt  }
0x4a: {  	_ =	shalt  }
0x4b: {  	_ =	shalt  }
0x4c: {  	_ =	shalt  }
0x4d: {  	_ =	shalt  }
0x4e: {  	_ =	shalt  }
0x4f: {  	_ =	shalt  }
0x50: {  	_ =	shalt  }
0x51: {  	_ =	shalt  }
0x52: {  	_ =	shalt  }
0x53: {  	_ =	shalt  }
0x54: {  	_ =	shalt  }
0x55: {  	_ =	shalt  }
0x56: {  	_ =	shalt  }
0x57: {  	_ =	shalt  }
0x58: {  	_ =	shalt  }
0x59: {  	_ =	shalt  }
0x5a: {  	_ =	shalt  }
0x5b: {  	_ =	shalt  }
0x5c: {  	_ =	shalt  }
0x5d: {  	_ =	shalt  }
0x5e: {  	_ =	shalt  }
0x5f: {  	_ =	shalt  }
0x60: {  	_ =	shalt  }
0x61: {  	_ =	shalt  }
0x62: {  	_ =	shalt  }
0x63: {  	_ =	shalt  }
0x64: {  	_ =	shalt  }
0x65: {  	_ =	shalt  }
0x66: {  	_ =	shalt  }
0x67: {  	_ =	shalt  }
0x68: {  	_ =	shalt  }
0x69: {  	_ =	shalt  }
0x6a: {  	_ =	shalt  }
0x6b: {  	_ =	shalt  }
0x6c: {  	_ =	shalt  }
0x6d: {  	_ =	shalt  }
0x6e: {  	_ =	shalt  }
0x6f: {  	_ =	shalt  }
0x70: {  	_ =	shalt  }
0x71: {  	_ =	shalt  }
0x72: {  	_ =	shalt  }
0x73: {  	_ =	shalt  }
0x74: {  	_ =	shalt  }
0x75: {  	_ =	shalt  }
0x76: {  	_ =	shalt  }
0x77: {  	_ =	shalt  }
0x78: {  	_ =	shalt  }
0x79: {  	_ =	shalt  }
0x7a: {  	_ =	shalt  }
0x7b: {  	_ =	shalt  }
0x7c: {  	_ =	shalt  }
0x7d: {  	_ =	shalt  }
0x7e: {  	_ =	shalt  }
0x7f: {  	_ =	shalt  }
0x80: {  	_ =	shalt  }
0x81: {  	_ =	shalt  }
0x82: {  	_ =	shalt  }
0x83: {  	_ =	shalt  }
0x84: {  	_ =	shalt  }
0x85: {  	_ =	shalt  }
0x86: {  	_ =	shalt  }
0x87: {  	_ =	shalt  }
.Lfunc_end0:
.L_simem_size_0:
called_computation.2_lowered:
.L_overlay_start_0:
0x88: {  	s2 =	sld [smem:$0x3FD9]  }
0x89: {  	s3 =	sld [smem:$0x3FFE];
	_ =	sdelay $0x1  }
0x8a: {  	s1 =	srdreg.scid  }
0x8b: {  	s0 =	sand.u32 $0x1, s1  }
0x8c: {  	s17 =	sshll.u32 s0, $0xA;
	s2 =	sadd.s32 s3, s2  }
0x8d: {  	s2 =	sadd.s32 s2, s17  }
0x8e: {  	[smem:$0x3FBA] =	sst s2  }
0x8f: {  	_ = 	snop  }
0x90: {  	s2 =	sld [smem:$0x3FD0];
	(tm) =	ssettm $0x1  }
0x91: {  	s18 =	sld [smem:$0x3FFB];
	_ =	sdelay $0x3  }
0x92: {  	_ =	strace s18  }
0x93: {  	s3 =	sld [smem:$0x3FFC];
	_ =	sdelay $0x3  }
0x94: {  	_ =	strace s3  }
0x95: {  	s3 =	sld [smem:$0x3FFD];
	_ =	sdelay $0x3  }
0x96: {  	_ =	strace s3  }
0x97: {  	_ =	strace $0x8FFFFFFF  }
0x98: {  	s19 =	sld [smem:$0x3FDB];
	_ =	sdelay $0x1  }
0x99: {  	s4 =	simm.s32 $_scs_section_size  }
0x9a: {  	s5 =	simm.s32 $_size__tile_overlayer_lowered;
	s6 =	simm.s32 $_tile_overlayer_lowered  }
0x9b: {  	s22 =	simm.s32 $0x1BFF;
	s21 =	sshll.u32 s6, $0x1;
	s3 =	sadd.s32 s4, s19  }
0x9c: {  	s7 =	simm.s32 $0x0;
	s20 =	sshll.u32 s5, $0x1;
	s5 =	sadd.s32 s21, s3  }
0x9d: {  	[timem:s7], [sflag:s22] =	dma.local [hbm:s5], s20  }
0x9e: {  	_ =	swait.ge [sflag:s22], s20  }
0x9f: {  	s4 =	ssub.s32 $0x0, s20;
	[sflag:s22] =	ssyncset.done $0x0  }
0xa0: {  	[sflag:s22] =	ssyncadd.s32 s4;
	_ =	sdelay $0x1  }
0xa1: {  	s23 =	simm.s32 $0x1B8B  }
0xa2: {  	_ =	swait.ge [sflag:s23], $0x1  }
0xa3: {  	[sflag:s23] =	ssyncset.done $0x0  }
0xa4: {  	s25 =	simm.s32 $0x1B8E;
	s24 =	sld [smem:$0x3FFE];
	[sflag:s23] =	ssyncadd.s32 $0xFFFFFFFF  }
0xa5: {  	s26 =	simm.s32 $execute0_lowered;
	[smem:$0x3FD2] =	sst s25  }
0xa6: {  	s5 =	sshll.u32 s26, $0x1;
	_ =	strace $0x8000004C;
	[dreg:$0x1] =	wrdreg $0xFFFFFFFF  }
0xa7: {  	s28 =	simm.s32 $_size_execute0_lowered;
	s3 =	sadd.s32 s3, s5;
	[dreg:$0x0] =	wrdreg $0x0  }
0xa8: {  	s5 =	sshll.u32 s28, $0x1;
	[dreg:$0x2] =	wrdreg s3  }
0xa9: {  	[dreg:$0x3] =	wrdreg s5  }
0xaa: {  	[dreg:$0x4] =	wrdreg $0xC0  }
0xab: {  	_ =	task [dreg:s7], $0x5FFFF  }
0xac: {  	[dreg:$0x1] =	wrdreg $0xFFFFFFFF  }
0xad: {  	[dreg:$0x0] =	wrdreg $0x60  }
0xae: {  	[dreg:$0x2] =	wrdreg s2  }
0xaf: {  	[dreg:$0x3] =	wrdreg s24  }
0xb0: {  	[dreg:$0x4] =	wrdreg $0x83000  }
0xb1: {  	[dreg:$0x5] =	wrdreg $0x9  }
0xb2: {  	_ =	task.clear_ibuf [dreg:s7], $0x6FFFF;
	_ =	strace $0x9000004C  }
0xb3: {  	s29 =	simm.s32 $0x9;
	_ =	strace $0x8000004E  }
0xb4: {  	_ =	swait.ge [sflag:s29], $0x1  }
0xb5: {  	[sflag:s29] =	ssyncadd.s32 $0xFFFFFFFF  }
0xb6: {  	_ =	strace $0x9000004E  }
0xb7: {  	_ =	sfence  }
0xb8: {  	s30 =	sld [smem:$0x0];
	_ =	sdelay $0x2  }
0xb9: {  	s31 =	sshll.u32 s1, $0xD;
	s1 =	sshrl.u32 s1, $0x2  }
0xba: {  	s3 =	sand.u32 $0x4000, s31;
	s1 =	sadd.s32 s1, s30  }
0xbb: {  	s0 =	sor.u32 s3, s0;
	s1 =	sshll.u32 s1, $0x11  }
0xbc: {  	s0 =	sor.u32 s1, s0  }
0xbd: {  	s0 =	sadd.s32 $0x8F2B, s0  }
0xbe: {  	[sflag:s0] =	ssyncadd.remote.s32 $0x1  }
0xbf: {  	_ =	sfence.sel $0xFFFF  }
0xc0: {  	[dreg:$0x0] =	wrdreg $0xFFFFFFFF;
	(pc) =	sbr.abs _section_cstart, $3  }
0xc1: {  	[dreg:$0x1] =	wrdreg $0xFFFFFFFF  }
0xc2: {  	_ =	task.clear_ibuf [dreg:s7], $0x2FFFF;
	_ =	strace $0x9FFFFFFF  }
0xc3: {  	(tm) =	ssettm $0x7FFFFFFF  }
tec
execute0_lowered:
.L_overlay_start_1:
0x0: {  	(tag) =	ssettag $0x1  }
0x1: {  	s1 =	rddreg [dreg:$0x0]  }
0x2: {  	s0 =	rddreg [dreg:$0x1]  }
0x3: {  	s3 =	rddreg [dreg:$0x2]  }
0x4: {  	s4 =	simm.s32 $0x0;
	s14 =	stileid.u32;
	s7 =	srdreg.scid  }
0x5: {  	s28 =	simm.s32 $0x280;
	s29 =	simm.s32 $0x1;
	s30 =	simm.s32 $0x5  }
0x6: {  	s31 =	simm.s32 $0x4300;
	[smem:$0x7FF] =	sst s4;
	s2 =	smul.u32 $0x14000, s14  }
0x7: {  	s5 =	sadd.s32 $0x15200, s0;
	s6 =	sadd.s32 $0x1F200, s0;
	s9 =	sand.u32 $0x1, s7  }
0x8: {  	s7 =	sadd.s32 $0xB200, s0;
	s12 =	sshll.u32 s14, $0x1;
	s19 =	smul.u32 $0x50000, s14  }
0x9: {  	s11 =	smul.u32 $0x140000, s9;
	s26 =	ssub.s32 $0x2, s9;
	s9 =	sor.u32 s9, s12  }
0xa: {  	s8 =	sadd.s32 $0x9200, s0;
	_ =	strace $0x8000004D;
	s13 =	smul.u32 $0x500, s9  }
0xb: {  	s10 =	sshrl.u32 s2, $0x3;
	s15 =	sshrl.u32 s26, $0x1;
	s9 =	smul.u32 $0x50, s9  }
0xc: {  	s10 =	sadd.s32 s10, s0;
	s2 =	sadd.s32 s2, s11;
	s16 =	ssub.s32 s26, s15  }
0xd: {  	s11 =	sshrl.u32 s19, $0x2;
	s2 =	sshrl.u32 s2, $0x3;
	s20 =	sadd.s32 s5, s13  }
0xe: {  	s21 =	sadd.s32 s6, s13;
	s22 =	sadd.s32 s7, s13;
	[dreg:$0x4] =	wrdreg s20  }
0xf: {  	s23 =	sor.u32 $0x10, s13;
	s11 =	sadd.s32 s11, s3;
	[dreg:$0x5] =	wrdreg s21  }
0x10: {  	s10 =	sadd.s32 $0x29200, s10;
	s17 =	sor.u32 $0x2, s9;
	[dreg:$0x6] =	wrdreg s22  }
0x11: {  	s18 =	sor.u32 $0x3, s9;
	s0 =	sadd.s32 s2, s0;
	[dreg:$0x7] =	wrdreg s11  }
0x12: {  	[dreg:$0x8] =	wrdreg s10;
	s24 =	sadd.s32 s5, s23;
	s25 =	sadd.s32 s6, s23  }
.Ltmp0:
0x13: {  	s26 =	sadd.s32 s7, s23;
	s20 =	smax.u32 s16, $0x1;
	(pc) =	sbr.rel .LBB2_1-.Ltmp0, $4  }
0x14: {  	s21 =	simm.s32 $0x6;
	s22 =	simm.s32 $0x100;
	[dreg:$0x9] =	wrdreg s24  }
0x15: {  	s23 =	simm.s32 $0x200;
	s2 =	simm.s32 $0x0;
	[dreg:$0xa] =	wrdreg s25  }
0x16: {  	[dreg:$0xb] =	wrdreg s26;
	s19 =	sadd.s32 $0x51200, s0;
	s24 =	simm.s32 $0x80  }
0x17: {  	s25 =	simm.s32 $0x300;
	s26 =	simm.s32 $0x180;
	s0 =	simm.s32 $0x3  }
.LBB2_8:
0x18: {  	s2 =	sadd.s32 $0x1, s2  }
0x19: {  	p0 =	sne.s32 s2, s20  }
.Ltmp1:
0x1a: {  	[bflag:$0x0] =	sbarrier.arrive $0xFFFF;
	(pc) =	sbr.rel @!p0 .LBB2_9-.Ltmp1, $4  }
0x1b: {  	[hbm:s19], [sflag:s9] =	dma.local [spmem:s10], $0x2800  }
0x1c: {  	_ =	swait.ge [sflag:s21], $0x2800  }
0x1d: {  	[sflag:s21] =	ssyncset.done $0x0  }
0x1e: {  	[sflag:s21] =	ssyncadd.s32 $0xFFFFD800  }
.LBB2_1:
0x1f: {  	s9 =	rddreg [dreg:$0x4]  }
0x20: {  	[tilespmem:s4], [sflag:$0x6] =	stream.linear.gather [hbm4b:s9+s4], $0x80, $0x38;
	[tilespmem:$0x1C300] =	vst v63  }
0x21: {  	_ =	swait.ge [sflag:s21], $0x80  }
0x22: {  	[sflag:s21] =	ssyncset.done $0x0  }
0x23: {  	s11 =	rddreg [dreg:$0x5];
	[sflag:s21] =	ssyncadd.s32 $0xFFFFFF80  }
0x24: {  	[tilespmem:s22], [sflag:$0x6] =	stream.linear.gather [hbm4b:s11+s4], $0x80, $0x38;
	[tilespmem:$0x1C300] =	vst v63  }
0x25: {  	_ =	swait.ge [sflag:s21], $0x80  }
0x26: {  	[sflag:s21] =	ssyncset.done $0x0  }
0x27: {  	s13 =	stileid.u32;
	s12 =	rddreg [dreg:$0x6];
	[sflag:s21] =	ssyncadd.s32 $0xFFFFFF80  }
0x28: {  	[tilespmem:s23], [sflag:$0x6] =	stream.linear.gather [hbm4b:s12+s4], $0x80, $0x38;
	[tilespmem:$0x1C300] =	vst v63  }
0x29: {  	s9 =	sshll.u32 s13, $0x6;
	_ =	swait.ge [sflag:s21], $0x80  }
0x2a: {  	s9 =	sor.u32 $0x1C06, s9;
	[sflag:s21] =	ssyncset.done $0x0;
	s10 =	rddreg [dreg:$0x7]  }
0x2b: {  	s11 =	rddreg [dreg:$0x8];
	[sflag:s21] =	ssyncadd.s32 $0xFFFFFF80;
	s10 =	sshrl.u32 s10, $0x3  }
0x2c: {  	[spmem:s10], [sflag:s9] =	dma.local [hbm:s11], $0x2800  }
0x2d: {  	_ =	swait.ge [sflag:s21], $0x2800  }
0x2e: {  	[sflag:s21] =	ssyncset.done $0x0  }
0x2f: {  	[sflag:s21] =	ssyncadd.s32 $0xFFFFD800  }
0x30: {  	[bflag:$0x0] =	sbarrier.arrive $0xFFFF  }
0x31: {  	[tilespmem:s25], [sflag:$0x1] =	stream.indirect.gather [hbm4b:s1+s24], $0x80, s4, s24, $0xb8;
	[tilespmem:$0x1C300] =	vst v63  }
0x32: {  	s14 =	rddreg [dreg:$0x9]  }
0x33: {  	[tilespmem:s24], [sflag:$0x5] =	stream.linear.gather [hbm4b:s14+s4], $0x80, $0x38;
	[tilespmem:$0x1C300] =	vst v63  }
0x34: {  	s15 =	rddreg [dreg:$0xa]  }
0x35: {  	[tilespmem:s26], [sflag:$0x5] =	stream.linear.gather [hbm4b:s15+s4], $0x80, $0x38;
	[tilespmem:$0x1C300] =	vst v63  }
0x36: {  	s11 =	simm.s32 $0x0;
	s16 =	rddreg [dreg:$0xb]  }
0x37: {  	[tilespmem:s28], [sflag:$0x5] =	stream.linear.gather [hbm4b:s16+s4], $0x80, $0x38;
	[tilespmem:$0x1C300] =	vst v63  }
.LBB2_2:
0x38: {  	_ =	swait.ge [sflag:s29], $0x4000  }
0x39: {  	[sflag:s29] =	ssyncset.done $0x0  }
0x3a: {  	[sflag:s29] =	ssyncadd.s32 $0xFFFFC000  }
0x3b: {  	[tilespmem:s25], [sflag:$0x3] =	stream.indirect.gather.add.f32 [hbm:s8], $0x80, s23, s24, $0xb8;
	[tilespmem:$0x1C300] =	vst v63  }
0x3c: {  	_ =	swait.ge [sflag:s30], $0x80  }
0x3d: {  	[sflag:s30] =	ssyncset.done $0x0  }
0x3e: {  	[sflag:s30] =	ssyncadd.s32 $0xFFFFFF80  }
0x3f: {  	_ =	swait.ge [sflag:s30], $0x80  }
0x40: {  	[sflag:s30] =	ssyncset.done $0x0  }
0x41: {  	[sflag:s30] =	ssyncadd.s32 $0xFFFFFF80  }
0x42: {  	_ =	swait.ge [sflag:s30], $0x80  }
0x43: {  	[sflag:s30] =	ssyncset.done $0x0  }
0x44: {  	[sflag:s30] =	ssyncadd.s32 $0xFFFFFF80  }
0x45: {  	[tilespmem:s31], [sflag:$0x2] =	stream.indirect.gather [hbm4b:s1+s24], $0x80, s24, s24, $0xb8;
	[tilespmem:$0x1C300] =	vst v63  }
0x46: {  	_ =	swait.ge [sflag:s0], $0x4000  }
0x47: {  	[sflag:s0] =	ssyncset.done $0x0  }
0x48: {  	s12 =	simm.s32 $0x0;
	[sflag:s0] =	ssyncadd.s32 $0xFFFFC000  }
0x49: {  	v2 =	vld [tilespmem:s12+$0x300]  }
0x4a: {  	v4 =	vld [tilespmem:s12+$0x310]  }
0x4b: {  	v3 =	vld [tilespmem:s12+$0x320]  }
0x4c: {  	v1 =	vld [tilespmem:s12+$0x330]  }
0x4d: {  	v0 =	vld [tilespmem:s12+$0x340]  }
0x4e: {  	v5 =	vmax.f32 v2, $0.0e+00;
	v2 =	vld [tilespmem:s12+$0x350]  }
0x4f: {  	s13 =	simm.s32 $0x200;
	[tilespmem:s12+$0x300] =	vst v5;
	v5 =	vmax.f32 v4, $0.0e+00;
	v4 =	vld [tilespmem:s12+$0x360]  }
.LBB2_3:
0x50: {  	s14 =	sshra.s32 s13, $0x2;
	p0 =	sne.s32 s13, $0xFE00;
	[tilespmem:s12+$0x310] =	vst v5;
	v3 =	vmax.f32 v3, $0.0e+00;
	v5 =	vld [tilespmem:s12+$0x370]  }
0x51: {  	v6 =	vld [tilespmem:s14+$0x300];
	[tilespmem:s12+$0x320] =	vst v3;
	v1 =	vmax.f32 v1, $0.0e+00  }
0x52: {  	v7 =	vld [tilespmem:s14+$0x310];
	[tilespmem:s12+$0x330] =	vst v1;
	v0 =	vmax.f32 v0, $0.0e+00  }
.Ltmp2:
0x53: {  	v3 =	vld [tilespmem:s14+$0x320];
	[tilespmem:s12+$0x340] =	vst v0;
	v0 =	vmax.f32 v2, $0.0e+00;
	(pc) =	sbr.rel @p0 .LBB2_3-.Ltmp2, $4  }
0x54: {  	v1 =	vld [tilespmem:s14+$0x330];
	[tilespmem:s12+$0x350] =	vst v0;
	v2 =	vmax.f32 v4, $0.0e+00  }
0x55: {  	v0 =	vld [tilespmem:s14+$0x340];
	[tilespmem:s12+$0x360] =	vst v2;
	v4 =	vmax.f32 v5, $0.0e+00  }
0x56: {  	v5 =	vmax.f32 v6, $0.0e+00;
	v2 =	vld [tilespmem:s14+$0x350];
	[tilespmem:s12+$0x370] =	vst v4;
	s12 =	smov.u32 s14  }
0x57: {  	s13 =	sadd.s32 $0x200, s13;
	[tilespmem:s12+$0x300] =	vst v5;
	v5 =	vmax.f32 v7, $0.0e+00;
	v4 =	vld [tilespmem:s12+$0x360]  }
0x58: {  	[tilespmem:s12+$0x310] =	vst v5;
	v3 =	vmax.f32 v3, $0.0e+00;
	v5 =	vld [tilespmem:s12+$0x370]  }
0x59: {  	[tilespmem:s12+$0x320] =	vst v3;
	v1 =	vmax.f32 v1, $0.0e+00  }
0x5a: {  	[tilespmem:s12+$0x330] =	vst v1;
	v0 =	vmax.f32 v0, $0.0e+00  }
0x5b: {  	[tilespmem:s12+$0x340] =	vst v0;
	v0 =	vmax.f32 v2, $0.0e+00  }
0x5c: {  	[tilespmem:s12+$0x350] =	vst v0;
	v0 =	vmax.f32 v4, $0.0e+00  }
0x5d: {  	[tilespmem:s12+$0x360] =	vst v0;
	v0 =	vmax.f32 v5, $0.0e+00  }
0x5e: {  	[tilespmem:s12+$0x370] =	vst v0  }
0x5f: {  	[spmem:s3] =	stream.indirect.scatter.add.f32 [tilespmem:s25], [sflag:$0x6], $0x80, s22, s24, $0xb8;
	[tilespmem:$0x1C300] =	vst v63  }
0x60: {  	_ =	swait.ge [sflag:s21], $0x4000  }
0x61: {  	p0 =	seq.s32 s11, $0x27;
	[sflag:s21] =	ssyncset.done $0x0  }
0x62: {  	s13 =	simm.s32 @p0 $0x2;
	[sflag:s21] =	ssyncadd.s32 $0xFFFFC000  }
0x63: {  	_ =	swait.ge @p0 [sflag:s13], $0x4000  }
0x64: {  	s14 =	simm.s32 @p0 $0x280;
	s15 =	simm.s32 @p0 $0x4300;
	[sflag:s13] =	ssyncset.done @p0 $0x0  }
0x65: {  	s12 =	sshll.u32 s11, $0x1;
	[sflag:s13] =	ssyncadd.s32 @p0 $0xFFFFC000;
	s13 =	simm.s32 @p0 $0x80  }
0x66: {  	[tilespmem:s15], [sflag:$0x3] =	stream.indirect.gather.add.f32 @p0 [hbm:s8], $0x80, s14, s13, $0xb8;
	[tilespmem:$0x1C300] =	vst v63  }
0x67: {  	s13 =	sadd.s32 @!p0 s12, s17  }
0x68: {  	s13 =	sshll.u32 @!p0 s13, $0x4  }
0x69: {  	s13 =	sand.u32 @!p0 $0x1FFFFFE0, s13  }
0x6a: {  	s15 =	simm.s32 @!p0 $0x0;
	s14 =	sadd.s32 @!p0 s5, s13  }
0x6b: {  	[tilespmem:s15], [sflag:$0x4] =	stream.linear.gather @!p0 [hbm4b:s14+s15], $0x80, $0x38;
	[tilespmem:$0x1C300] =	vst v63  }
0x6c: {  	s16 =	simm.s32 @!p0 $0x100;
	s14 =	sadd.s32 @!p0 s6, s13  }
0x6d: {  	[tilespmem:s16], [sflag:$0x4] =	stream.linear.gather @!p0 [hbm4b:s14+s15], $0x80, $0x38;
	[tilespmem:$0x1C300] =	vst v63  }
0x6e: {  	s13 =	sadd.s32 @!p0 s7, s13;
	s14 =	simm.s32 @!p0 $0x200  }
0x6f: {  	[tilespmem:s14], [sflag:$0x4] =	stream.linear.gather @!p0 [hbm4b:s13+s15], $0x80, $0x38;
	[tilespmem:$0x1C300] =	vst v63  }
0x70: {  	s13 =	simm.s32 @!p0 $0x2  }
0x71: {  	_ =	swait.ge @!p0 [sflag:s13], $0x4000  }
0x72: {  	s16 =	simm.s32 @!p0 $0x4300;
	[sflag:s13] =	ssyncset.done @!p0 $0x0  }
0x73: {  	s14 =	simm.s32 @!p0 $0x280;
	[sflag:s13] =	ssyncadd.s32 @!p0 $0xFFFFC000;
	s13 =	simm.s32 @!p0 $0x80  }
0x74: {  	[tilespmem:s16], [sflag:$0x3] =	stream.indirect.gather.add.f32 @!p0 [hbm:s8], $0x80, s14, s13, $0xb8;
	[tilespmem:$0x1C300] =	vst v63  }
0x75: {  	s14 =	simm.s32 @!p0 $0x4  }
0x76: {  	_ =	swait.ge @!p0 [sflag:s14], $0x80  }
0x77: {  	[sflag:s14] =	ssyncset.done @!p0 $0x0  }
0x78: {  	[sflag:s14] =	ssyncadd.s32 @!p0 $0xFFFFFF80  }
0x79: {  	_ =	swait.ge @!p0 [sflag:s14], $0x80  }
0x7a: {  	[sflag:s14] =	ssyncset.done @!p0 $0x0  }
0x7b: {  	[sflag:s14] =	ssyncadd.s32 @!p0 $0xFFFFFF80  }
0x7c: {  	_ =	swait.ge @!p0 [sflag:s14], $0x80  }
0x7d: {  	[sflag:s14] =	ssyncset.done @!p0 $0x0  }
0x7e: {  	[sflag:s14] =	ssyncadd.s32 @!p0 $0xFFFFFF80;
	s14 =	simm.s32 @!p0 $0x300  }
0x7f: {  	[tilespmem:s14], [sflag:$0x1] =	stream.indirect.gather @!p0 [hbm4b:s1+s13], $0x80, s15, s13, $0xb8;
	[tilespmem:$0x1C300] =	vst v63  }
0x80: {  	_ =	swait.ge [sflag:s0], $0x4000  }
0x81: {  	[sflag:s0] =	ssyncset.done $0x0  }
0x82: {  	s13 =	simm.s32 $0x0;
	[sflag:s0] =	ssyncadd.s32 $0xFFFFC000  }
0x83: {  	v2 =	vld [tilespmem:s13+$0x4300]  }
0x84: {  	v4 =	vld [tilespmem:s13+$0x4310]  }
0x85: {  	v3 =	vld [tilespmem:s13+$0x4320]  }
0x86: {  	v1 =	vld [tilespmem:s13+$0x4330]  }
0x87: {  	v0 =	vld [tilespmem:s13+$0x4340]  }
0x88: {  	v5 =	vmax.f32 v2, $0.0e+00;
	v2 =	vld [tilespmem:s13+$0x4350]  }
0x89: {  	s14 =	simm.s32 $0x200;
	[tilespmem:s13+$0x4300] =	vst v5;
	v5 =	vmax.f32 v4, $0.0e+00;
	v4 =	vld [tilespmem:s13+$0x4360]  }
.LBB2_5:
0x8a: {  	s15 =	sshra.s32 s14, $0x2;
	p1 =	sne.s32 s14, $0xFE00;
	[tilespmem:s13+$0x4310] =	vst v5;
	v3 =	vmax.f32 v3, $0.0e+00;
	v5 =	vld [tilespmem:s13+$0x4370]  }
0x8b: {  	v6 =	vld [tilespmem:s15+$0x4300];
	[tilespmem:s13+$0x4320] =	vst v3;
	v1 =	vmax.f32 v1, $0.0e+00  }
0x8c: {  	v7 =	vld [tilespmem:s15+$0x4310];
	[tilespmem:s13+$0x4330] =	vst v1;
	v0 =	vmax.f32 v0, $0.0e+00  }
.Ltmp3:
0x8d: {  	v3 =	vld [tilespmem:s15+$0x4320];
	[tilespmem:s13+$0x4340] =	vst v0;
	v0 =	vmax.f32 v2, $0.0e+00;
	(pc) =	sbr.rel @p1 .LBB2_5-.Ltmp3, $4  }
0x8e: {  	v1 =	vld [tilespmem:s15+$0x4330];
	[tilespmem:s13+$0x4350] =	vst v0;
	v2 =	vmax.f32 v4, $0.0e+00  }
0x8f: {  	v0 =	vld [tilespmem:s15+$0x4340];
	[tilespmem:s13+$0x4360] =	vst v2;
	v4 =	vmax.f32 v5, $0.0e+00  }
0x90: {  	v5 =	vmax.f32 v6, $0.0e+00;
	v2 =	vld [tilespmem:s15+$0x4350];
	[tilespmem:s13+$0x4370] =	vst v4;
	s13 =	smov.u32 s15  }
0x91: {  	s14 =	sadd.s32 $0x200, s14;
	[tilespmem:s13+$0x4300] =	vst v5;
	v5 =	vmax.f32 v7, $0.0e+00;
	v4 =	vld [tilespmem:s13+$0x4360]  }
0x92: {  	[tilespmem:s13+$0x4310] =	vst v5;
	v3 =	vmax.f32 v3, $0.0e+00;
	v60 =	vld [tilespmem:s13+$0x4370]  }
0x93: {  	[tilespmem:s13+$0x4320] =	vst v3;
	v1 =	vmax.f32 v1, $0.0e+00  }
0x94: {  	[tilespmem:s13+$0x4330] =	vst v1;
	v0 =	vmax.f32 v0, $0.0e+00  }
0x95: {  	[tilespmem:s13+$0x4340] =	vst v0;
	v61 =	vmax.f32 v2, $0.0e+00  }
0x96: {  	[tilespmem:s13+$0x4350] =	vst v61;
	v62 =	vmax.f32 v4, $0.0e+00  }
0x97: {  	[tilespmem:s13+$0x4360] =	vst v62;
	v63 =	vmax.f32 v60, $0.0e+00  }
.Ltmp4:
0x98: {  	[tilespmem:s13+$0x4370] =	vst v63;
	(pc) =	sbr.rel @p0 .LBB2_8-.Ltmp4, $4  }
0x99: {  	[spmem:s3] =	stream.indirect.scatter.add.f32 [tilespmem:s31], [sflag:$0x6], $0x80, s26, s24, $0xb8;
	[tilespmem:$0x1C300] =	vst v63  }
0x9a: {  	_ =	swait.ge [sflag:s21], $0x4000  }
0x9b: {  	[sflag:s21] =	ssyncset.done $0x0  }
0x9c: {  	[sflag:s21] =	ssyncadd.s32 $0xFFFFC000  }
0x9d: {  	s12 =	sadd.s32 s12, s18  }
0x9e: {  	s12 =	sshll.u32 s12, $0x4  }
0x9f: {  	s12 =	sand.u32 $0x1FFFFFF0, s12  }
0xa0: {  	s13 =	sadd.s32 s5, s12  }
0xa1: {  	[tilespmem:s24], [sflag:$0x5] =	stream.linear.gather [hbm4b:s13+s4], $0x80, $0x38;
	[tilespmem:$0x1C300] =	vst v63  }
.Ltmp5:
0xa2: {  	_ = 	snop;
	(pc) =	sbr.rel .LBB2_2-.Ltmp5, $4  }
0xa3: {  	s16 =	sadd.s32 s6, s12  }
0xa4: {  	[tilespmem:s26], [sflag:$0x5] =	stream.linear.gather [hbm4b:s16+s4], $0x80, $0x38;
	[tilespmem:$0x1C300] =	vst v63  }
0xa5: {  	s11 =	sadd.s32 $0x1, s11;
	s12 =	sadd.s32 s7, s12  }
0xa6: {  	[tilespmem:s28], [sflag:$0x5] =	stream.linear.gather [hbm4b:s12+s4], $0x80, $0x38;
	[tilespmem:$0x1C300] =	vst v63  }
.LBB2_9:
0xa7: {  	_ =	sfence.sel $0x180000  }
0xa8: {  	[bflag:$0x0] =	sbarrier.arrive $0xFFFF  }
0xa9: {  	_ =	strace $0x9000004D  }
0xaa: {  	s0 =	stileid.u32;
	[bflag:$0x2] =	sbarrier.arrive $0xFFFF  }
0xab: {  	p0 =	sne.s32 s0, $0x0;
	s0 =	rddreg [dreg:$0x3]  }
0xac: {  	s0 =	sadd.s32 @!p0 $0x100000, s0  }
0xad: {  	[sflag:s0] =	ssyncadd.tile.s32 @!p0 $0x1;
	_ =	shalt  }
.Lfunc_end2:
_tile_overlayer_lowered:
.L_overlay_start_2:
0xae: {  	(tag) =	ssettag $0x2  }
0xaf: {  	s0 =	rddreg [dreg:$0x0];
	s2 =	stileid.u32  }
0xb0: {  	s1 =	rddreg [dreg:$0x1];
	p0 =	sne.s32 s2, $0x0  }
0xb1: {  	s3 =	rddreg [dreg:$0x2];
	[bflag:$0x3] =	sbarrier.arrive $0xFFFF;
	s2 =	simm.s32 @!p0 $0x1C06  }
0xb2: {  	[timem:s3], [sflag:s2] =	dma.local @!p0 [hbm:s0], s1  }
0xb3: {  	s0 =	simm.s32 @!p0 $0x6  }
0xb4: {  	_ =	swait.ge @!p0 [sflag:s0], s1  }
0xb5: {  	s1 =	ssub.s32 @!p0 $0x0, s1;
	[sflag:s0] =	ssyncset.done @!p0 $0x0  }
0xb6: {  	[sflag:s0] =	ssyncadd.s32 @!p0 s1  }
0xb7: {  	[bflag:$0x3] =	sbarrier.arrive $0xFFFF  }
0xb8: {  	_ =	shalt  }

// kernel: kernel.9.cloned.1.call-start
scs
__scs_entry_jumppad:
0x0: {  	(pc) =	sbr.rel $0x88, $3  }
0x1: {  	(tag) =	ssettag $0x0;
	lr =	simm.s32 $0x1  }
0x2: {  	[smem:$0x3F93] =	sst lr;
	_ =	strace $0xD0000000  }
0x3: {  	_ = 	snop  }
0x4: {  	_ = 	snop  }
0x5: {  	_ = 	snop  }
0x6: {  	_ = 	snop  }
0x7: {  	_ = 	snop  }
__scs_overlays_trampoline_lowered:
0x8: {  	[smem:$0x3FA2] =	sst s0  }
0x9: {  	[smem:$0x3FA3] =	sst s1  }
0xa: {  	[smem:$0x3FA4] =	sst s2  }
0xb: {  	[smem:$0x3FA5] =	sst s3  }
0xc: {  	[smem:$0x3FA6] =	sst s4  }
0xd: {  	[smem:$0x3FA7] =	sst s5  }
0xe: {  	[smem:$0x3FA8] =	sst s6  }
0xf: {  	[smem:$0x3FA9] =	sst s7  }
0x10: {  	[smem:$0x3FAA] =	sst s8  }
0x11: {  	[smem:$0x3FAB] =	sst s9;
	s0 =	simm.s32 @!p0 $0x0  }
0x12: {  	s1 =	sld [smem:$0x3F91];
	s0 =	simm.s32 @p0 $0x1  }
0x13: {  	[smem:$0x3FAC] =	sst s0;
	s0 =	simm.s32 @!p1 $0x0  }
0x14: {  	s2 =	sld [smem:$0x3F90];
	s0 =	simm.s32 @p1 $0x1  }
0x15: {  	[smem:$0x3FAD] =	sst s0;
	s0 =	simm.s32 @!p2 $0x0  }
0x16: {  	s3 =	sld [smem:$0x3FDB];
	s0 =	simm.s32 @p2 $0x1  }
0x17: {  	s4 =	simm.s32 $0x1BF5;
	[smem:$0x3FAF] =	sst s0  }
0x18: {  	s0 =	sld [smem:$0x3F92];
	_ =	swait.ge [sflag:s4], $0x0  }
0x19: {  	s7 =	sld [smem:$0x3F93]  }
0x1a: {  	s8 =	sadd.s32 $0xFFFFE003, lr  }
0x1b: {  	s9 =	sadd.s32 $0xFFFFFEF7, lr;
	s5 =	simm.s32 $0xFFFFFFFF;
	p2 =	slt.u32 s8, $0xFFFFF086  }
0x1c: {  	p1 =	slt.u32 s9, $0xF7A;
	s5 =	simm.s32 @!p2 $0x0  }
0x1d: {  	s5 =	simm.s32 @p1 $0x1;
	p0 =	seq.s32 s7, s2  }
0x1e: {  	s7 =	smul.u32 @!p0 $0xF7A, s2;
	p2 =	seq.s32 @!p0 s5, $0x0  }
0x1f: {  	s9 =	smul.u32 $0xF7A, s1;
	s8 =	simm.s32 @!p0 $0x1BF5;
	p2 =	por !p2, p0  }
0x20: {  	[sflag:s8] =	ssyncset.s32 @!p0 $0xFFFFF086;
	s6 =	sadd.s32 @!p0 s3, s7;
	s7 =	simm.s32 @!p0 $0x108  }
0x21: {  	s3 =	sadd.s32 s3, s9;
	s6 =	sadd.s32 @!p0 $0x88, s6;
	s7 =	simm.s32 @p2 $0x1082  }
0x22: {  	[simem:s7], [sflag:s8] =	dma.local @!p0 [hbm:s6], $0xF7A  }
0x23: {  	s9 =	sor.u32 $0xD0000000, s2;
	s6 =	simm.s32 $0x108;
	_ =	swait.ge @!p0 [sflag:s8], $0x0  }
0x24: {  	s3 =	sadd.s32 $0x88, s3;
	s6 =	simm.s32 @!p1 $0x1082;
	[sflag:s4] =	ssyncset.s32 $0xFFFFF086  }
0x25: {  	[simem:s6], [sflag:s4] =	dma.local [hbm:s3], $0xF7A  }
0x26: {  	[smem:$0x3F93] =	sst s1;
	(tag) =	ssettag s2;
	_ =	strace s9  }
0x27: {  	s1 =	sld [smem:$0x3FA3]  }
0x28: {  	s2 =	sld [smem:$0x3FA4]  }
0x29: {  	s4 =	sld [smem:$0x3FA6]  }
0x2a: {  	p0 =	seq.s32 s5, $0x0;
	s5 =	sld [smem:$0x3FA7]  }
0x2b: {  	s6 =	sld [smem:$0x3FA8]  }
0x2c: {  	s7 =	sld [smem:$0x3FA9]  }
0x2d: {  	s3 =	simm.s32 $0x108;
	s8 =	sld [smem:$0x3FAA]  }
0x2e: {  	s3 =	simm.s32 @!p0 $0x1082;
	s9 =	sld [smem:$0x3FAB]  }
0x2f: {  	lr =	sadd.s32 s0, s3;
	s0 =	sld [smem:$0x3FA2]  }
0x30: {  	s3 =	sld [smem:$0x3FA5]  }
0x31: {  	[smem:$0x3FAE] =	sst s10  }
0x32: {  	s10 =	sld [smem:$0x3FAC];
	_ =	sdelay $0x3  }
0x33: {  	p0 =	seq.s32 s10, $0x1;
	s10 =	sld [smem:$0x3FAE];
	_ =	sdelay $0x3  }
0x34: {  	[smem:$0x3FAE] =	sst s10  }
0x35: {  	s10 =	sld [smem:$0x3FAD];
	_ =	sdelay $0x3  }
0x36: {  	p1 =	seq.s32 s10, $0x1;
	s10 =	sld [smem:$0x3FAE];
	_ =	sdelay $0x3  }
0x37: {  	[smem:$0x3FAE] =	sst s10  }
0x38: {  	s10 =	sld [smem:$0x3FAF]  }
0x39: {  	_ = 	snop;
	(pc) =	sbr.ind lr, $3  }
0x3a: {  	_ = 	snop  }
0x3b: {  	_ = 	snop  }
0x3c: {  	p2 =	seq.s32 s10, $0x1;
	s10 =	sld [smem:$0x3FAE]  }
0x3d: {  	_ =	shalt  }
0x3e: {  	_ =	shalt  }
0x3f: {  	_ =	shalt  }
0x40: {  	_ =	shalt  }
0x41: {  	_ =	shalt  }
0x42: {  	_ =	shalt  }
0x43: {  	_ =	shalt  }
0x44: {  	_ =	shalt  }
0x45: {  	_ =	shalt  }
0x46: {  	_ =	shalt  }
0x47: {  	_ =	shalt  }
0x48: {  	_ =	shalt  }
0x49: {  	_ =	shalt  }
0x4a: {  	_ =	shalt  }
0x4b: {  	_ =	shalt  }
0x4c: {  	_ =	shalt  }
0x4d: {  	_ =	shalt  }
0x4e: {  	_ =	shalt  }
0x4f: {  	_ =	shalt  }
0x50: {  	_ =	shalt  }
0x51: {  	_ =	shalt  }
0x52: {  	_ =	shalt  }
0x53: {  	_ =	shalt  }
0x54: {  	_ =	shalt  }
0x55: {  	_ =	shalt  }
0x56: {  	_ =	shalt  }
0x57: {  	_ =	shalt  }
0x58: {  	_ =	shalt  }
0x59: {  	_ =	shalt  }
0x5a: {  	_ =	shalt  }
0x5b: {  	_ =	shalt  }
0x5c: {  	_ =	shalt  }
0x5d: {  	_ =	shalt  }
0x5e: {  	_ =	shalt  }
0x5f: {  	_ =	shalt  }
0x60: {  	_ =	shalt  }
0x61: {  	_ =	shalt  }
0x62: {  	_ =	shalt  }
0x63: {  	_ =	shalt  }
0x64: {  	_ =	shalt  }
0x65: {  	_ =	shalt  }
0x66: {  	_ =	shalt  }
0x67: {  	_ =	shalt  }
0x68: {  	_ =	shalt  }
0x69: {  	_ =	shalt  }
0x6a: {  	_ =	shalt  }
0x6b: {  	_ =	shalt  }
0x6c: {  	_ =	shalt  }
0x6d: {  	_ =	shalt  }
0x6e: {  	_ =	shalt  }
0x6f: {  	_ =	shalt  }
0x70: {  	_ =	shalt  }
0x71: {  	_ =	shalt  }
0x72: {  	_ =	shalt  }
0x73: {  	_ =	shalt  }
0x74: {  	_ =	shalt  }
0x75: {  	_ =	shalt  }
0x76: {  	_ =	shalt  }
0x77: {  	_ =	shalt  }
0x78: {  	_ =	shalt  }
0x79: {  	_ =	shalt  }
0x7a: {  	_ =	shalt  }
0x7b: {  	_ =	shalt  }
0x7c: {  	_ =	shalt  }
0x7d: {  	_ =	shalt  }
0x7e: {  	_ =	shalt  }
0x7f: {  	_ =	shalt  }
0x80: {  	_ =	shalt  }
0x81: {  	_ =	shalt  }
0x82: {  	_ =	shalt  }
0x83: {  	_ =	shalt  }
0x84: {  	_ =	shalt  }
0x85: {  	_ =	shalt  }
0x86: {  	_ =	shalt  }
0x87: {  	_ =	shalt  }
.Lfunc_end0:
.L_simem_size_0:
called_computation_lowered:
.L_overlay_start_0:
0x88: {  	s2 =	sld [smem:$0x3FD9]  }
0x89: {  	s3 =	sld [smem:$0x3FFE];
	_ =	sdelay $0x1  }
0x8a: {  	s1 =	srdreg.scid  }
0x8b: {  	s0 =	sand.u32 $0x1, s1  }
0x8c: {  	s17 =	sshll.u32 s0, $0xA;
	s2 =	sadd.s32 s3, s2  }
0x8d: {  	s2 =	sadd.s32 s2, s17  }
0x8e: {  	[smem:$0x3FBA] =	sst s2  }
0x8f: {  	_ = 	snop  }
0x90: {  	s2 =	sld [smem:$0x3FD0];
	(tm) =	ssettm $0x1  }
0x91: {  	s18 =	sld [smem:$0x3FFB];
	_ =	sdelay $0x3  }
0x92: {  	_ =	strace s18  }
0x93: {  	s3 =	sld [smem:$0x3FFC];
	_ =	sdelay $0x3  }
0x94: {  	_ =	strace s3  }
0x95: {  	s3 =	sld [smem:$0x3FFD];
	_ =	sdelay $0x3  }
0x96: {  	_ =	strace s3  }
0x97: {  	_ =	strace $0x8FFFFFFF  }
0x98: {  	s19 =	sld [smem:$0x3FDB];
	_ =	sdelay $0x1  }
0x99: {  	s4 =	simm.s32 $_scs_section_size  }
0x9a: {  	s5 =	simm.s32 $_size__tile_overlayer_lowered;
	s6 =	simm.s32 $_tile_overlayer_lowered  }
0x9b: {  	s22 =	simm.s32 $0x1BFF;
	s21 =	sshll.u32 s6, $0x1;
	s3 =	sadd.s32 s4, s19  }
0x9c: {  	s7 =	simm.s32 $0x0;
	s20 =	sshll.u32 s5, $0x1;
	s5 =	sadd.s32 s21, s3  }
0x9d: {  	[timem:s7], [sflag:s22] =	dma.local [hbm:s5], s20  }
0x9e: {  	_ =	swait.ge [sflag:s22], s20  }
0x9f: {  	s4 =	ssub.s32 $0x0, s20;
	[sflag:s22] =	ssyncset.done $0x0  }
0xa0: {  	[sflag:s22] =	ssyncadd.s32 s4;
	_ =	sdelay $0x1  }
0xa1: {  	s23 =	simm.s32 $0x1B8B  }
0xa2: {  	_ =	swait.ge [sflag:s23], $0x1  }
0xa3: {  	[sflag:s23] =	ssyncset.done $0x0  }
0xa4: {  	s25 =	simm.s32 $0x1B8E;
	s24 =	sld [smem:$0x3FFE];
	[sflag:s23] =	ssyncadd.s32 $0xFFFFFFFF  }
0xa5: {  	s26 =	simm.s32 $execute0_lowered;
	[smem:$0x3FD2] =	sst s25  }
0xa6: {  	s5 =	sshll.u32 s26, $0x1;
	_ =	strace $0x80000046;
	[dreg:$0x1] =	wrdreg $0xFFFFFFFF  }
0xa7: {  	s28 =	simm.s32 $_size_execute0_lowered;
	s3 =	sadd.s32 s3, s5;
	[dreg:$0x0] =	wrdreg $0x0  }
0xa8: {  	s5 =	sshll.u32 s28, $0x1;
	[dreg:$0x2] =	wrdreg s3  }
0xa9: {  	[dreg:$0x3] =	wrdreg s5  }
0xaa: {  	[dreg:$0x4] =	wrdreg $0xC0  }
0xab: {  	_ =	task [dreg:s7], $0x5FFFF  }
0xac: {  	[dreg:$0x1] =	wrdreg $0xFFFFFFFF  }
0xad: {  	[dreg:$0x0] =	wrdreg $0x60  }
0xae: {  	[dreg:$0x2] =	wrdreg s2  }
0xaf: {  	[dreg:$0x3] =	wrdreg s24  }
0xb0: {  	[dreg:$0x4] =	wrdreg $0x83000  }
0xb1: {  	[dreg:$0x5] =	wrdreg $0x9  }
0xb2: {  	_ =	task.clear_ibuf [dreg:s7], $0x6FFFF;
	_ =	strace $0x90000046  }
0xb3: {  	s29 =	simm.s32 $0x9;
	_ =	strace $0x80000048  }
0xb4: {  	_ =	swait.ge [sflag:s29], $0x1  }
0xb5: {  	[sflag:s29] =	ssyncadd.s32 $0xFFFFFFFF  }
0xb6: {  	_ =	strace $0x90000048  }
0xb7: {  	_ =	sfence  }
0xb8: {  	s30 =	sld [smem:$0x0];
	_ =	sdelay $0x2  }
0xb9: {  	s31 =	sshll.u32 s1, $0xD;
	s1 =	sshrl.u32 s1, $0x2  }
0xba: {  	s3 =	sand.u32 $0x4000, s31;
	s1 =	sadd.s32 s1, s30  }
0xbb: {  	s0 =	sor.u32 s3, s0;
	s1 =	sshll.u32 s1, $0x11  }
0xbc: {  	s0 =	sor.u32 s1, s0  }
0xbd: {  	s0 =	sadd.s32 $0x8F2B, s0  }
0xbe: {  	[sflag:s0] =	ssyncadd.remote.s32 $0x1  }
0xbf: {  	_ =	sfence.sel $0xFFFF  }
0xc0: {  	[dreg:$0x0] =	wrdreg $0xFFFFFFFF;
	(pc) =	sbr.abs _section_cstart, $3  }
0xc1: {  	[dreg:$0x1] =	wrdreg $0xFFFFFFFF  }
0xc2: {  	_ =	task.clear_ibuf [dreg:s7], $0x2FFFF;
	_ =	strace $0x9FFFFFFF  }
0xc3: {  	(tm) =	ssettm $0x7FFFFFFF  }
tec
execute0_lowered:
.L_overlay_start_1:
0x0: {  	(tag) =	ssettag $0x1  }
0x1: {  	s1 =	rddreg [dreg:$0x0]  }
0x2: {  	s0 =	rddreg [dreg:$0x1]  }
0x3: {  	s3 =	rddreg [dreg:$0x2]  }
0x4: {  	s4 =	simm.s32 $0x0;
	s14 =	stileid.u32;
	s7 =	srdreg.scid  }
0x5: {  	s28 =	simm.s32 $0x280;
	s29 =	simm.s32 $0x1;
	s30 =	simm.s32 $0x5  }
0x6: {  	s31 =	simm.s32 $0x4300;
	[smem:$0x7FF] =	sst s4;
	s2 =	smul.u32 $0x14000, s14  }
0x7: {  	s5 =	sadd.s32 $0x15200, s0;
	s6 =	sadd.s32 $0x1F200, s0;
	s9 =	sand.u32 $0x1, s7  }
0x8: {  	s7 =	sadd.s32 $0xB200, s0;
	s12 =	sshll.u32 s14, $0x1;
	s19 =	smul.u32 $0x50000, s14  }
0x9: {  	s11 =	smul.u32 $0x140000, s9;
	s26 =	ssub.s32 $0x2, s9;
	s9 =	sor.u32 s9, s12  }
0xa: {  	s8 =	sadd.s32 $0x5200, s0;
	_ =	strace $0x80000047;
	s13 =	smul.u32 $0x500, s9  }
0xb: {  	s10 =	sshrl.u32 s2, $0x3;
	s15 =	sshrl.u32 s26, $0x1;
	s9 =	smul.u32 $0x50, s9  }
0xc: {  	s10 =	sadd.s32 s10, s0;
	s2 =	sadd.s32 s2, s11;
	s16 =	ssub.s32 s26, s15  }
0xd: {  	s11 =	sshrl.u32 s19, $0x2;
	s2 =	sshrl.u32 s2, $0x3;
	s20 =	sadd.s32 s5, s13  }
0xe: {  	s21 =	sadd.s32 s6, s13;
	s22 =	sadd.s32 s7, s13;
	[dreg:$0x4] =	wrdreg s20  }
0xf: {  	s23 =	sor.u32 $0x10, s13;
	s11 =	sadd.s32 s11, s3;
	[dreg:$0x5] =	wrdreg s21  }
0x10: {  	s10 =	sadd.s32 $0x29200, s10;
	s17 =	sor.u32 $0x2, s9;
	[dreg:$0x6] =	wrdreg s22  }
0x11: {  	s18 =	sor.u32 $0x3, s9;
	s0 =	sadd.s32 s2, s0;
	[dreg:$0x7] =	wrdreg s11  }
0x12: {  	[dreg:$0x8] =	wrdreg s10;
	s24 =	sadd.s32 s5, s23;
	s25 =	sadd.s32 s6, s23  }
.Ltmp0:
0x13: {  	s26 =	sadd.s32 s7, s23;
	s20 =	smax.u32 s16, $0x1;
	(pc) =	sbr.rel .LBB2_1-.Ltmp0, $4  }
0x14: {  	s21 =	simm.s32 $0x6;
	s22 =	simm.s32 $0x100;
	[dreg:$0x9] =	wrdreg s24  }
0x15: {  	s23 =	simm.s32 $0x200;
	s2 =	simm.s32 $0x0;
	[dreg:$0xa] =	wrdreg s25  }
0x16: {  	[dreg:$0xb] =	wrdreg s26;
	s19 =	sadd.s32 $0x51200, s0;
	s24 =	simm.s32 $0x80  }
0x17: {  	s25 =	simm.s32 $0x300;
	s26 =	simm.s32 $0x180;
	s0 =	simm.s32 $0x3  }
.LBB2_8:
0x18: {  	s2 =	sadd.s32 $0x1, s2  }
0x19: {  	p0 =	sne.s32 s2, s20  }
.Ltmp1:
0x1a: {  	[bflag:$0x0] =	sbarrier.arrive $0xFFFF;
	(pc) =	sbr.rel @!p0 .LBB2_9-.Ltmp1, $4  }
0x1b: {  	[hbm:s19], [sflag:s9] =	dma.local [spmem:s10], $0x2800  }
0x1c: {  	_ =	swait.ge [sflag:s21], $0x2800  }
0x1d: {  	[sflag:s21] =	ssyncset.done $0x0  }
0x1e: {  	[sflag:s21] =	ssyncadd.s32 $0xFFFFD800  }
.LBB2_1:
0x1f: {  	s9 =	rddreg [dreg:$0x4]  }
0x20: {  	[tilespmem:s4], [sflag:$0x6] =	stream.linear.gather [hbm4b:s9+s4], $0x80, $0x38;
	[tilespmem:$0x1C300] =	vst v63  }
0x21: {  	_ =	swait.ge [sflag:s21], $0x80  }
0x22: {  	[sflag:s21] =	ssyncset.done $0x0  }
0x23: {  	s11 =	rddreg [dreg:$0x5];
	[sflag:s21] =	ssyncadd.s32 $0xFFFFFF80  }
0x24: {  	[tilespmem:s22], [sflag:$0x6] =	stream.linear.gather [hbm4b:s11+s4], $0x80, $0x38;
	[tilespmem:$0x1C300] =	vst v63  }
0x25: {  	_ =	swait.ge [sflag:s21], $0x80  }
0x26: {  	[sflag:s21] =	ssyncset.done $0x0  }
0x27: {  	s13 =	stileid.u32;
	s12 =	rddreg [dreg:$0x6];
	[sflag:s21] =	ssyncadd.s32 $0xFFFFFF80  }
0x28: {  	[tilespmem:s23], [sflag:$0x6] =	stream.linear.gather [hbm4b:s12+s4], $0x80, $0x38;
	[tilespmem:$0x1C300] =	vst v63  }
0x29: {  	s9 =	sshll.u32 s13, $0x6;
	_ =	swait.ge [sflag:s21], $0x80  }
0x2a: {  	s9 =	sor.u32 $0x1C06, s9;
	[sflag:s21] =	ssyncset.done $0x0;
	s10 =	rddreg [dreg:$0x7]  }
0x2b: {  	s11 =	rddreg [dreg:$0x8];
	[sflag:s21] =	ssyncadd.s32 $0xFFFFFF80;
	s10 =	sshrl.u32 s10, $0x3  }
0x2c: {  	[spmem:s10], [sflag:s9] =	dma.local [hbm:s11], $0x2800  }
0x2d: {  	_ =	swait.ge [sflag:s21], $0x2800  }
0x2e: {  	[sflag:s21] =	ssyncset.done $0x0  }
0x2f: {  	[sflag:s21] =	ssyncadd.s32 $0xFFFFD800  }
0x30: {  	[bflag:$0x0] =	sbarrier.arrive $0xFFFF  }
0x31: {  	[tilespmem:s25], [sflag:$0x1] =	stream.indirect.gather [hbm4b:s1+s24], $0x80, s4, s24, $0xb8;
	[tilespmem:$0x1C300] =	vst v63  }
0x32: {  	s14 =	rddreg [dreg:$0x9]  }
0x33: {  	[tilespmem:s24], [sflag:$0x5] =	stream.linear.gather [hbm4b:s14+s4], $0x80, $0x38;
	[tilespmem:$0x1C300] =	vst v63  }
0x34: {  	s15 =	rddreg [dreg:$0xa]  }
0x35: {  	[tilespmem:s26], [sflag:$0x5] =	stream.linear.gather [hbm4b:s15+s4], $0x80, $0x38;
	[tilespmem:$0x1C300] =	vst v63  }
0x36: {  	s11 =	simm.s32 $0x0;
	s16 =	rddreg [dreg:$0xb]  }
0x37: {  	[tilespmem:s28], [sflag:$0x5] =	stream.linear.gather [hbm4b:s16+s4], $0x80, $0x38;
	[tilespmem:$0x1C300] =	vst v63  }
.LBB2_2:
0x38: {  	_ =	swait.ge [sflag:s29], $0x4000  }
0x39: {  	[sflag:s29] =	ssyncset.done $0x0  }
0x3a: {  	[sflag:s29] =	ssyncadd.s32 $0xFFFFC000  }
0x3b: {  	[tilespmem:s25], [sflag:$0x3] =	stream.indirect.gather.add.f32 [hbm:s8], $0x80, s23, s24, $0xb8;
	[tilespmem:$0x1C300] =	vst v63  }
0x3c: {  	_ =	swait.ge [sflag:s30], $0x80  }
0x3d: {  	[sflag:s30] =	ssyncset.done $0x0  }
0x3e: {  	[sflag:s30] =	ssyncadd.s32 $0xFFFFFF80  }
0x3f: {  	_ =	swait.ge [sflag:s30], $0x80  }
0x40: {  	[sflag:s30] =	ssyncset.done $0x0  }
0x41: {  	[sflag:s30] =	ssyncadd.s32 $0xFFFFFF80  }
0x42: {  	_ =	swait.ge [sflag:s30], $0x80  }
0x43: {  	[sflag:s30] =	ssyncset.done $0x0  }
0x44: {  	[sflag:s30] =	ssyncadd.s32 $0xFFFFFF80  }
0x45: {  	[tilespmem:s31], [sflag:$0x2] =	stream.indirect.gather [hbm4b:s1+s24], $0x80, s24, s24, $0xb8;
	[tilespmem:$0x1C300] =	vst v63  }
0x46: {  	_ =	swait.ge [sflag:s0], $0x4000  }
0x47: {  	[sflag:s0] =	ssyncset.done $0x0  }
0x48: {  	s12 =	simm.s32 $0x0;
	[sflag:s0] =	ssyncadd.s32 $0xFFFFC000  }
0x49: {  	v2 =	vld [tilespmem:s12+$0x300]  }
0x4a: {  	v4 =	vld [tilespmem:s12+$0x310]  }
0x4b: {  	v3 =	vld [tilespmem:s12+$0x320]  }
0x4c: {  	v1 =	vld [tilespmem:s12+$0x330]  }
0x4d: {  	v0 =	vld [tilespmem:s12+$0x340]  }
0x4e: {  	v5 =	vmax.f32 v2, $0.0e+00;
	v2 =	vld [tilespmem:s12+$0x350]  }
0x4f: {  	s13 =	simm.s32 $0x200;
	[tilespmem:s12+$0x300] =	vst v5;
	v5 =	vmax.f32 v4, $0.0e+00;
	v4 =	vld [tilespmem:s12+$0x360]  }
.LBB2_3:
0x50: {  	s14 =	sshra.s32 s13, $0x2;
	p0 =	sne.s32 s13, $0xFE00;
	[tilespmem:s12+$0x310] =	vst v5;
	v3 =	vmax.f32 v3, $0.0e+00;
	v5 =	vld [tilespmem:s12+$0x370]  }
0x51: {  	v6 =	vld [tilespmem:s14+$0x300];
	[tilespmem:s12+$0x320] =	vst v3;
	v1 =	vmax.f32 v1, $0.0e+00  }
0x52: {  	v7 =	vld [tilespmem:s14+$0x310];
	[tilespmem:s12+$0x330] =	vst v1;
	v0 =	vmax.f32 v0, $0.0e+00  }
.Ltmp2:
0x53: {  	v3 =	vld [tilespmem:s14+$0x320];
	[tilespmem:s12+$0x340] =	vst v0;
	v0 =	vmax.f32 v2, $0.0e+00;
	(pc) =	sbr.rel @p0 .LBB2_3-.Ltmp2, $4  }
0x54: {  	v1 =	vld [tilespmem:s14+$0x330];
	[tilespmem:s12+$0x350] =	vst v0;
	v2 =	vmax.f32 v4, $0.0e+00  }
0x55: {  	v0 =	vld [tilespmem:s14+$0x340];
	[tilespmem:s12+$0x360] =	vst v2;
	v4 =	vmax.f32 v5, $0.0e+00  }
0x56: {  	v5 =	vmax.f32 v6, $0.0e+00;
	v2 =	vld [tilespmem:s14+$0x350];
	[tilespmem:s12+$0x370] =	vst v4;
	s12 =	smov.u32 s14  }
0x57: {  	s13 =	sadd.s32 $0x200, s13;
	[tilespmem:s12+$0x300] =	vst v5;
	v5 =	vmax.f32 v7, $0.0e+00;
	v4 =	vld [tilespmem:s12+$0x360]  }
0x58: {  	[tilespmem:s12+$0x310] =	vst v5;
	v3 =	vmax.f32 v3, $0.0e+00;
	v5 =	vld [tilespmem:s12+$0x370]  }
0x59: {  	[tilespmem:s12+$0x320] =	vst v3;
	v1 =	vmax.f32 v1, $0.0e+00  }
0x5a: {  	[tilespmem:s12+$0x330] =	vst v1;
	v0 =	vmax.f32 v0, $0.0e+00  }
0x5b: {  	[tilespmem:s12+$0x340] =	vst v0;
	v0 =	vmax.f32 v2, $0.0e+00  }
0x5c: {  	[tilespmem:s12+$0x350] =	vst v0;
	v0 =	vmax.f32 v4, $0.0e+00  }
0x5d: {  	[tilespmem:s12+$0x360] =	vst v0;
	v0 =	vmax.f32 v5, $0.0e+00  }
0x5e: {  	[tilespmem:s12+$0x370] =	vst v0  }
0x5f: {  	[spmem:s3] =	stream.indirect.scatter.add.f32 [tilespmem:s25], [sflag:$0x6], $0x80, s22, s24, $0xb8;
	[tilespmem:$0x1C300] =	vst v63  }
0x60: {  	_ =	swait.ge [sflag:s21], $0x4000  }
0x61: {  	p0 =	seq.s32 s11, $0x27;
	[sflag:s21] =	ssyncset.done $0x0  }
0x62: {  	s13 =	simm.s32 @p0 $0x2;
	[sflag:s21] =	ssyncadd.s32 $0xFFFFC000  }
0x63: {  	_ =	swait.ge @p0 [sflag:s13], $0x4000  }
0x64: {  	s14 =	simm.s32 @p0 $0x280;
	s15 =	simm.s32 @p0 $0x4300;
	[sflag:s13] =	ssyncset.done @p0 $0x0  }
0x65: {  	s12 =	sshll.u32 s11, $0x1;
	[sflag:s13] =	ssyncadd.s32 @p0 $0xFFFFC000;
	s13 =	simm.s32 @p0 $0x80  }
0x66: {  	[tilespmem:s15], [sflag:$0x3] =	stream.indirect.gather.add.f32 @p0 [hbm:s8], $0x80, s14, s13, $0xb8;
	[tilespmem:$0x1C300] =	vst v63  }
0x67: {  	s13 =	sadd.s32 @!p0 s12, s17  }
0x68: {  	s13 =	sshll.u32 @!p0 s13, $0x4  }
0x69: {  	s13 =	sand.u32 @!p0 $0x1FFFFFE0, s13  }
0x6a: {  	s15 =	simm.s32 @!p0 $0x0;
	s14 =	sadd.s32 @!p0 s5, s13  }
0x6b: {  	[tilespmem:s15], [sflag:$0x4] =	stream.linear.gather @!p0 [hbm4b:s14+s15], $0x80, $0x38;
	[tilespmem:$0x1C300] =	vst v63  }
0x6c: {  	s16 =	simm.s32 @!p0 $0x100;
	s14 =	sadd.s32 @!p0 s6, s13  }
0x6d: {  	[tilespmem:s16], [sflag:$0x4] =	stream.linear.gather @!p0 [hbm4b:s14+s15], $0x80, $0x38;
	[tilespmem:$0x1C300] =	vst v63  }
0x6e: {  	s13 =	sadd.s32 @!p0 s7, s13;
	s14 =	simm.s32 @!p0 $0x200  }
0x6f: {  	[tilespmem:s14], [sflag:$0x4] =	stream.linear.gather @!p0 [hbm4b:s13+s15], $0x80, $0x38;
	[tilespmem:$0x1C300] =	vst v63  }
0x70: {  	s13 =	simm.s32 @!p0 $0x2  }
0x71: {  	_ =	swait.ge @!p0 [sflag:s13], $0x4000  }
0x72: {  	s16 =	simm.s32 @!p0 $0x4300;
	[sflag:s13] =	ssyncset.done @!p0 $0x0  }
0x73: {  	s14 =	simm.s32 @!p0 $0x280;
	[sflag:s13] =	ssyncadd.s32 @!p0 $0xFFFFC000;
	s13 =	simm.s32 @!p0 $0x80  }
0x74: {  	[tilespmem:s16], [sflag:$0x3] =	stream.indirect.gather.add.f32 @!p0 [hbm:s8], $0x80, s14, s13, $0xb8;
	[tilespmem:$0x1C300] =	vst v63  }
0x75: {  	s14 =	simm.s32 @!p0 $0x4  }
0x76: {  	_ =	swait.ge @!p0 [sflag:s14], $0x80  }
0x77: {  	[sflag:s14] =	ssyncset.done @!p0 $0x0  }
0x78: {  	[sflag:s14] =	ssyncadd.s32 @!p0 $0xFFFFFF80  }
0x79: {  	_ =	swait.ge @!p0 [sflag:s14], $0x80  }
0x7a: {  	[sflag:s14] =	ssyncset.done @!p0 $0x0  }
0x7b: {  	[sflag:s14] =	ssyncadd.s32 @!p0 $0xFFFFFF80  }
0x7c: {  	_ =	swait.ge @!p0 [sflag:s14], $0x80  }
0x7d: {  	[sflag:s14] =	ssyncset.done @!p0 $0x0  }
0x7e: {  	[sflag:s14] =	ssyncadd.s32 @!p0 $0xFFFFFF80;
	s14 =	simm.s32 @!p0 $0x300  }
0x7f: {  	[tilespmem:s14], [sflag:$0x1] =	stream.indirect.gather @!p0 [hbm4b:s1+s13], $0x80, s15, s13, $0xb8;
	[tilespmem:$0x1C300] =	vst v63  }
0x80: {  	_ =	swait.ge [sflag:s0], $0x4000  }
0x81: {  	[sflag:s0] =	ssyncset.done $0x0  }
0x82: {  	s13 =	simm.s32 $0x0;
	[sflag:s0] =	ssyncadd.s32 $0xFFFFC000  }
0x83: {  	v2 =	vld [tilespmem:s13+$0x4300]  }
0x84: {  	v4 =	vld [tilespmem:s13+$0x4310]  }
0x85: {  	v3 =	vld [tilespmem:s13+$0x4320]  }
0x86: {  	v1 =	vld [tilespmem:s13+$0x4330]  }
0x87: {  	v0 =	vld [tilespmem:s13+$0x4340]  }
0x88: {  	v5 =	vmax.f32 v2, $0.0e+00;
	v2 =	vld [tilespmem:s13+$0x4350]  }
0x89: {  	s14 =	simm.s32 $0x200;
	[tilespmem:s13+$0x4300] =	vst v5;
	v5 =	vmax.f32 v4, $0.0e+00;
	v4 =	vld [tilespmem:s13+$0x4360]  }
.LBB2_5:
0x8a: {  	s15 =	sshra.s32 s14, $0x2;
	p1 =	sne.s32 s14, $0xFE00;
	[tilespmem:s13+$0x4310] =	vst v5;
	v3 =	vmax.f32 v3, $0.0e+00;
	v5 =	vld [tilespmem:s13+$0x4370]  }
0x8b: {  	v6 =	vld [tilespmem:s15+$0x4300];
	[tilespmem:s13+$0x4320] =	vst v3;
	v1 =	vmax.f32 v1, $0.0e+00  }
0x8c: {  	v7 =	vld [tilespmem:s15+$0x4310];
	[tilespmem:s13+$0x4330] =	vst v1;
	v0 =	vmax.f32 v0, $0.0e+00  }
.Ltmp3:
0x8d: {  	v3 =	vld [tilespmem:s15+$0x4320];
	[tilespmem:s13+$0x4340] =	vst v0;
	v0 =	vmax.f32 v2, $0.0e+00;
	(pc) =	sbr.rel @p1 .LBB2_5-.Ltmp3, $4  }
0x8e: {  	v1 =	vld [tilespmem:s15+$0x4330];
	[tilespmem:s13+$0x4350] =	vst v0;
	v2 =	vmax.f32 v4, $0.0e+00  }
0x8f: {  	v0 =	vld [tilespmem:s15+$0x4340];
	[tilespmem:s13+$0x4360] =	vst v2;
	v4 =	vmax.f32 v5, $0.0e+00  }
0x90: {  	v5 =	vmax.f32 v6, $0.0e+00;
	v2 =	vld [tilespmem:s15+$0x4350];
	[tilespmem:s13+$0x4370] =	vst v4;
	s13 =	smov.u32 s15  }
0x91: {  	s14 =	sadd.s32 $0x200, s14;
	[tilespmem:s13+$0x4300] =	vst v5;
	v5 =	vmax.f32 v7, $0.0e+00;
	v4 =	vld [tilespmem:s13+$0x4360]  }
0x92: {  	[tilespmem:s13+$0x4310] =	vst v5;
	v3 =	vmax.f32 v3, $0.0e+00;
	v60 =	vld [tilespmem:s13+$0x4370]  }
0x93: {  	[tilespmem:s13+$0x4320] =	vst v3;
	v1 =	vmax.f32 v1, $0.0e+00  }
0x94: {  	[tilespmem:s13+$0x4330] =	vst v1;
	v0 =	vmax.f32 v0, $0.0e+00  }
0x95: {  	[tilespmem:s13+$0x4340] =	vst v0;
	v61 =	vmax.f32 v2, $0.0e+00  }
0x96: {  	[tilespmem:s13+$0x4350] =	vst v61;
	v62 =	vmax.f32 v4, $0.0e+00  }
0x97: {  	[tilespmem:s13+$0x4360] =	vst v62;
	v63 =	vmax.f32 v60, $0.0e+00  }
.Ltmp4:
0x98: {  	[tilespmem:s13+$0x4370] =	vst v63;
	(pc) =	sbr.rel @p0 .LBB2_8-.Ltmp4, $4  }
0x99: {  	[spmem:s3] =	stream.indirect.scatter.add.f32 [tilespmem:s31], [sflag:$0x6], $0x80, s26, s24, $0xb8;
	[tilespmem:$0x1C300] =	vst v63  }
0x9a: {  	_ =	swait.ge [sflag:s21], $0x4000  }
0x9b: {  	[sflag:s21] =	ssyncset.done $0x0  }
0x9c: {  	[sflag:s21] =	ssyncadd.s32 $0xFFFFC000  }
0x9d: {  	s12 =	sadd.s32 s12, s18  }
0x9e: {  	s12 =	sshll.u32 s12, $0x4  }
0x9f: {  	s12 =	sand.u32 $0x1FFFFFF0, s12  }
0xa0: {  	s13 =	sadd.s32 s5, s12  }
0xa1: {  	[tilespmem:s24], [sflag:$0x5] =	stream.linear.gather [hbm4b:s13+s4], $0x80, $0x38;
	[tilespmem:$0x1C300] =	vst v63  }
.Ltmp5:
0xa2: {  	_ = 	snop;
	(pc) =	sbr.rel .LBB2_2-.Ltmp5, $4  }
0xa3: {  	s16 =	sadd.s32 s6, s12  }
0xa4: {  	[tilespmem:s26], [sflag:$0x5] =	stream.linear.gather [hbm4b:s16+s4], $0x80, $0x38;
	[tilespmem:$0x1C300] =	vst v63  }
0xa5: {  	s11 =	sadd.s32 $0x1, s11;
	s12 =	sadd.s32 s7, s12  }
0xa6: {  	[tilespmem:s28], [sflag:$0x5] =	stream.linear.gather [hbm4b:s12+s4], $0x80, $0x38;
	[tilespmem:$0x1C300] =	vst v63  }
.LBB2_9:
0xa7: {  	_ =	sfence.sel $0x180000  }
0xa8: {  	[bflag:$0x0] =	sbarrier.arrive $0xFFFF  }
0xa9: {  	_ =	strace $0x90000047  }
0xaa: {  	s0 =	stileid.u32;
	[bflag:$0x2] =	sbarrier.arrive $0xFFFF  }
0xab: {  	p0 =	sne.s32 s0, $0x0;
	s0 =	rddreg [dreg:$0x3]  }
0xac: {  	s0 =	sadd.s32 @!p0 $0x100000, s0  }
0xad: {  	[sflag:s0] =	ssyncadd.tile.s32 @!p0 $0x1;
	_ =	shalt  }
.Lfunc_end2:
_tile_overlayer_lowered:
.L_overlay_start_2:
0xae: {  	(tag) =	ssettag $0x2  }
0xaf: {  	s0 =	rddreg [dreg:$0x0];
	s2 =	stileid.u32  }
0xb0: {  	s1 =	rddreg [dreg:$0x1];
	p0 =	sne.s32 s2, $0x0  }
0xb1: {  	s3 =	rddreg [dreg:$0x2];
	[bflag:$0x3] =	sbarrier.arrive $0xFFFF;
	s2 =	simm.s32 @!p0 $0x1C06  }
0xb2: {  	[timem:s3], [sflag:s2] =	dma.local @!p0 [hbm:s0], s1  }
0xb3: {  	s0 =	simm.s32 @!p0 $0x6  }
0xb4: {  	_ =	swait.ge @!p0 [sflag:s0], s1  }
0xb5: {  	s1 =	ssub.s32 @!p0 $0x0, s1;
	[sflag:s0] =	ssyncset.done @!p0 $0x0  }
0xb6: {  	[sflag:s0] =	ssyncadd.s32 @!p0 s1  }
0xb7: {  	[bflag:$0x3] =	sbarrier.arrive $0xFFFF  }
0xb8: {  	_ =	shalt  }

</sc_bundles>
